<compile_context>
chip_gen: v7x
topology: tpu7x:2x2x1
jax: 0.10.2.dev20260603
libtpu: 0.0.44.dev20260713+nightly
codegen_flags: <defaults>
</compile_context>

<pallas_src>
import functools

import jax
import jax.numpy as jnp
from jax import lax
from jax.experimental import pallas as pl
from jax.experimental.pallas import tpu as pltpu
from jax.experimental.pallas import tpu_sc as plsc

M, C, D = 65536, 8, 64
B, S, K = 8, 2048, 4
L = 16
UNROLL = 8

NC, NS = 2, 16
NW = NC * NS
DPW = D // NW

BMX = 4096


def _bf16_round(a):
    b = jax.lax.bitcast_convert_type(a, jnp.uint32)
    return (b + jnp.uint32(0x7FFF) + ((b >> 16) & jnp.uint32(1))) >> 16


def _mean_pack_body(st_ref, out_ref):
    acc = st_ref[0]
    for c in range(1, C):
        acc = acc + st_ref[c]
    r = _bf16_round(acc * (1.0 / C))
    w = r[0:D // 2] | (r[D // 2:D] << 16)
    out_ref[...] = jax.lax.bitcast_convert_type(w, jnp.int32)


def _sc_read(idx_hbm, q_hbm, mn_hbm, out_hbm,
             mrow_v, idx0, idx1, q0, q1, o0, o1,
             msem, sem0, sem1, osem0, osem1):
    wid = lax.axis_index("s") * NC + lax.axis_index("c")
    bufs = ((idx0, q0, o0, sem0, osem0), (idx1, q1, o1, sem1, osem1))

    pltpu.async_copy(mn_hbm.at[wid], mrow_v, msem)
    pltpu.make_async_copy(mn_hbm.at[wid], mrow_v, msem).wait()
    himask = jnp.int32(-65536)

    for j in range(DPW):
        d = wid + j * (D // 2)

        def issue(b, d=d):
            idx_v, q_v, _, sem, _ = bufs[b % 2]
            pltpu.async_copy(idx_hbm.at[pl.ds(b * K * S, K * S)], idx_v, sem)
            pltpu.async_copy(q_hbm.at[b, d], q_v, sem)

        issue(0)
        for b in range(B):
            idx_v, q_v, out_v, sem, osem = bufs[b % 2]
            if b + 1 < B:
                issue(b + 1)
            if b >= 2:
                pltpu.make_async_copy(out_v, out_hbm.at[b - 2, d], osem).wait()
            pltpu.make_async_copy(idx_hbm.at[pl.ds(b * K * S, K * S)], idx_v,
                                  sem).wait()
            pltpu.make_async_copy(q_hbm.at[b, d], q_v, sem).wait()

            @plsc.parallel_loop(0, S, step=L, unroll=UNROLL)
            def _svec(s0, idx_v=idx_v, q_v=q_v, out_v=out_v, j=j):
                acc = None
                for k in range(K):
                    iv = idx_v[pl.ds(k * S + s0, L)]
                    g = plsc.load_gather(mrow_v, [iv])
                    if j == 0:
                        bits = g << 16
                    else:
                        bits = g & himask
                    f = plsc.bitcast(bits, jnp.float32)
                    acc = f if acc is None else acc + f
                out_v[pl.ds(s0, L)] = acc * q_v[pl.ds(s0, L)]

            pltpu.async_copy(out_v, out_hbm.at[b, d], osem)

        for b in (B - 2, B - 1):
            _, _, out_v, _, osem = bufs[b % 2]
            pltpu.make_async_copy(out_v, out_hbm.at[b, d], osem).wait()


@jax.jit
def _run(idx1, q_t, states_t):
    packed = pl.pallas_call(
        _mean_pack_body,
        grid=(M // BMX,),
        in_specs=[pl.BlockSpec((C, D, BMX), lambda i: (0, 0, i))],
        out_specs=pl.BlockSpec((D // 2, BMX), lambda i: (0, i)),
        out_shape=jax.ShapeDtypeStruct((D // 2, M), jnp.int32),
    )(states_t)

    f = functools.partial(
        pl.kernel,
        mesh=plsc.VectorSubcoreMesh(core_axis_name="c", subcore_axis_name="s"),
        out_type=jax.ShapeDtypeStruct((B, D, S), jnp.float32),
        scratch_types=[
            pltpu.VMEM((M,), jnp.int32),
            pltpu.VMEM((K * S,), jnp.int32),
            pltpu.VMEM((K * S,), jnp.int32),
            pltpu.VMEM((S,), jnp.float32),
            pltpu.VMEM((S,), jnp.float32),
            pltpu.VMEM((S,), jnp.float32),
            pltpu.VMEM((S,), jnp.float32),
            pltpu.SemaphoreType.DMA,
            pltpu.SemaphoreType.DMA,
            pltpu.SemaphoreType.DMA,
            pltpu.SemaphoreType.DMA,
            pltpu.SemaphoreType.DMA,
        ],
        compiler_params=pltpu.CompilerParams(needs_layout_passes=False),
    )(_sc_read)
    return f(idx1, q_t, packed)


def kernel(partition_indices, queries, states):
    states_t = jnp.transpose(states, (1, 2, 0))
    q_t = jnp.transpose(queries, (0, 2, 1))
    idx1 = jnp.transpose(partition_indices, (0, 2, 1)).reshape(B * K * S)
    idx1 = idx1.astype(jnp.int32)
    out_t = _run(idx1, q_t, states_t)
    return jnp.transpose(out_t, (0, 2, 1))

# --- scband reference (transcript-rebuilt; emitter-appended) ---
"""Pipeline reference for scband-ssemulti-partition-state-89300960019113 (READ-ONLY COPY).

The authoritative reference and input builder live on the scoring server;
editing this copy changes nothing except your own understanding.
"""

import jax, jax.numpy as jnp
import numpy as np

M, C, D = 65536, 8, 64
B, S, K = 8, 2048, 4

def setup_inputs(seed: int = 0) -> dict:
    key = jax.random.key(seed)
    k1, k2, k3 = jax.random.split(key, 3)
    partition_indices = jax.random.randint(k1, (B, S, K), 0, M)
    queries = jax.random.normal(k2, (B, S, D), dtype=jnp.float32)
    # learned/state parameter: states[num_partitions, c, d]. Module initializes to zeros;
    # use small random values so the read path produces non-trivial outputs.
    states = jax.random.normal(k3, (M, C, D), dtype=jnp.float32) * 0.02
    return {"partition_indices": partition_indices, "queries": queries, "states": states}

def reference(partition_indices, queries, states):
    # Faithful translation of SSEMultiPartitionState.read with empty _forward_deltas
    # (fresh module state, no pending updates).
    # gathered_states = self.states[partition_indices] -> (B, S, K, C, D)
    gathered_states = jnp.take(states, partition_indices, axis=0)
    # partition_outputs = gathered_states.mean(dim=3) * queries.unsqueeze(2) -> (B, S, K, D)
    partition_outputs = gathered_states.mean(axis=3) * queries[:, :, None, :]
    # outputs = partition_outputs.sum(dim=2) -> (B, S, D)
    outputs = partition_outputs.sum(axis=2)
    return outputs

if __name__ == "__main__":
    import jax
    _d = setup_inputs()
    print(jax.jit(kernel)(*tuple(_d.values())))

</pallas_src>

<mosaic_0001>
#map = affine_map<(d0, d1) -> (0)>
#map1 = affine_map<(d0, d1) -> (0, 0, 0)>
#map2 = affine_map<(d0, d1) -> (0, 0)>
module attributes {stable_mosaic.version = 14 : i64} {
  func.func @_sc_read(%arg0: i32, %arg1: i32, %arg2: memref<65536xi32, #tpu.memory_space<hbm>>, %arg3: memref<8x64x2048xf32, #tpu.memory_space<hbm>>, %arg4: memref<32x65536xi32, #tpu.memory_space<hbm>>, %arg5: memref<8x64x2048xf32, #tpu.memory_space<hbm>>, %arg6: memref<65536xi32, #tpu.memory_space<vmem>>, %arg7: memref<8192xi32, #tpu.memory_space<vmem>>, %arg8: memref<8192xi32, #tpu.memory_space<vmem>>, %arg9: memref<2048xf32, #tpu.memory_space<vmem>>, %arg10: memref<2048xf32, #tpu.memory_space<vmem>>, %arg11: memref<2048xf32, #tpu.memory_space<vmem>>, %arg12: memref<2048xf32, #tpu.memory_space<vmem>>, %arg13: memref<!tpu.dma_semaphore, #tpu.memory_space<semaphore_mem>>, %arg14: memref<!tpu.dma_semaphore, #tpu.memory_space<semaphore_mem>>, %arg15: memref<!tpu.dma_semaphore, #tpu.memory_space<semaphore_mem>>, %arg16: memref<!tpu.dma_semaphore, #tpu.memory_space<semaphore_mem>>, %arg17: memref<!tpu.dma_semaphore, #tpu.memory_space<semaphore_mem>>) attributes {dimension_semantics = [#tpu.dimension_semantics<core_parallel>, #tpu.dimension_semantics<subcore_parallel>], iteration_bounds = array<i64: 2, 16>, scalar_prefetch = 0 : i64, scratch_operands = 12 : i64, tpu.core_type = #tpu.core_type<sc_vector_subcore>, window_params = [{transform_indices = #map}, {transform_indices = #map1}, {transform_indices = #map2}, {transform_indices = #map1}]} {
    %mul3A = arith.constant 2 : i32
    %mul3A_0 = arith.muli %arg1, %mul3A : i32
    %add3A = arith.addi %mul3A_0, %arg0 : i32
    %dma_start3A = arith.constant 0 : i32
    %dma_start3A_1 = tpu.memref_slice %arg4[%add3A, %dma_start3A] : memref<32x65536xi32, #tpu.memory_space<hbm>> -> memref<1x65536xi32, #tpu.memory_space<hbm>>
    %dma_start3A_2 = tpu.memref_squeeze %dma_start3A_1 : memref<1x65536xi32, #tpu.memory_space<hbm>> -> memref<65536xi32, #tpu.memory_space<hbm>>
    %dma_start3A_3 = arith.constant 0 : i32
    %dma_start3A_4 = tpu.memref_slice %arg4[%add3A, %dma_start3A_3] : memref<32x65536xi32, #tpu.memory_space<hbm>> -> memref<1x65536xi32, #tpu.memory_space<hbm>>
    %dma_start3A_5 = tpu.memref_squeeze %dma_start3A_4 : memref<1x65536xi32, #tpu.memory_space<hbm>> -> memref<65536xi32, #tpu.memory_space<hbm>>
    tpu.enqueue_dma source(%dma_start3A_5 : memref<65536xi32, #tpu.memory_space<hbm>>) target(%arg6 : memref<65536xi32, #tpu.memory_space<vmem>>) target_semaphore(%arg13 : memref<!tpu.dma_semaphore, #tpu.memory_space<semaphore_mem>>)
    %dma_wait3A = arith.constant 0 : i32
    %dma_wait3A_6 = tpu.memref_slice %arg4[%add3A, %dma_wait3A] : memref<32x65536xi32, #tpu.memory_space<hbm>> -> memref<1x65536xi32, #tpu.memory_space<hbm>>
    %dma_wait3A_7 = tpu.memref_squeeze %dma_wait3A_6 : memref<1x65536xi32, #tpu.memory_space<hbm>> -> memref<65536xi32, #tpu.memory_space<hbm>>
    %dma_wait3A_8 = arith.constant 0 : i32
    %dma_wait3A_9 = tpu.memref_slice %arg4[%add3A, %dma_wait3A_8] : memref<32x65536xi32, #tpu.memory_space<hbm>> -> memref<1x65536xi32, #tpu.memory_space<hbm>>
    %dma_wait3A_10 = tpu.memref_squeeze %dma_wait3A_9 : memref<1x65536xi32, #tpu.memory_space<hbm>> -> memref<65536xi32, #tpu.memory_space<hbm>>
    tpu.wait_dma2 semaphore(%arg13 : memref<!tpu.dma_semaphore, #tpu.memory_space<semaphore_mem>>) src(%dma_wait3A_10 : memref<65536xi32, #tpu.memory_space<hbm>>) dst(%arg6 : memref<65536xi32, #tpu.memory_space<vmem>>)
    %add3A_11 = arith.constant 0 : i32
    %add3A_12 = arith.addi %add3A, %add3A_11 : i32
    %dma_start3A_13 = arith.constant 0 : i32
    %dma_start3A_14 = tpu.memref_slice %arg2[%dma_start3A_13] : memref<65536xi32, #tpu.memory_space<hbm>> -> memref<8192xi32, #tpu.memory_space<hbm>>
    %dma_start3A_15 = arith.constant 0 : i32
    %dma_start3A_16 = tpu.memref_slice %arg2[%dma_start3A_15] : memref<65536xi32, #tpu.memory_space<hbm>> -> memref<8192xi32, #tpu.memory_space<hbm>>
    tpu.enqueue_dma source(%dma_start3A_16 : memref<8192xi32, #tpu.memory_space<hbm>>) target(%arg7 : memref<8192xi32, #tpu.memory_space<vmem>>) target_semaphore(%arg14 : memref<!tpu.dma_semaphore, #tpu.memory_space<semaphore_mem>>)
    %dma_start3A_17 = arith.constant 0 : i32
    %dma_start3A_18 = arith.constant 0 : i32
    %dma_start3A_19 = tpu.memref_slice %arg3[%dma_start3A_17, %add3A_12, %dma_start3A_18] : memref<8x64x2048xf32, #tpu.memory_space<hbm>> -> memref<1x1x2048xf32, #tpu.memory_space<hbm>>
    %dma_start3A_20 = tpu.memref_squeeze %dma_start3A_19 : memref<1x1x2048xf32, #tpu.memory_space<hbm>> -> memref<2048xf32, #tpu.memory_space<hbm>>
    %dma_start3A_21 = arith.constant 0 : i32
    %dma_start3A_22 = tpu.memref_slice %arg3[%dma_start3A_17, %add3A_12, %dma_start3A_21] : memref<8x64x2048xf32, #tpu.memory_space<hbm>> -> memref<1x1x2048xf32, #tpu.memory_space<hbm>>
    %dma_start3A_23 = tpu.memref_squeeze %dma_start3A_22 : memref<1x1x2048xf32, #tpu.memory_space<hbm>> -> memref<2048xf32, #tpu.memory_space<hbm>>
    tpu.enqueue_dma source(%dma_start3A_23 : memref<2048xf32, #tpu.memory_space<hbm>>) target(%arg9 : memref<2048xf32, #tpu.memory_space<vmem>>) target_semaphore(%arg14 : memref<!tpu.dma_semaphore, #tpu.memory_space<semaphore_mem>>)
    %dma_start3A_24 = arith.constant 8192 : i32
    %dma_start3A_25 = tpu.memref_slice %arg2[%dma_start3A_24] : memref<65536xi32, #tpu.memory_space<hbm>> -> memref<8192xi32, #tpu.memory_space<hbm>>
    %dma_start3A_26 = arith.constant 8192 : i32
    %dma_start3A_27 = tpu.memref_slice %arg2[%dma_start3A_26] : memref<65536xi32, #tpu.memory_space<hbm>> -> memref<8192xi32, #tpu.memory_space<hbm>>
    tpu.enqueue_dma source(%dma_start3A_27 : memref<8192xi32, #tpu.memory_space<hbm>>) target(%arg8 : memref<8192xi32, #tpu.memory_space<vmem>>) target_semaphore(%arg15 : memref<!tpu.dma_semaphore, #tpu.memory_space<semaphore_mem>>)
    %dma_start3A_28 = arith.constant 1 : i32
    %dma_start3A_29 = arith.constant 0 : i32
    %dma_start3A_30 = tpu.memref_slice %arg3[%dma_start3A_28, %add3A_12, %dma_start3A_29] : memref<8x64x2048xf32, #tpu.memory_space<hbm>> -> memref<1x1x2048xf32, #tpu.memory_space<hbm>>
    %dma_start3A_31 = tpu.memref_squeeze %dma_start3A_30 : memref<1x1x2048xf32, #tpu.memory_space<hbm>> -> memref<2048xf32, #tpu.memory_space<hbm>>
    %dma_start3A_32 = arith.constant 0 : i32
    %dma_start3A_33 = tpu.memref_slice %arg3[%dma_start3A_28, %add3A_12, %dma_start3A_32] : memref<8x64x2048xf32, #tpu.memory_space<hbm>> -> memref<1x1x2048xf32, #tpu.memory_space<hbm>>
    %dma_start3A_34 = tpu.memref_squeeze %dma_start3A_33 : memref<1x1x2048xf32, #tpu.memory_space<hbm>> -> memref<2048xf32, #tpu.memory_space<hbm>>
    tpu.enqueue_dma source(%dma_start3A_34 : memref<2048xf32, #tpu.memory_space<hbm>>) target(%arg10 : memref<2048xf32, #tpu.memory_space<vmem>>) target_semaphore(%arg15 : memref<!tpu.dma_semaphore, #tpu.memory_space<semaphore_mem>>)
    %dma_wait3A_35 = arith.constant 0 : i32
    %dma_wait3A_36 = tpu.memref_slice %arg2[%dma_wait3A_35] : memref<65536xi32, #tpu.memory_space<hbm>> -> memref<8192xi32, #tpu.memory_space<hbm>>
    %dma_wait3A_37 = arith.constant 0 : i32
    %dma_wait3A_38 = tpu.memref_slice %arg2[%dma_wait3A_37] : memref<65536xi32, #tpu.memory_space<hbm>> -> memref<8192xi32, #tpu.memory_space<hbm>>
    tpu.wait_dma2 semaphore(%arg14 : memref<!tpu.dma_semaphore, #tpu.memory_space<semaphore_mem>>) src(%dma_wait3A_38 : memref<8192xi32, #tpu.memory_space<hbm>>) dst(%arg7 : memref<8192xi32, #tpu.memory_space<vmem>>)
    %dma_wait3A_39 = arith.constant 0 : i32
    %dma_wait3A_40 = arith.constant 0 : i32
    %dma_wait3A_41 = tpu.memref_slice %arg3[%dma_wait3A_39, %add3A_12, %dma_wait3A_40] : memref<8x64x2048xf32, #tpu.memory_space<hbm>> -> memref<1x1x2048xf32, #tpu.memory_space<hbm>>
    %dma_wait3A_42 = tpu.memref_squeeze %dma_wait3A_41 : memref<1x1x2048xf32, #tpu.memory_space<hbm>> -> memref<2048xf32, #tpu.memory_space<hbm>>
    %dma_wait3A_43 = arith.constant 0 : i32
    %dma_wait3A_44 = tpu.memref_slice %arg3[%dma_wait3A_39, %add3A_12, %dma_wait3A_43] : memref<8x64x2048xf32, #tpu.memory_space<hbm>> -> memref<1x1x2048xf32, #tpu.memory_space<hbm>>
    %dma_wait3A_45 = tpu.memref_squeeze %dma_wait3A_44 : memref<1x1x2048xf32, #tpu.memory_space<hbm>> -> memref<2048xf32, #tpu.memory_space<hbm>>
    tpu.wait_dma2 semaphore(%arg14 : memref<!tpu.dma_semaphore, #tpu.memory_space<semaphore_mem>>) src(%dma_wait3A_45 : memref<2048xf32, #tpu.memory_space<hbm>>) dst(%arg9 : memref<2048xf32, #tpu.memory_space<vmem>>)
    %parallel_loop3A = arith.constant 0 : i32
    %parallel_loop3A_46 = arith.constant 2048 : i32
    %parallel_loop3A_47 = arith.constant 16 : i32
    scf.for %parallel_loop3A_646 = %parallel_loop3A to %parallel_loop3A_46 step %parallel_loop3A_47  : i32 {
      %parallel_loop3A_647 = arith.constant 0 : i32
      %parallel_loop3A_648 = arith.addi %parallel_loop3A_647, %parallel_loop3A_646 : i32
      %parallel_loop3A_649 = arith.index_cast %parallel_loop3A_648 : i32 to index
      %parallel_loop3A_650 = tpu.vector_load %arg7[%parallel_loop3A_649] {strides = array<i32>} : memref<8192xi32, #tpu.memory_space<vmem>>, vector<16xi32>,
      %parallel_loop3A_651 = tpu.vector_load_idx %arg6[%parallel_loop3A_650] : memref<65536xi32, #tpu.memory_space<vmem>>[vector<16xi32>], vector<16xi32>,
      %parallel_loop3A_652 = arith.constant 16 : i32
      %parallel_loop3A_653 = vector.broadcast %parallel_loop3A_652 : i32 to vector<16xi32>
      %parallel_loop3A_654 = arith.shli %parallel_loop3A_651, %parallel_loop3A_653 : vector<16xi32>
      %parallel_loop3A_655 = vector.bitcast %parallel_loop3A_654 : vector<16xi32> to vector<16xf32>
      %parallel_loop3A_656 = arith.constant 2048 : i32
      %parallel_loop3A_657 = arith.addi %parallel_loop3A_656, %parallel_loop3A_646 : i32
      %parallel_loop3A_658 = arith.index_cast %parallel_loop3A_657 : i32 to index
      %parallel_loop3A_659 = tpu.vector_load %arg7[%parallel_loop3A_658] {strides = array<i32>} : memref<8192xi32, #tpu.memory_space<vmem>>, vector<16xi32>,
      %parallel_loop3A_660 = tpu.vector_load_idx %arg6[%parallel_loop3A_659] : memref<65536xi32, #tpu.memory_space<vmem>>[vector<16xi32>], vector<16xi32>,
      %parallel_loop3A_661 = arith.constant 16 : i32
      %parallel_loop3A_662 = vector.broadcast %parallel_loop3A_661 : i32 to vector<16xi32>
      %parallel_loop3A_663 = arith.shli %parallel_loop3A_660, %parallel_loop3A_662 : vector<16xi32>
      %parallel_loop3A_664 = vector.bitcast %parallel_loop3A_663 : vector<16xi32> to vector<16xf32>
      %parallel_loop3A_665 = arith.addf %parallel_loop3A_655, %parallel_loop3A_664 : vector<16xf32>
      %parallel_loop3A_666 = arith.constant 4096 : i32
      %parallel_loop3A_667 = arith.addi %parallel_loop3A_666, %parallel_loop3A_646 : i32
      %parallel_loop3A_668 = arith.index_cast %parallel_loop3A_667 : i32 to index
      %parallel_loop3A_669 = tpu.vector_load %arg7[%parallel_loop3A_668] {strides = array<i32>} : memref<8192xi32, #tpu.memory_space<vmem>>, vector<16xi32>,
      %parallel_loop3A_670 = tpu.vector_load_idx %arg6[%parallel_loop3A_669] : memref<65536xi32, #tpu.memory_space<vmem>>[vector<16xi32>], vector<16xi32>,
      %parallel_loop3A_671 = arith.constant 16 : i32
      %parallel_loop3A_672 = vector.broadcast %parallel_loop3A_671 : i32 to vector<16xi32>
      %parallel_loop3A_673 = arith.shli %parallel_loop3A_670, %parallel_loop3A_672 : vector<16xi32>
      %parallel_loop3A_674 = vector.bitcast %parallel_loop3A_673 : vector<16xi32> to vector<16xf32>
      %parallel_loop3A_675 = arith.addf %parallel_loop3A_665, %parallel_loop3A_674 : vector<16xf32>
      %parallel_loop3A_676 = arith.constant 6144 : i32
      %parallel_loop3A_677 = arith.addi %parallel_loop3A_676, %parallel_loop3A_646 : i32
      %parallel_loop3A_678 = arith.index_cast %parallel_loop3A_677 : i32 to index
      %parallel_loop3A_679 = tpu.vector_load %arg7[%parallel_loop3A_678] {strides = array<i32>} : memref<8192xi32, #tpu.memory_space<vmem>>, vector<16xi32>,
      %parallel_loop3A_680 = tpu.vector_load_idx %arg6[%parallel_loop3A_679] : memref<65536xi32, #tpu.memory_space<vmem>>[vector<16xi32>], vector<16xi32>,
      %parallel_loop3A_681 = arith.constant 16 : i32
      %parallel_loop3A_682 = vector.broadcast %parallel_loop3A_681 : i32 to vector<16xi32>
      %parallel_loop3A_683 = arith.shli %parallel_loop3A_680, %parallel_loop3A_682 : vector<16xi32>
      %parallel_loop3A_684 = vector.bitcast %parallel_loop3A_683 : vector<16xi32> to vector<16xf32>
      %parallel_loop3A_685 = arith.addf %parallel_loop3A_675, %parallel_loop3A_684 : vector<16xf32>
      %parallel_loop3A_686 = arith.index_cast %parallel_loop3A_646 : i32 to index
      %parallel_loop3A_687 = tpu.vector_load %arg9[%parallel_loop3A_686] {strides = array<i32>} : memref<2048xf32, #tpu.memory_space<vmem>>, vector<16xf32>,
      %parallel_loop3A_688 = arith.mulf %parallel_loop3A_685, %parallel_loop3A_687 : vector<16xf32>
      %parallel_loop3A_689 = arith.index_cast %parallel_loop3A_646 : i32 to index
      %parallel_loop3A_690 = tpu.vector_load %arg11[%parallel_loop3A_689] {strides = array<i32>} : memref<2048xf32, #tpu.memory_space<vmem>>, vector<16xf32>,
      tpu.vector_store %arg11[%parallel_loop3A_689], %parallel_loop3A_688 {strides = array<i32>} : memref<2048xf32, #tpu.memory_space<vmem>>, vector<16xf32>,
    } {sc.loop_unroll_factor = 8 : i64, sc.parallel_access}
    %dma_start3A_48 = arith.constant 0 : i32
    %dma_start3A_49 = arith.constant 0 : i32
    %dma_start3A_50 = tpu.memref_slice %arg5[%dma_start3A_48, %add3A_12, %dma_start3A_49] : memref<8x64x2048xf32, #tpu.memory_space<hbm>> -> memref<1x1x2048xf32, #tpu.memory_space<hbm>>
    %dma_start3A_51 = tpu.memref_squeeze %dma_start3A_50 : memref<1x1x2048xf32, #tpu.memory_space<hbm>> -> memref<2048xf32, #tpu.memory_space<hbm>>
    %dma_start3A_52 = arith.constant 0 : i32
    %dma_start3A_53 = tpu.memref_slice %arg5[%dma_start3A_48, %add3A_12, %dma_start3A_52] : memref<8x64x2048xf32, #tpu.memory_space<hbm>> -> memref<1x1x2048xf32, #tpu.memory_space<hbm>>
    %dma_start3A_54 = tpu.memref_squeeze %dma_start3A_53 : memref<1x1x2048xf32, #tpu.memory_space<hbm>> -> memref<2048xf32, #tpu.memory_space<hbm>>
    tpu.enqueue_dma source(%arg11 : memref<2048xf32, #tpu.memory_space<vmem>>) target(%dma_start3A_54 : memref<2048xf32, #tpu.memory_space<hbm>>) target_semaphore(%arg16 : memref<!tpu.dma_semaphore, #tpu.memory_space<semaphore_mem>>)
    %dma_start3A_55 = arith.constant 16384 : i32
    %dma_start3A_56 = tpu.memref_slice %arg2[%dma_start3A_55] : memref<65536xi32, #tpu.memory_space<hbm>> -> memref<8192xi32, #tpu.memory_space<hbm>>
    %dma_start3A_57 = arith.constant 16384 : i32
    %dma_start3A_58 = tpu.memref_slice %arg2[%dma_start3A_57] : memref<65536xi32, #tpu.memory_space<hbm>> -> memref<8192xi32, #tpu.memory_space<hbm>>
    tpu.enqueue_dma source(%dma_start3A_58 : memref<8192xi32, #tpu.memory_space<hbm>>) target(%arg7 : memref<8192xi32, #tpu.memory_space<vmem>>) target_semaphore(%arg14 : memref<!tpu.dma_semaphore, #tpu.memory_space<semaphore_mem>>)
    %dma_start3A_59 = arith.constant 2 : i32
    %dma_start3A_60 = arith.constant 0 : i32
    %dma_start3A_61 = tpu.memref_slice %arg3[%dma_start3A_59, %add3A_12, %dma_start3A_60] : memref<8x64x2048xf32, #tpu.memory_space<hbm>> -> memref<1x1x2048xf32, #tpu.memory_space<hbm>>
    %dma_start3A_62 = tpu.memref_squeeze %dma_start3A_61 : memref<1x1x2048xf32, #tpu.memory_space<hbm>> -> memref<2048xf32, #tpu.memory_space<hbm>>
    %dma_start3A_63 = arith.constant 0 : i32
    %dma_start3A_64 = tpu.memref_slice %arg3[%dma_start3A_59, %add3A_12, %dma_start3A_63] : memref<8x64x2048xf32, #tpu.memory_space<hbm>> -> memref<1x1x2048xf32, #tpu.memory_space<hbm>>
    %dma_start3A_65 = tpu.memref_squeeze %dma_start3A_64 : memref<1x1x2048xf32, #tpu.memory_space<hbm>> -> memref<2048xf32, #tpu.memory_space<hbm>>
    tpu.enqueue_dma source(%dma_start3A_65 : memref<2048xf32, #tpu.memory_space<hbm>>) target(%arg9 : memref<2048xf32, #tpu.memory_space<vmem>>) target_semaphore(%arg14 : memref<!tpu.dma_semaphore, #tpu.memory_space<semaphore_mem>>)
    %dma_wait3A_66 = arith.constant 8192 : i32
    %dma_wait3A_67 = tpu.memref_slice %arg2[%dma_wait3A_66] : memref<65536xi32, #tpu.memory_space<hbm>> -> memref<8192xi32, #tpu.memory_space<hbm>>
    %dma_wait3A_68 = arith.constant 8192 : i32
    %dma_wait3A_69 = tpu.memref_slice %arg2[%dma_wait3A_68] : memref<65536xi32, #tpu.memory_space<hbm>> -> memref<8192xi32, #tpu.memory_space<hbm>>
    tpu.wait_dma2 semaphore(%arg15 : memref<!tpu.dma_semaphore, #tpu.memory_space<semaphore_mem>>) src(%dma_wait3A_69 : memref<8192xi32, #tpu.memory_space<hbm>>) dst(%arg8 : memref<8192xi32, #tpu.memory_space<vmem>>)
    %dma_wait3A_70 = arith.constant 1 : i32
    %dma_wait3A_71 = arith.constant 0 : i32
    %dma_wait3A_72 = tpu.memref_slice %arg3[%dma_wait3A_70, %add3A_12, %dma_wait3A_71] : memref<8x64x2048xf32, #tpu.memory_space<hbm>> -> memref<1x1x2048xf32, #tpu.memory_space<hbm>>
    %dma_wait3A_73 = tpu.memref_squeeze %dma_wait3A_72 : memref<1x1x2048xf32, #tpu.memory_space<hbm>> -> memref<2048xf32, #tpu.memory_space<hbm>>
    %dma_wait3A_74 = arith.constant 0 : i32
    %dma_wait3A_75 = tpu.memref_slice %arg3[%dma_wait3A_70, %add3A_12, %dma_wait3A_74] : memref<8x64x2048xf32, #tpu.memory_space<hbm>> -> memref<1x1x2048xf32, #tpu.memory_space<hbm>>
    %dma_wait3A_76 = tpu.memref_squeeze %dma_wait3A_75 : memref<1x1x2048xf32, #tpu.memory_space<hbm>> -> memref<2048xf32, #tpu.memory_space<hbm>>
    tpu.wait_dma2 semaphore(%arg15 : memref<!tpu.dma_semaphore, #tpu.memory_space<semaphore_mem>>) src(%dma_wait3A_76 : memref<2048xf32, #tpu.memory_space<hbm>>) dst(%arg10 : memref<2048xf32, #tpu.memory_space<vmem>>)
    %parallel_loop3A_77 = arith.constant 0 : i32
    %parallel_loop3A_78 = arith.constant 2048 : i32
    %parallel_loop3A_79 = arith.constant 16 : i32
    scf.for %parallel_loop3A_646 = %parallel_loop3A_77 to %parallel_loop3A_78 step %parallel_loop3A_79  : i32 {
      %parallel_loop3A_647 = arith.constant 0 : i32
      %parallel_loop3A_648 = arith.addi %parallel_loop3A_647, %parallel_loop3A_646 : i32
      %parallel_loop3A_649 = arith.index_cast %parallel_loop3A_648 : i32 to index
      %parallel_loop3A_650 = tpu.vector_load %arg8[%parallel_loop3A_649] {strides = array<i32>} : memref<8192xi32, #tpu.memory_space<vmem>>, vector<16xi32>,
      %parallel_loop3A_651 = tpu.vector_load_idx %arg6[%parallel_loop3A_650] : memref<65536xi32, #tpu.memory_space<vmem>>[vector<16xi32>], vector<16xi32>,
      %parallel_loop3A_652 = arith.constant 16 : i32
      %parallel_loop3A_653 = vector.broadcast %parallel_loop3A_652 : i32 to vector<16xi32>
      %parallel_loop3A_654 = arith.shli %parallel_loop3A_651, %parallel_loop3A_653 : vector<16xi32>
      %parallel_loop3A_655 = vector.bitcast %parallel_loop3A_654 : vector<16xi32> to vector<16xf32>
      %parallel_loop3A_656 = arith.constant 2048 : i32
      %parallel_loop3A_657 = arith.addi %parallel_loop3A_656, %parallel_loop3A_646 : i32
      %parallel_loop3A_658 = arith.index_cast %parallel_loop3A_657 : i32 to index
      %parallel_loop3A_659 = tpu.vector_load %arg8[%parallel_loop3A_658] {strides = array<i32>} : memref<8192xi32, #tpu.memory_space<vmem>>, vector<16xi32>,
      %parallel_loop3A_660 = tpu.vector_load_idx %arg6[%parallel_loop3A_659] : memref<65536xi32, #tpu.memory_space<vmem>>[vector<16xi32>], vector<16xi32>,
      %parallel_loop3A_661 = arith.constant 16 : i32
      %parallel_loop3A_662 = vector.broadcast %parallel_loop3A_661 : i32 to vector<16xi32>
      %parallel_loop3A_663 = arith.shli %parallel_loop3A_660, %parallel_loop3A_662 : vector<16xi32>
      %parallel_loop3A_664 = vector.bitcast %parallel_loop3A_663 : vector<16xi32> to vector<16xf32>
      %parallel_loop3A_665 = arith.addf %parallel_loop3A_655, %parallel_loop3A_664 : vector<16xf32>
      %parallel_loop3A_666 = arith.constant 4096 : i32
      %parallel_loop3A_667 = arith.addi %parallel_loop3A_666, %parallel_loop3A_646 : i32
      %parallel_loop3A_668 = arith.index_cast %parallel_loop3A_667 : i32 to index
      %parallel_loop3A_669 = tpu.vector_load %arg8[%parallel_loop3A_668] {strides = array<i32>} : memref<8192xi32, #tpu.memory_space<vmem>>, vector<16xi32>,
      %parallel_loop3A_670 = tpu.vector_load_idx %arg6[%parallel_loop3A_669] : memref<65536xi32, #tpu.memory_space<vmem>>[vector<16xi32>], vector<16xi32>,
      %parallel_loop3A_671 = arith.constant 16 : i32
      %parallel_loop3A_672 = vector.broadcast %parallel_loop3A_671 : i32 to vector<16xi32>
      %parallel_loop3A_673 = arith.shli %parallel_loop3A_670, %parallel_loop3A_672 : vector<16xi32>
      %parallel_loop3A_674 = vector.bitcast %parallel_loop3A_673 : vector<16xi32> to vector<16xf32>
      %parallel_loop3A_675 = arith.addf %parallel_loop3A_665, %parallel_loop3A_674 : vector<16xf32>
      %parallel_loop3A_676 = arith.constant 6144 : i32
      %parallel_loop3A_677 = arith.addi %parallel_loop3A_676, %parallel_loop3A_646 : i32
      %parallel_loop3A_678 = arith.index_cast %parallel_loop3A_677 : i32 to index
      %parallel_loop3A_679 = tpu.vector_load %arg8[%parallel_loop3A_678] {strides = array<i32>} : memref<8192xi32, #tpu.memory_space<vmem>>, vector<16xi32>,
      %parallel_loop3A_680 = tpu.vector_load_idx %arg6[%parallel_loop3A_679] : memref<65536xi32, #tpu.memory_space<vmem>>[vector<16xi32>], vector<16xi32>,
      %parallel_loop3A_681 = arith.constant 16 : i32
      %parallel_loop3A_682 = vector.broadcast %parallel_loop3A_681 : i32 to vector<16xi32>
      %parallel_loop3A_683 = arith.shli %parallel_loop3A_680, %parallel_loop3A_682 : vector<16xi32>
      %parallel_loop3A_684 = vector.bitcast %parallel_loop3A_683 : vector<16xi32> to vector<16xf32>
      %parallel_loop3A_685 = arith.addf %parallel_loop3A_675, %parallel_loop3A_684 : vector<16xf32>
      %parallel_loop3A_686 = arith.index_cast %parallel_loop3A_646 : i32 to index
      %parallel_loop3A_687 = tpu.vector_load %arg10[%parallel_loop3A_686] {strides = array<i32>} : memref<2048xf32, #tpu.memory_space<vmem>>, vector<16xf32>,
      %parallel_loop3A_688 = arith.mulf %parallel_loop3A_685, %parallel_loop3A_687 : vector<16xf32>
      %parallel_loop3A_689 = arith.index_cast %parallel_loop3A_646 : i32 to index
      %parallel_loop3A_690 = tpu.vector_load %arg12[%parallel_loop3A_689] {strides = array<i32>} : memref<2048xf32, #tpu.memory_space<vmem>>, vector<16xf32>,
      tpu.vector_store %arg12[%parallel_loop3A_689], %parallel_loop3A_688 {strides = array<i32>} : memref<2048xf32, #tpu.memory_space<vmem>>, vector<16xf32>,
    } {sc.loop_unroll_factor = 8 : i64, sc.parallel_access}
    %dma_start3A_80 = arith.constant 1 : i32
    %dma_start3A_81 = arith.constant 0 : i32
    %dma_start3A_82 = tpu.memref_slice %arg5[%dma_start3A_80, %add3A_12, %dma_start3A_81] : memref<8x64x2048xf32, #tpu.memory_space<hbm>> -> memref<1x1x2048xf32, #tpu.memory_space<hbm>>
    %dma_start3A_83 = tpu.memref_squeeze %dma_start3A_82 : memref<1x1x2048xf32, #tpu.memory_space<hbm>> -> memref<2048xf32, #tpu.memory_space<hbm>>
    %dma_start3A_84 = arith.constant 0 : i32
    %dma_start3A_85 = tpu.memref_slice %arg5[%dma_start3A_80, %add3A_12, %dma_start3A_84] : memref<8x64x2048xf32, #tpu.memory_space<hbm>> -> memref<1x1x2048xf32, #tpu.memory_space<hbm>>
    %dma_start3A_86 = tpu.memref_squeeze %dma_start3A_85 : memref<1x1x2048xf32, #tpu.memory_space<hbm>> -> memref<2048xf32, #tpu.memory_space<hbm>>
    tpu.enqueue_dma source(%arg12 : memref<2048xf32, #tpu.memory_space<vmem>>) target(%dma_start3A_86 : memref<2048xf32, #tpu.memory_space<hbm>>) target_semaphore(%arg17 : memref<!tpu.dma_semaphore, #tpu.memory_space<semaphore_mem>>)
    %dma_start3A_87 = arith.constant 24576 : i32
    %dma_start3A_88 = tpu.memref_slice %arg2[%dma_start3A_87] : memref<65536xi32, #tpu.memory_space<hbm>> -> memref<8192xi32, #tpu.memory_space<hbm>>
    %dma_start3A_89 = arith.constant 24576 : i32
    %dma_start3A_90 = tpu.memref_slice %arg2[%dma_start3A_89] : memref<65536xi32, #tpu.memory_space<hbm>> -> memref<8192xi32, #tpu.memory_space<hbm>>
    tpu.enqueue_dma source(%dma_start3A_90 : memref<8192xi32, #tpu.memory_space<hbm>>) target(%arg8 : memref<8192xi32, #tpu.memory_space<vmem>>) target_semaphore(%arg15 : memref<!tpu.dma_semaphore, #tpu.memory_space<semaphore_mem>>)
    %dma_start3A_91 = arith.constant 3 : i32
    %dma_start3A_92 = arith.constant 0 : i32
    %dma_start3A_93 = tpu.memref_slice %arg3[%dma_start3A_91, %add3A_12, %dma_start3A_92] : memref<8x64x2048xf32, #tpu.memory_space<hbm>> -> memref<1x1x2048xf32, #tpu.memory_space<hbm>>
    %dma_start3A_94 = tpu.memref_squeeze %dma_start3A_93 : memref<1x1x2048xf32, #tpu.memory_space<hbm>> -> memref<2048xf32, #tpu.memory_space<hbm>>
    %dma_start3A_95 = arith.constant 0 : i32
    %dma_start3A_96 = tpu.memref_slice %arg3[%dma_start3A_91, %add3A_12, %dma_start3A_95] : memref<8x64x2048xf32, #tpu.memory_space<hbm>> -> memref<1x1x2048xf32, #tpu.memory_space<hbm>>
    %dma_start3A_97 = tpu.memref_squeeze %dma_start3A_96 : memref<1x1x2048xf32, #tpu.memory_space<hbm>> -> memref<2048xf32, #tpu.memory_space<hbm>>
    tpu.enqueue_dma source(%dma_start3A_97 : memref<2048xf32, #tpu.memory_space<hbm>>) target(%arg10 : memref<2048xf32, #tpu.memory_space<vmem>>) target_semaphore(%arg15 : memref<!tpu.dma_semaphore, #tpu.memory_space<semaphore_mem>>)
    %dma_wait3A_98 = arith.constant 0 : i32
    %dma_wait3A_99 = arith.constant 0 : i32
    %dma_wait3A_100 = tpu.memref_slice %arg5[%dma_wait3A_98, %add3A_12, %dma_wait3A_99] : memref<8x64x2048xf32, #tpu.memory_space<hbm>> -> memref<1x1x2048xf32, #tpu.memory_space<hbm>>
    %dma_wait3A_101 = tpu.memref_squeeze %dma_wait3A_100 : memref<1x1x2048xf32, #tpu.memory_space<hbm>> -> memref<2048xf32, #tpu.memory_space<hbm>>
    %dma_wait3A_102 = arith.constant 0 : i32
    %dma_wait3A_103 = tpu.memref_slice %arg5[%dma_wait3A_98, %add3A_12, %dma_wait3A_102] : memref<8x64x2048xf32, #tpu.memory_space<hbm>> -> memref<1x1x2048xf32, #tpu.memory_space<hbm>>
    %dma_wait3A_104 = tpu.memref_squeeze %dma_wait3A_103 : memref<1x1x2048xf32, #tpu.memory_space<hbm>> -> memref<2048xf32, #tpu.memory_space<hbm>>
    tpu.wait_dma2 semaphore(%arg16 : memref<!tpu.dma_semaphore, #tpu.memory_space<semaphore_mem>>) src(%arg11 : memref<2048xf32, #tpu.memory_space<vmem>>) dst(%dma_wait3A_104 : memref<2048xf32, #tpu.memory_space<hbm>>)
    %dma_wait3A_105 = arith.constant 16384 : i32
    %dma_wait3A_106 = tpu.memref_slice %arg2[%dma_wait3A_105] : memref<65536xi32, #tpu.memory_space<hbm>> -> memref<8192xi32, #tpu.memory_space<hbm>>
    %dma_wait3A_107 = arith.constant 16384 : i32
    %dma_wait3A_108 = tpu.memref_slice %arg2[%dma_wait3A_107] : memref<65536xi32, #tpu.memory_space<hbm>> -> memref<8192xi32, #tpu.memory_space<hbm>>
    tpu.wait_dma2 semaphore(%arg14 : memref<!tpu.dma_semaphore, #tpu.memory_space<semaphore_mem>>) src(%dma_wait3A_108 : memref<8192xi32, #tpu.memory_space<hbm>>) dst(%arg7 : memref<8192xi32, #tpu.memory_space<vmem>>)
    %dma_wait3A_109 = arith.constant 2 : i32
    %dma_wait3A_110 = arith.constant 0 : i32
    %dma_wait3A_111 = tpu.memref_slice %arg3[%dma_wait3A_109, %add3A_12, %dma_wait3A_110] : memref<8x64x2048xf32, #tpu.memory_space<hbm>> -> memref<1x1x2048xf32, #tpu.memory_space<hbm>>
    %dma_wait3A_112 = tpu.memref_squeeze %dma_wait3A_111 : memref<1x1x2048xf32, #tpu.memory_space<hbm>> -> memref<2048xf32, #tpu.memory_space<hbm>>
    %dma_wait3A_113 = arith.constant 0 : i32
    %dma_wait3A_114 = tpu.memref_slice %arg3[%dma_wait3A_109, %add3A_12, %dma_wait3A_113] : memref<8x64x2048xf32, #tpu.memory_space<hbm>> -> memref<1x1x2048xf32, #tpu.memory_space<hbm>>
    %dma_wait3A_115 = tpu.memref_squeeze %dma_wait3A_114 : memref<1x1x2048xf32, #tpu.memory_space<hbm>> -> memref<2048xf32, #tpu.memory_space<hbm>>
    tpu.wait_dma2 semaphore(%arg14 : memref<!tpu.dma_semaphore, #tpu.memory_space<semaphore_mem>>) src(%dma_wait3A_115 : memref<2048xf32, #tpu.memory_space<hbm>>) dst(%arg9 : memref<2048xf32, #tpu.memory_space<vmem>>)
    %parallel_loop3A_116 = arith.constant 0 : i32
    %parallel_loop3A_117 = arith.constant 2048 : i32
    %parallel_loop3A_118 = arith.constant 16 : i32
    scf.for %parallel_loop3A_646 = %parallel_loop3A_116 to %parallel_loop3A_117 step %parallel_loop3A_118  : i32 {
      %parallel_loop3A_647 = arith.constant 0 : i32
      %parallel_loop3A_648 = arith.addi %parallel_loop3A_647, %parallel_loop3A_646 : i32
      %parallel_loop3A_649 = arith.index_cast %parallel_loop3A_648 : i32 to index
      %parallel_loop3A_650 = tpu.vector_load %arg7[%parallel_loop3A_649] {strides = array<i32>} : memref<8192xi32, #tpu.memory_space<vmem>>, vector<16xi32>,
      %parallel_loop3A_651 = tpu.vector_load_idx %arg6[%parallel_loop3A_650] : memref<65536xi32, #tpu.memory_space<vmem>>[vector<16xi32>], vector<16xi32>,
      %parallel_loop3A_652 = arith.constant 16 : i32
      %parallel_loop3A_653 = vector.broadcast %parallel_loop3A_652 : i32 to vector<16xi32>
      %parallel_loop3A_654 = arith.shli %parallel_loop3A_651, %parallel_loop3A_653 : vector<16xi32>
      %parallel_loop3A_655 = vector.bitcast %parallel_loop3A_654 : vector<16xi32> to vector<16xf32>
      %parallel_loop3A_656 = arith.constant 2048 : i32
      %parallel_loop3A_657 = arith.addi %parallel_loop3A_656, %parallel_loop3A_646 : i32
      %parallel_loop3A_658 = arith.index_cast %parallel_loop3A_657 : i32 to index
      %parallel_loop3A_659 = tpu.vector_load %arg7[%parallel_loop3A_658] {strides = array<i32>} : memref<8192xi32, #tpu.memory_space<vmem>>, vector<16xi32>,
      %parallel_loop3A_660 = tpu.vector_load_idx %arg6[%parallel_loop3A_659] : memref<65536xi32, #tpu.memory_space<vmem>>[vector<16xi32>], vector<16xi32>,
      %parallel_loop3A_661 = arith.constant 16 : i32
      %parallel_loop3A_662 = vector.broadcast %parallel_loop3A_661 : i32 to vector<16xi32>
      %parallel_loop3A_663 = arith.shli %parallel_loop3A_660, %parallel_loop3A_662 : vector<16xi32>
      %parallel_loop3A_664 = vector.bitcast %parallel_loop3A_663 : vector<16xi32> to vector<16xf32>
      %parallel_loop3A_665 = arith.addf %parallel_loop3A_655, %parallel_loop3A_664 : vector<16xf32>
      %parallel_loop3A_666 = arith.constant 4096 : i32
      %parallel_loop3A_667 = arith.addi %parallel_loop3A_666, %parallel_loop3A_646 : i32
      %parallel_loop3A_668 = arith.index_cast %parallel_loop3A_667 : i32 to index
      %parallel_loop3A_669 = tpu.vector_load %arg7[%parallel_loop3A_668] {strides = array<i32>} : memref<8192xi32, #tpu.memory_space<vmem>>, vector<16xi32>,
      %parallel_loop3A_670 = tpu.vector_load_idx %arg6[%parallel_loop3A_669] : memref<65536xi32, #tpu.memory_space<vmem>>[vector<16xi32>], vector<16xi32>,
      %parallel_loop3A_671 = arith.constant 16 : i32
      %parallel_loop3A_672 = vector.broadcast %parallel_loop3A_671 : i32 to vector<16xi32>
      %parallel_loop3A_673 = arith.shli %parallel_loop3A_670, %parallel_loop3A_672 : vector<16xi32>
      %parallel_loop3A_674 = vector.bitcast %parallel_loop3A_673 : vector<16xi32> to vector<16xf32>
      %parallel_loop3A_675 = arith.addf %parallel_loop3A_665, %parallel_loop3A_674 : vector<16xf32>
      %parallel_loop3A_676 = arith.constant 6144 : i32
      %parallel_loop3A_677 = arith.addi %parallel_loop3A_676, %parallel_loop3A_646 : i32
      %parallel_loop3A_678 = arith.index_cast %parallel_loop3A_677 : i32 to index
      %parallel_loop3A_679 = tpu.vector_load %arg7[%parallel_loop3A_678] {strides = array<i32>} : memref<8192xi32, #tpu.memory_space<vmem>>, vector<16xi32>,
      %parallel_loop3A_680 = tpu.vector_load_idx %arg6[%parallel_loop3A_679] : memref<65536xi32, #tpu.memory_space<vmem>>[vector<16xi32>], vector<16xi32>,
      %parallel_loop3A_681 = arith.constant 16 : i32
      %parallel_loop3A_682 = vector.broadcast %parallel_loop3A_681 : i32 to vector<16xi32>
      %parallel_loop3A_683 = arith.shli %parallel_loop3A_680, %parallel_loop3A_682 : vector<16xi32>
      %parallel_loop3A_684 = vector.bitcast %parallel_loop3A_683 : vector<16xi32> to vector<16xf32>
      %parallel_loop3A_685 = arith.addf %parallel_loop3A_675, %parallel_loop3A_684 : vector<16xf32>
      %parallel_loop3A_686 = arith.index_cast %parallel_loop3A_646 : i32 to index
      %parallel_loop3A_687 = tpu.vector_load %arg9[%parallel_loop3A_686] {strides = array<i32>} : memref<2048xf32, #tpu.memory_space<vmem>>, vector<16xf32>,
      %parallel_loop3A_688 = arith.mulf %parallel_loop3A_685, %parallel_loop3A_687 : vector<16xf32>
      %parallel_loop3A_689 = arith.index_cast %parallel_loop3A_646 : i32 to index
      %parallel_loop3A_690 = tpu.vector_load %arg11[%parallel_loop3A_689] {strides = array<i32>} : memref<2048xf32, #tpu.memory_space<vmem>>, vector<16xf32>,
      tpu.vector_store %arg11[%parallel_loop3A_689], %parallel_loop3A_688 {strides = array<i32>} : memref<2048xf32, #tpu.memory_space<vmem>>, vector<16xf32>,
    } {sc.loop_unroll_factor = 8 : i64, sc.parallel_access}
    %dma_start3A_119 = arith.constant 2 : i32
    %dma_start3A_120 = arith.constant 0 : i32
    %dma_start3A_121 = tpu.memref_slice %arg5[%dma_start3A_119, %add3A_12, %dma_start3A_120] : memref<8x64x2048xf32, #tpu.memory_space<hbm>> -> memref<1x1x2048xf32, #tpu.memory_space<hbm>>
    %dma_start3A_122 = tpu.memref_squeeze %dma_start3A_121 : memref<1x1x2048xf32, #tpu.memory_space<hbm>> -> memref<2048xf32, #tpu.memory_space<hbm>>
    %dma_start3A_123 = arith.constant 0 : i32
    %dma_start3A_124 = tpu.memref_slice %arg5[%dma_start3A_119, %add3A_12, %dma_start3A_123] : memref<8x64x2048xf32, #tpu.memory_space<hbm>> -> memref<1x1x2048xf32, #tpu.memory_space<hbm>>
    %dma_start3A_125 = tpu.memref_squeeze %dma_start3A_124 : memref<1x1x2048xf32, #tpu.memory_space<hbm>> -> memref<2048xf32, #tpu.memory_space<hbm>>
    tpu.enqueue_dma source(%arg11 : memref<2048xf32, #tpu.memory_space<vmem>>) target(%dma_start3A_125 : memref<2048xf32, #tpu.memory_space<hbm>>) target_semaphore(%arg16 : memref<!tpu.dma_semaphore, #tpu.memory_space<semaphore_mem>>)
    %dma_start3A_126 = arith.constant 32768 : i32
    %dma_start3A_127 = tpu.memref_slice %arg2[%dma_start3A_126] : memref<65536xi32, #tpu.memory_space<hbm>> -> memref<8192xi32, #tpu.memory_space<hbm>>
    %dma_start3A_128 = arith.constant 32768 : i32
    %dma_start3A_129 = tpu.memref_slice %arg2[%dma_start3A_128] : memref<65536xi32, #tpu.memory_space<hbm>> -> memref<8192xi32, #tpu.memory_space<hbm>>
    tpu.enqueue_dma source(%dma_start3A_129 : memref<8192xi32, #tpu.memory_space<hbm>>) target(%arg7 : memref<8192xi32, #tpu.memory_space<vmem>>) target_semaphore(%arg14 : memref<!tpu.dma_semaphore, #tpu.memory_space<semaphore_mem>>)
    %dma_start3A_130 = arith.constant 4 : i32
    %dma_start3A_131 = arith.constant 0 : i32
    %dma_start3A_132 = tpu.memref_slice %arg3[%dma_start3A_130, %add3A_12, %dma_start3A_131] : memref<8x64x2048xf32, #tpu.memory_space<hbm>> -> memref<1x1x2048xf32, #tpu.memory_space<hbm>>
    %dma_start3A_133 = tpu.memref_squeeze %dma_start3A_132 : memref<1x1x2048xf32, #tpu.memory_space<hbm>> -> memref<2048xf32, #tpu.memory_space<hbm>>
    %dma_start3A_134 = arith.constant 0 : i32
    %dma_start3A_135 = tpu.memref_slice %arg3[%dma_start3A_130, %add3A_12, %dma_start3A_134] : memref<8x64x2048xf32, #tpu.memory_space<hbm>> -> memref<1x1x2048xf32, #tpu.memory_space<hbm>>
    %dma_start3A_136 = tpu.memref_squeeze %dma_start3A_135 : memref<1x1x2048xf32, #tpu.memory_space<hbm>> -> memref<2048xf32, #tpu.memory_space<hbm>>
    tpu.enqueue_dma source(%dma_start3A_136 : memref<2048xf32, #tpu.memory_space<hbm>>) target(%arg9 : memref<2048xf32, #tpu.memory_space<vmem>>) target_semaphore(%arg14 : memref<!tpu.dma_semaphore, #tpu.memory_space<semaphore_mem>>)
    %dma_wait3A_137 = arith.constant 1 : i32
    %dma_wait3A_138 = arith.constant 0 : i32
    %dma_wait3A_139 = tpu.memref_slice %arg5[%dma_wait3A_137, %add3A_12, %dma_wait3A_138] : memref<8x64x2048xf32, #tpu.memory_space<hbm>> -> memref<1x1x2048xf32, #tpu.memory_space<hbm>>
    %dma_wait3A_140 = tpu.memref_squeeze %dma_wait3A_139 : memref<1x1x2048xf32, #tpu.memory_space<hbm>> -> memref<2048xf32, #tpu.memory_space<hbm>>
    %dma_wait3A_141 = arith.constant 0 : i32
    %dma_wait3A_142 = tpu.memref_slice %arg5[%dma_wait3A_137, %add3A_12, %dma_wait3A_141] : memref<8x64x2048xf32, #tpu.memory_space<hbm>> -> memref<1x1x2048xf32, #tpu.memory_space<hbm>>
    %dma_wait3A_143 = tpu.memref_squeeze %dma_wait3A_142 : memref<1x1x2048xf32, #tpu.memory_space<hbm>> -> memref<2048xf32, #tpu.memory_space<hbm>>
    tpu.wait_dma2 semaphore(%arg17 : memref<!tpu.dma_semaphore, #tpu.memory_space<semaphore_mem>>) src(%arg12 : memref<2048xf32, #tpu.memory_space<vmem>>) dst(%dma_wait3A_143 : memref<2048xf32, #tpu.memory_space<hbm>>)
    %dma_wait3A_144 = arith.constant 24576 : i32
    %dma_wait3A_145 = tpu.memref_slice %arg2[%dma_wait3A_144] : memref<65536xi32, #tpu.memory_space<hbm>> -> memref<8192xi32, #tpu.memory_space<hbm>>
    %dma_wait3A_146 = arith.constant 24576 : i32
    %dma_wait3A_147 = tpu.memref_slice %arg2[%dma_wait3A_146] : memref<65536xi32, #tpu.memory_space<hbm>> -> memref<8192xi32, #tpu.memory_space<hbm>>
    tpu.wait_dma2 semaphore(%arg15 : memref<!tpu.dma_semaphore, #tpu.memory_space<semaphore_mem>>) src(%dma_wait3A_147 : memref<8192xi32, #tpu.memory_space<hbm>>) dst(%arg8 : memref<8192xi32, #tpu.memory_space<vmem>>)
    %dma_wait3A_148 = arith.constant 3 : i32
    %dma_wait3A_149 = arith.constant 0 : i32
    %dma_wait3A_150 = tpu.memref_slice %arg3[%dma_wait3A_148, %add3A_12, %dma_wait3A_149] : memref<8x64x2048xf32, #tpu.memory_space<hbm>> -> memref<1x1x2048xf32, #tpu.memory_space<hbm>>
    %dma_wait3A_151 = tpu.memref_squeeze %dma_wait3A_150 : memref<1x1x2048xf32, #tpu.memory_space<hbm>> -> memref<2048xf32, #tpu.memory_space<hbm>>
    %dma_wait3A_152 = arith.constant 0 : i32
    %dma_wait3A_153 = tpu.memref_slice %arg3[%dma_wait3A_148, %add3A_12, %dma_wait3A_152] : memref<8x64x2048xf32, #tpu.memory_space<hbm>> -> memref<1x1x2048xf32, #tpu.memory_space<hbm>>
    %dma_wait3A_154 = tpu.memref_squeeze %dma_wait3A_153 : memref<1x1x2048xf32, #tpu.memory_space<hbm>> -> memref<2048xf32, #tpu.memory_space<hbm>>
    tpu.wait_dma2 semaphore(%arg15 : memref<!tpu.dma_semaphore, #tpu.memory_space<semaphore_mem>>) src(%dma_wait3A_154 : memref<2048xf32, #tpu.memory_space<hbm>>) dst(%arg10 : memref<2048xf32, #tpu.memory_space<vmem>>)
    %parallel_loop3A_155 = arith.constant 0 : i32
    %parallel_loop3A_156 = arith.constant 2048 : i32
    %parallel_loop3A_157 = arith.constant 16 : i32
    scf.for %parallel_loop3A_646 = %parallel_loop3A_155 to %parallel_loop3A_156 step %parallel_loop3A_157  : i32 {
      %parallel_loop3A_647 = arith.constant 0 : i32
      %parallel_loop3A_648 = arith.addi %parallel_loop3A_647, %parallel_loop3A_646 : i32
      %parallel_loop3A_649 = arith.index_cast %parallel_loop3A_648 : i32 to index
      %parallel_loop3A_650 = tpu.vector_load %arg8[%parallel_loop3A_649] {strides = array<i32>} : memref<8192xi32, #tpu.memory_space<vmem>>, vector<16xi32>,
      %parallel_loop3A_651 = tpu.vector_load_idx %arg6[%parallel_loop3A_650] : memref<65536xi32, #tpu.memory_space<vmem>>[vector<16xi32>], vector<16xi32>,
      %parallel_loop3A_652 = arith.constant 16 : i32
      %parallel_loop3A_653 = vector.broadcast %parallel_loop3A_652 : i32 to vector<16xi32>
      %parallel_loop3A_654 = arith.shli %parallel_loop3A_651, %parallel_loop3A_653 : vector<16xi32>
      %parallel_loop3A_655 = vector.bitcast %parallel_loop3A_654 : vector<16xi32> to vector<16xf32>
      %parallel_loop3A_656 = arith.constant 2048 : i32
      %parallel_loop3A_657 = arith.addi %parallel_loop3A_656, %parallel_loop3A_646 : i32
      %parallel_loop3A_658 = arith.index_cast %parallel_loop3A_657 : i32 to index
      %parallel_loop3A_659 = tpu.vector_load %arg8[%parallel_loop3A_658] {strides = array<i32>} : memref<8192xi32, #tpu.memory_space<vmem>>, vector<16xi32>,
      %parallel_loop3A_660 = tpu.vector_load_idx %arg6[%parallel_loop3A_659] : memref<65536xi32, #tpu.memory_space<vmem>>[vector<16xi32>], vector<16xi32>,
      %parallel_loop3A_661 = arith.constant 16 : i32
      %parallel_loop3A_662 = vector.broadcast %parallel_loop3A_661 : i32 to vector<16xi32>
      %parallel_loop3A_663 = arith.shli %parallel_loop3A_660, %parallel_loop3A_662 : vector<16xi32>
      %parallel_loop3A_664 = vector.bitcast %parallel_loop3A_663 : vector<16xi32> to vector<16xf32>
      %parallel_loop3A_665 = arith.addf %parallel_loop3A_655, %parallel_loop3A_664 : vector<16xf32>
      %parallel_loop3A_666 = arith.constant 4096 : i32
      %parallel_loop3A_667 = arith.addi %parallel_loop3A_666, %parallel_loop3A_646 : i32
      %parallel_loop3A_668 = arith.index_cast %parallel_loop3A_667 : i32 to index
      %parallel_loop3A_669 = tpu.vector_load %arg8[%parallel_loop3A_668] {strides = array<i32>} : memref<8192xi32, #tpu.memory_space<vmem>>, vector<16xi32>,
      %parallel_loop3A_670 = tpu.vector_load_idx %arg6[%parallel_loop3A_669] : memref<65536xi32, #tpu.memory_space<vmem>>[vector<16xi32>], vector<16xi32>,
      %parallel_loop3A_671 = arith.constant 16 : i32
      %parallel_loop3A_672 = vector.broadcast %parallel_loop3A_671 : i32 to vector<16xi32>
      %parallel_loop3A_673 = arith.shli %parallel_loop3A_670, %parallel_loop3A_672 : vector<16xi32>
      %parallel_loop3A_674 = vector.bitcast %parallel_loop3A_673 : vector<16xi32> to vector<16xf32>
      %parallel_loop3A_675 = arith.addf %parallel_loop3A_665, %parallel_loop3A_674 : vector<16xf32>
      %parallel_loop3A_676 = arith.constant 6144 : i32
      %parallel_loop3A_677 = arith.addi %parallel_loop3A_676, %parallel_loop3A_646 : i32
      %parallel_loop3A_678 = arith.index_cast %parallel_loop3A_677 : i32 to index
      %parallel_loop3A_679 = tpu.vector_load %arg8[%parallel_loop3A_678] {strides = array<i32>} : memref<8192xi32, #tpu.memory_space<vmem>>, vector<16xi32>,
      %parallel_loop3A_680 = tpu.vector_load_idx %arg6[%parallel_loop3A_679] : memref<65536xi32, #tpu.memory_space<vmem>>[vector<16xi32>], vector<16xi32>,
      %parallel_loop3A_681 = arith.constant 16 : i32
      %parallel_loop3A_682 = vector.broadcast %parallel_loop3A_681 : i32 to vector<16xi32>
      %parallel_loop3A_683 = arith.shli %parallel_loop3A_680, %parallel_loop3A_682 : vector<16xi32>
      %parallel_loop3A_684 = vector.bitcast %parallel_loop3A_683 : vector<16xi32> to vector<16xf32>
      %parallel_loop3A_685 = arith.addf %parallel_loop3A_675, %parallel_loop3A_684 : vector<16xf32>
      %parallel_loop3A_686 = arith.index_cast %parallel_loop3A_646 : i32 to index
      %parallel_loop3A_687 = tpu.vector_load %arg10[%parallel_loop3A_686] {strides = array<i32>} : memref<2048xf32, #tpu.memory_space<vmem>>, vector<16xf32>,
      %parallel_loop3A_688 = arith.mulf %parallel_loop3A_685, %parallel_loop3A_687 : vector<16xf32>
      %parallel_loop3A_689 = arith.index_cast %parallel_loop3A_646 : i32 to index
      %parallel_loop3A_690 = tpu.vector_load %arg12[%parallel_loop3A_689] {strides = array<i32>} : memref<2048xf32, #tpu.memory_space<vmem>>, vector<16xf32>,
      tpu.vector_store %arg12[%parallel_loop3A_689], %parallel_loop3A_688 {strides = array<i32>} : memref<2048xf32, #tpu.memory_space<vmem>>, vector<16xf32>,
    } {sc.loop_unroll_factor = 8 : i64, sc.parallel_access}
    %dma_start3A_158 = arith.constant 3 : i32
    %dma_start3A_159 = arith.constant 0 : i32
    %dma_start3A_160 = tpu.memref_slice %arg5[%dma_start3A_158, %add3A_12, %dma_start3A_159] : memref<8x64x2048xf32, #tpu.memory_space<hbm>> -> memref<1x1x2048xf32, #tpu.memory_space<hbm>>
    %dma_start3A_161 = tpu.memref_squeeze %dma_start3A_160 : memref<1x1x2048xf32, #tpu.memory_space<hbm>> -> memref<2048xf32, #tpu.memory_space<hbm>>
    %dma_start3A_162 = arith.constant 0 : i32
    %dma_start3A_163 = tpu.memref_slice %arg5[%dma_start3A_158, %add3A_12, %dma_start3A_162] : memref<8x64x2048xf32, #tpu.memory_space<hbm>> -> memref<1x1x2048xf32, #tpu.memory_space<hbm>>
    %dma_start3A_164 = tpu.memref_squeeze %dma_start3A_163 : memref<1x1x2048xf32, #tpu.memory_space<hbm>> -> memref<2048xf32, #tpu.memory_space<hbm>>
    tpu.enqueue_dma source(%arg12 : memref<2048xf32, #tpu.memory_space<vmem>>) target(%dma_start3A_164 : memref<2048xf32, #tpu.memory_space<hbm>>) target_semaphore(%arg17 : memref<!tpu.dma_semaphore, #tpu.memory_space<semaphore_mem>>)
    %dma_start3A_165 = arith.constant 40960 : i32
    %dma_start3A_166 = tpu.memref_slice %arg2[%dma_start3A_165] : memref<65536xi32, #tpu.memory_space<hbm>> -> memref<8192xi32, #tpu.memory_space<hbm>>
    %dma_start3A_167 = arith.constant 40960 : i32
    %dma_start3A_168 = tpu.memref_slice %arg2[%dma_start3A_167] : memref<65536xi32, #tpu.memory_space<hbm>> -> memref<8192xi32, #tpu.memory_space<hbm>>
    tpu.enqueue_dma source(%dma_start3A_168 : memref<8192xi32, #tpu.memory_space<hbm>>) target(%arg8 : memref<8192xi32, #tpu.memory_space<vmem>>) target_semaphore(%arg15 : memref<!tpu.dma_semaphore, #tpu.memory_space<semaphore_mem>>)
    %dma_start3A_169 = arith.constant 5 : i32
    %dma_start3A_170 = arith.constant 0 : i32
    %dma_start3A_171 = tpu.memref_slice %arg3[%dma_start3A_169, %add3A_12, %dma_start3A_170] : memref<8x64x2048xf32, #tpu.memory_space<hbm>> -> memref<1x1x2048xf32, #tpu.memory_space<hbm>>
    %dma_start3A_172 = tpu.memref_squeeze %dma_start3A_171 : memref<1x1x2048xf32, #tpu.memory_space<hbm>> -> memref<2048xf32, #tpu.memory_space<hbm>>
    %dma_start3A_173 = arith.constant 0 : i32
    %dma_start3A_174 = tpu.memref_slice %arg3[%dma_start3A_169, %add3A_12, %dma_start3A_173] : memref<8x64x2048xf32, #tpu.memory_space<hbm>> -> memref<1x1x2048xf32, #tpu.memory_space<hbm>>
    %dma_start3A_175 = tpu.memref_squeeze %dma_start3A_174 : memref<1x1x2048xf32, #tpu.memory_space<hbm>> -> memref<2048xf32, #tpu.memory_space<hbm>>
    tpu.enqueue_dma source(%dma_start3A_175 : memref<2048xf32, #tpu.memory_space<hbm>>) target(%arg10 : memref<2048xf32, #tpu.memory_space<vmem>>) target_semaphore(%arg15 : memref<!tpu.dma_semaphore, #tpu.memory_space<semaphore_mem>>)
    %dma_wait3A_176 = arith.constant 2 : i32
    %dma_wait3A_177 = arith.constant 0 : i32
    %dma_wait3A_178 = tpu.memref_slice %arg5[%dma_wait3A_176, %add3A_12, %dma_wait3A_177] : memref<8x64x2048xf32, #tpu.memory_space<hbm>> -> memref<1x1x2048xf32, #tpu.memory_space<hbm>>
    %dma_wait3A_179 = tpu.memref_squeeze %dma_wait3A_178 : memref<1x1x2048xf32, #tpu.memory_space<hbm>> -> memref<2048xf32, #tpu.memory_space<hbm>>
    %dma_wait3A_180 = arith.constant 0 : i32
    %dma_wait3A_181 = tpu.memref_slice %arg5[%dma_wait3A_176, %add3A_12, %dma_wait3A_180] : memref<8x64x2048xf32, #tpu.memory_space<hbm>> -> memref<1x1x2048xf32, #tpu.memory_space<hbm>>
    %dma_wait3A_182 = tpu.memref_squeeze %dma_wait3A_181 : memref<1x1x2048xf32, #tpu.memory_space<hbm>> -> memref<2048xf32, #tpu.memory_space<hbm>>
    tpu.wait_dma2 semaphore(%arg16 : memref<!tpu.dma_semaphore, #tpu.memory_space<semaphore_mem>>) src(%arg11 : memref<2048xf32, #tpu.memory_space<vmem>>) dst(%dma_wait3A_182 : memref<2048xf32, #tpu.memory_space<hbm>>)
    %dma_wait3A_183 = arith.constant 32768 : i32
    %dma_wait3A_184 = tpu.memref_slice %arg2[%dma_wait3A_183] : memref<65536xi32, #tpu.memory_space<hbm>> -> memref<8192xi32, #tpu.memory_space<hbm>>
    %dma_wait3A_185 = arith.constant 32768 : i32
    %dma_wait3A_186 = tpu.memref_slice %arg2[%dma_wait3A_185] : memref<65536xi32, #tpu.memory_space<hbm>> -> memref<8192xi32, #tpu.memory_space<hbm>>
    tpu.wait_dma2 semaphore(%arg14 : memref<!tpu.dma_semaphore, #tpu.memory_space<semaphore_mem>>) src(%dma_wait3A_186 : memref<8192xi32, #tpu.memory_space<hbm>>) dst(%arg7 : memref<8192xi32, #tpu.memory_space<vmem>>)
    %dma_wait3A_187 = arith.constant 4 : i32
    %dma_wait3A_188 = arith.constant 0 : i32
    %dma_wait3A_189 = tpu.memref_slice %arg3[%dma_wait3A_187, %add3A_12, %dma_wait3A_188] : memref<8x64x2048xf32, #tpu.memory_space<hbm>> -> memref<1x1x2048xf32, #tpu.memory_space<hbm>>
    %dma_wait3A_190 = tpu.memref_squeeze %dma_wait3A_189 : memref<1x1x2048xf32, #tpu.memory_space<hbm>> -> memref<2048xf32, #tpu.memory_space<hbm>>
    %dma_wait3A_191 = arith.constant 0 : i32
    %dma_wait3A_192 = tpu.memref_slice %arg3[%dma_wait3A_187, %add3A_12, %dma_wait3A_191] : memref<8x64x2048xf32, #tpu.memory_space<hbm>> -> memref<1x1x2048xf32, #tpu.memory_space<hbm>>
    %dma_wait3A_193 = tpu.memref_squeeze %dma_wait3A_192 : memref<1x1x2048xf32, #tpu.memory_space<hbm>> -> memref<2048xf32, #tpu.memory_space<hbm>>
    tpu.wait_dma2 semaphore(%arg14 : memref<!tpu.dma_semaphore, #tpu.memory_space<semaphore_mem>>) src(%dma_wait3A_193 : memref<2048xf32, #tpu.memory_space<hbm>>) dst(%arg9 : memref<2048xf32, #tpu.memory_space<vmem>>)
    %parallel_loop3A_194 = arith.constant 0 : i32
    %parallel_loop3A_195 = arith.constant 2048 : i32
    %parallel_loop3A_196 = arith.constant 16 : i32
    scf.for %parallel_loop3A_646 = %parallel_loop3A_194 to %parallel_loop3A_195 step %parallel_loop3A_196  : i32 {
      %parallel_loop3A_647 = arith.constant 0 : i32
      %parallel_loop3A_648 = arith.addi %parallel_loop3A_647, %parallel_loop3A_646 : i32
      %parallel_loop3A_649 = arith.index_cast %parallel_loop3A_648 : i32 to index
      %parallel_loop3A_650 = tpu.vector_load %arg7[%parallel_loop3A_649] {strides = array<i32>} : memref<8192xi32, #tpu.memory_space<vmem>>, vector<16xi32>,
      %parallel_loop3A_651 = tpu.vector_load_idx %arg6[%parallel_loop3A_650] : memref<65536xi32, #tpu.memory_space<vmem>>[vector<16xi32>], vector<16xi32>,
      %parallel_loop3A_652 = arith.constant 16 : i32
      %parallel_loop3A_653 = vector.broadcast %parallel_loop3A_652 : i32 to vector<16xi32>
      %parallel_loop3A_654 = arith.shli %parallel_loop3A_651, %parallel_loop3A_653 : vector<16xi32>
      %parallel_loop3A_655 = vector.bitcast %parallel_loop3A_654 : vector<16xi32> to vector<16xf32>
      %parallel_loop3A_656 = arith.constant 2048 : i32
      %parallel_loop3A_657 = arith.addi %parallel_loop3A_656, %parallel_loop3A_646 : i32
      %parallel_loop3A_658 = arith.index_cast %parallel_loop3A_657 : i32 to index
      %parallel_loop3A_659 = tpu.vector_load %arg7[%parallel_loop3A_658] {strides = array<i32>} : memref<8192xi32, #tpu.memory_space<vmem>>, vector<16xi32>,
      %parallel_loop3A_660 = tpu.vector_load_idx %arg6[%parallel_loop3A_659] : memref<65536xi32, #tpu.memory_space<vmem>>[vector<16xi32>], vector<16xi32>,
      %parallel_loop3A_661 = arith.constant 16 : i32
      %parallel_loop3A_662 = vector.broadcast %parallel_loop3A_661 : i32 to vector<16xi32>
      %parallel_loop3A_663 = arith.shli %parallel_loop3A_660, %parallel_loop3A_662 : vector<16xi32>
      %parallel_loop3A_664 = vector.bitcast %parallel_loop3A_663 : vector<16xi32> to vector<16xf32>
      %parallel_loop3A_665 = arith.addf %parallel_loop3A_655, %parallel_loop3A_664 : vector<16xf32>
      %parallel_loop3A_666 = arith.constant 4096 : i32
      %parallel_loop3A_667 = arith.addi %parallel_loop3A_666, %parallel_loop3A_646 : i32
      %parallel_loop3A_668 = arith.index_cast %parallel_loop3A_667 : i32 to index
      %parallel_loop3A_669 = tpu.vector_load %arg7[%parallel_loop3A_668] {strides = array<i32>} : memref<8192xi32, #tpu.memory_space<vmem>>, vector<16xi32>,
      %parallel_loop3A_670 = tpu.vector_load_idx %arg6[%parallel_loop3A_669] : memref<65536xi32, #tpu.memory_space<vmem>>[vector<16xi32>], vector<16xi32>,
      %parallel_loop3A_671 = arith.constant 16 : i32
      %parallel_loop3A_672 = vector.broadcast %parallel_loop3A_671 : i32 to vector<16xi32>
      %parallel_loop3A_673 = arith.shli %parallel_loop3A_670, %parallel_loop3A_672 : vector<16xi32>
      %parallel_loop3A_674 = vector.bitcast %parallel_loop3A_673 : vector<16xi32> to vector<16xf32>
      %parallel_loop3A_675 = arith.addf %parallel_loop3A_665, %parallel_loop3A_674 : vector<16xf32>
      %parallel_loop3A_676 = arith.constant 6144 : i32
      %parallel_loop3A_677 = arith.addi %parallel_loop3A_676, %parallel_loop3A_646 : i32
      %parallel_loop3A_678 = arith.index_cast %parallel_loop3A_677 : i32 to index
      %parallel_loop3A_679 = tpu.vector_load %arg7[%parallel_loop3A_678] {strides = array<i32>} : memref<8192xi32, #tpu.memory_space<vmem>>, vector<16xi32>,
      %parallel_loop3A_680 = tpu.vector_load_idx %arg6[%parallel_loop3A_679] : memref<65536xi32, #tpu.memory_space<vmem>>[vector<16xi32>], vector<16xi32>,
      %parallel_loop3A_681 = arith.constant 16 : i32
      %parallel_loop3A_682 = vector.broadcast %parallel_loop3A_681 : i32 to vector<16xi32>
      %parallel_loop3A_683 = arith.shli %parallel_loop3A_680, %parallel_loop3A_682 : vector<16xi32>
      %parallel_loop3A_684 = vector.bitcast %parallel_loop3A_683 : vector<16xi32> to vector<16xf32>
      %parallel_loop3A_685 = arith.addf %parallel_loop3A_675, %parallel_loop3A_684 : vector<16xf32>
      %parallel_loop3A_686 = arith.index_cast %parallel_loop3A_646 : i32 to index
      %parallel_loop3A_687 = tpu.vector_load %arg9[%parallel_loop3A_686] {strides = array<i32>} : memref<2048xf32, #tpu.memory_space<vmem>>, vector<16xf32>,
      %parallel_loop3A_688 = arith.mulf %parallel_loop3A_685, %parallel_loop3A_687 : vector<16xf32>
      %parallel_loop3A_689 = arith.index_cast %parallel_loop3A_646 : i32 to index
      %parallel_loop3A_690 = tpu.vector_load %arg11[%parallel_loop3A_689] {strides = array<i32>} : memref<2048xf32, #tpu.memory_space<vmem>>, vector<16xf32>,
      tpu.vector_store %arg11[%parallel_loop3A_689], %parallel_loop3A_688 {strides = array<i32>} : memref<2048xf32, #tpu.memory_space<vmem>>, vector<16xf32>,
    } {sc.loop_unroll_factor = 8 : i64, sc.parallel_access}
    %dma_start3A_197 = arith.constant 4 : i32
    %dma_start3A_198 = arith.constant 0 : i32
    %dma_start3A_199 = tpu.memref_slice %arg5[%dma_start3A_197, %add3A_12, %dma_start3A_198] : memref<8x64x2048xf32, #tpu.memory_space<hbm>> -> memref<1x1x2048xf32, #tpu.memory_space<hbm>>
    %dma_start3A_200 = tpu.memref_squeeze %dma_start3A_199 : memref<1x1x2048xf32, #tpu.memory_space<hbm>> -> memref<2048xf32, #tpu.memory_space<hbm>>
    %dma_start3A_201 = arith.constant 0 : i32
    %dma_start3A_202 = tpu.memref_slice %arg5[%dma_start3A_197, %add3A_12, %dma_start3A_201] : memref<8x64x2048xf32, #tpu.memory_space<hbm>> -> memref<1x1x2048xf32, #tpu.memory_space<hbm>>
    %dma_start3A_203 = tpu.memref_squeeze %dma_start3A_202 : memref<1x1x2048xf32, #tpu.memory_space<hbm>> -> memref<2048xf32, #tpu.memory_space<hbm>>
    tpu.enqueue_dma source(%arg11 : memref<2048xf32, #tpu.memory_space<vmem>>) target(%dma_start3A_203 : memref<2048xf32, #tpu.memory_space<hbm>>) target_semaphore(%arg16 : memref<!tpu.dma_semaphore, #tpu.memory_space<semaphore_mem>>)
    %dma_start3A_204 = arith.constant 49152 : i32
    %dma_start3A_205 = tpu.memref_slice %arg2[%dma_start3A_204] : memref<65536xi32, #tpu.memory_space<hbm>> -> memref<8192xi32, #tpu.memory_space<hbm>>
    %dma_start3A_206 = arith.constant 49152 : i32
    %dma_start3A_207 = tpu.memref_slice %arg2[%dma_start3A_206] : memref<65536xi32, #tpu.memory_space<hbm>> -> memref<8192xi32, #tpu.memory_space<hbm>>
    tpu.enqueue_dma source(%dma_start3A_207 : memref<8192xi32, #tpu.memory_space<hbm>>) target(%arg7 : memref<8192xi32, #tpu.memory_space<vmem>>) target_semaphore(%arg14 : memref<!tpu.dma_semaphore, #tpu.memory_space<semaphore_mem>>)
    %dma_start3A_208 = arith.constant 6 : i32
    %dma_start3A_209 = arith.constant 0 : i32
    %dma_start3A_210 = tpu.memref_slice %arg3[%dma_start3A_208, %add3A_12, %dma_start3A_209] : memref<8x64x2048xf32, #tpu.memory_space<hbm>> -> memref<1x1x2048xf32, #tpu.memory_space<hbm>>
    %dma_start3A_211 = tpu.memref_squeeze %dma_start3A_210 : memref<1x1x2048xf32, #tpu.memory_space<hbm>> -> memref<2048xf32, #tpu.memory_space<hbm>>
    %dma_start3A_212 = arith.constant 0 : i32
    %dma_start3A_213 = tpu.memref_slice %arg3[%dma_start3A_208, %add3A_12, %dma_start3A_212] : memref<8x64x2048xf32, #tpu.memory_space<hbm>> -> memref<1x1x2048xf32, #tpu.memory_space<hbm>>
    %dma_start3A_214 = tpu.memref_squeeze %dma_start3A_213 : memref<1x1x2048xf32, #tpu.memory_space<hbm>> -> memref<2048xf32, #tpu.memory_space<hbm>>
    tpu.enqueue_dma source(%dma_start3A_214 : memref<2048xf32, #tpu.memory_space<hbm>>) target(%arg9 : memref<2048xf32, #tpu.memory_space<vmem>>) target_semaphore(%arg14 : memref<!tpu.dma_semaphore, #tpu.memory_space<semaphore_mem>>)
    %dma_wait3A_215 = arith.constant 3 : i32
    %dma_wait3A_216 = arith.constant 0 : i32
    %dma_wait3A_217 = tpu.memref_slice %arg5[%dma_wait3A_215, %add3A_12, %dma_wait3A_216] : memref<8x64x2048xf32, #tpu.memory_space<hbm>> -> memref<1x1x2048xf32, #tpu.memory_space<hbm>>
    %dma_wait3A_218 = tpu.memref_squeeze %dma_wait3A_217 : memref<1x1x2048xf32, #tpu.memory_space<hbm>> -> memref<2048xf32, #tpu.memory_space<hbm>>
    %dma_wait3A_219 = arith.constant 0 : i32
    %dma_wait3A_220 = tpu.memref_slice %arg5[%dma_wait3A_215, %add3A_12, %dma_wait3A_219] : memref<8x64x2048xf32, #tpu.memory_space<hbm>> -> memref<1x1x2048xf32, #tpu.memory_space<hbm>>
    %dma_wait3A_221 = tpu.memref_squeeze %dma_wait3A_220 : memref<1x1x2048xf32, #tpu.memory_space<hbm>> -> memref<2048xf32, #tpu.memory_space<hbm>>
    tpu.wait_dma2 semaphore(%arg17 : memref<!tpu.dma_semaphore, #tpu.memory_space<semaphore_mem>>) src(%arg12 : memref<2048xf32, #tpu.memory_space<vmem>>) dst(%dma_wait3A_221 : memref<2048xf32, #tpu.memory_space<hbm>>)
    %dma_wait3A_222 = arith.constant 40960 : i32
    %dma_wait3A_223 = tpu.memref_slice %arg2[%dma_wait3A_222] : memref<65536xi32, #tpu.memory_space<hbm>> -> memref<8192xi32, #tpu.memory_space<hbm>>
    %dma_wait3A_224 = arith.constant 40960 : i32
    %dma_wait3A_225 = tpu.memref_slice %arg2[%dma_wait3A_224] : memref<65536xi32, #tpu.memory_space<hbm>> -> memref<8192xi32, #tpu.memory_space<hbm>>
    tpu.wait_dma2 semaphore(%arg15 : memref<!tpu.dma_semaphore, #tpu.memory_space<semaphore_mem>>) src(%dma_wait3A_225 : memref<8192xi32, #tpu.memory_space<hbm>>) dst(%arg8 : memref<8192xi32, #tpu.memory_space<vmem>>)
    %dma_wait3A_226 = arith.constant 5 : i32
    %dma_wait3A_227 = arith.constant 0 : i32
    %dma_wait3A_228 = tpu.memref_slice %arg3[%dma_wait3A_226, %add3A_12, %dma_wait3A_227] : memref<8x64x2048xf32, #tpu.memory_space<hbm>> -> memref<1x1x2048xf32, #tpu.memory_space<hbm>>
    %dma_wait3A_229 = tpu.memref_squeeze %dma_wait3A_228 : memref<1x1x2048xf32, #tpu.memory_space<hbm>> -> memref<2048xf32, #tpu.memory_space<hbm>>
    %dma_wait3A_230 = arith.constant 0 : i32
    %dma_wait3A_231 = tpu.memref_slice %arg3[%dma_wait3A_226, %add3A_12, %dma_wait3A_230] : memref<8x64x2048xf32, #tpu.memory_space<hbm>> -> memref<1x1x2048xf32, #tpu.memory_space<hbm>>
    %dma_wait3A_232 = tpu.memref_squeeze %dma_wait3A_231 : memref<1x1x2048xf32, #tpu.memory_space<hbm>> -> memref<2048xf32, #tpu.memory_space<hbm>>
    tpu.wait_dma2 semaphore(%arg15 : memref<!tpu.dma_semaphore, #tpu.memory_space<semaphore_mem>>) src(%dma_wait3A_232 : memref<2048xf32, #tpu.memory_space<hbm>>) dst(%arg10 : memref<2048xf32, #tpu.memory_space<vmem>>)
    %parallel_loop3A_233 = arith.constant 0 : i32
    %parallel_loop3A_234 = arith.constant 2048 : i32
    %parallel_loop3A_235 = arith.constant 16 : i32
    scf.for %parallel_loop3A_646 = %parallel_loop3A_233 to %parallel_loop3A_234 step %parallel_loop3A_235  : i32 {
      %parallel_loop3A_647 = arith.constant 0 : i32
      %parallel_loop3A_648 = arith.addi %parallel_loop3A_647, %parallel_loop3A_646 : i32
      %parallel_loop3A_649 = arith.index_cast %parallel_loop3A_648 : i32 to index
      %parallel_loop3A_650 = tpu.vector_load %arg8[%parallel_loop3A_649] {strides = array<i32>} : memref<8192xi32, #tpu.memory_space<vmem>>, vector<16xi32>,
      %parallel_loop3A_651 = tpu.vector_load_idx %arg6[%parallel_loop3A_650] : memref<65536xi32, #tpu.memory_space<vmem>>[vector<16xi32>], vector<16xi32>,
      %parallel_loop3A_652 = arith.constant 16 : i32
      %parallel_loop3A_653 = vector.broadcast %parallel_loop3A_652 : i32 to vector<16xi32>
      %parallel_loop3A_654 = arith.shli %parallel_loop3A_651, %parallel_loop3A_653 : vector<16xi32>
      %parallel_loop3A_655 = vector.bitcast %parallel_loop3A_654 : vector<16xi32> to vector<16xf32>
      %parallel_loop3A_656 = arith.constant 2048 : i32
      %parallel_loop3A_657 = arith.addi %parallel_loop3A_656, %parallel_loop3A_646 : i32
      %parallel_loop3A_658 = arith.index_cast %parallel_loop3A_657 : i32 to index
      %parallel_loop3A_659 = tpu.vector_load %arg8[%parallel_loop3A_658] {strides = array<i32>} : memref<8192xi32, #tpu.memory_space<vmem>>, vector<16xi32>,
      %parallel_loop3A_660 = tpu.vector_load_idx %arg6[%parallel_loop3A_659] : memref<65536xi32, #tpu.memory_space<vmem>>[vector<16xi32>], vector<16xi32>,
      %parallel_loop3A_661 = arith.constant 16 : i32
      %parallel_loop3A_662 = vector.broadcast %parallel_loop3A_661 : i32 to vector<16xi32>
      %parallel_loop3A_663 = arith.shli %parallel_loop3A_660, %parallel_loop3A_662 : vector<16xi32>
      %parallel_loop3A_664 = vector.bitcast %parallel_loop3A_663 : vector<16xi32> to vector<16xf32>
      %parallel_loop3A_665 = arith.addf %parallel_loop3A_655, %parallel_loop3A_664 : vector<16xf32>
      %parallel_loop3A_666 = arith.constant 4096 : i32
      %parallel_loop3A_667 = arith.addi %parallel_loop3A_666, %parallel_loop3A_646 : i32
      %parallel_loop3A_668 = arith.index_cast %parallel_loop3A_667 : i32 to index
      %parallel_loop3A_669 = tpu.vector_load %arg8[%parallel_loop3A_668] {strides = array<i32>} : memref<8192xi32, #tpu.memory_space<vmem>>, vector<16xi32>,
      %parallel_loop3A_670 = tpu.vector_load_idx %arg6[%parallel_loop3A_669] : memref<65536xi32, #tpu.memory_space<vmem>>[vector<16xi32>], vector<16xi32>,
      %parallel_loop3A_671 = arith.constant 16 : i32
      %parallel_loop3A_672 = vector.broadcast %parallel_loop3A_671 : i32 to vector<16xi32>
      %parallel_loop3A_673 = arith.shli %parallel_loop3A_670, %parallel_loop3A_672 : vector<16xi32>
      %parallel_loop3A_674 = vector.bitcast %parallel_loop3A_673 : vector<16xi32> to vector<16xf32>
      %parallel_loop3A_675 = arith.addf %parallel_loop3A_665, %parallel_loop3A_674 : vector<16xf32>
      %parallel_loop3A_676 = arith.constant 6144 : i32
      %parallel_loop3A_677 = arith.addi %parallel_loop3A_676, %parallel_loop3A_646 : i32
      %parallel_loop3A_678 = arith.index_cast %parallel_loop3A_677 : i32 to index
      %parallel_loop3A_679 = tpu.vector_load %arg8[%parallel_loop3A_678] {strides = array<i32>} : memref<8192xi32, #tpu.memory_space<vmem>>, vector<16xi32>,
      %parallel_loop3A_680 = tpu.vector_load_idx %arg6[%parallel_loop3A_679] : memref<65536xi32, #tpu.memory_space<vmem>>[vector<16xi32>], vector<16xi32>,
      %parallel_loop3A_681 = arith.constant 16 : i32
      %parallel_loop3A_682 = vector.broadcast %parallel_loop3A_681 : i32 to vector<16xi32>
      %parallel_loop3A_683 = arith.shli %parallel_loop3A_680, %parallel_loop3A_682 : vector<16xi32>
      %parallel_loop3A_684 = vector.bitcast %parallel_loop3A_683 : vector<16xi32> to vector<16xf32>
      %parallel_loop3A_685 = arith.addf %parallel_loop3A_675, %parallel_loop3A_684 : vector<16xf32>
      %parallel_loop3A_686 = arith.index_cast %parallel_loop3A_646 : i32 to index
      %parallel_loop3A_687 = tpu.vector_load %arg10[%parallel_loop3A_686] {strides = array<i32>} : memref<2048xf32, #tpu.memory_space<vmem>>, vector<16xf32>,
      %parallel_loop3A_688 = arith.mulf %parallel_loop3A_685, %parallel_loop3A_687 : vector<16xf32>
      %parallel_loop3A_689 = arith.index_cast %parallel_loop3A_646 : i32 to index
      %parallel_loop3A_690 = tpu.vector_load %arg12[%parallel_loop3A_689] {strides = array<i32>} : memref<2048xf32, #tpu.memory_space<vmem>>, vector<16xf32>,
      tpu.vector_store %arg12[%parallel_loop3A_689], %parallel_loop3A_688 {strides = array<i32>} : memref<2048xf32, #tpu.memory_space<vmem>>, vector<16xf32>,
    } {sc.loop_unroll_factor = 8 : i64, sc.parallel_access}
    %dma_start3A_236 = arith.constant 5 : i32
    %dma_start3A_237 = arith.constant 0 : i32
    %dma_start3A_238 = tpu.memref_slice %arg5[%dma_start3A_236, %add3A_12, %dma_start3A_237] : memref<8x64x2048xf32, #tpu.memory_space<hbm>> -> memref<1x1x2048xf32, #tpu.memory_space<hbm>>
    %dma_start3A_239 = tpu.memref_squeeze %dma_start3A_238 : memref<1x1x2048xf32, #tpu.memory_space<hbm>> -> memref<2048xf32, #tpu.memory_space<hbm>>
    %dma_start3A_240 = arith.constant 0 : i32
    %dma_start3A_241 = tpu.memref_slice %arg5[%dma_start3A_236, %add3A_12, %dma_start3A_240] : memref<8x64x2048xf32, #tpu.memory_space<hbm>> -> memref<1x1x2048xf32, #tpu.memory_space<hbm>>
    %dma_start3A_242 = tpu.memref_squeeze %dma_start3A_241 : memref<1x1x2048xf32, #tpu.memory_space<hbm>> -> memref<2048xf32, #tpu.memory_space<hbm>>
    tpu.enqueue_dma source(%arg12 : memref<2048xf32, #tpu.memory_space<vmem>>) target(%dma_start3A_242 : memref<2048xf32, #tpu.memory_space<hbm>>) target_semaphore(%arg17 : memref<!tpu.dma_semaphore, #tpu.memory_space<semaphore_mem>>)
    %dma_start3A_243 = arith.constant 57344 : i32
    %dma_start3A_244 = tpu.memref_slice %arg2[%dma_start3A_243] : memref<65536xi32, #tpu.memory_space<hbm>> -> memref<8192xi32, #tpu.memory_space<hbm>>
    %dma_start3A_245 = arith.constant 57344 : i32
    %dma_start3A_246 = tpu.memref_slice %arg2[%dma_start3A_245] : memref<65536xi32, #tpu.memory_space<hbm>> -> memref<8192xi32, #tpu.memory_space<hbm>>
    tpu.enqueue_dma source(%dma_start3A_246 : memref<8192xi32, #tpu.memory_space<hbm>>) target(%arg8 : memref<8192xi32, #tpu.memory_space<vmem>>) target_semaphore(%arg15 : memref<!tpu.dma_semaphore, #tpu.memory_space<semaphore_mem>>)
    %dma_start3A_247 = arith.constant 7 : i32
    %dma_start3A_248 = arith.constant 0 : i32
    %dma_start3A_249 = tpu.memref_slice %arg3[%dma_start3A_247, %add3A_12, %dma_start3A_248] : memref<8x64x2048xf32, #tpu.memory_space<hbm>> -> memref<1x1x2048xf32, #tpu.memory_space<hbm>>
    %dma_start3A_250 = tpu.memref_squeeze %dma_start3A_249 : memref<1x1x2048xf32, #tpu.memory_space<hbm>> -> memref<2048xf32, #tpu.memory_space<hbm>>
    %dma_start3A_251 = arith.constant 0 : i32
    %dma_start3A_252 = tpu.memref_slice %arg3[%dma_start3A_247, %add3A_12, %dma_start3A_251] : memref<8x64x2048xf32, #tpu.memory_space<hbm>> -> memref<1x1x2048xf32, #tpu.memory_space<hbm>>
    %dma_start3A_253 = tpu.memref_squeeze %dma_start3A_252 : memref<1x1x2048xf32, #tpu.memory_space<hbm>> -> memref<2048xf32, #tpu.memory_space<hbm>>
    tpu.enqueue_dma source(%dma_start3A_253 : memref<2048xf32, #tpu.memory_space<hbm>>) target(%arg10 : memref<2048xf32, #tpu.memory_space<vmem>>) target_semaphore(%arg15 : memref<!tpu.dma_semaphore, #tpu.memory_space<semaphore_mem>>)
    %dma_wait3A_254 = arith.constant 4 : i32
    %dma_wait3A_255 = arith.constant 0 : i32
    %dma_wait3A_256 = tpu.memref_slice %arg5[%dma_wait3A_254, %add3A_12, %dma_wait3A_255] : memref<8x64x2048xf32, #tpu.memory_space<hbm>> -> memref<1x1x2048xf32, #tpu.memory_space<hbm>>
    %dma_wait3A_257 = tpu.memref_squeeze %dma_wait3A_256 : memref<1x1x2048xf32, #tpu.memory_space<hbm>> -> memref<2048xf32, #tpu.memory_space<hbm>>
    %dma_wait3A_258 = arith.constant 0 : i32
    %dma_wait3A_259 = tpu.memref_slice %arg5[%dma_wait3A_254, %add3A_12, %dma_wait3A_258] : memref<8x64x2048xf32, #tpu.memory_space<hbm>> -> memref<1x1x2048xf32, #tpu.memory_space<hbm>>
    %dma_wait3A_260 = tpu.memref_squeeze %dma_wait3A_259 : memref<1x1x2048xf32, #tpu.memory_space<hbm>> -> memref<2048xf32, #tpu.memory_space<hbm>>
    tpu.wait_dma2 semaphore(%arg16 : memref<!tpu.dma_semaphore, #tpu.memory_space<semaphore_mem>>) src(%arg11 : memref<2048xf32, #tpu.memory_space<vmem>>) dst(%dma_wait3A_260 : memref<2048xf32, #tpu.memory_space<hbm>>)
    %dma_wait3A_261 = arith.constant 49152 : i32
    %dma_wait3A_262 = tpu.memref_slice %arg2[%dma_wait3A_261] : memref<65536xi32, #tpu.memory_space<hbm>> -> memref<8192xi32, #tpu.memory_space<hbm>>
    %dma_wait3A_263 = arith.constant 49152 : i32
    %dma_wait3A_264 = tpu.memref_slice %arg2[%dma_wait3A_263] : memref<65536xi32, #tpu.memory_space<hbm>> -> memref<8192xi32, #tpu.memory_space<hbm>>
    tpu.wait_dma2 semaphore(%arg14 : memref<!tpu.dma_semaphore, #tpu.memory_space<semaphore_mem>>) src(%dma_wait3A_264 : memref<8192xi32, #tpu.memory_space<hbm>>) dst(%arg7 : memref<8192xi32, #tpu.memory_space<vmem>>)
    %dma_wait3A_265 = arith.constant 6 : i32
    %dma_wait3A_266 = arith.constant 0 : i32
    %dma_wait3A_267 = tpu.memref_slice %arg3[%dma_wait3A_265, %add3A_12, %dma_wait3A_266] : memref<8x64x2048xf32, #tpu.memory_space<hbm>> -> memref<1x1x2048xf32, #tpu.memory_space<hbm>>
    %dma_wait3A_268 = tpu.memref_squeeze %dma_wait3A_267 : memref<1x1x2048xf32, #tpu.memory_space<hbm>> -> memref<2048xf32, #tpu.memory_space<hbm>>
    %dma_wait3A_269 = arith.constant 0 : i32
    %dma_wait3A_270 = tpu.memref_slice %arg3[%dma_wait3A_265, %add3A_12, %dma_wait3A_269] : memref<8x64x2048xf32, #tpu.memory_space<hbm>> -> memref<1x1x2048xf32, #tpu.memory_space<hbm>>
    %dma_wait3A_271 = tpu.memref_squeeze %dma_wait3A_270 : memref<1x1x2048xf32, #tpu.memory_space<hbm>> -> memref<2048xf32, #tpu.memory_space<hbm>>
    tpu.wait_dma2 semaphore(%arg14 : memref<!tpu.dma_semaphore, #tpu.memory_space<semaphore_mem>>) src(%dma_wait3A_271 : memref<2048xf32, #tpu.memory_space<hbm>>) dst(%arg9 : memref<2048xf32, #tpu.memory_space<vmem>>)
    %parallel_loop3A_272 = arith.constant 0 : i32
    %parallel_loop3A_273 = arith.constant 2048 : i32
    %parallel_loop3A_274 = arith.constant 16 : i32
    scf.for %parallel_loop3A_646 = %parallel_loop3A_272 to %parallel_loop3A_273 step %parallel_loop3A_274  : i32 {
      %parallel_loop3A_647 = arith.constant 0 : i32
      %parallel_loop3A_648 = arith.addi %parallel_loop3A_647, %parallel_loop3A_646 : i32
      %parallel_loop3A_649 = arith.index_cast %parallel_loop3A_648 : i32 to index
      %parallel_loop3A_650 = tpu.vector_load %arg7[%parallel_loop3A_649] {strides = array<i32>} : memref<8192xi32, #tpu.memory_space<vmem>>, vector<16xi32>,
      %parallel_loop3A_651 = tpu.vector_load_idx %arg6[%parallel_loop3A_650] : memref<65536xi32, #tpu.memory_space<vmem>>[vector<16xi32>], vector<16xi32>,
      %parallel_loop3A_652 = arith.constant 16 : i32
      %parallel_loop3A_653 = vector.broadcast %parallel_loop3A_652 : i32 to vector<16xi32>
      %parallel_loop3A_654 = arith.shli %parallel_loop3A_651, %parallel_loop3A_653 : vector<16xi32>
      %parallel_loop3A_655 = vector.bitcast %parallel_loop3A_654 : vector<16xi32> to vector<16xf32>
      %parallel_loop3A_656 = arith.constant 2048 : i32
      %parallel_loop3A_657 = arith.addi %parallel_loop3A_656, %parallel_loop3A_646 : i32
      %parallel_loop3A_658 = arith.index_cast %parallel_loop3A_657 : i32 to index
      %parallel_loop3A_659 = tpu.vector_load %arg7[%parallel_loop3A_658] {strides = array<i32>} : memref<8192xi32, #tpu.memory_space<vmem>>, vector<16xi32>,
      %parallel_loop3A_660 = tpu.vector_load_idx %arg6[%parallel_loop3A_659] : memref<65536xi32, #tpu.memory_space<vmem>>[vector<16xi32>], vector<16xi32>,
      %parallel_loop3A_661 = arith.constant 16 : i32
      %parallel_loop3A_662 = vector.broadcast %parallel_loop3A_661 : i32 to vector<16xi32>
      %parallel_loop3A_663 = arith.shli %parallel_loop3A_660, %parallel_loop3A_662 : vector<16xi32>
      %parallel_loop3A_664 = vector.bitcast %parallel_loop3A_663 : vector<16xi32> to vector<16xf32>
      %parallel_loop3A_665 = arith.addf %parallel_loop3A_655, %parallel_loop3A_664 : vector<16xf32>
      %parallel_loop3A_666 = arith.constant 4096 : i32
      %parallel_loop3A_667 = arith.addi %parallel_loop3A_666, %parallel_loop3A_646 : i32
      %parallel_loop3A_668 = arith.index_cast %parallel_loop3A_667 : i32 to index
      %parallel_loop3A_669 = tpu.vector_load %arg7[%parallel_loop3A_668] {strides = array<i32>} : memref<8192xi32, #tpu.memory_space<vmem>>, vector<16xi32>,
      %parallel_loop3A_670 = tpu.vector_load_idx %arg6[%parallel_loop3A_669] : memref<65536xi32, #tpu.memory_space<vmem>>[vector<16xi32>], vector<16xi32>,
      %parallel_loop3A_671 = arith.constant 16 : i32
      %parallel_loop3A_672 = vector.broadcast %parallel_loop3A_671 : i32 to vector<16xi32>
      %parallel_loop3A_673 = arith.shli %parallel_loop3A_670, %parallel_loop3A_672 : vector<16xi32>
      %parallel_loop3A_674 = vector.bitcast %parallel_loop3A_673 : vector<16xi32> to vector<16xf32>
      %parallel_loop3A_675 = arith.addf %parallel_loop3A_665, %parallel_loop3A_674 : vector<16xf32>
      %parallel_loop3A_676 = arith.constant 6144 : i32
      %parallel_loop3A_677 = arith.addi %parallel_loop3A_676, %parallel_loop3A_646 : i32
      %parallel_loop3A_678 = arith.index_cast %parallel_loop3A_677 : i32 to index
      %parallel_loop3A_679 = tpu.vector_load %arg7[%parallel_loop3A_678] {strides = array<i32>} : memref<8192xi32, #tpu.memory_space<vmem>>, vector<16xi32>,
      %parallel_loop3A_680 = tpu.vector_load_idx %arg6[%parallel_loop3A_679] : memref<65536xi32, #tpu.memory_space<vmem>>[vector<16xi32>], vector<16xi32>,
      %parallel_loop3A_681 = arith.constant 16 : i32
      %parallel_loop3A_682 = vector.broadcast %parallel_loop3A_681 : i32 to vector<16xi32>
      %parallel_loop3A_683 = arith.shli %parallel_loop3A_680, %parallel_loop3A_682 : vector<16xi32>
      %parallel_loop3A_684 = vector.bitcast %parallel_loop3A_683 : vector<16xi32> to vector<16xf32>
      %parallel_loop3A_685 = arith.addf %parallel_loop3A_675, %parallel_loop3A_684 : vector<16xf32>
      %parallel_loop3A_686 = arith.index_cast %parallel_loop3A_646 : i32 to index
      %parallel_loop3A_687 = tpu.vector_load %arg9[%parallel_loop3A_686] {strides = array<i32>} : memref<2048xf32, #tpu.memory_space<vmem>>, vector<16xf32>,
      %parallel_loop3A_688 = arith.mulf %parallel_loop3A_685, %parallel_loop3A_687 : vector<16xf32>
      %parallel_loop3A_689 = arith.index_cast %parallel_loop3A_646 : i32 to index
      %parallel_loop3A_690 = tpu.vector_load %arg11[%parallel_loop3A_689] {strides = array<i32>} : memref<2048xf32, #tpu.memory_space<vmem>>, vector<16xf32>,
      tpu.vector_store %arg11[%parallel_loop3A_689], %parallel_loop3A_688 {strides = array<i32>} : memref<2048xf32, #tpu.memory_space<vmem>>, vector<16xf32>,
    } {sc.loop_unroll_factor = 8 : i64, sc.parallel_access}
    %dma_start3A_275 = arith.constant 6 : i32
    %dma_start3A_276 = arith.constant 0 : i32
    %dma_start3A_277 = tpu.memref_slice %arg5[%dma_start3A_275, %add3A_12, %dma_start3A_276] : memref<8x64x2048xf32, #tpu.memory_space<hbm>> -> memref<1x1x2048xf32, #tpu.memory_space<hbm>>
    %dma_start3A_278 = tpu.memref_squeeze %dma_start3A_277 : memref<1x1x2048xf32, #tpu.memory_space<hbm>> -> memref<2048xf32, #tpu.memory_space<hbm>>
    %dma_start3A_279 = arith.constant 0 : i32
    %dma_start3A_280 = tpu.memref_slice %arg5[%dma_start3A_275, %add3A_12, %dma_start3A_279] : memref<8x64x2048xf32, #tpu.memory_space<hbm>> -> memref<1x1x2048xf32, #tpu.memory_space<hbm>>
    %dma_start3A_281 = tpu.memref_squeeze %dma_start3A_280 : memref<1x1x2048xf32, #tpu.memory_space<hbm>> -> memref<2048xf32, #tpu.memory_space<hbm>>
    tpu.enqueue_dma source(%arg11 : memref<2048xf32, #tpu.memory_space<vmem>>) target(%dma_start3A_281 : memref<2048xf32, #tpu.memory_space<hbm>>) target_semaphore(%arg16 : memref<!tpu.dma_semaphore, #tpu.memory_space<semaphore_mem>>)
    %dma_wait3A_282 = arith.constant 5 : i32
    %dma_wait3A_283 = arith.constant 0 : i32
    %dma_wait3A_284 = tpu.memref_slice %arg5[%dma_wait3A_282, %add3A_12, %dma_wait3A_283] : memref<8x64x2048xf32, #tpu.memory_space<hbm>> -> memref<1x1x2048xf32, #tpu.memory_space<hbm>>
    %dma_wait3A_285 = tpu.memref_squeeze %dma_wait3A_284 : memref<1x1x2048xf32, #tpu.memory_space<hbm>> -> memref<2048xf32, #tpu.memory_space<hbm>>
    %dma_wait3A_286 = arith.constant 0 : i32
    %dma_wait3A_287 = tpu.memref_slice %arg5[%dma_wait3A_282, %add3A_12, %dma_wait3A_286] : memref<8x64x2048xf32, #tpu.memory_space<hbm>> -> memref<1x1x2048xf32, #tpu.memory_space<hbm>>
    %dma_wait3A_288 = tpu.memref_squeeze %dma_wait3A_287 : memref<1x1x2048xf32, #tpu.memory_space<hbm>> -> memref<2048xf32, #tpu.memory_space<hbm>>
    tpu.wait_dma2 semaphore(%arg17 : memref<!tpu.dma_semaphore, #tpu.memory_space<semaphore_mem>>) src(%arg12 : memref<2048xf32, #tpu.memory_space<vmem>>) dst(%dma_wait3A_288 : memref<2048xf32, #tpu.memory_space<hbm>>)
    %dma_wait3A_289 = arith.constant 57344 : i32
    %dma_wait3A_290 = tpu.memref_slice %arg2[%dma_wait3A_289] : memref<65536xi32, #tpu.memory_space<hbm>> -> memref<8192xi32, #tpu.memory_space<hbm>>
    %dma_wait3A_291 = arith.constant 57344 : i32
    %dma_wait3A_292 = tpu.memref_slice %arg2[%dma_wait3A_291] : memref<65536xi32, #tpu.memory_space<hbm>> -> memref<8192xi32, #tpu.memory_space<hbm>>
    tpu.wait_dma2 semaphore(%arg15 : memref<!tpu.dma_semaphore, #tpu.memory_space<semaphore_mem>>) src(%dma_wait3A_292 : memref<8192xi32, #tpu.memory_space<hbm>>) dst(%arg8 : memref<8192xi32, #tpu.memory_space<vmem>>)
    %dma_wait3A_293 = arith.constant 7 : i32
    %dma_wait3A_294 = arith.constant 0 : i32
    %dma_wait3A_295 = tpu.memref_slice %arg3[%dma_wait3A_293, %add3A_12, %dma_wait3A_294] : memref<8x64x2048xf32, #tpu.memory_space<hbm>> -> memref<1x1x2048xf32, #tpu.memory_space<hbm>>
    %dma_wait3A_296 = tpu.memref_squeeze %dma_wait3A_295 : memref<1x1x2048xf32, #tpu.memory_space<hbm>> -> memref<2048xf32, #tpu.memory_space<hbm>>
    %dma_wait3A_297 = arith.constant 0 : i32
    %dma_wait3A_298 = tpu.memref_slice %arg3[%dma_wait3A_293, %add3A_12, %dma_wait3A_297] : memref<8x64x2048xf32, #tpu.memory_space<hbm>> -> memref<1x1x2048xf32, #tpu.memory_space<hbm>>
    %dma_wait3A_299 = tpu.memref_squeeze %dma_wait3A_298 : memref<1x1x2048xf32, #tpu.memory_space<hbm>> -> memref<2048xf32, #tpu.memory_space<hbm>>
    tpu.wait_dma2 semaphore(%arg15 : memref<!tpu.dma_semaphore, #tpu.memory_space<semaphore_mem>>) src(%dma_wait3A_299 : memref<2048xf32, #tpu.memory_space<hbm>>) dst(%arg10 : memref<2048xf32, #tpu.memory_space<vmem>>)
    %parallel_loop3A_300 = arith.constant 0 : i32
    %parallel_loop3A_301 = arith.constant 2048 : i32
    %parallel_loop3A_302 = arith.constant 16 : i32
    scf.for %parallel_loop3A_646 = %parallel_loop3A_300 to %parallel_loop3A_301 step %parallel_loop3A_302  : i32 {
      %parallel_loop3A_647 = arith.constant 0 : i32
      %parallel_loop3A_648 = arith.addi %parallel_loop3A_647, %parallel_loop3A_646 : i32
      %parallel_loop3A_649 = arith.index_cast %parallel_loop3A_648 : i32 to index
      %parallel_loop3A_650 = tpu.vector_load %arg8[%parallel_loop3A_649] {strides = array<i32>} : memref<8192xi32, #tpu.memory_space<vmem>>, vector<16xi32>,
      %parallel_loop3A_651 = tpu.vector_load_idx %arg6[%parallel_loop3A_650] : memref<65536xi32, #tpu.memory_space<vmem>>[vector<16xi32>], vector<16xi32>,
      %parallel_loop3A_652 = arith.constant 16 : i32
      %parallel_loop3A_653 = vector.broadcast %parallel_loop3A_652 : i32 to vector<16xi32>
      %parallel_loop3A_654 = arith.shli %parallel_loop3A_651, %parallel_loop3A_653 : vector<16xi32>
      %parallel_loop3A_655 = vector.bitcast %parallel_loop3A_654 : vector<16xi32> to vector<16xf32>
      %parallel_loop3A_656 = arith.constant 2048 : i32
      %parallel_loop3A_657 = arith.addi %parallel_loop3A_656, %parallel_loop3A_646 : i32
      %parallel_loop3A_658 = arith.index_cast %parallel_loop3A_657 : i32 to index
      %parallel_loop3A_659 = tpu.vector_load %arg8[%parallel_loop3A_658] {strides = array<i32>} : memref<8192xi32, #tpu.memory_space<vmem>>, vector<16xi32>,
      %parallel_loop3A_660 = tpu.vector_load_idx %arg6[%parallel_loop3A_659] : memref<65536xi32, #tpu.memory_space<vmem>>[vector<16xi32>], vector<16xi32>,
      %parallel_loop3A_661 = arith.constant 16 : i32
      %parallel_loop3A_662 = vector.broadcast %parallel_loop3A_661 : i32 to vector<16xi32>
      %parallel_loop3A_663 = arith.shli %parallel_loop3A_660, %parallel_loop3A_662 : vector<16xi32>
      %parallel_loop3A_664 = vector.bitcast %parallel_loop3A_663 : vector<16xi32> to vector<16xf32>
      %parallel_loop3A_665 = arith.addf %parallel_loop3A_655, %parallel_loop3A_664 : vector<16xf32>
      %parallel_loop3A_666 = arith.constant 4096 : i32
      %parallel_loop3A_667 = arith.addi %parallel_loop3A_666, %parallel_loop3A_646 : i32
      %parallel_loop3A_668 = arith.index_cast %parallel_loop3A_667 : i32 to index
      %parallel_loop3A_669 = tpu.vector_load %arg8[%parallel_loop3A_668] {strides = array<i32>} : memref<8192xi32, #tpu.memory_space<vmem>>, vector<16xi32>,
      %parallel_loop3A_670 = tpu.vector_load_idx %arg6[%parallel_loop3A_669] : memref<65536xi32, #tpu.memory_space<vmem>>[vector<16xi32>], vector<16xi32>,
      %parallel_loop3A_671 = arith.constant 16 : i32
      %parallel_loop3A_672 = vector.broadcast %parallel_loop3A_671 : i32 to vector<16xi32>
      %parallel_loop3A_673 = arith.shli %parallel_loop3A_670, %parallel_loop3A_672 : vector<16xi32>
      %parallel_loop3A_674 = vector.bitcast %parallel_loop3A_673 : vector<16xi32> to vector<16xf32>
      %parallel_loop3A_675 = arith.addf %parallel_loop3A_665, %parallel_loop3A_674 : vector<16xf32>
      %parallel_loop3A_676 = arith.constant 6144 : i32
      %parallel_loop3A_677 = arith.addi %parallel_loop3A_676, %parallel_loop3A_646 : i32
      %parallel_loop3A_678 = arith.index_cast %parallel_loop3A_677 : i32 to index
      %parallel_loop3A_679 = tpu.vector_load %arg8[%parallel_loop3A_678] {strides = array<i32>} : memref<8192xi32, #tpu.memory_space<vmem>>, vector<16xi32>,
      %parallel_loop3A_680 = tpu.vector_load_idx %arg6[%parallel_loop3A_679] : memref<65536xi32, #tpu.memory_space<vmem>>[vector<16xi32>], vector<16xi32>,
      %parallel_loop3A_681 = arith.constant 16 : i32
      %parallel_loop3A_682 = vector.broadcast %parallel_loop3A_681 : i32 to vector<16xi32>
      %parallel_loop3A_683 = arith.shli %parallel_loop3A_680, %parallel_loop3A_682 : vector<16xi32>
      %parallel_loop3A_684 = vector.bitcast %parallel_loop3A_683 : vector<16xi32> to vector<16xf32>
      %parallel_loop3A_685 = arith.addf %parallel_loop3A_675, %parallel_loop3A_684 : vector<16xf32>
      %parallel_loop3A_686 = arith.index_cast %parallel_loop3A_646 : i32 to index
      %parallel_loop3A_687 = tpu.vector_load %arg10[%parallel_loop3A_686] {strides = array<i32>} : memref<2048xf32, #tpu.memory_space<vmem>>, vector<16xf32>,
      %parallel_loop3A_688 = arith.mulf %parallel_loop3A_685, %parallel_loop3A_687 : vector<16xf32>
      %parallel_loop3A_689 = arith.index_cast %parallel_loop3A_646 : i32 to index
      %parallel_loop3A_690 = tpu.vector_load %arg12[%parallel_loop3A_689] {strides = array<i32>} : memref<2048xf32, #tpu.memory_space<vmem>>, vector<16xf32>,
      tpu.vector_store %arg12[%parallel_loop3A_689], %parallel_loop3A_688 {strides = array<i32>} : memref<2048xf32, #tpu.memory_space<vmem>>, vector<16xf32>,
    } {sc.loop_unroll_factor = 8 : i64, sc.parallel_access}
    %dma_start3A_303 = arith.constant 7 : i32
    %dma_start3A_304 = arith.constant 0 : i32
    %dma_start3A_305 = tpu.memref_slice %arg5[%dma_start3A_303, %add3A_12, %dma_start3A_304] : memref<8x64x2048xf32, #tpu.memory_space<hbm>> -> memref<1x1x2048xf32, #tpu.memory_space<hbm>>
    %dma_start3A_306 = tpu.memref_squeeze %dma_start3A_305 : memref<1x1x2048xf32, #tpu.memory_space<hbm>> -> memref<2048xf32, #tpu.memory_space<hbm>>
    %dma_start3A_307 = arith.constant 0 : i32
    %dma_start3A_308 = tpu.memref_slice %arg5[%dma_start3A_303, %add3A_12, %dma_start3A_307] : memref<8x64x2048xf32, #tpu.memory_space<hbm>> -> memref<1x1x2048xf32, #tpu.memory_space<hbm>>
    %dma_start3A_309 = tpu.memref_squeeze %dma_start3A_308 : memref<1x1x2048xf32, #tpu.memory_space<hbm>> -> memref<2048xf32, #tpu.memory_space<hbm>>
    tpu.enqueue_dma source(%arg12 : memref<2048xf32, #tpu.memory_space<vmem>>) target(%dma_start3A_309 : memref<2048xf32, #tpu.memory_space<hbm>>) target_semaphore(%arg17 : memref<!tpu.dma_semaphore, #tpu.memory_space<semaphore_mem>>)
    %dma_wait3A_310 = arith.constant 6 : i32
    %dma_wait3A_311 = arith.constant 0 : i32
    %dma_wait3A_312 = tpu.memref_slice %arg5[%dma_wait3A_310, %add3A_12, %dma_wait3A_311] : memref<8x64x2048xf32, #tpu.memory_space<hbm>> -> memref<1x1x2048xf32, #tpu.memory_space<hbm>>
    %dma_wait3A_313 = tpu.memref_squeeze %dma_wait3A_312 : memref<1x1x2048xf32, #tpu.memory_space<hbm>> -> memref<2048xf32, #tpu.memory_space<hbm>>
    %dma_wait3A_314 = arith.constant 0 : i32
    %dma_wait3A_315 = tpu.memref_slice %arg5[%dma_wait3A_310, %add3A_12, %dma_wait3A_314] : memref<8x64x2048xf32, #tpu.memory_space<hbm>> -> memref<1x1x2048xf32, #tpu.memory_space<hbm>>
    %dma_wait3A_316 = tpu.memref_squeeze %dma_wait3A_315 : memref<1x1x2048xf32, #tpu.memory_space<hbm>> -> memref<2048xf32, #tpu.memory_space<hbm>>
    tpu.wait_dma2 semaphore(%arg16 : memref<!tpu.dma_semaphore, #tpu.memory_space<semaphore_mem>>) src(%arg11 : memref<2048xf32, #tpu.memory_space<vmem>>) dst(%dma_wait3A_316 : memref<2048xf32, #tpu.memory_space<hbm>>)
    %dma_wait3A_317 = arith.constant 7 : i32
    %dma_wait3A_318 = arith.constant 0 : i32
    %dma_wait3A_319 = tpu.memref_slice %arg5[%dma_wait3A_317, %add3A_12, %dma_wait3A_318] : memref<8x64x2048xf32, #tpu.memory_space<hbm>> -> memref<1x1x2048xf32, #tpu.memory_space<hbm>>
    %dma_wait3A_320 = tpu.memref_squeeze %dma_wait3A_319 : memref<1x1x2048xf32, #tpu.memory_space<hbm>> -> memref<2048xf32, #tpu.memory_space<hbm>>
    %dma_wait3A_321 = arith.constant 0 : i32
    %dma_wait3A_322 = tpu.memref_slice %arg5[%dma_wait3A_317, %add3A_12, %dma_wait3A_321] : memref<8x64x2048xf32, #tpu.memory_space<hbm>> -> memref<1x1x2048xf32, #tpu.memory_space<hbm>>
    %dma_wait3A_323 = tpu.memref_squeeze %dma_wait3A_322 : memref<1x1x2048xf32, #tpu.memory_space<hbm>> -> memref<2048xf32, #tpu.memory_space<hbm>>
    tpu.wait_dma2 semaphore(%arg17 : memref<!tpu.dma_semaphore, #tpu.memory_space<semaphore_mem>>) src(%arg12 : memref<2048xf32, #tpu.memory_space<vmem>>) dst(%dma_wait3A_323 : memref<2048xf32, #tpu.memory_space<hbm>>)
    %add3A_324 = arith.constant 32 : i32
    %add3A_325 = arith.addi %add3A, %add3A_324 : i32
    %dma_start3A_326 = arith.constant 0 : i32
    %dma_start3A_327 = tpu.memref_slice %arg2[%dma_start3A_326] : memref<65536xi32, #tpu.memory_space<hbm>> -> memref<8192xi32, #tpu.memory_space<hbm>>
    %dma_start3A_328 = arith.constant 0 : i32
    %dma_start3A_329 = tpu.memref_slice %arg2[%dma_start3A_328] : memref<65536xi32, #tpu.memory_space<hbm>> -> memref<8192xi32, #tpu.memory_space<hbm>>
    tpu.enqueue_dma source(%dma_start3A_329 : memref<8192xi32, #tpu.memory_space<hbm>>) target(%arg7 : memref<8192xi32, #tpu.memory_space<vmem>>) target_semaphore(%arg14 : memref<!tpu.dma_semaphore, #tpu.memory_space<semaphore_mem>>)
    %dma_start3A_330 = arith.constant 0 : i32
    %dma_start3A_331 = arith.constant 0 : i32
    %dma_start3A_332 = tpu.memref_slice %arg3[%dma_start3A_330, %add3A_325, %dma_start3A_331] : memref<8x64x2048xf32, #tpu.memory_space<hbm>> -> memref<1x1x2048xf32, #tpu.memory_space<hbm>>
    %dma_start3A_333 = tpu.memref_squeeze %dma_start3A_332 : memref<1x1x2048xf32, #tpu.memory_space<hbm>> -> memref<2048xf32, #tpu.memory_space<hbm>>
    %dma_start3A_334 = arith.constant 0 : i32
    %dma_start3A_335 = tpu.memref_slice %arg3[%dma_start3A_330, %add3A_325, %dma_start3A_334] : memref<8x64x2048xf32, #tpu.memory_space<hbm>> -> memref<1x1x2048xf32, #tpu.memory_space<hbm>>
    %dma_start3A_336 = tpu.memref_squeeze %dma_start3A_335 : memref<1x1x2048xf32, #tpu.memory_space<hbm>> -> memref<2048xf32, #tpu.memory_space<hbm>>
    tpu.enqueue_dma source(%dma_start3A_336 : memref<2048xf32, #tpu.memory_space<hbm>>) target(%arg9 : memref<2048xf32, #tpu.memory_space<vmem>>) target_semaphore(%arg14 : memref<!tpu.dma_semaphore, #tpu.memory_space<semaphore_mem>>)
    %dma_start3A_337 = arith.constant 8192 : i32
    %dma_start3A_338 = tpu.memref_slice %arg2[%dma_start3A_337] : memref<65536xi32, #tpu.memory_space<hbm>> -> memref<8192xi32, #tpu.memory_space<hbm>>
    %dma_start3A_339 = arith.constant 8192 : i32
    %dma_start3A_340 = tpu.memref_slice %arg2[%dma_start3A_339] : memref<65536xi32, #tpu.memory_space<hbm>> -> memref<8192xi32, #tpu.memory_space<hbm>>
    tpu.enqueue_dma source(%dma_start3A_340 : memref<8192xi32, #tpu.memory_space<hbm>>) target(%arg8 : memref<8192xi32, #tpu.memory_space<vmem>>) target_semaphore(%arg15 : memref<!tpu.dma_semaphore, #tpu.memory_space<semaphore_mem>>)
    %dma_start3A_341 = arith.constant 1 : i32
    %dma_start3A_342 = arith.constant 0 : i32
    %dma_start3A_343 = tpu.memref_slice %arg3[%dma_start3A_341, %add3A_325, %dma_start3A_342] : memref<8x64x2048xf32, #tpu.memory_space<hbm>> -> memref<1x1x2048xf32, #tpu.memory_space<hbm>>
    %dma_start3A_344 = tpu.memref_squeeze %dma_start3A_343 : memref<1x1x2048xf32, #tpu.memory_space<hbm>> -> memref<2048xf32, #tpu.memory_space<hbm>>
    %dma_start3A_345 = arith.constant 0 : i32
    %dma_start3A_346 = tpu.memref_slice %arg3[%dma_start3A_341, %add3A_325, %dma_start3A_345] : memref<8x64x2048xf32, #tpu.memory_space<hbm>> -> memref<1x1x2048xf32, #tpu.memory_space<hbm>>
    %dma_start3A_347 = tpu.memref_squeeze %dma_start3A_346 : memref<1x1x2048xf32, #tpu.memory_space<hbm>> -> memref<2048xf32, #tpu.memory_space<hbm>>
    tpu.enqueue_dma source(%dma_start3A_347 : memref<2048xf32, #tpu.memory_space<hbm>>) target(%arg10 : memref<2048xf32, #tpu.memory_space<vmem>>) target_semaphore(%arg15 : memref<!tpu.dma_semaphore, #tpu.memory_space<semaphore_mem>>)
    %dma_wait3A_348 = arith.constant 0 : i32
    %dma_wait3A_349 = tpu.memref_slice %arg2[%dma_wait3A_348] : memref<65536xi32, #tpu.memory_space<hbm>> -> memref<8192xi32, #tpu.memory_space<hbm>>
    %dma_wait3A_350 = arith.constant 0 : i32
    %dma_wait3A_351 = tpu.memref_slice %arg2[%dma_wait3A_350] : memref<65536xi32, #tpu.memory_space<hbm>> -> memref<8192xi32, #tpu.memory_space<hbm>>
    tpu.wait_dma2 semaphore(%arg14 : memref<!tpu.dma_semaphore, #tpu.memory_space<semaphore_mem>>) src(%dma_wait3A_351 : memref<8192xi32, #tpu.memory_space<hbm>>) dst(%arg7 : memref<8192xi32, #tpu.memory_space<vmem>>)
    %dma_wait3A_352 = arith.constant 0 : i32
    %dma_wait3A_353 = arith.constant 0 : i32
    %dma_wait3A_354 = tpu.memref_slice %arg3[%dma_wait3A_352, %add3A_325, %dma_wait3A_353] : memref<8x64x2048xf32, #tpu.memory_space<hbm>> -> memref<1x1x2048xf32, #tpu.memory_space<hbm>>
    %dma_wait3A_355 = tpu.memref_squeeze %dma_wait3A_354 : memref<1x1x2048xf32, #tpu.memory_space<hbm>> -> memref<2048xf32, #tpu.memory_space<hbm>>
    %dma_wait3A_356 = arith.constant 0 : i32
    %dma_wait3A_357 = tpu.memref_slice %arg3[%dma_wait3A_352, %add3A_325, %dma_wait3A_356] : memref<8x64x2048xf32, #tpu.memory_space<hbm>> -> memref<1x1x2048xf32, #tpu.memory_space<hbm>>
    %dma_wait3A_358 = tpu.memref_squeeze %dma_wait3A_357 : memref<1x1x2048xf32, #tpu.memory_space<hbm>> -> memref<2048xf32, #tpu.memory_space<hbm>>
    tpu.wait_dma2 semaphore(%arg14 : memref<!tpu.dma_semaphore, #tpu.memory_space<semaphore_mem>>) src(%dma_wait3A_358 : memref<2048xf32, #tpu.memory_space<hbm>>) dst(%arg9 : memref<2048xf32, #tpu.memory_space<vmem>>)
    %parallel_loop3A_359 = arith.constant 0 : i32
    %parallel_loop3A_360 = arith.constant 2048 : i32
    %parallel_loop3A_361 = arith.constant 16 : i32
    %parallel_loop3A_362 = arith.constant -65536 : i32
    scf.for %parallel_loop3A_646 = %parallel_loop3A_359 to %parallel_loop3A_360 step %parallel_loop3A_361  : i32 {
      %parallel_loop3A_647 = arith.constant 0 : i32
      %parallel_loop3A_648 = arith.addi %parallel_loop3A_647, %parallel_loop3A_646 : i32
      %parallel_loop3A_649 = arith.index_cast %parallel_loop3A_648 : i32 to index
      %parallel_loop3A_650 = tpu.vector_load %arg7[%parallel_loop3A_649] {strides = array<i32>} : memref<8192xi32, #tpu.memory_space<vmem>>, vector<16xi32>,
      %parallel_loop3A_651 = tpu.vector_load_idx %arg6[%parallel_loop3A_650] : memref<65536xi32, #tpu.memory_space<vmem>>[vector<16xi32>], vector<16xi32>,
      %parallel_loop3A_652 = vector.broadcast %parallel_loop3A_362 : i32 to vector<16xi32>
      %parallel_loop3A_653 = arith.andi %parallel_loop3A_651, %parallel_loop3A_652 : vector<16xi32>
      %parallel_loop3A_654 = vector.bitcast %parallel_loop3A_653 : vector<16xi32> to vector<16xf32>
      %parallel_loop3A_655 = arith.constant 2048 : i32
      %parallel_loop3A_656 = arith.addi %parallel_loop3A_655, %parallel_loop3A_646 : i32
      %parallel_loop3A_657 = arith.index_cast %parallel_loop3A_656 : i32 to index
      %parallel_loop3A_658 = tpu.vector_load %arg7[%parallel_loop3A_657] {strides = array<i32>} : memref<8192xi32, #tpu.memory_space<vmem>>, vector<16xi32>,
      %parallel_loop3A_659 = tpu.vector_load_idx %arg6[%parallel_loop3A_658] : memref<65536xi32, #tpu.memory_space<vmem>>[vector<16xi32>], vector<16xi32>,
      %parallel_loop3A_660 = vector.broadcast %parallel_loop3A_362 : i32 to vector<16xi32>
      %parallel_loop3A_661 = arith.andi %parallel_loop3A_659, %parallel_loop3A_660 : vector<16xi32>
      %parallel_loop3A_662 = vector.bitcast %parallel_loop3A_661 : vector<16xi32> to vector<16xf32>
      %parallel_loop3A_663 = arith.addf %parallel_loop3A_654, %parallel_loop3A_662 : vector<16xf32>
      %parallel_loop3A_664 = arith.constant 4096 : i32
      %parallel_loop3A_665 = arith.addi %parallel_loop3A_664, %parallel_loop3A_646 : i32
      %parallel_loop3A_666 = arith.index_cast %parallel_loop3A_665 : i32 to index
      %parallel_loop3A_667 = tpu.vector_load %arg7[%parallel_loop3A_666] {strides = array<i32>} : memref<8192xi32, #tpu.memory_space<vmem>>, vector<16xi32>,
      %parallel_loop3A_668 = tpu.vector_load_idx %arg6[%parallel_loop3A_667] : memref<65536xi32, #tpu.memory_space<vmem>>[vector<16xi32>], vector<16xi32>,
      %parallel_loop3A_669 = vector.broadcast %parallel_loop3A_362 : i32 to vector<16xi32>
      %parallel_loop3A_670 = arith.andi %parallel_loop3A_668, %parallel_loop3A_669 : vector<16xi32>
      %parallel_loop3A_671 = vector.bitcast %parallel_loop3A_670 : vector<16xi32> to vector<16xf32>
      %parallel_loop3A_672 = arith.addf %parallel_loop3A_663, %parallel_loop3A_671 : vector<16xf32>
      %parallel_loop3A_673 = arith.constant 6144 : i32
      %parallel_loop3A_674 = arith.addi %parallel_loop3A_673, %parallel_loop3A_646 : i32
      %parallel_loop3A_675 = arith.index_cast %parallel_loop3A_674 : i32 to index
      %parallel_loop3A_676 = tpu.vector_load %arg7[%parallel_loop3A_675] {strides = array<i32>} : memref<8192xi32, #tpu.memory_space<vmem>>, vector<16xi32>,
      %parallel_loop3A_677 = tpu.vector_load_idx %arg6[%parallel_loop3A_676] : memref<65536xi32, #tpu.memory_space<vmem>>[vector<16xi32>], vector<16xi32>,
      %parallel_loop3A_678 = vector.broadcast %parallel_loop3A_362 : i32 to vector<16xi32>
      %parallel_loop3A_679 = arith.andi %parallel_loop3A_677, %parallel_loop3A_678 : vector<16xi32>
      %parallel_loop3A_680 = vector.bitcast %parallel_loop3A_679 : vector<16xi32> to vector<16xf32>
      %parallel_loop3A_681 = arith.addf %parallel_loop3A_672, %parallel_loop3A_680 : vector<16xf32>
      %parallel_loop3A_682 = arith.index_cast %parallel_loop3A_646 : i32 to index
      %parallel_loop3A_683 = tpu.vector_load %arg9[%parallel_loop3A_682] {strides = array<i32>} : memref<2048xf32, #tpu.memory_space<vmem>>, vector<16xf32>,
      %parallel_loop3A_684 = arith.mulf %parallel_loop3A_681, %parallel_loop3A_683 : vector<16xf32>
      %parallel_loop3A_685 = arith.index_cast %parallel_loop3A_646 : i32 to index
      %parallel_loop3A_686 = tpu.vector_load %arg11[%parallel_loop3A_685] {strides = array<i32>} : memref<2048xf32, #tpu.memory_space<vmem>>, vector<16xf32>,
      tpu.vector_store %arg11[%parallel_loop3A_685], %parallel_loop3A_684 {strides = array<i32>} : memref<2048xf32, #tpu.memory_space<vmem>>, vector<16xf32>,
    } {sc.loop_unroll_factor = 8 : i64, sc.parallel_access}
    %dma_start3A_363 = arith.constant 0 : i32
    %dma_start3A_364 = arith.constant 0 : i32
    %dma_start3A_365 = tpu.memref_slice %arg5[%dma_start3A_363, %add3A_325, %dma_start3A_364] : memref<8x64x2048xf32, #tpu.memory_space<hbm>> -> memref<1x1x2048xf32, #tpu.memory_space<hbm>>
    %dma_start3A_366 = tpu.memref_squeeze %dma_start3A_365 : memref<1x1x2048xf32, #tpu.memory_space<hbm>> -> memref<2048xf32, #tpu.memory_space<hbm>>
    %dma_start3A_367 = arith.constant 0 : i32
    %dma_start3A_368 = tpu.memref_slice %arg5[%dma_start3A_363, %add3A_325, %dma_start3A_367] : memref<8x64x2048xf32, #tpu.memory_space<hbm>> -> memref<1x1x2048xf32, #tpu.memory_space<hbm>>
    %dma_start3A_369 = tpu.memref_squeeze %dma_start3A_368 : memref<1x1x2048xf32, #tpu.memory_space<hbm>> -> memref<2048xf32, #tpu.memory_space<hbm>>
    tpu.enqueue_dma source(%arg11 : memref<2048xf32, #tpu.memory_space<vmem>>) target(%dma_start3A_369 : memref<2048xf32, #tpu.memory_space<hbm>>) target_semaphore(%arg16 : memref<!tpu.dma_semaphore, #tpu.memory_space<semaphore_mem>>)
    %dma_start3A_370 = arith.constant 16384 : i32
    %dma_start3A_371 = tpu.memref_slice %arg2[%dma_start3A_370] : memref<65536xi32, #tpu.memory_space<hbm>> -> memref<8192xi32, #tpu.memory_space<hbm>>
    %dma_start3A_372 = arith.constant 16384 : i32
    %dma_start3A_373 = tpu.memref_slice %arg2[%dma_start3A_372] : memref<65536xi32, #tpu.memory_space<hbm>> -> memref<8192xi32, #tpu.memory_space<hbm>>
    tpu.enqueue_dma source(%dma_start3A_373 : memref<8192xi32, #tpu.memory_space<hbm>>) target(%arg7 : memref<8192xi32, #tpu.memory_space<vmem>>) target_semaphore(%arg14 : memref<!tpu.dma_semaphore, #tpu.memory_space<semaphore_mem>>)
    %dma_start3A_374 = arith.constant 2 : i32
    %dma_start3A_375 = arith.constant 0 : i32
    %dma_start3A_376 = tpu.memref_slice %arg3[%dma_start3A_374, %add3A_325, %dma_start3A_375] : memref<8x64x2048xf32, #tpu.memory_space<hbm>> -> memref<1x1x2048xf32, #tpu.memory_space<hbm>>
    %dma_start3A_377 = tpu.memref_squeeze %dma_start3A_376 : memref<1x1x2048xf32, #tpu.memory_space<hbm>> -> memref<2048xf32, #tpu.memory_space<hbm>>
    %dma_start3A_378 = arith.constant 0 : i32
    %dma_start3A_379 = tpu.memref_slice %arg3[%dma_start3A_374, %add3A_325, %dma_start3A_378] : memref<8x64x2048xf32, #tpu.memory_space<hbm>> -> memref<1x1x2048xf32, #tpu.memory_space<hbm>>
    %dma_start3A_380 = tpu.memref_squeeze %dma_start3A_379 : memref<1x1x2048xf32, #tpu.memory_space<hbm>> -> memref<2048xf32, #tpu.memory_space<hbm>>
    tpu.enqueue_dma source(%dma_start3A_380 : memref<2048xf32, #tpu.memory_space<hbm>>) target(%arg9 : memref<2048xf32, #tpu.memory_space<vmem>>) target_semaphore(%arg14 : memref<!tpu.dma_semaphore, #tpu.memory_space<semaphore_mem>>)
    %dma_wait3A_381 = arith.constant 8192 : i32
    %dma_wait3A_382 = tpu.memref_slice %arg2[%dma_wait3A_381] : memref<65536xi32, #tpu.memory_space<hbm>> -> memref<8192xi32, #tpu.memory_space<hbm>>
    %dma_wait3A_383 = arith.constant 8192 : i32
    %dma_wait3A_384 = tpu.memref_slice %arg2[%dma_wait3A_383] : memref<65536xi32, #tpu.memory_space<hbm>> -> memref<8192xi32, #tpu.memory_space<hbm>>
    tpu.wait_dma2 semaphore(%arg15 : memref<!tpu.dma_semaphore, #tpu.memory_space<semaphore_mem>>) src(%dma_wait3A_384 : memref<8192xi32, #tpu.memory_space<hbm>>) dst(%arg8 : memref<8192xi32, #tpu.memory_space<vmem>>)
    %dma_wait3A_385 = arith.constant 1 : i32
    %dma_wait3A_386 = arith.constant 0 : i32
    %dma_wait3A_387 = tpu.memref_slice %arg3[%dma_wait3A_385, %add3A_325, %dma_wait3A_386] : memref<8x64x2048xf32, #tpu.memory_space<hbm>> -> memref<1x1x2048xf32, #tpu.memory_space<hbm>>
    %dma_wait3A_388 = tpu.memref_squeeze %dma_wait3A_387 : memref<1x1x2048xf32, #tpu.memory_space<hbm>> -> memref<2048xf32, #tpu.memory_space<hbm>>
    %dma_wait3A_389 = arith.constant 0 : i32
    %dma_wait3A_390 = tpu.memref_slice %arg3[%dma_wait3A_385, %add3A_325, %dma_wait3A_389] : memref<8x64x2048xf32, #tpu.memory_space<hbm>> -> memref<1x1x2048xf32, #tpu.memory_space<hbm>>
    %dma_wait3A_391 = tpu.memref_squeeze %dma_wait3A_390 : memref<1x1x2048xf32, #tpu.memory_space<hbm>> -> memref<2048xf32, #tpu.memory_space<hbm>>
    tpu.wait_dma2 semaphore(%arg15 : memref<!tpu.dma_semaphore, #tpu.memory_space<semaphore_mem>>) src(%dma_wait3A_391 : memref<2048xf32, #tpu.memory_space<hbm>>) dst(%arg10 : memref<2048xf32, #tpu.memory_space<vmem>>)
    %parallel_loop3A_392 = arith.constant 0 : i32
    %parallel_loop3A_393 = arith.constant 2048 : i32
    %parallel_loop3A_394 = arith.constant 16 : i32
    %parallel_loop3A_395 = arith.constant -65536 : i32
    scf.for %parallel_loop3A_646 = %parallel_loop3A_392 to %parallel_loop3A_393 step %parallel_loop3A_394  : i32 {
      %parallel_loop3A_647 = arith.constant 0 : i32
      %parallel_loop3A_648 = arith.addi %parallel_loop3A_647, %parallel_loop3A_646 : i32
      %parallel_loop3A_649 = arith.index_cast %parallel_loop3A_648 : i32 to index
      %parallel_loop3A_650 = tpu.vector_load %arg8[%parallel_loop3A_649] {strides = array<i32>} : memref<8192xi32, #tpu.memory_space<vmem>>, vector<16xi32>,
      %parallel_loop3A_651 = tpu.vector_load_idx %arg6[%parallel_loop3A_650] : memref<65536xi32, #tpu.memory_space<vmem>>[vector<16xi32>], vector<16xi32>,
      %parallel_loop3A_652 = vector.broadcast %parallel_loop3A_395 : i32 to vector<16xi32>
      %parallel_loop3A_653 = arith.andi %parallel_loop3A_651, %parallel_loop3A_652 : vector<16xi32>
      %parallel_loop3A_654 = vector.bitcast %parallel_loop3A_653 : vector<16xi32> to vector<16xf32>
      %parallel_loop3A_655 = arith.constant 2048 : i32
      %parallel_loop3A_656 = arith.addi %parallel_loop3A_655, %parallel_loop3A_646 : i32
      %parallel_loop3A_657 = arith.index_cast %parallel_loop3A_656 : i32 to index
      %parallel_loop3A_658 = tpu.vector_load %arg8[%parallel_loop3A_657] {strides = array<i32>} : memref<8192xi32, #tpu.memory_space<vmem>>, vector<16xi32>,
      %parallel_loop3A_659 = tpu.vector_load_idx %arg6[%parallel_loop3A_658] : memref<65536xi32, #tpu.memory_space<vmem>>[vector<16xi32>], vector<16xi32>,
      %parallel_loop3A_660 = vector.broadcast %parallel_loop3A_395 : i32 to vector<16xi32>
      %parallel_loop3A_661 = arith.andi %parallel_loop3A_659, %parallel_loop3A_660 : vector<16xi32>
      %parallel_loop3A_662 = vector.bitcast %parallel_loop3A_661 : vector<16xi32> to vector<16xf32>
      %parallel_loop3A_663 = arith.addf %parallel_loop3A_654, %parallel_loop3A_662 : vector<16xf32>
      %parallel_loop3A_664 = arith.constant 4096 : i32
      %parallel_loop3A_665 = arith.addi %parallel_loop3A_664, %parallel_loop3A_646 : i32
      %parallel_loop3A_666 = arith.index_cast %parallel_loop3A_665 : i32 to index
      %parallel_loop3A_667 = tpu.vector_load %arg8[%parallel_loop3A_666] {strides = array<i32>} : memref<8192xi32, #tpu.memory_space<vmem>>, vector<16xi32>,
      %parallel_loop3A_668 = tpu.vector_load_idx %arg6[%parallel_loop3A_667] : memref<65536xi32, #tpu.memory_space<vmem>>[vector<16xi32>], vector<16xi32>,
      %parallel_loop3A_669 = vector.broadcast %parallel_loop3A_395 : i32 to vector<16xi32>
      %parallel_loop3A_670 = arith.andi %parallel_loop3A_668, %parallel_loop3A_669 : vector<16xi32>
      %parallel_loop3A_671 = vector.bitcast %parallel_loop3A_670 : vector<16xi32> to vector<16xf32>
      %parallel_loop3A_672 = arith.addf %parallel_loop3A_663, %parallel_loop3A_671 : vector<16xf32>
      %parallel_loop3A_673 = arith.constant 6144 : i32
      %parallel_loop3A_674 = arith.addi %parallel_loop3A_673, %parallel_loop3A_646 : i32
      %parallel_loop3A_675 = arith.index_cast %parallel_loop3A_674 : i32 to index
      %parallel_loop3A_676 = tpu.vector_load %arg8[%parallel_loop3A_675] {strides = array<i32>} : memref<8192xi32, #tpu.memory_space<vmem>>, vector<16xi32>,
      %parallel_loop3A_677 = tpu.vector_load_idx %arg6[%parallel_loop3A_676] : memref<65536xi32, #tpu.memory_space<vmem>>[vector<16xi32>], vector<16xi32>,
      %parallel_loop3A_678 = vector.broadcast %parallel_loop3A_395 : i32 to vector<16xi32>
      %parallel_loop3A_679 = arith.andi %parallel_loop3A_677, %parallel_loop3A_678 : vector<16xi32>
      %parallel_loop3A_680 = vector.bitcast %parallel_loop3A_679 : vector<16xi32> to vector<16xf32>
      %parallel_loop3A_681 = arith.addf %parallel_loop3A_672, %parallel_loop3A_680 : vector<16xf32>
      %parallel_loop3A_682 = arith.index_cast %parallel_loop3A_646 : i32 to index
      %parallel_loop3A_683 = tpu.vector_load %arg10[%parallel_loop3A_682] {strides = array<i32>} : memref<2048xf32, #tpu.memory_space<vmem>>, vector<16xf32>,
      %parallel_loop3A_684 = arith.mulf %parallel_loop3A_681, %parallel_loop3A_683 : vector<16xf32>
      %parallel_loop3A_685 = arith.index_cast %parallel_loop3A_646 : i32 to index
      %parallel_loop3A_686 = tpu.vector_load %arg12[%parallel_loop3A_685] {strides = array<i32>} : memref<2048xf32, #tpu.memory_space<vmem>>, vector<16xf32>,
      tpu.vector_store %arg12[%parallel_loop3A_685], %parallel_loop3A_684 {strides = array<i32>} : memref<2048xf32, #tpu.memory_space<vmem>>, vector<16xf32>,
    } {sc.loop_unroll_factor = 8 : i64, sc.parallel_access}
    %dma_start3A_396 = arith.constant 1 : i32
    %dma_start3A_397 = arith.constant 0 : i32
    %dma_start3A_398 = tpu.memref_slice %arg5[%dma_start3A_396, %add3A_325, %dma_start3A_397] : memref<8x64x2048xf32, #tpu.memory_space<hbm>> -> memref<1x1x2048xf32, #tpu.memory_space<hbm>>
    %dma_start3A_399 = tpu.memref_squeeze %dma_start3A_398 : memref<1x1x2048xf32, #tpu.memory_space<hbm>> -> memref<2048xf32, #tpu.memory_space<hbm>>
    %dma_start3A_400 = arith.constant 0 : i32
    %dma_start3A_401 = tpu.memref_slice %arg5[%dma_start3A_396, %add3A_325, %dma_start3A_400] : memref<8x64x2048xf32, #tpu.memory_space<hbm>> -> memref<1x1x2048xf32, #tpu.memory_space<hbm>>
    %dma_start3A_402 = tpu.memref_squeeze %dma_start3A_401 : memref<1x1x2048xf32, #tpu.memory_space<hbm>> -> memref<2048xf32, #tpu.memory_space<hbm>>
    tpu.enqueue_dma source(%arg12 : memref<2048xf32, #tpu.memory_space<vmem>>) target(%dma_start3A_402 : memref<2048xf32, #tpu.memory_space<hbm>>) target_semaphore(%arg17 : memref<!tpu.dma_semaphore, #tpu.memory_space<semaphore_mem>>)
    %dma_start3A_403 = arith.constant 24576 : i32
    %dma_start3A_404 = tpu.memref_slice %arg2[%dma_start3A_403] : memref<65536xi32, #tpu.memory_space<hbm>> -> memref<8192xi32, #tpu.memory_space<hbm>>
    %dma_start3A_405 = arith.constant 24576 : i32
    %dma_start3A_406 = tpu.memref_slice %arg2[%dma_start3A_405] : memref<65536xi32, #tpu.memory_space<hbm>> -> memref<8192xi32, #tpu.memory_space<hbm>>
    tpu.enqueue_dma source(%dma_start3A_406 : memref<8192xi32, #tpu.memory_space<hbm>>) target(%arg8 : memref<8192xi32, #tpu.memory_space<vmem>>) target_semaphore(%arg15 : memref<!tpu.dma_semaphore, #tpu.memory_space<semaphore_mem>>)
    %dma_start3A_407 = arith.constant 3 : i32
    %dma_start3A_408 = arith.constant 0 : i32
    %dma_start3A_409 = tpu.memref_slice %arg3[%dma_start3A_407, %add3A_325, %dma_start3A_408] : memref<8x64x2048xf32, #tpu.memory_space<hbm>> -> memref<1x1x2048xf32, #tpu.memory_space<hbm>>
    %dma_start3A_410 = tpu.memref_squeeze %dma_start3A_409 : memref<1x1x2048xf32, #tpu.memory_space<hbm>> -> memref<2048xf32, #tpu.memory_space<hbm>>
    %dma_start3A_411 = arith.constant 0 : i32
    %dma_start3A_412 = tpu.memref_slice %arg3[%dma_start3A_407, %add3A_325, %dma_start3A_411] : memref<8x64x2048xf32, #tpu.memory_space<hbm>> -> memref<1x1x2048xf32, #tpu.memory_space<hbm>>
    %dma_start3A_413 = tpu.memref_squeeze %dma_start3A_412 : memref<1x1x2048xf32, #tpu.memory_space<hbm>> -> memref<2048xf32, #tpu.memory_space<hbm>>
    tpu.enqueue_dma source(%dma_start3A_413 : memref<2048xf32, #tpu.memory_space<hbm>>) target(%arg10 : memref<2048xf32, #tpu.memory_space<vmem>>) target_semaphore(%arg15 : memref<!tpu.dma_semaphore, #tpu.memory_space<semaphore_mem>>)
    %dma_wait3A_414 = arith.constant 0 : i32
    %dma_wait3A_415 = arith.constant 0 : i32
    %dma_wait3A_416 = tpu.memref_slice %arg5[%dma_wait3A_414, %add3A_325, %dma_wait3A_415] : memref<8x64x2048xf32, #tpu.memory_space<hbm>> -> memref<1x1x2048xf32, #tpu.memory_space<hbm>>
    %dma_wait3A_417 = tpu.memref_squeeze %dma_wait3A_416 : memref<1x1x2048xf32, #tpu.memory_space<hbm>> -> memref<2048xf32, #tpu.memory_space<hbm>>
    %dma_wait3A_418 = arith.constant 0 : i32
    %dma_wait3A_419 = tpu.memref_slice %arg5[%dma_wait3A_414, %add3A_325, %dma_wait3A_418] : memref<8x64x2048xf32, #tpu.memory_space<hbm>> -> memref<1x1x2048xf32, #tpu.memory_space<hbm>>
    %dma_wait3A_420 = tpu.memref_squeeze %dma_wait3A_419 : memref<1x1x2048xf32, #tpu.memory_space<hbm>> -> memref<2048xf32, #tpu.memory_space<hbm>>
    tpu.wait_dma2 semaphore(%arg16 : memref<!tpu.dma_semaphore, #tpu.memory_space<semaphore_mem>>) src(%arg11 : memref<2048xf32, #tpu.memory_space<vmem>>) dst(%dma_wait3A_420 : memref<2048xf32, #tpu.memory_space<hbm>>)
    %dma_wait3A_421 = arith.constant 16384 : i32
    %dma_wait3A_422 = tpu.memref_slice %arg2[%dma_wait3A_421] : memref<65536xi32, #tpu.memory_space<hbm>> -> memref<8192xi32, #tpu.memory_space<hbm>>
    %dma_wait3A_423 = arith.constant 16384 : i32
    %dma_wait3A_424 = tpu.memref_slice %arg2[%dma_wait3A_423] : memref<65536xi32, #tpu.memory_space<hbm>> -> memref<8192xi32, #tpu.memory_space<hbm>>
    tpu.wait_dma2 semaphore(%arg14 : memref<!tpu.dma_semaphore, #tpu.memory_space<semaphore_mem>>) src(%dma_wait3A_424 : memref<8192xi32, #tpu.memory_space<hbm>>) dst(%arg7 : memref<8192xi32, #tpu.memory_space<vmem>>)
    %dma_wait3A_425 = arith.constant 2 : i32
    %dma_wait3A_426 = arith.constant 0 : i32
    %dma_wait3A_427 = tpu.memref_slice %arg3[%dma_wait3A_425, %add3A_325, %dma_wait3A_426] : memref<8x64x2048xf32, #tpu.memory_space<hbm>> -> memref<1x1x2048xf32, #tpu.memory_space<hbm>>
    %dma_wait3A_428 = tpu.memref_squeeze %dma_wait3A_427 : memref<1x1x2048xf32, #tpu.memory_space<hbm>> -> memref<2048xf32, #tpu.memory_space<hbm>>
    %dma_wait3A_429 = arith.constant 0 : i32
    %dma_wait3A_430 = tpu.memref_slice %arg3[%dma_wait3A_425, %add3A_325, %dma_wait3A_429] : memref<8x64x2048xf32, #tpu.memory_space<hbm>> -> memref<1x1x2048xf32, #tpu.memory_space<hbm>>
    %dma_wait3A_431 = tpu.memref_squeeze %dma_wait3A_430 : memref<1x1x2048xf32, #tpu.memory_space<hbm>> -> memref<2048xf32, #tpu.memory_space<hbm>>
    tpu.wait_dma2 semaphore(%arg14 : memref<!tpu.dma_semaphore, #tpu.memory_space<semaphore_mem>>) src(%dma_wait3A_431 : memref<2048xf32, #tpu.memory_space<hbm>>) dst(%arg9 : memref<2048xf32, #tpu.memory_space<vmem>>)
    %parallel_loop3A_432 = arith.constant 0 : i32
    %parallel_loop3A_433 = arith.constant 2048 : i32
    %parallel_loop3A_434 = arith.constant 16 : i32
    %parallel_loop3A_435 = arith.constant -65536 : i32
    scf.for %parallel_loop3A_646 = %parallel_loop3A_432 to %parallel_loop3A_433 step %parallel_loop3A_434  : i32 {
      %parallel_loop3A_647 = arith.constant 0 : i32
      %parallel_loop3A_648 = arith.addi %parallel_loop3A_647, %parallel_loop3A_646 : i32
      %parallel_loop3A_649 = arith.index_cast %parallel_loop3A_648 : i32 to index
      %parallel_loop3A_650 = tpu.vector_load %arg7[%parallel_loop3A_649] {strides = array<i32>} : memref<8192xi32, #tpu.memory_space<vmem>>, vector<16xi32>,
      %parallel_loop3A_651 = tpu.vector_load_idx %arg6[%parallel_loop3A_650] : memref<65536xi32, #tpu.memory_space<vmem>>[vector<16xi32>], vector<16xi32>,
      %parallel_loop3A_652 = vector.broadcast %parallel_loop3A_435 : i32 to vector<16xi32>
      %parallel_loop3A_653 = arith.andi %parallel_loop3A_651, %parallel_loop3A_652 : vector<16xi32>
      %parallel_loop3A_654 = vector.bitcast %parallel_loop3A_653 : vector<16xi32> to vector<16xf32>
      %parallel_loop3A_655 = arith.constant 2048 : i32
      %parallel_loop3A_656 = arith.addi %parallel_loop3A_655, %parallel_loop3A_646 : i32
      %parallel_loop3A_657 = arith.index_cast %parallel_loop3A_656 : i32 to index
      %parallel_loop3A_658 = tpu.vector_load %arg7[%parallel_loop3A_657] {strides = array<i32>} : memref<8192xi32, #tpu.memory_space<vmem>>, vector<16xi32>,
      %parallel_loop3A_659 = tpu.vector_load_idx %arg6[%parallel_loop3A_658] : memref<65536xi32, #tpu.memory_space<vmem>>[vector<16xi32>], vector<16xi32>,
      %parallel_loop3A_660 = vector.broadcast %parallel_loop3A_435 : i32 to vector<16xi32>
      %parallel_loop3A_661 = arith.andi %parallel_loop3A_659, %parallel_loop3A_660 : vector<16xi32>
      %parallel_loop3A_662 = vector.bitcast %parallel_loop3A_661 : vector<16xi32> to vector<16xf32>
      %parallel_loop3A_663 = arith.addf %parallel_loop3A_654, %parallel_loop3A_662 : vector<16xf32>
      %parallel_loop3A_664 = arith.constant 4096 : i32
      %parallel_loop3A_665 = arith.addi %parallel_loop3A_664, %parallel_loop3A_646 : i32
      %parallel_loop3A_666 = arith.index_cast %parallel_loop3A_665 : i32 to index
      %parallel_loop3A_667 = tpu.vector_load %arg7[%parallel_loop3A_666] {strides = array<i32>} : memref<8192xi32, #tpu.memory_space<vmem>>, vector<16xi32>,
      %parallel_loop3A_668 = tpu.vector_load_idx %arg6[%parallel_loop3A_667] : memref<65536xi32, #tpu.memory_space<vmem>>[vector<16xi32>], vector<16xi32>,
      %parallel_loop3A_669 = vector.broadcast %parallel_loop3A_435 : i32 to vector<16xi32>
      %parallel_loop3A_670 = arith.andi %parallel_loop3A_668, %parallel_loop3A_669 : vector<16xi32>
      %parallel_loop3A_671 = vector.bitcast %parallel_loop3A_670 : vector<16xi32> to vector<16xf32>
      %parallel_loop3A_672 = arith.addf %parallel_loop3A_663, %parallel_loop3A_671 : vector<16xf32>
      %parallel_loop3A_673 = arith.constant 6144 : i32
      %parallel_loop3A_674 = arith.addi %parallel_loop3A_673, %parallel_loop3A_646 : i32
      %parallel_loop3A_675 = arith.index_cast %parallel_loop3A_674 : i32 to index
      %parallel_loop3A_676 = tpu.vector_load %arg7[%parallel_loop3A_675] {strides = array<i32>} : memref<8192xi32, #tpu.memory_space<vmem>>, vector<16xi32>,
      %parallel_loop3A_677 = tpu.vector_load_idx %arg6[%parallel_loop3A_676] : memref<65536xi32, #tpu.memory_space<vmem>>[vector<16xi32>], vector<16xi32>,
      %parallel_loop3A_678 = vector.broadcast %parallel_loop3A_435 : i32 to vector<16xi32>
      %parallel_loop3A_679 = arith.andi %parallel_loop3A_677, %parallel_loop3A_678 : vector<16xi32>
      %parallel_loop3A_680 = vector.bitcast %parallel_loop3A_679 : vector<16xi32> to vector<16xf32>
      %parallel_loop3A_681 = arith.addf %parallel_loop3A_672, %parallel_loop3A_680 : vector<16xf32>
      %parallel_loop3A_682 = arith.index_cast %parallel_loop3A_646 : i32 to index
      %parallel_loop3A_683 = tpu.vector_load %arg9[%parallel_loop3A_682] {strides = array<i32>} : memref<2048xf32, #tpu.memory_space<vmem>>, vector<16xf32>,
      %parallel_loop3A_684 = arith.mulf %parallel_loop3A_681, %parallel_loop3A_683 : vector<16xf32>
      %parallel_loop3A_685 = arith.index_cast %parallel_loop3A_646 : i32 to index
      %parallel_loop3A_686 = tpu.vector_load %arg11[%parallel_loop3A_685] {strides = array<i32>} : memref<2048xf32, #tpu.memory_space<vmem>>, vector<16xf32>,
      tpu.vector_store %arg11[%parallel_loop3A_685], %parallel_loop3A_684 {strides = array<i32>} : memref<2048xf32, #tpu.memory_space<vmem>>, vector<16xf32>,
    } {sc.loop_unroll_factor = 8 : i64, sc.parallel_access}
    %dma_start3A_436 = arith.constant 2 : i32
    %dma_start3A_437 = arith.constant 0 : i32
    %dma_start3A_438 = tpu.memref_slice %arg5[%dma_start3A_436, %add3A_325, %dma_start3A_437] : memref<8x64x2048xf32, #tpu.memory_space<hbm>> -> memref<1x1x2048xf32, #tpu.memory_space<hbm>>
    %dma_start3A_439 = tpu.memref_squeeze %dma_start3A_438 : memref<1x1x2048xf32, #tpu.memory_space<hbm>> -> memref<2048xf32, #tpu.memory_space<hbm>>
    %dma_start3A_440 = arith.constant 0 : i32
    %dma_start3A_441 = tpu.memref_slice %arg5[%dma_start3A_436, %add3A_325, %dma_start3A_440] : memref<8x64x2048xf32, #tpu.memory_space<hbm>> -> memref<1x1x2048xf32, #tpu.memory_space<hbm>>
    %dma_start3A_442 = tpu.memref_squeeze %dma_start3A_441 : memref<1x1x2048xf32, #tpu.memory_space<hbm>> -> memref<2048xf32, #tpu.memory_space<hbm>>
    tpu.enqueue_dma source(%arg11 : memref<2048xf32, #tpu.memory_space<vmem>>) target(%dma_start3A_442 : memref<2048xf32, #tpu.memory_space<hbm>>) target_semaphore(%arg16 : memref<!tpu.dma_semaphore, #tpu.memory_space<semaphore_mem>>)
    %dma_start3A_443 = arith.constant 32768 : i32
    %dma_start3A_444 = tpu.memref_slice %arg2[%dma_start3A_443] : memref<65536xi32, #tpu.memory_space<hbm>> -> memref<8192xi32, #tpu.memory_space<hbm>>
    %dma_start3A_445 = arith.constant 32768 : i32
    %dma_start3A_446 = tpu.memref_slice %arg2[%dma_start3A_445] : memref<65536xi32, #tpu.memory_space<hbm>> -> memref<8192xi32, #tpu.memory_space<hbm>>
    tpu.enqueue_dma source(%dma_start3A_446 : memref<8192xi32, #tpu.memory_space<hbm>>) target(%arg7 : memref<8192xi32, #tpu.memory_space<vmem>>) target_semaphore(%arg14 : memref<!tpu.dma_semaphore, #tpu.memory_space<semaphore_mem>>)
    %dma_start3A_447 = arith.constant 4 : i32
    %dma_start3A_448 = arith.constant 0 : i32
    %dma_start3A_449 = tpu.memref_slice %arg3[%dma_start3A_447, %add3A_325, %dma_start3A_448] : memref<8x64x2048xf32, #tpu.memory_space<hbm>> -> memref<1x1x2048xf32, #tpu.memory_space<hbm>>
    %dma_start3A_450 = tpu.memref_squeeze %dma_start3A_449 : memref<1x1x2048xf32, #tpu.memory_space<hbm>> -> memref<2048xf32, #tpu.memory_space<hbm>>
    %dma_start3A_451 = arith.constant 0 : i32
    %dma_start3A_452 = tpu.memref_slice %arg3[%dma_start3A_447, %add3A_325, %dma_start3A_451] : memref<8x64x2048xf32, #tpu.memory_space<hbm>> -> memref<1x1x2048xf32, #tpu.memory_space<hbm>>
    %dma_start3A_453 = tpu.memref_squeeze %dma_start3A_452 : memref<1x1x2048xf32, #tpu.memory_space<hbm>> -> memref<2048xf32, #tpu.memory_space<hbm>>
    tpu.enqueue_dma source(%dma_start3A_453 : memref<2048xf32, #tpu.memory_space<hbm>>) target(%arg9 : memref<2048xf32, #tpu.memory_space<vmem>>) target_semaphore(%arg14 : memref<!tpu.dma_semaphore, #tpu.memory_space<semaphore_mem>>)
    %dma_wait3A_454 = arith.constant 1 : i32
    %dma_wait3A_455 = arith.constant 0 : i32
    %dma_wait3A_456 = tpu.memref_slice %arg5[%dma_wait3A_454, %add3A_325, %dma_wait3A_455] : memref<8x64x2048xf32, #tpu.memory_space<hbm>> -> memref<1x1x2048xf32, #tpu.memory_space<hbm>>
    %dma_wait3A_457 = tpu.memref_squeeze %dma_wait3A_456 : memref<1x1x2048xf32, #tpu.memory_space<hbm>> -> memref<2048xf32, #tpu.memory_space<hbm>>
    %dma_wait3A_458 = arith.constant 0 : i32
    %dma_wait3A_459 = tpu.memref_slice %arg5[%dma_wait3A_454, %add3A_325, %dma_wait3A_458] : memref<8x64x2048xf32, #tpu.memory_space<hbm>> -> memref<1x1x2048xf32, #tpu.memory_space<hbm>>
    %dma_wait3A_460 = tpu.memref_squeeze %dma_wait3A_459 : memref<1x1x2048xf32, #tpu.memory_space<hbm>> -> memref<2048xf32, #tpu.memory_space<hbm>>
    tpu.wait_dma2 semaphore(%arg17 : memref<!tpu.dma_semaphore, #tpu.memory_space<semaphore_mem>>) src(%arg12 : memref<2048xf32, #tpu.memory_space<vmem>>) dst(%dma_wait3A_460 : memref<2048xf32, #tpu.memory_space<hbm>>)
    %dma_wait3A_461 = arith.constant 24576 : i32
    %dma_wait3A_462 = tpu.memref_slice %arg2[%dma_wait3A_461] : memref<65536xi32, #tpu.memory_space<hbm>> -> memref<8192xi32, #tpu.memory_space<hbm>>
    %dma_wait3A_463 = arith.constant 24576 : i32
    %dma_wait3A_464 = tpu.memref_slice %arg2[%dma_wait3A_463] : memref<65536xi32, #tpu.memory_space<hbm>> -> memref<8192xi32, #tpu.memory_space<hbm>>
    tpu.wait_dma2 semaphore(%arg15 : memref<!tpu.dma_semaphore, #tpu.memory_space<semaphore_mem>>) src(%dma_wait3A_464 : memref<8192xi32, #tpu.memory_space<hbm>>) dst(%arg8 : memref<8192xi32, #tpu.memory_space<vmem>>)
    %dma_wait3A_465 = arith.constant 3 : i32
    %dma_wait3A_466 = arith.constant 0 : i32
    %dma_wait3A_467 = tpu.memref_slice %arg3[%dma_wait3A_465, %add3A_325, %dma_wait3A_466] : memref<8x64x2048xf32, #tpu.memory_space<hbm>> -> memref<1x1x2048xf32, #tpu.memory_space<hbm>>
    %dma_wait3A_468 = tpu.memref_squeeze %dma_wait3A_467 : memref<1x1x2048xf32, #tpu.memory_space<hbm>> -> memref<2048xf32, #tpu.memory_space<hbm>>
    %dma_wait3A_469 = arith.constant 0 : i32
    %dma_wait3A_470 = tpu.memref_slice %arg3[%dma_wait3A_465, %add3A_325, %dma_wait3A_469] : memref<8x64x2048xf32, #tpu.memory_space<hbm>> -> memref<1x1x2048xf32, #tpu.memory_space<hbm>>
    %dma_wait3A_471 = tpu.memref_squeeze %dma_wait3A_470 : memref<1x1x2048xf32, #tpu.memory_space<hbm>> -> memref<2048xf32, #tpu.memory_space<hbm>>
    tpu.wait_dma2 semaphore(%arg15 : memref<!tpu.dma_semaphore, #tpu.memory_space<semaphore_mem>>) src(%dma_wait3A_471 : memref<2048xf32, #tpu.memory_space<hbm>>) dst(%arg10 : memref<2048xf32, #tpu.memory_space<vmem>>)
    %parallel_loop3A_472 = arith.constant 0 : i32
    %parallel_loop3A_473 = arith.constant 2048 : i32
    %parallel_loop3A_474 = arith.constant 16 : i32
    %parallel_loop3A_475 = arith.constant -65536 : i32
    scf.for %parallel_loop3A_646 = %parallel_loop3A_472 to %parallel_loop3A_473 step %parallel_loop3A_474  : i32 {
      %parallel_loop3A_647 = arith.constant 0 : i32
      %parallel_loop3A_648 = arith.addi %parallel_loop3A_647, %parallel_loop3A_646 : i32
      %parallel_loop3A_649 = arith.index_cast %parallel_loop3A_648 : i32 to index
      %parallel_loop3A_650 = tpu.vector_load %arg8[%parallel_loop3A_649] {strides = array<i32>} : memref<8192xi32, #tpu.memory_space<vmem>>, vector<16xi32>,
      %parallel_loop3A_651 = tpu.vector_load_idx %arg6[%parallel_loop3A_650] : memref<65536xi32, #tpu.memory_space<vmem>>[vector<16xi32>], vector<16xi32>,
      %parallel_loop3A_652 = vector.broadcast %parallel_loop3A_475 : i32 to vector<16xi32>
      %parallel_loop3A_653 = arith.andi %parallel_loop3A_651, %parallel_loop3A_652 : vector<16xi32>
      %parallel_loop3A_654 = vector.bitcast %parallel_loop3A_653 : vector<16xi32> to vector<16xf32>
      %parallel_loop3A_655 = arith.constant 2048 : i32
      %parallel_loop3A_656 = arith.addi %parallel_loop3A_655, %parallel_loop3A_646 : i32
      %parallel_loop3A_657 = arith.index_cast %parallel_loop3A_656 : i32 to index
      %parallel_loop3A_658 = tpu.vector_load %arg8[%parallel_loop3A_657] {strides = array<i32>} : memref<8192xi32, #tpu.memory_space<vmem>>, vector<16xi32>,
      %parallel_loop3A_659 = tpu.vector_load_idx %arg6[%parallel_loop3A_658] : memref<65536xi32, #tpu.memory_space<vmem>>[vector<16xi32>], vector<16xi32>,
      %parallel_loop3A_660 = vector.broadcast %parallel_loop3A_475 : i32 to vector<16xi32>
      %parallel_loop3A_661 = arith.andi %parallel_loop3A_659, %parallel_loop3A_660 : vector<16xi32>
      %parallel_loop3A_662 = vector.bitcast %parallel_loop3A_661 : vector<16xi32> to vector<16xf32>
      %parallel_loop3A_663 = arith.addf %parallel_loop3A_654, %parallel_loop3A_662 : vector<16xf32>
      %parallel_loop3A_664 = arith.constant 4096 : i32
      %parallel_loop3A_665 = arith.addi %parallel_loop3A_664, %parallel_loop3A_646 : i32
      %parallel_loop3A_666 = arith.index_cast %parallel_loop3A_665 : i32 to index
      %parallel_loop3A_667 = tpu.vector_load %arg8[%parallel_loop3A_666] {strides = array<i32>} : memref<8192xi32, #tpu.memory_space<vmem>>, vector<16xi32>,
      %parallel_loop3A_668 = tpu.vector_load_idx %arg6[%parallel_loop3A_667] : memref<65536xi32, #tpu.memory_space<vmem>>[vector<16xi32>], vector<16xi32>,
      %parallel_loop3A_669 = vector.broadcast %parallel_loop3A_475 : i32 to vector<16xi32>
      %parallel_loop3A_670 = arith.andi %parallel_loop3A_668, %parallel_loop3A_669 : vector<16xi32>
      %parallel_loop3A_671 = vector.bitcast %parallel_loop3A_670 : vector<16xi32> to vector<16xf32>
      %parallel_loop3A_672 = arith.addf %parallel_loop3A_663, %parallel_loop3A_671 : vector<16xf32>
      %parallel_loop3A_673 = arith.constant 6144 : i32
      %parallel_loop3A_674 = arith.addi %parallel_loop3A_673, %parallel_loop3A_646 : i32
      %parallel_loop3A_675 = arith.index_cast %parallel_loop3A_674 : i32 to index
      %parallel_loop3A_676 = tpu.vector_load %arg8[%parallel_loop3A_675] {strides = array<i32>} : memref<8192xi32, #tpu.memory_space<vmem>>, vector<16xi32>,
      %parallel_loop3A_677 = tpu.vector_load_idx %arg6[%parallel_loop3A_676] : memref<65536xi32, #tpu.memory_space<vmem>>[vector<16xi32>], vector<16xi32>,
      %parallel_loop3A_678 = vector.broadcast %parallel_loop3A_475 : i32 to vector<16xi32>
      %parallel_loop3A_679 = arith.andi %parallel_loop3A_677, %parallel_loop3A_678 : vector<16xi32>
      %parallel_loop3A_680 = vector.bitcast %parallel_loop3A_679 : vector<16xi32> to vector<16xf32>
      %parallel_loop3A_681 = arith.addf %parallel_loop3A_672, %parallel_loop3A_680 : vector<16xf32>
      %parallel_loop3A_682 = arith.index_cast %parallel_loop3A_646 : i32 to index
      %parallel_loop3A_683 = tpu.vector_load %arg10[%parallel_loop3A_682] {strides = array<i32>} : memref<2048xf32, #tpu.memory_space<vmem>>, vector<16xf32>,
      %parallel_loop3A_684 = arith.mulf %parallel_loop3A_681, %parallel_loop3A_683 : vector<16xf32>
      %parallel_loop3A_685 = arith.index_cast %parallel_loop3A_646 : i32 to index
      %parallel_loop3A_686 = tpu.vector_load %arg12[%parallel_loop3A_685] {strides = array<i32>} : memref<2048xf32, #tpu.memory_space<vmem>>, vector<16xf32>,
      tpu.vector_store %arg12[%parallel_loop3A_685], %parallel_loop3A_684 {strides = array<i32>} : memref<2048xf32, #tpu.memory_space<vmem>>, vector<16xf32>,
    } {sc.loop_unroll_factor = 8 : i64, sc.parallel_access}
    %dma_start3A_476 = arith.constant 3 : i32
    %dma_start3A_477 = arith.constant 0 : i32
    %dma_start3A_478 = tpu.memref_slice %arg5[%dma_start3A_476, %add3A_325, %dma_start3A_477] : memref<8x64x2048xf32, #tpu.memory_space<hbm>> -> memref<1x1x2048xf32, #tpu.memory_space<hbm>>
    %dma_start3A_479 = tpu.memref_squeeze %dma_start3A_478 : memref<1x1x2048xf32, #tpu.memory_space<hbm>> -> memref<2048xf32, #tpu.memory_space<hbm>>
    %dma_start3A_480 = arith.constant 0 : i32
    %dma_start3A_481 = tpu.memref_slice %arg5[%dma_start3A_476, %add3A_325, %dma_start3A_480] : memref<8x64x2048xf32, #tpu.memory_space<hbm>> -> memref<1x1x2048xf32, #tpu.memory_space<hbm>>
    %dma_start3A_482 = tpu.memref_squeeze %dma_start3A_481 : memref<1x1x2048xf32, #tpu.memory_space<hbm>> -> memref<2048xf32, #tpu.memory_space<hbm>>
    tpu.enqueue_dma source(%arg12 : memref<2048xf32, #tpu.memory_space<vmem>>) target(%dma_start3A_482 : memref<2048xf32, #tpu.memory_space<hbm>>) target_semaphore(%arg17 : memref<!tpu.dma_semaphore, #tpu.memory_space<semaphore_mem>>)
    %dma_start3A_483 = arith.constant 40960 : i32
    %dma_start3A_484 = tpu.memref_slice %arg2[%dma_start3A_483] : memref<65536xi32, #tpu.memory_space<hbm>> -> memref<8192xi32, #tpu.memory_space<hbm>>
    %dma_start3A_485 = arith.constant 40960 : i32
    %dma_start3A_486 = tpu.memref_slice %arg2[%dma_start3A_485] : memref<65536xi32, #tpu.memory_space<hbm>> -> memref<8192xi32, #tpu.memory_space<hbm>>
    tpu.enqueue_dma source(%dma_start3A_486 : memref<8192xi32, #tpu.memory_space<hbm>>) target(%arg8 : memref<8192xi32, #tpu.memory_space<vmem>>) target_semaphore(%arg15 : memref<!tpu.dma_semaphore, #tpu.memory_space<semaphore_mem>>)
    %dma_start3A_487 = arith.constant 5 : i32
    %dma_start3A_488 = arith.constant 0 : i32
    %dma_start3A_489 = tpu.memref_slice %arg3[%dma_start3A_487, %add3A_325, %dma_start3A_488] : memref<8x64x2048xf32, #tpu.memory_space<hbm>> -> memref<1x1x2048xf32, #tpu.memory_space<hbm>>
    %dma_start3A_490 = tpu.memref_squeeze %dma_start3A_489 : memref<1x1x2048xf32, #tpu.memory_space<hbm>> -> memref<2048xf32, #tpu.memory_space<hbm>>
    %dma_start3A_491 = arith.constant 0 : i32
    %dma_start3A_492 = tpu.memref_slice %arg3[%dma_start3A_487, %add3A_325, %dma_start3A_491] : memref<8x64x2048xf32, #tpu.memory_space<hbm>> -> memref<1x1x2048xf32, #tpu.memory_space<hbm>>
    %dma_start3A_493 = tpu.memref_squeeze %dma_start3A_492 : memref<1x1x2048xf32, #tpu.memory_space<hbm>> -> memref<2048xf32, #tpu.memory_space<hbm>>
    tpu.enqueue_dma source(%dma_start3A_493 : memref<2048xf32, #tpu.memory_space<hbm>>) target(%arg10 : memref<2048xf32, #tpu.memory_space<vmem>>) target_semaphore(%arg15 : memref<!tpu.dma_semaphore, #tpu.memory_space<semaphore_mem>>)
    %dma_wait3A_494 = arith.constant 2 : i32
    %dma_wait3A_495 = arith.constant 0 : i32
    %dma_wait3A_496 = tpu.memref_slice %arg5[%dma_wait3A_494, %add3A_325, %dma_wait3A_495] : memref<8x64x2048xf32, #tpu.memory_space<hbm>> -> memref<1x1x2048xf32, #tpu.memory_space<hbm>>
    %dma_wait3A_497 = tpu.memref_squeeze %dma_wait3A_496 : memref<1x1x2048xf32, #tpu.memory_space<hbm>> -> memref<2048xf32, #tpu.memory_space<hbm>>
    %dma_wait3A_498 = arith.constant 0 : i32
    %dma_wait3A_499 = tpu.memref_slice %arg5[%dma_wait3A_494, %add3A_325, %dma_wait3A_498] : memref<8x64x2048xf32, #tpu.memory_space<hbm>> -> memref<1x1x2048xf32, #tpu.memory_space<hbm>>
    %dma_wait3A_500 = tpu.memref_squeeze %dma_wait3A_499 : memref<1x1x2048xf32, #tpu.memory_space<hbm>> -> memref<2048xf32, #tpu.memory_space<hbm>>
    tpu.wait_dma2 semaphore(%arg16 : memref<!tpu.dma_semaphore, #tpu.memory_space<semaphore_mem>>) src(%arg11 : memref<2048xf32, #tpu.memory_space<vmem>>) dst(%dma_wait3A_500 : memref<2048xf32, #tpu.memory_space<hbm>>)
    %dma_wait3A_501 = arith.constant 32768 : i32
    %dma_wait3A_502 = tpu.memref_slice %arg2[%dma_wait3A_501] : memref<65536xi32, #tpu.memory_space<hbm>> -> memref<8192xi32, #tpu.memory_space<hbm>>
    %dma_wait3A_503 = arith.constant 32768 : i32
    %dma_wait3A_504 = tpu.memref_slice %arg2[%dma_wait3A_503] : memref<65536xi32, #tpu.memory_space<hbm>> -> memref<8192xi32, #tpu.memory_space<hbm>>
    tpu.wait_dma2 semaphore(%arg14 : memref<!tpu.dma_semaphore, #tpu.memory_space<semaphore_mem>>) src(%dma_wait3A_504 : memref<8192xi32, #tpu.memory_space<hbm>>) dst(%arg7 : memref<8192xi32, #tpu.memory_space<vmem>>)
    %dma_wait3A_505 = arith.constant 4 : i32
    %dma_wait3A_506 = arith.constant 0 : i32
    %dma_wait3A_507 = tpu.memref_slice %arg3[%dma_wait3A_505, %add3A_325, %dma_wait3A_506] : memref<8x64x2048xf32, #tpu.memory_space<hbm>> -> memref<1x1x2048xf32, #tpu.memory_space<hbm>>
    %dma_wait3A_508 = tpu.memref_squeeze %dma_wait3A_507 : memref<1x1x2048xf32, #tpu.memory_space<hbm>> -> memref<2048xf32, #tpu.memory_space<hbm>>
    %dma_wait3A_509 = arith.constant 0 : i32
    %dma_wait3A_510 = tpu.memref_slice %arg3[%dma_wait3A_505, %add3A_325, %dma_wait3A_509] : memref<8x64x2048xf32, #tpu.memory_space<hbm>> -> memref<1x1x2048xf32, #tpu.memory_space<hbm>>
    %dma_wait3A_511 = tpu.memref_squeeze %dma_wait3A_510 : memref<1x1x2048xf32, #tpu.memory_space<hbm>> -> memref<2048xf32, #tpu.memory_space<hbm>>
    tpu.wait_dma2 semaphore(%arg14 : memref<!tpu.dma_semaphore, #tpu.memory_space<semaphore_mem>>) src(%dma_wait3A_511 : memref<2048xf32, #tpu.memory_space<hbm>>) dst(%arg9 : memref<2048xf32, #tpu.memory_space<vmem>>)
    %parallel_loop3A_512 = arith.constant 0 : i32
    %parallel_loop3A_513 = arith.constant 2048 : i32
    %parallel_loop3A_514 = arith.constant 16 : i32
    %parallel_loop3A_515 = arith.constant -65536 : i32
    scf.for %parallel_loop3A_646 = %parallel_loop3A_512 to %parallel_loop3A_513 step %parallel_loop3A_514  : i32 {
      %parallel_loop3A_647 = arith.constant 0 : i32
      %parallel_loop3A_648 = arith.addi %parallel_loop3A_647, %parallel_loop3A_646 : i32
      %parallel_loop3A_649 = arith.index_cast %parallel_loop3A_648 : i32 to index
      %parallel_loop3A_650 = tpu.vector_load %arg7[%parallel_loop3A_649] {strides = array<i32>} : memref<8192xi32, #tpu.memory_space<vmem>>, vector<16xi32>,
      %parallel_loop3A_651 = tpu.vector_load_idx %arg6[%parallel_loop3A_650] : memref<65536xi32, #tpu.memory_space<vmem>>[vector<16xi32>], vector<16xi32>,
      %parallel_loop3A_652 = vector.broadcast %parallel_loop3A_515 : i32 to vector<16xi32>
      %parallel_loop3A_653 = arith.andi %parallel_loop3A_651, %parallel_loop3A_652 : vector<16xi32>
      %parallel_loop3A_654 = vector.bitcast %parallel_loop3A_653 : vector<16xi32> to vector<16xf32>
      %parallel_loop3A_655 = arith.constant 2048 : i32
      %parallel_loop3A_656 = arith.addi %parallel_loop3A_655, %parallel_loop3A_646 : i32
      %parallel_loop3A_657 = arith.index_cast %parallel_loop3A_656 : i32 to index
      %parallel_loop3A_658 = tpu.vector_load %arg7[%parallel_loop3A_657] {strides = array<i32>} : memref<8192xi32, #tpu.memory_space<vmem>>, vector<16xi32>,
      %parallel_loop3A_659 = tpu.vector_load_idx %arg6[%parallel_loop3A_658] : memref<65536xi32, #tpu.memory_space<vmem>>[vector<16xi32>], vector<16xi32>,
      %parallel_loop3A_660 = vector.broadcast %parallel_loop3A_515 : i32 to vector<16xi32>
      %parallel_loop3A_661 = arith.andi %parallel_loop3A_659, %parallel_loop3A_660 : vector<16xi32>
      %parallel_loop3A_662 = vector.bitcast %parallel_loop3A_661 : vector<16xi32> to vector<16xf32>
      %parallel_loop3A_663 = arith.addf %parallel_loop3A_654, %parallel_loop3A_662 : vector<16xf32>
      %parallel_loop3A_664 = arith.constant 4096 : i32
      %parallel_loop3A_665 = arith.addi %parallel_loop3A_664, %parallel_loop3A_646 : i32
      %parallel_loop3A_666 = arith.index_cast %parallel_loop3A_665 : i32 to index
      %parallel_loop3A_667 = tpu.vector_load %arg7[%parallel_loop3A_666] {strides = array<i32>} : memref<8192xi32, #tpu.memory_space<vmem>>, vector<16xi32>,
      %parallel_loop3A_668 = tpu.vector_load_idx %arg6[%parallel_loop3A_667] : memref<65536xi32, #tpu.memory_space<vmem>>[vector<16xi32>], vector<16xi32>,
      %parallel_loop3A_669 = vector.broadcast %parallel_loop3A_515 : i32 to vector<16xi32>
      %parallel_loop3A_670 = arith.andi %parallel_loop3A_668, %parallel_loop3A_669 : vector<16xi32>
      %parallel_loop3A_671 = vector.bitcast %parallel_loop3A_670 : vector<16xi32> to vector<16xf32>
      %parallel_loop3A_672 = arith.addf %parallel_loop3A_663, %parallel_loop3A_671 : vector<16xf32>
      %parallel_loop3A_673 = arith.constant 6144 : i32
      %parallel_loop3A_674 = arith.addi %parallel_loop3A_673, %parallel_loop3A_646 : i32
      %parallel_loop3A_675 = arith.index_cast %parallel_loop3A_674 : i32 to index
      %parallel_loop3A_676 = tpu.vector_load %arg7[%parallel_loop3A_675] {strides = array<i32>} : memref<8192xi32, #tpu.memory_space<vmem>>, vector<16xi32>,
      %parallel_loop3A_677 = tpu.vector_load_idx %arg6[%parallel_loop3A_676] : memref<65536xi32, #tpu.memory_space<vmem>>[vector<16xi32>], vector<16xi32>,
      %parallel_loop3A_678 = vector.broadcast %parallel_loop3A_515 : i32 to vector<16xi32>
      %parallel_loop3A_679 = arith.andi %parallel_loop3A_677, %parallel_loop3A_678 : vector<16xi32>
      %parallel_loop3A_680 = vector.bitcast %parallel_loop3A_679 : vector<16xi32> to vector<16xf32>
      %parallel_loop3A_681 = arith.addf %parallel_loop3A_672, %parallel_loop3A_680 : vector<16xf32>
      %parallel_loop3A_682 = arith.index_cast %parallel_loop3A_646 : i32 to index
      %parallel_loop3A_683 = tpu.vector_load %arg9[%parallel_loop3A_682] {strides = array<i32>} : memref<2048xf32, #tpu.memory_space<vmem>>, vector<16xf32>,
      %parallel_loop3A_684 = arith.mulf %parallel_loop3A_681, %parallel_loop3A_683 : vector<16xf32>
      %parallel_loop3A_685 = arith.index_cast %parallel_loop3A_646 : i32 to index
      %parallel_loop3A_686 = tpu.vector_load %arg11[%parallel_loop3A_685] {strides = array<i32>} : memref<2048xf32, #tpu.memory_space<vmem>>, vector<16xf32>,
      tpu.vector_store %arg11[%parallel_loop3A_685], %parallel_loop3A_684 {strides = array<i32>} : memref<2048xf32, #tpu.memory_space<vmem>>, vector<16xf32>,
    } {sc.loop_unroll_factor = 8 : i64, sc.parallel_access}
    %dma_start3A_516 = arith.constant 4 : i32
    %dma_start3A_517 = arith.constant 0 : i32
    %dma_start3A_518 = tpu.memref_slice %arg5[%dma_start3A_516, %add3A_325, %dma_start3A_517] : memref<8x64x2048xf32, #tpu.memory_space<hbm>> -> memref<1x1x2048xf32, #tpu.memory_space<hbm>>
    %dma_start3A_519 = tpu.memref_squeeze %dma_start3A_518 : memref<1x1x2048xf32, #tpu.memory_space<hbm>> -> memref<2048xf32, #tpu.memory_space<hbm>>
    %dma_start3A_520 = arith.constant 0 : i32
    %dma_start3A_521 = tpu.memref_slice %arg5[%dma_start3A_516, %add3A_325, %dma_start3A_520] : memref<8x64x2048xf32, #tpu.memory_space<hbm>> -> memref<1x1x2048xf32, #tpu.memory_space<hbm>>
    %dma_start3A_522 = tpu.memref_squeeze %dma_start3A_521 : memref<1x1x2048xf32, #tpu.memory_space<hbm>> -> memref<2048xf32, #tpu.memory_space<hbm>>
    tpu.enqueue_dma source(%arg11 : memref<2048xf32, #tpu.memory_space<vmem>>) target(%dma_start3A_522 : memref<2048xf32, #tpu.memory_space<hbm>>) target_semaphore(%arg16 : memref<!tpu.dma_semaphore, #tpu.memory_space<semaphore_mem>>)
    %dma_start3A_523 = arith.constant 49152 : i32
    %dma_start3A_524 = tpu.memref_slice %arg2[%dma_start3A_523] : memref<65536xi32, #tpu.memory_space<hbm>> -> memref<8192xi32, #tpu.memory_space<hbm>>
    %dma_start3A_525 = arith.constant 49152 : i32
    %dma_start3A_526 = tpu.memref_slice %arg2[%dma_start3A_525] : memref<65536xi32, #tpu.memory_space<hbm>> -> memref<8192xi32, #tpu.memory_space<hbm>>
    tpu.enqueue_dma source(%dma_start3A_526 : memref<8192xi32, #tpu.memory_space<hbm>>) target(%arg7 : memref<8192xi32, #tpu.memory_space<vmem>>) target_semaphore(%arg14 : memref<!tpu.dma_semaphore, #tpu.memory_space<semaphore_mem>>)
    %dma_start3A_527 = arith.constant 6 : i32
    %dma_start3A_528 = arith.constant 0 : i32
    %dma_start3A_529 = tpu.memref_slice %arg3[%dma_start3A_527, %add3A_325, %dma_start3A_528] : memref<8x64x2048xf32, #tpu.memory_space<hbm>> -> memref<1x1x2048xf32, #tpu.memory_space<hbm>>
    %dma_start3A_530 = tpu.memref_squeeze %dma_start3A_529 : memref<1x1x2048xf32, #tpu.memory_space<hbm>> -> memref<2048xf32, #tpu.memory_space<hbm>>
    %dma_start3A_531 = arith.constant 0 : i32
    %dma_start3A_532 = tpu.memref_slice %arg3[%dma_start3A_527, %add3A_325, %dma_start3A_531] : memref<8x64x2048xf32, #tpu.memory_space<hbm>> -> memref<1x1x2048xf32, #tpu.memory_space<hbm>>
    %dma_start3A_533 = tpu.memref_squeeze %dma_start3A_532 : memref<1x1x2048xf32, #tpu.memory_space<hbm>> -> memref<2048xf32, #tpu.memory_space<hbm>>
    tpu.enqueue_dma source(%dma_start3A_533 : memref<2048xf32, #tpu.memory_space<hbm>>) target(%arg9 : memref<2048xf32, #tpu.memory_space<vmem>>) target_semaphore(%arg14 : memref<!tpu.dma_semaphore, #tpu.memory_space<semaphore_mem>>)
    %dma_wait3A_534 = arith.constant 3 : i32
    %dma_wait3A_535 = arith.constant 0 : i32
    %dma_wait3A_536 = tpu.memref_slice %arg5[%dma_wait3A_534, %add3A_325, %dma_wait3A_535] : memref<8x64x2048xf32, #tpu.memory_space<hbm>> -> memref<1x1x2048xf32, #tpu.memory_space<hbm>>
    %dma_wait3A_537 = tpu.memref_squeeze %dma_wait3A_536 : memref<1x1x2048xf32, #tpu.memory_space<hbm>> -> memref<2048xf32, #tpu.memory_space<hbm>>
    %dma_wait3A_538 = arith.constant 0 : i32
    %dma_wait3A_539 = tpu.memref_slice %arg5[%dma_wait3A_534, %add3A_325, %dma_wait3A_538] : memref<8x64x2048xf32, #tpu.memory_space<hbm>> -> memref<1x1x2048xf32, #tpu.memory_space<hbm>>
    %dma_wait3A_540 = tpu.memref_squeeze %dma_wait3A_539 : memref<1x1x2048xf32, #tpu.memory_space<hbm>> -> memref<2048xf32, #tpu.memory_space<hbm>>
    tpu.wait_dma2 semaphore(%arg17 : memref<!tpu.dma_semaphore, #tpu.memory_space<semaphore_mem>>) src(%arg12 : memref<2048xf32, #tpu.memory_space<vmem>>) dst(%dma_wait3A_540 : memref<2048xf32, #tpu.memory_space<hbm>>)
    %dma_wait3A_541 = arith.constant 40960 : i32
    %dma_wait3A_542 = tpu.memref_slice %arg2[%dma_wait3A_541] : memref<65536xi32, #tpu.memory_space<hbm>> -> memref<8192xi32, #tpu.memory_space<hbm>>
    %dma_wait3A_543 = arith.constant 40960 : i32
    %dma_wait3A_544 = tpu.memref_slice %arg2[%dma_wait3A_543] : memref<65536xi32, #tpu.memory_space<hbm>> -> memref<8192xi32, #tpu.memory_space<hbm>>
    tpu.wait_dma2 semaphore(%arg15 : memref<!tpu.dma_semaphore, #tpu.memory_space<semaphore_mem>>) src(%dma_wait3A_544 : memref<8192xi32, #tpu.memory_space<hbm>>) dst(%arg8 : memref<8192xi32, #tpu.memory_space<vmem>>)
    %dma_wait3A_545 = arith.constant 5 : i32
    %dma_wait3A_546 = arith.constant 0 : i32
    %dma_wait3A_547 = tpu.memref_slice %arg3[%dma_wait3A_545, %add3A_325, %dma_wait3A_546] : memref<8x64x2048xf32, #tpu.memory_space<hbm>> -> memref<1x1x2048xf32, #tpu.memory_space<hbm>>
    %dma_wait3A_548 = tpu.memref_squeeze %dma_wait3A_547 : memref<1x1x2048xf32, #tpu.memory_space<hbm>> -> memref<2048xf32, #tpu.memory_space<hbm>>
    %dma_wait3A_549 = arith.constant 0 : i32
    %dma_wait3A_550 = tpu.memref_slice %arg3[%dma_wait3A_545, %add3A_325, %dma_wait3A_549] : memref<8x64x2048xf32, #tpu.memory_space<hbm>> -> memref<1x1x2048xf32, #tpu.memory_space<hbm>>
    %dma_wait3A_551 = tpu.memref_squeeze %dma_wait3A_550 : memref<1x1x2048xf32, #tpu.memory_space<hbm>> -> memref<2048xf32, #tpu.memory_space<hbm>>
    tpu.wait_dma2 semaphore(%arg15 : memref<!tpu.dma_semaphore, #tpu.memory_space<semaphore_mem>>) src(%dma_wait3A_551 : memref<2048xf32, #tpu.memory_space<hbm>>) dst(%arg10 : memref<2048xf32, #tpu.memory_space<vmem>>)
    %parallel_loop3A_552 = arith.constant 0 : i32
    %parallel_loop3A_553 = arith.constant 2048 : i32
    %parallel_loop3A_554 = arith.constant 16 : i32
    %parallel_loop3A_555 = arith.constant -65536 : i32
    scf.for %parallel_loop3A_646 = %parallel_loop3A_552 to %parallel_loop3A_553 step %parallel_loop3A_554  : i32 {
      %parallel_loop3A_647 = arith.constant 0 : i32
      %parallel_loop3A_648 = arith.addi %parallel_loop3A_647, %parallel_loop3A_646 : i32
      %parallel_loop3A_649 = arith.index_cast %parallel_loop3A_648 : i32 to index
      %parallel_loop3A_650 = tpu.vector_load %arg8[%parallel_loop3A_649] {strides = array<i32>} : memref<8192xi32, #tpu.memory_space<vmem>>, vector<16xi32>,
      %parallel_loop3A_651 = tpu.vector_load_idx %arg6[%parallel_loop3A_650] : memref<65536xi32, #tpu.memory_space<vmem>>[vector<16xi32>], vector<16xi32>,
      %parallel_loop3A_652 = vector.broadcast %parallel_loop3A_555 : i32 to vector<16xi32>
      %parallel_loop3A_653 = arith.andi %parallel_loop3A_651, %parallel_loop3A_652 : vector<16xi32>
      %parallel_loop3A_654 = vector.bitcast %parallel_loop3A_653 : vector<16xi32> to vector<16xf32>
      %parallel_loop3A_655 = arith.constant 2048 : i32
      %parallel_loop3A_656 = arith.addi %parallel_loop3A_655, %parallel_loop3A_646 : i32
      %parallel_loop3A_657 = arith.index_cast %parallel_loop3A_656 : i32 to index
      %parallel_loop3A_658 = tpu.vector_load %arg8[%parallel_loop3A_657] {strides = array<i32>} : memref<8192xi32, #tpu.memory_space<vmem>>, vector<16xi32>,
      %parallel_loop3A_659 = tpu.vector_load_idx %arg6[%parallel_loop3A_658] : memref<65536xi32, #tpu.memory_space<vmem>>[vector<16xi32>], vector<16xi32>,
      %parallel_loop3A_660 = vector.broadcast %parallel_loop3A_555 : i32 to vector<16xi32>
      %parallel_loop3A_661 = arith.andi %parallel_loop3A_659, %parallel_loop3A_660 : vector<16xi32>
      %parallel_loop3A_662 = vector.bitcast %parallel_loop3A_661 : vector<16xi32> to vector<16xf32>
      %parallel_loop3A_663 = arith.addf %parallel_loop3A_654, %parallel_loop3A_662 : vector<16xf32>
      %parallel_loop3A_664 = arith.constant 4096 : i32
      %parallel_loop3A_665 = arith.addi %parallel_loop3A_664, %parallel_loop3A_646 : i32
      %parallel_loop3A_666 = arith.index_cast %parallel_loop3A_665 : i32 to index
      %parallel_loop3A_667 = tpu.vector_load %arg8[%parallel_loop3A_666] {strides = array<i32>} : memref<8192xi32, #tpu.memory_space<vmem>>, vector<16xi32>,
      %parallel_loop3A_668 = tpu.vector_load_idx %arg6[%parallel_loop3A_667] : memref<65536xi32, #tpu.memory_space<vmem>>[vector<16xi32>], vector<16xi32>,
      %parallel_loop3A_669 = vector.broadcast %parallel_loop3A_555 : i32 to vector<16xi32>
      %parallel_loop3A_670 = arith.andi %parallel_loop3A_668, %parallel_loop3A_669 : vector<16xi32>
      %parallel_loop3A_671 = vector.bitcast %parallel_loop3A_670 : vector<16xi32> to vector<16xf32>
      %parallel_loop3A_672 = arith.addf %parallel_loop3A_663, %parallel_loop3A_671 : vector<16xf32>
      %parallel_loop3A_673 = arith.constant 6144 : i32
      %parallel_loop3A_674 = arith.addi %parallel_loop3A_673, %parallel_loop3A_646 : i32
      %parallel_loop3A_675 = arith.index_cast %parallel_loop3A_674 : i32 to index
      %parallel_loop3A_676 = tpu.vector_load %arg8[%parallel_loop3A_675] {strides = array<i32>} : memref<8192xi32, #tpu.memory_space<vmem>>, vector<16xi32>,
      %parallel_loop3A_677 = tpu.vector_load_idx %arg6[%parallel_loop3A_676] : memref<65536xi32, #tpu.memory_space<vmem>>[vector<16xi32>], vector<16xi32>,
      %parallel_loop3A_678 = vector.broadcast %parallel_loop3A_555 : i32 to vector<16xi32>
      %parallel_loop3A_679 = arith.andi %parallel_loop3A_677, %parallel_loop3A_678 : vector<16xi32>
      %parallel_loop3A_680 = vector.bitcast %parallel_loop3A_679 : vector<16xi32> to vector<16xf32>
      %parallel_loop3A_681 = arith.addf %parallel_loop3A_672, %parallel_loop3A_680 : vector<16xf32>
      %parallel_loop3A_682 = arith.index_cast %parallel_loop3A_646 : i32 to index
      %parallel_loop3A_683 = tpu.vector_load %arg10[%parallel_loop3A_682] {strides = array<i32>} : memref<2048xf32, #tpu.memory_space<vmem>>, vector<16xf32>,
      %parallel_loop3A_684 = arith.mulf %parallel_loop3A_681, %parallel_loop3A_683 : vector<16xf32>
      %parallel_loop3A_685 = arith.index_cast %parallel_loop3A_646 : i32 to index
      %parallel_loop3A_686 = tpu.vector_load %arg12[%parallel_loop3A_685] {strides = array<i32>} : memref<2048xf32, #tpu.memory_space<vmem>>, vector<16xf32>,
      tpu.vector_store %arg12[%parallel_loop3A_685], %parallel_loop3A_684 {strides = array<i32>} : memref<2048xf32, #tpu.memory_space<vmem>>, vector<16xf32>,
    } {sc.loop_unroll_factor = 8 : i64, sc.parallel_access}
    %dma_start3A_556 = arith.constant 5 : i32
    %dma_start3A_557 = arith.constant 0 : i32
    %dma_start3A_558 = tpu.memref_slice %arg5[%dma_start3A_556, %add3A_325, %dma_start3A_557] : memref<8x64x2048xf32, #tpu.memory_space<hbm>> -> memref<1x1x2048xf32, #tpu.memory_space<hbm>>
    %dma_start3A_559 = tpu.memref_squeeze %dma_start3A_558 : memref<1x1x2048xf32, #tpu.memory_space<hbm>> -> memref<2048xf32, #tpu.memory_space<hbm>>
    %dma_start3A_560 = arith.constant 0 : i32
    %dma_start3A_561 = tpu.memref_slice %arg5[%dma_start3A_556, %add3A_325, %dma_start3A_560] : memref<8x64x2048xf32, #tpu.memory_space<hbm>> -> memref<1x1x2048xf32, #tpu.memory_space<hbm>>
    %dma_start3A_562 = tpu.memref_squeeze %dma_start3A_561 : memref<1x1x2048xf32, #tpu.memory_space<hbm>> -> memref<2048xf32, #tpu.memory_space<hbm>>
    tpu.enqueue_dma source(%arg12 : memref<2048xf32, #tpu.memory_space<vmem>>) target(%dma_start3A_562 : memref<2048xf32, #tpu.memory_space<hbm>>) target_semaphore(%arg17 : memref<!tpu.dma_semaphore, #tpu.memory_space<semaphore_mem>>)
    %dma_start3A_563 = arith.constant 57344 : i32
    %dma_start3A_564 = tpu.memref_slice %arg2[%dma_start3A_563] : memref<65536xi32, #tpu.memory_space<hbm>> -> memref<8192xi32, #tpu.memory_space<hbm>>
    %dma_start3A_565 = arith.constant 57344 : i32
    %dma_start3A_566 = tpu.memref_slice %arg2[%dma_start3A_565] : memref<65536xi32, #tpu.memory_space<hbm>> -> memref<8192xi32, #tpu.memory_space<hbm>>
    tpu.enqueue_dma source(%dma_start3A_566 : memref<8192xi32, #tpu.memory_space<hbm>>) target(%arg8 : memref<8192xi32, #tpu.memory_space<vmem>>) target_semaphore(%arg15 : memref<!tpu.dma_semaphore, #tpu.memory_space<semaphore_mem>>)
    %dma_start3A_567 = arith.constant 7 : i32
    %dma_start3A_568 = arith.constant 0 : i32
    %dma_start3A_569 = tpu.memref_slice %arg3[%dma_start3A_567, %add3A_325, %dma_start3A_568] : memref<8x64x2048xf32, #tpu.memory_space<hbm>> -> memref<1x1x2048xf32, #tpu.memory_space<hbm>>
    %dma_start3A_570 = tpu.memref_squeeze %dma_start3A_569 : memref<1x1x2048xf32, #tpu.memory_space<hbm>> -> memref<2048xf32, #tpu.memory_space<hbm>>
    %dma_start3A_571 = arith.constant 0 : i32
    %dma_start3A_572 = tpu.memref_slice %arg3[%dma_start3A_567, %add3A_325, %dma_start3A_571] : memref<8x64x2048xf32, #tpu.memory_space<hbm>> -> memref<1x1x2048xf32, #tpu.memory_space<hbm>>
    %dma_start3A_573 = tpu.memref_squeeze %dma_start3A_572 : memref<1x1x2048xf32, #tpu.memory_space<hbm>> -> memref<2048xf32, #tpu.memory_space<hbm>>
    tpu.enqueue_dma source(%dma_start3A_573 : memref<2048xf32, #tpu.memory_space<hbm>>) target(%arg10 : memref<2048xf32, #tpu.memory_space<vmem>>) target_semaphore(%arg15 : memref<!tpu.dma_semaphore, #tpu.memory_space<semaphore_mem>>)
    %dma_wait3A_574 = arith.constant 4 : i32
    %dma_wait3A_575 = arith.constant 0 : i32
    %dma_wait3A_576 = tpu.memref_slice %arg5[%dma_wait3A_574, %add3A_325, %dma_wait3A_575] : memref<8x64x2048xf32, #tpu.memory_space<hbm>> -> memref<1x1x2048xf32, #tpu.memory_space<hbm>>
    %dma_wait3A_577 = tpu.memref_squeeze %dma_wait3A_576 : memref<1x1x2048xf32, #tpu.memory_space<hbm>> -> memref<2048xf32, #tpu.memory_space<hbm>>
    %dma_wait3A_578 = arith.constant 0 : i32
    %dma_wait3A_579 = tpu.memref_slice %arg5[%dma_wait3A_574, %add3A_325, %dma_wait3A_578] : memref<8x64x2048xf32, #tpu.memory_space<hbm>> -> memref<1x1x2048xf32, #tpu.memory_space<hbm>>
    %dma_wait3A_580 = tpu.memref_squeeze %dma_wait3A_579 : memref<1x1x2048xf32, #tpu.memory_space<hbm>> -> memref<2048xf32, #tpu.memory_space<hbm>>
    tpu.wait_dma2 semaphore(%arg16 : memref<!tpu.dma_semaphore, #tpu.memory_space<semaphore_mem>>) src(%arg11 : memref<2048xf32, #tpu.memory_space<vmem>>) dst(%dma_wait3A_580 : memref<2048xf32, #tpu.memory_space<hbm>>)
    %dma_wait3A_581 = arith.constant 49152 : i32
    %dma_wait3A_582 = tpu.memref_slice %arg2[%dma_wait3A_581] : memref<65536xi32, #tpu.memory_space<hbm>> -> memref<8192xi32, #tpu.memory_space<hbm>>
    %dma_wait3A_583 = arith.constant 49152 : i32
    %dma_wait3A_584 = tpu.memref_slice %arg2[%dma_wait3A_583] : memref<65536xi32, #tpu.memory_space<hbm>> -> memref<8192xi32, #tpu.memory_space<hbm>>
    tpu.wait_dma2 semaphore(%arg14 : memref<!tpu.dma_semaphore, #tpu.memory_space<semaphore_mem>>) src(%dma_wait3A_584 : memref<8192xi32, #tpu.memory_space<hbm>>) dst(%arg7 : memref<8192xi32, #tpu.memory_space<vmem>>)
    %dma_wait3A_585 = arith.constant 6 : i32
    %dma_wait3A_586 = arith.constant 0 : i32
    %dma_wait3A_587 = tpu.memref_slice %arg3[%dma_wait3A_585, %add3A_325, %dma_wait3A_586] : memref<8x64x2048xf32, #tpu.memory_space<hbm>> -> memref<1x1x2048xf32, #tpu.memory_space<hbm>>
    %dma_wait3A_588 = tpu.memref_squeeze %dma_wait3A_587 : memref<1x1x2048xf32, #tpu.memory_space<hbm>> -> memref<2048xf32, #tpu.memory_space<hbm>>
    %dma_wait3A_589 = arith.constant 0 : i32
    %dma_wait3A_590 = tpu.memref_slice %arg3[%dma_wait3A_585, %add3A_325, %dma_wait3A_589] : memref<8x64x2048xf32, #tpu.memory_space<hbm>> -> memref<1x1x2048xf32, #tpu.memory_space<hbm>>
    %dma_wait3A_591 = tpu.memref_squeeze %dma_wait3A_590 : memref<1x1x2048xf32, #tpu.memory_space<hbm>> -> memref<2048xf32, #tpu.memory_space<hbm>>
    tpu.wait_dma2 semaphore(%arg14 : memref<!tpu.dma_semaphore, #tpu.memory_space<semaphore_mem>>) src(%dma_wait3A_591 : memref<2048xf32, #tpu.memory_space<hbm>>) dst(%arg9 : memref<2048xf32, #tpu.memory_space<vmem>>)
    %parallel_loop3A_592 = arith.constant 0 : i32
    %parallel_loop3A_593 = arith.constant 2048 : i32
    %parallel_loop3A_594 = arith.constant 16 : i32
    %parallel_loop3A_595 = arith.constant -65536 : i32
    scf.for %parallel_loop3A_646 = %parallel_loop3A_592 to %parallel_loop3A_593 step %parallel_loop3A_594  : i32 {
      %parallel_loop3A_647 = arith.constant 0 : i32
      %parallel_loop3A_648 = arith.addi %parallel_loop3A_647, %parallel_loop3A_646 : i32
      %parallel_loop3A_649 = arith.index_cast %parallel_loop3A_648 : i32 to index
      %parallel_loop3A_650 = tpu.vector_load %arg7[%parallel_loop3A_649] {strides = array<i32>} : memref<8192xi32, #tpu.memory_space<vmem>>, vector<16xi32>,
      %parallel_loop3A_651 = tpu.vector_load_idx %arg6[%parallel_loop3A_650] : memref<65536xi32, #tpu.memory_space<vmem>>[vector<16xi32>], vector<16xi32>,
      %parallel_loop3A_652 = vector.broadcast %parallel_loop3A_595 : i32 to vector<16xi32>
      %parallel_loop3A_653 = arith.andi %parallel_loop3A_651, %parallel_loop3A_652 : vector<16xi32>
      %parallel_loop3A_654 = vector.bitcast %parallel_loop3A_653 : vector<16xi32> to vector<16xf32>
      %parallel_loop3A_655 = arith.constant 2048 : i32
      %parallel_loop3A_656 = arith.addi %parallel_loop3A_655, %parallel_loop3A_646 : i32
      %parallel_loop3A_657 = arith.index_cast %parallel_loop3A_656 : i32 to index
      %parallel_loop3A_658 = tpu.vector_load %arg7[%parallel_loop3A_657] {strides = array<i32>} : memref<8192xi32, #tpu.memory_space<vmem>>, vector<16xi32>,
      %parallel_loop3A_659 = tpu.vector_load_idx %arg6[%parallel_loop3A_658] : memref<65536xi32, #tpu.memory_space<vmem>>[vector<16xi32>], vector<16xi32>,
      %parallel_loop3A_660 = vector.broadcast %parallel_loop3A_595 : i32 to vector<16xi32>
      %parallel_loop3A_661 = arith.andi %parallel_loop3A_659, %parallel_loop3A_660 : vector<16xi32>
      %parallel_loop3A_662 = vector.bitcast %parallel_loop3A_661 : vector<16xi32> to vector<16xf32>
      %parallel_loop3A_663 = arith.addf %parallel_loop3A_654, %parallel_loop3A_662 : vector<16xf32>
      %parallel_loop3A_664 = arith.constant 4096 : i32
      %parallel_loop3A_665 = arith.addi %parallel_loop3A_664, %parallel_loop3A_646 : i32
      %parallel_loop3A_666 = arith.index_cast %parallel_loop3A_665 : i32 to index
      %parallel_loop3A_667 = tpu.vector_load %arg7[%parallel_loop3A_666] {strides = array<i32>} : memref<8192xi32, #tpu.memory_space<vmem>>, vector<16xi32>,
      %parallel_loop3A_668 = tpu.vector_load_idx %arg6[%parallel_loop3A_667] : memref<65536xi32, #tpu.memory_space<vmem>>[vector<16xi32>], vector<16xi32>,
      %parallel_loop3A_669 = vector.broadcast %parallel_loop3A_595 : i32 to vector<16xi32>
      %parallel_loop3A_670 = arith.andi %parallel_loop3A_668, %parallel_loop3A_669 : vector<16xi32>
      %parallel_loop3A_671 = vector.bitcast %parallel_loop3A_670 : vector<16xi32> to vector<16xf32>
      %parallel_loop3A_672 = arith.addf %parallel_loop3A_663, %parallel_loop3A_671 : vector<16xf32>
      %parallel_loop3A_673 = arith.constant 6144 : i32
      %parallel_loop3A_674 = arith.addi %parallel_loop3A_673, %parallel_loop3A_646 : i32
      %parallel_loop3A_675 = arith.index_cast %parallel_loop3A_674 : i32 to index
      %parallel_loop3A_676 = tpu.vector_load %arg7[%parallel_loop3A_675] {strides = array<i32>} : memref<8192xi32, #tpu.memory_space<vmem>>, vector<16xi32>,
      %parallel_loop3A_677 = tpu.vector_load_idx %arg6[%parallel_loop3A_676] : memref<65536xi32, #tpu.memory_space<vmem>>[vector<16xi32>], vector<16xi32>,
      %parallel_loop3A_678 = vector.broadcast %parallel_loop3A_595 : i32 to vector<16xi32>
      %parallel_loop3A_679 = arith.andi %parallel_loop3A_677, %parallel_loop3A_678 : vector<16xi32>
      %parallel_loop3A_680 = vector.bitcast %parallel_loop3A_679 : vector<16xi32> to vector<16xf32>
      %parallel_loop3A_681 = arith.addf %parallel_loop3A_672, %parallel_loop3A_680 : vector<16xf32>
      %parallel_loop3A_682 = arith.index_cast %parallel_loop3A_646 : i32 to index
      %parallel_loop3A_683 = tpu.vector_load %arg9[%parallel_loop3A_682] {strides = array<i32>} : memref<2048xf32, #tpu.memory_space<vmem>>, vector<16xf32>,
      %parallel_loop3A_684 = arith.mulf %parallel_loop3A_681, %parallel_loop3A_683 : vector<16xf32>
      %parallel_loop3A_685 = arith.index_cast %parallel_loop3A_646 : i32 to index
      %parallel_loop3A_686 = tpu.vector_load %arg11[%parallel_loop3A_685] {strides = array<i32>} : memref<2048xf32, #tpu.memory_space<vmem>>, vector<16xf32>,
      tpu.vector_store %arg11[%parallel_loop3A_685], %parallel_loop3A_684 {strides = array<i32>} : memref<2048xf32, #tpu.memory_space<vmem>>, vector<16xf32>,
    } {sc.loop_unroll_factor = 8 : i64, sc.parallel_access}
    %dma_start3A_596 = arith.constant 6 : i32
    %dma_start3A_597 = arith.constant 0 : i32
    %dma_start3A_598 = tpu.memref_slice %arg5[%dma_start3A_596, %add3A_325, %dma_start3A_597] : memref<8x64x2048xf32, #tpu.memory_space<hbm>> -> memref<1x1x2048xf32, #tpu.memory_space<hbm>>
    %dma_start3A_599 = tpu.memref_squeeze %dma_start3A_598 : memref<1x1x2048xf32, #tpu.memory_space<hbm>> -> memref<2048xf32, #tpu.memory_space<hbm>>
    %dma_start3A_600 = arith.constant 0 : i32
    %dma_start3A_601 = tpu.memref_slice %arg5[%dma_start3A_596, %add3A_325, %dma_start3A_600] : memref<8x64x2048xf32, #tpu.memory_space<hbm>> -> memref<1x1x2048xf32, #tpu.memory_space<hbm>>
    %dma_start3A_602 = tpu.memref_squeeze %dma_start3A_601 : memref<1x1x2048xf32, #tpu.memory_space<hbm>> -> memref<2048xf32, #tpu.memory_space<hbm>>
    tpu.enqueue_dma source(%arg11 : memref<2048xf32, #tpu.memory_space<vmem>>) target(%dma_start3A_602 : memref<2048xf32, #tpu.memory_space<hbm>>) target_semaphore(%arg16 : memref<!tpu.dma_semaphore, #tpu.memory_space<semaphore_mem>>)
    %dma_wait3A_603 = arith.constant 5 : i32
    %dma_wait3A_604 = arith.constant 0 : i32
    %dma_wait3A_605 = tpu.memref_slice %arg5[%dma_wait3A_603, %add3A_325, %dma_wait3A_604] : memref<8x64x2048xf32, #tpu.memory_space<hbm>> -> memref<1x1x2048xf32, #tpu.memory_space<hbm>>
    %dma_wait3A_606 = tpu.memref_squeeze %dma_wait3A_605 : memref<1x1x2048xf32, #tpu.memory_space<hbm>> -> memref<2048xf32, #tpu.memory_space<hbm>>
    %dma_wait3A_607 = arith.constant 0 : i32
    %dma_wait3A_608 = tpu.memref_slice %arg5[%dma_wait3A_603, %add3A_325, %dma_wait3A_607] : memref<8x64x2048xf32, #tpu.memory_space<hbm>> -> memref<1x1x2048xf32, #tpu.memory_space<hbm>>
    %dma_wait3A_609 = tpu.memref_squeeze %dma_wait3A_608 : memref<1x1x2048xf32, #tpu.memory_space<hbm>> -> memref<2048xf32, #tpu.memory_space<hbm>>
    tpu.wait_dma2 semaphore(%arg17 : memref<!tpu.dma_semaphore, #tpu.memory_space<semaphore_mem>>) src(%arg12 : memref<2048xf32, #tpu.memory_space<vmem>>) dst(%dma_wait3A_609 : memref<2048xf32, #tpu.memory_space<hbm>>)
    %dma_wait3A_610 = arith.constant 57344 : i32
    %dma_wait3A_611 = tpu.memref_slice %arg2[%dma_wait3A_610] : memref<65536xi32, #tpu.memory_space<hbm>> -> memref<8192xi32, #tpu.memory_space<hbm>>
    %dma_wait3A_612 = arith.constant 57344 : i32
    %dma_wait3A_613 = tpu.memref_slice %arg2[%dma_wait3A_612] : memref<65536xi32, #tpu.memory_space<hbm>> -> memref<8192xi32, #tpu.memory_space<hbm>>
    tpu.wait_dma2 semaphore(%arg15 : memref<!tpu.dma_semaphore, #tpu.memory_space<semaphore_mem>>) src(%dma_wait3A_613 : memref<8192xi32, #tpu.memory_space<hbm>>) dst(%arg8 : memref<8192xi32, #tpu.memory_space<vmem>>)
    %dma_wait3A_614 = arith.constant 7 : i32
    %dma_wait3A_615 = arith.constant 0 : i32
    %dma_wait3A_616 = tpu.memref_slice %arg3[%dma_wait3A_614, %add3A_325, %dma_wait3A_615] : memref<8x64x2048xf32, #tpu.memory_space<hbm>> -> memref<1x1x2048xf32, #tpu.memory_space<hbm>>
    %dma_wait3A_617 = tpu.memref_squeeze %dma_wait3A_616 : memref<1x1x2048xf32, #tpu.memory_space<hbm>> -> memref<2048xf32, #tpu.memory_space<hbm>>
    %dma_wait3A_618 = arith.constant 0 : i32
    %dma_wait3A_619 = tpu.memref_slice %arg3[%dma_wait3A_614, %add3A_325, %dma_wait3A_618] : memref<8x64x2048xf32, #tpu.memory_space<hbm>> -> memref<1x1x2048xf32, #tpu.memory_space<hbm>>
    %dma_wait3A_620 = tpu.memref_squeeze %dma_wait3A_619 : memref<1x1x2048xf32, #tpu.memory_space<hbm>> -> memref<2048xf32, #tpu.memory_space<hbm>>
    tpu.wait_dma2 semaphore(%arg15 : memref<!tpu.dma_semaphore, #tpu.memory_space<semaphore_mem>>) src(%dma_wait3A_620 : memref<2048xf32, #tpu.memory_space<hbm>>) dst(%arg10 : memref<2048xf32, #tpu.memory_space<vmem>>)
    %parallel_loop3A_621 = arith.constant 0 : i32
    %parallel_loop3A_622 = arith.constant 2048 : i32
    %parallel_loop3A_623 = arith.constant 16 : i32
    %parallel_loop3A_624 = arith.constant -65536 : i32
    scf.for %parallel_loop3A_646 = %parallel_loop3A_621 to %parallel_loop3A_622 step %parallel_loop3A_623  : i32 {
      %parallel_loop3A_647 = arith.constant 0 : i32
      %parallel_loop3A_648 = arith.addi %parallel_loop3A_647, %parallel_loop3A_646 : i32
      %parallel_loop3A_649 = arith.index_cast %parallel_loop3A_648 : i32 to index
      %parallel_loop3A_650 = tpu.vector_load %arg8[%parallel_loop3A_649] {strides = array<i32>} : memref<8192xi32, #tpu.memory_space<vmem>>, vector<16xi32>,
      %parallel_loop3A_651 = tpu.vector_load_idx %arg6[%parallel_loop3A_650] : memref<65536xi32, #tpu.memory_space<vmem>>[vector<16xi32>], vector<16xi32>,
      %parallel_loop3A_652 = vector.broadcast %parallel_loop3A_624 : i32 to vector<16xi32>
      %parallel_loop3A_653 = arith.andi %parallel_loop3A_651, %parallel_loop3A_652 : vector<16xi32>
      %parallel_loop3A_654 = vector.bitcast %parallel_loop3A_653 : vector<16xi32> to vector<16xf32>
      %parallel_loop3A_655 = arith.constant 2048 : i32
      %parallel_loop3A_656 = arith.addi %parallel_loop3A_655, %parallel_loop3A_646 : i32
      %parallel_loop3A_657 = arith.index_cast %parallel_loop3A_656 : i32 to index
      %parallel_loop3A_658 = tpu.vector_load %arg8[%parallel_loop3A_657] {strides = array<i32>} : memref<8192xi32, #tpu.memory_space<vmem>>, vector<16xi32>,
      %parallel_loop3A_659 = tpu.vector_load_idx %arg6[%parallel_loop3A_658] : memref<65536xi32, #tpu.memory_space<vmem>>[vector<16xi32>], vector<16xi32>,
      %parallel_loop3A_660 = vector.broadcast %parallel_loop3A_624 : i32 to vector<16xi32>
      %parallel_loop3A_661 = arith.andi %parallel_loop3A_659, %parallel_loop3A_660 : vector<16xi32>
      %parallel_loop3A_662 = vector.bitcast %parallel_loop3A_661 : vector<16xi32> to vector<16xf32>
      %parallel_loop3A_663 = arith.addf %parallel_loop3A_654, %parallel_loop3A_662 : vector<16xf32>
      %parallel_loop3A_664 = arith.constant 4096 : i32
      %parallel_loop3A_665 = arith.addi %parallel_loop3A_664, %parallel_loop3A_646 : i32
      %parallel_loop3A_666 = arith.index_cast %parallel_loop3A_665 : i32 to index
      %parallel_loop3A_667 = tpu.vector_load %arg8[%parallel_loop3A_666] {strides = array<i32>} : memref<8192xi32, #tpu.memory_space<vmem>>, vector<16xi32>,
      %parallel_loop3A_668 = tpu.vector_load_idx %arg6[%parallel_loop3A_667] : memref<65536xi32, #tpu.memory_space<vmem>>[vector<16xi32>], vector<16xi32>,
      %parallel_loop3A_669 = vector.broadcast %parallel_loop3A_624 : i32 to vector<16xi32>
      %parallel_loop3A_670 = arith.andi %parallel_loop3A_668, %parallel_loop3A_669 : vector<16xi32>
      %parallel_loop3A_671 = vector.bitcast %parallel_loop3A_670 : vector<16xi32> to vector<16xf32>
      %parallel_loop3A_672 = arith.addf %parallel_loop3A_663, %parallel_loop3A_671 : vector<16xf32>
      %parallel_loop3A_673 = arith.constant 6144 : i32
      %parallel_loop3A_674 = arith.addi %parallel_loop3A_673, %parallel_loop3A_646 : i32
      %parallel_loop3A_675 = arith.index_cast %parallel_loop3A_674 : i32 to index
      %parallel_loop3A_676 = tpu.vector_load %arg8[%parallel_loop3A_675] {strides = array<i32>} : memref<8192xi32, #tpu.memory_space<vmem>>, vector<16xi32>,
      %parallel_loop3A_677 = tpu.vector_load_idx %arg6[%parallel_loop3A_676] : memref<65536xi32, #tpu.memory_space<vmem>>[vector<16xi32>], vector<16xi32>,
      %parallel_loop3A_678 = vector.broadcast %parallel_loop3A_624 : i32 to vector<16xi32>
      %parallel_loop3A_679 = arith.andi %parallel_loop3A_677, %parallel_loop3A_678 : vector<16xi32>
      %parallel_loop3A_680 = vector.bitcast %parallel_loop3A_679 : vector<16xi32> to vector<16xf32>
      %parallel_loop3A_681 = arith.addf %parallel_loop3A_672, %parallel_loop3A_680 : vector<16xf32>
      %parallel_loop3A_682 = arith.index_cast %parallel_loop3A_646 : i32 to index
      %parallel_loop3A_683 = tpu.vector_load %arg10[%parallel_loop3A_682] {strides = array<i32>} : memref<2048xf32, #tpu.memory_space<vmem>>, vector<16xf32>,
      %parallel_loop3A_684 = arith.mulf %parallel_loop3A_681, %parallel_loop3A_683 : vector<16xf32>
      %parallel_loop3A_685 = arith.index_cast %parallel_loop3A_646 : i32 to index
      %parallel_loop3A_686 = tpu.vector_load %arg12[%parallel_loop3A_685] {strides = array<i32>} : memref<2048xf32, #tpu.memory_space<vmem>>, vector<16xf32>,
      tpu.vector_store %arg12[%parallel_loop3A_685], %parallel_loop3A_684 {strides = array<i32>} : memref<2048xf32, #tpu.memory_space<vmem>>, vector<16xf32>,
    } {sc.loop_unroll_factor = 8 : i64, sc.parallel_access}
    %dma_start3A_625 = arith.constant 7 : i32
    %dma_start3A_626 = arith.constant 0 : i32
    %dma_start3A_627 = tpu.memref_slice %arg5[%dma_start3A_625, %add3A_325, %dma_start3A_626] : memref<8x64x2048xf32, #tpu.memory_space<hbm>> -> memref<1x1x2048xf32, #tpu.memory_space<hbm>>
    %dma_start3A_628 = tpu.memref_squeeze %dma_start3A_627 : memref<1x1x2048xf32, #tpu.memory_space<hbm>> -> memref<2048xf32, #tpu.memory_space<hbm>>
    %dma_start3A_629 = arith.constant 0 : i32
    %dma_start3A_630 = tpu.memref_slice %arg5[%dma_start3A_625, %add3A_325, %dma_start3A_629] : memref<8x64x2048xf32, #tpu.memory_space<hbm>> -> memref<1x1x2048xf32, #tpu.memory_space<hbm>>
    %dma_start3A_631 = tpu.memref_squeeze %dma_start3A_630 : memref<1x1x2048xf32, #tpu.memory_space<hbm>> -> memref<2048xf32, #tpu.memory_space<hbm>>
    tpu.enqueue_dma source(%arg12 : memref<2048xf32, #tpu.memory_space<vmem>>) target(%dma_start3A_631 : memref<2048xf32, #tpu.memory_space<hbm>>) target_semaphore(%arg17 : memref<!tpu.dma_semaphore, #tpu.memory_space<semaphore_mem>>)
    %dma_wait3A_632 = arith.constant 6 : i32
    %dma_wait3A_633 = arith.constant 0 : i32
    %dma_wait3A_634 = tpu.memref_slice %arg5[%dma_wait3A_632, %add3A_325, %dma_wait3A_633] : memref<8x64x2048xf32, #tpu.memory_space<hbm>> -> memref<1x1x2048xf32, #tpu.memory_space<hbm>>
    %dma_wait3A_635 = tpu.memref_squeeze %dma_wait3A_634 : memref<1x1x2048xf32, #tpu.memory_space<hbm>> -> memref<2048xf32, #tpu.memory_space<hbm>>
    %dma_wait3A_636 = arith.constant 0 : i32
    %dma_wait3A_637 = tpu.memref_slice %arg5[%dma_wait3A_632, %add3A_325, %dma_wait3A_636] : memref<8x64x2048xf32, #tpu.memory_space<hbm>> -> memref<1x1x2048xf32, #tpu.memory_space<hbm>>
    %dma_wait3A_638 = tpu.memref_squeeze %dma_wait3A_637 : memref<1x1x2048xf32, #tpu.memory_space<hbm>> -> memref<2048xf32, #tpu.memory_space<hbm>>
    tpu.wait_dma2 semaphore(%arg16 : memref<!tpu.dma_semaphore, #tpu.memory_space<semaphore_mem>>) src(%arg11 : memref<2048xf32, #tpu.memory_space<vmem>>) dst(%dma_wait3A_638 : memref<2048xf32, #tpu.memory_space<hbm>>)
    %dma_wait3A_639 = arith.constant 7 : i32
    %dma_wait3A_640 = arith.constant 0 : i32
    %dma_wait3A_641 = tpu.memref_slice %arg5[%dma_wait3A_639, %add3A_325, %dma_wait3A_640] : memref<8x64x2048xf32, #tpu.memory_space<hbm>> -> memref<1x1x2048xf32, #tpu.memory_space<hbm>>
    %dma_wait3A_642 = tpu.memref_squeeze %dma_wait3A_641 : memref<1x1x2048xf32, #tpu.memory_space<hbm>> -> memref<2048xf32, #tpu.memory_space<hbm>>
    %dma_wait3A_643 = arith.constant 0 : i32
    %dma_wait3A_644 = tpu.memref_slice %arg5[%dma_wait3A_639, %add3A_325, %dma_wait3A_643] : memref<8x64x2048xf32, #tpu.memory_space<hbm>> -> memref<1x1x2048xf32, #tpu.memory_space<hbm>>
    %dma_wait3A_645 = tpu.memref_squeeze %dma_wait3A_644 : memref<1x1x2048xf32, #tpu.memory_space<hbm>> -> memref<2048xf32, #tpu.memory_space<hbm>>
    tpu.wait_dma2 semaphore(%arg17 : memref<!tpu.dma_semaphore, #tpu.memory_space<semaphore_mem>>) src(%arg12 : memref<2048xf32, #tpu.memory_space<vmem>>) dst(%dma_wait3A_645 : memref<2048xf32, #tpu.memory_space<hbm>>)
    return
  }
}

module attributes {stable_mosaic.version = 14 : i64} {
  func.func @_mean_pack_body(%arg0: i32, %arg1: memref<8x64x4096xf32, #tpu.memory_space<vmem>>, %arg2: memref<32x4096xi32, #tpu.memory_space<vmem>>) attributes {dimension_semantics = [#tpu.dimension_semantics<arbitrary>], iteration_bounds = array<i64: 16>, scalar_prefetch = 0 : i64, scratch_operands = 0 : i64, tpu.core_type = #tpu.core_type<tc>, window_params = [{transform_indices = @transform_0, window_bounds = array<i64: 8, 64, 4096>}, {transform_indices = @transform_1, window_bounds = array<i64: 32, 4096>}]} {
    %get3A = arith.constant 0 : index
    %get3A_0 = arith.constant 0 : index
    %get3A_1 = arith.constant 0 : index
    %get3A_2 = vector.load %arg1[%get3A, %get3A_0, %get3A_1] : memref<8x64x4096xf32, #tpu.memory_space<vmem>>, vector<1x64x4096xf32>
    %get3A_3 = vector.shape_cast %get3A_2 : vector<1x64x4096xf32> to vector<64x4096xf32>
    %get3A_4 = arith.constant 1 : index
    %get3A_5 = arith.constant 0 : index
    %get3A_6 = arith.constant 0 : index
    %get3A_7 = vector.load %arg1[%get3A_4, %get3A_5, %get3A_6] : memref<8x64x4096xf32, #tpu.memory_space<vmem>>, vector<1x64x4096xf32>
    %get3A_8 = vector.shape_cast %get3A_7 : vector<1x64x4096xf32> to vector<64x4096xf32>
    %add3A = arith.addf %get3A_3, %get3A_8 : vector<64x4096xf32>
    %get3A_9 = arith.constant 2 : index
    %get3A_10 = arith.constant 0 : index
    %get3A_11 = arith.constant 0 : index
    %get3A_12 = vector.load %arg1[%get3A_9, %get3A_10, %get3A_11] : memref<8x64x4096xf32, #tpu.memory_space<vmem>>, vector<1x64x4096xf32>
    %get3A_13 = vector.shape_cast %get3A_12 : vector<1x64x4096xf32> to vector<64x4096xf32>
    %add3A_14 = arith.addf %add3A, %get3A_13 : vector<64x4096xf32>
    %get3A_15 = arith.constant 3 : index
    %get3A_16 = arith.constant 0 : index
    %get3A_17 = arith.constant 0 : index
    %get3A_18 = vector.load %arg1[%get3A_15, %get3A_16, %get3A_17] : memref<8x64x4096xf32, #tpu.memory_space<vmem>>, vector<1x64x4096xf32>
    %get3A_19 = vector.shape_cast %get3A_18 : vector<1x64x4096xf32> to vector<64x4096xf32>
    %add3A_20 = arith.addf %add3A_14, %get3A_19 : vector<64x4096xf32>
    %get3A_21 = arith.constant 4 : index
    %get3A_22 = arith.constant 0 : index
    %get3A_23 = arith.constant 0 : index
    %get3A_24 = vector.load %arg1[%get3A_21, %get3A_22, %get3A_23] : memref<8x64x4096xf32, #tpu.memory_space<vmem>>, vector<1x64x4096xf32>
    %get3A_25 = vector.shape_cast %get3A_24 : vector<1x64x4096xf32> to vector<64x4096xf32>
    %add3A_26 = arith.addf %add3A_20, %get3A_25 : vector<64x4096xf32>
    %get3A_27 = arith.constant 5 : index
    %get3A_28 = arith.constant 0 : index
    %get3A_29 = arith.constant 0 : index
    %get3A_30 = vector.load %arg1[%get3A_27, %get3A_28, %get3A_29] : memref<8x64x4096xf32, #tpu.memory_space<vmem>>, vector<1x64x4096xf32>
    %get3A_31 = vector.shape_cast %get3A_30 : vector<1x64x4096xf32> to vector<64x4096xf32>
    %add3A_32 = arith.addf %add3A_26, %get3A_31 : vector<64x4096xf32>
    %get3A_33 = arith.constant 6 : index
    %get3A_34 = arith.constant 0 : index
    %get3A_35 = arith.constant 0 : index
    %get3A_36 = vector.load %arg1[%get3A_33, %get3A_34, %get3A_35] : memref<8x64x4096xf32, #tpu.memory_space<vmem>>, vector<1x64x4096xf32>
    %get3A_37 = vector.shape_cast %get3A_36 : vector<1x64x4096xf32> to vector<64x4096xf32>
    %add3A_38 = arith.addf %add3A_32, %get3A_37 : vector<64x4096xf32>
    %get3A_39 = arith.constant 7 : index
    %get3A_40 = arith.constant 0 : index
    %get3A_41 = arith.constant 0 : index
    %get3A_42 = vector.load %arg1[%get3A_39, %get3A_40, %get3A_41] : memref<8x64x4096xf32, #tpu.memory_space<vmem>>, vector<1x64x4096xf32>
    %get3A_43 = vector.shape_cast %get3A_42 : vector<1x64x4096xf32> to vector<64x4096xf32>
    %add3A_44 = arith.addf %add3A_38, %get3A_43 : vector<64x4096xf32>
    %mul3A = arith.constant 1.250000e-01 : f32
    %mul3A_45 = vector.broadcast %mul3A : f32 to vector<64x4096xf32>
    %mul3A_46 = arith.mulf %add3A_44, %mul3A_45 : vector<64x4096xf32>
    %bitcast_convert_type3A = tpu.bitcast %mul3A_46 : vector<64x4096xf32> -> vector<64x4096xi32>
    %add3A_47 = arith.constant 32767 : i32
    %add3A_48 = vector.broadcast %add3A_47 : i32 to vector<64x4096xi32>
    %add3A_49 = arith.addi %bitcast_convert_type3A, %add3A_48 : vector<64x4096xi32>
    %shift_right_logical3A = arith.constant 16 : i32
    %shift_right_logical3A_50 = vector.broadcast %shift_right_logical3A : i32 to vector<64x4096xi32>
    %shift_right_logical3A_51 = arith.shrui %bitcast_convert_type3A, %shift_right_logical3A_50 : vector<64x4096xi32>
    %and3A = arith.constant 1 : i32
    %and3A_52 = vector.broadcast %and3A : i32 to vector<64x4096xi32>
    %and3A_53 = arith.andi %shift_right_logical3A_51, %and3A_52 : vector<64x4096xi32>
    %add3A_54 = arith.addi %add3A_49, %and3A_53 : vector<64x4096xi32>
    %shift_right_logical3A_55 = arith.constant 16 : i32
    %shift_right_logical3A_56 = vector.broadcast %shift_right_logical3A_55 : i32 to vector<64x4096xi32>
    %shift_right_logical3A_57 = arith.shrui %add3A_54, %shift_right_logical3A_56 : vector<64x4096xi32>
    %slice3A = vector.extract_strided_slice %shift_right_logical3A_57 {offsets = [0, 0], sizes = [32, 4096], strides = [1, 1]} : vector<64x4096xi32> to vector<32x4096xi32>
    %slice3A_58 = vector.extract_strided_slice %shift_right_logical3A_57 {offsets = [32, 0], sizes = [32, 4096], strides = [1, 1]} : vector<64x4096xi32> to vector<32x4096xi32>
    %shift_left3A = arith.constant 16 : i32
    %shift_left3A_59 = vector.broadcast %shift_left3A : i32 to vector<32x4096xi32>
    %shift_left3A_60 = arith.shli %slice3A_58, %shift_left3A_59 : vector<32x4096xi32>
    %or3A = arith.ori %slice3A, %shift_left3A_60 : vector<32x4096xi32>
    %bitcast_convert_type3A_61 = tpu.bitcast %or3A : vector<32x4096xi32> -> vector<32x4096xi32>
    %swap3A = arith.constant 0 : index
    %swap3A_62 = arith.constant 0 : index
    %swap3A_63 = vector.load %arg2[%swap3A, %swap3A_62] : memref<32x4096xi32, #tpu.memory_space<vmem>>, vector<32x4096xi32>
    tpu.vector_store %arg2[%swap3A, %swap3A_62], %bitcast_convert_type3A_61 {strides = array<i32>} : memref<32x4096xi32, #tpu.memory_space<vmem>>, vector<32x4096xi32>,
    return
  }
  func.func @transform_0(%arg0: i32) -> (i32, i32, i32) {
    %c0_i32 = arith.constant 0 : i32
    %c0_i32_0 = arith.constant 0 : i32
    %c0_i32_1 = arith.constant 0 : i32
    return %c0_i32, %c0_i32_0, %arg0 : i32, i32, i32
  }
  func.func @transform_1(%arg0: i32) -> (i32, i32) {
    %c0_i32 = arith.constant 0 : i32
    %c0_i32_0 = arith.constant 0 : i32
    return %c0_i32, %arg0 : i32, i32
  }
}

</mosaic_0001>

<sc_bundles>
// kernel: _run.4.cloned.1.call-start
scs
__scs_entry_jumppad:
0x0: {  	(pc) =	sbr.rel $0x88, $3  }
0x1: {  	(tag) =	ssettag $0x0;
	lr =	simm.s32 $0x1  }
0x2: {  	[smem:$0x3F9E] =	sst lr;
	_ =	strace $0xD0000000  }
0x3: {  	_ = 	snop  }
0x4: {  	_ = 	snop  }
0x5: {  	_ = 	snop  }
0x6: {  	_ = 	snop  }
0x7: {  	_ = 	snop  }
__scs_overlays_trampoline_lowered:
0x8: {  	[smem:$0x3FAD] =	sst s0  }
0x9: {  	[smem:$0x3FAE] =	sst s1  }
0xa: {  	[smem:$0x3FAF] =	sst s2  }
0xb: {  	[smem:$0x3FB0] =	sst s3  }
0xc: {  	[smem:$0x3FB1] =	sst s4  }
0xd: {  	[smem:$0x3FB2] =	sst s5  }
0xe: {  	[smem:$0x3FB3] =	sst s6  }
0xf: {  	[smem:$0x3FB4] =	sst s7  }
0x10: {  	[smem:$0x3FB5] =	sst s8  }
0x11: {  	[smem:$0x3FB6] =	sst s9;
	s0 =	simm.s32 @!p0 $0x0  }
0x12: {  	s1 =	sld [smem:$0x3F9C];
	s0 =	simm.s32 @p0 $0x1  }
0x13: {  	[smem:$0x3FB7] =	sst s0;
	s0 =	simm.s32 @!p1 $0x0  }
0x14: {  	s2 =	sld [smem:$0x3F9B];
	s0 =	simm.s32 @p1 $0x1  }
0x15: {  	[smem:$0x3FB8] =	sst s0;
	s0 =	simm.s32 @!p2 $0x0  }
0x16: {  	s3 =	sld [smem:$0x3FDB];
	s0 =	simm.s32 @p2 $0x1  }
0x17: {  	s4 =	simm.s32 $0x1BF5;
	[smem:$0x3FBA] =	sst s0  }
0x18: {  	s0 =	sld [smem:$0x3F9D];
	_ =	swait.ge [sflag:s4], $0x0  }
0x19: {  	s7 =	sld [smem:$0x3F9E]  }
0x1a: {  	s8 =	sadd.s32 $0xFFFFE003, lr  }
0x1b: {  	s9 =	sadd.s32 $0xFFFFFEF7, lr;
	s5 =	simm.s32 $0xFFFFFFFF;
	p2 =	slt.u32 s8, $0xFFFFF086  }
0x1c: {  	p1 =	slt.u32 s9, $0xF7A;
	s5 =	simm.s32 @!p2 $0x0  }
0x1d: {  	s5 =	simm.s32 @p1 $0x1;
	p0 =	seq.s32 s7, s2  }
0x1e: {  	s7 =	smul.u32 @!p0 $0xF7A, s2;
	p2 =	seq.s32 @!p0 s5, $0x0  }
0x1f: {  	s9 =	smul.u32 $0xF7A, s1;
	s8 =	simm.s32 @!p0 $0x1BF5;
	p2 =	por !p2, p0  }
0x20: {  	[sflag:s8] =	ssyncset.s32 @!p0 $0xFFFFF086;
	s6 =	sadd.s32 @!p0 s3, s7;
	s7 =	simm.s32 @!p0 $0x108  }
0x21: {  	s3 =	sadd.s32 s3, s9;
	s6 =	sadd.s32 @!p0 $0x88, s6;
	s7 =	simm.s32 @p2 $0x1082  }
0x22: {  	[simem:s7], [sflag:s8] =	dma.local @!p0 [hbm:s6], $0xF7A  }
0x23: {  	s9 =	sor.u32 $0xD0000000, s2;
	s6 =	simm.s32 $0x108;
	_ =	swait.ge @!p0 [sflag:s8], $0x0  }
0x24: {  	s3 =	sadd.s32 $0x88, s3;
	s6 =	simm.s32 @!p1 $0x1082;
	[sflag:s4] =	ssyncset.s32 $0xFFFFF086  }
0x25: {  	[simem:s6], [sflag:s4] =	dma.local [hbm:s3], $0xF7A  }
0x26: {  	[smem:$0x3F9E] =	sst s1;
	(tag) =	ssettag s2;
	_ =	strace s9  }
0x27: {  	s1 =	sld [smem:$0x3FAE]  }
0x28: {  	s2 =	sld [smem:$0x3FAF]  }
0x29: {  	s4 =	sld [smem:$0x3FB1]  }
0x2a: {  	p0 =	seq.s32 s5, $0x0;
	s5 =	sld [smem:$0x3FB2]  }
0x2b: {  	s6 =	sld [smem:$0x3FB3]  }
0x2c: {  	s7 =	sld [smem:$0x3FB4]  }
0x2d: {  	s3 =	simm.s32 $0x108;
	s8 =	sld [smem:$0x3FB5]  }
0x2e: {  	s3 =	simm.s32 @!p0 $0x1082;
	s9 =	sld [smem:$0x3FB6]  }
0x2f: {  	lr =	sadd.s32 s0, s3;
	s0 =	sld [smem:$0x3FAD]  }
0x30: {  	s3 =	sld [smem:$0x3FB0]  }
0x31: {  	[smem:$0x3FB9] =	sst s10  }
0x32: {  	s10 =	sld [smem:$0x3FB7];
	_ =	sdelay $0x3  }
0x33: {  	p0 =	seq.s32 s10, $0x1;
	s10 =	sld [smem:$0x3FB9];
	_ =	sdelay $0x3  }
0x34: {  	[smem:$0x3FB9] =	sst s10  }
0x35: {  	s10 =	sld [smem:$0x3FB8];
	_ =	sdelay $0x3  }
0x36: {  	p1 =	seq.s32 s10, $0x1;
	s10 =	sld [smem:$0x3FB9];
	_ =	sdelay $0x3  }
0x37: {  	[smem:$0x3FB9] =	sst s10  }
0x38: {  	s10 =	sld [smem:$0x3FBA]  }
0x39: {  	_ = 	snop;
	(pc) =	sbr.ind lr, $3  }
0x3a: {  	_ = 	snop  }
0x3b: {  	_ = 	snop  }
0x3c: {  	p2 =	seq.s32 s10, $0x1;
	s10 =	sld [smem:$0x3FB9]  }
0x3d: {  	_ =	shalt  }
0x3e: {  	_ =	shalt  }
0x3f: {  	_ =	shalt  }
0x40: {  	_ =	shalt  }
0x41: {  	_ =	shalt  }
0x42: {  	_ =	shalt  }
0x43: {  	_ =	shalt  }
0x44: {  	_ =	shalt  }
0x45: {  	_ =	shalt  }
0x46: {  	_ =	shalt  }
0x47: {  	_ =	shalt  }
0x48: {  	_ =	shalt  }
0x49: {  	_ =	shalt  }
0x4a: {  	_ =	shalt  }
0x4b: {  	_ =	shalt  }
0x4c: {  	_ =	shalt  }
0x4d: {  	_ =	shalt  }
0x4e: {  	_ =	shalt  }
0x4f: {  	_ =	shalt  }
0x50: {  	_ =	shalt  }
0x51: {  	_ =	shalt  }
0x52: {  	_ =	shalt  }
0x53: {  	_ =	shalt  }
0x54: {  	_ =	shalt  }
0x55: {  	_ =	shalt  }
0x56: {  	_ =	shalt  }
0x57: {  	_ =	shalt  }
0x58: {  	_ =	shalt  }
0x59: {  	_ =	shalt  }
0x5a: {  	_ =	shalt  }
0x5b: {  	_ =	shalt  }
0x5c: {  	_ =	shalt  }
0x5d: {  	_ =	shalt  }
0x5e: {  	_ =	shalt  }
0x5f: {  	_ =	shalt  }
0x60: {  	_ =	shalt  }
0x61: {  	_ =	shalt  }
0x62: {  	_ =	shalt  }
0x63: {  	_ =	shalt  }
0x64: {  	_ =	shalt  }
0x65: {  	_ =	shalt  }
0x66: {  	_ =	shalt  }
0x67: {  	_ =	shalt  }
0x68: {  	_ =	shalt  }
0x69: {  	_ =	shalt  }
0x6a: {  	_ =	shalt  }
0x6b: {  	_ =	shalt  }
0x6c: {  	_ =	shalt  }
0x6d: {  	_ =	shalt  }
0x6e: {  	_ =	shalt  }
0x6f: {  	_ =	shalt  }
0x70: {  	_ =	shalt  }
0x71: {  	_ =	shalt  }
0x72: {  	_ =	shalt  }
0x73: {  	_ =	shalt  }
0x74: {  	_ =	shalt  }
0x75: {  	_ =	shalt  }
0x76: {  	_ =	shalt  }
0x77: {  	_ =	shalt  }
0x78: {  	_ =	shalt  }
0x79: {  	_ =	shalt  }
0x7a: {  	_ =	shalt  }
0x7b: {  	_ =	shalt  }
0x7c: {  	_ =	shalt  }
0x7d: {  	_ =	shalt  }
0x7e: {  	_ =	shalt  }
0x7f: {  	_ =	shalt  }
0x80: {  	_ =	shalt  }
0x81: {  	_ =	shalt  }
0x82: {  	_ =	shalt  }
0x83: {  	_ =	shalt  }
0x84: {  	_ =	shalt  }
0x85: {  	_ =	shalt  }
0x86: {  	_ =	shalt  }
0x87: {  	_ =	shalt  }
.Lfunc_end0:
.L_simem_size_0:
called_computation_lowered:
.L_overlay_start_0:
0x88: {  	s2 =	sld [smem:$0x3FD9]  }
0x89: {  	s3 =	sld [smem:$0x3FFE];
	_ =	sdelay $0x1  }
0x8a: {  	s1 =	srdreg.scid  }
0x8b: {  	s0 =	sand.u32 $0x1, s1  }
0x8c: {  	s17 =	sshll.u32 s0, $0xA;
	s2 =	sadd.s32 s3, s2  }
0x8d: {  	s2 =	sadd.s32 s2, s17  }
0x8e: {  	[smem:$0x3FC5] =	sst s2  }
0x8f: {  	_ = 	snop  }
0x90: {  	s2 =	sld [smem:$0x3FC9]  }
0x91: {  	s18 =	sld [smem:$0x3FC8]  }
0x92: {  	s4 =	sld [smem:$0x3FD0];
	(tm) =	ssettm $0x1  }
0x93: {  	s5 =	sld [smem:$0x3FFB];
	_ =	sdelay $0x3  }
0x94: {  	_ =	strace s5  }
0x95: {  	s5 =	sld [smem:$0x3FFC];
	_ =	sdelay $0x3  }
0x96: {  	_ =	strace s5  }
0x97: {  	s5 =	sld [smem:$0x3FFD];
	_ =	sdelay $0x3  }
0x98: {  	_ =	strace s5  }
0x99: {  	_ =	strace $0x8FFFFFFF  }
0x9a: {  	s19 =	sld [smem:$0x3FDB];
	_ =	sdelay $0x1  }
0x9b: {  	s6 =	simm.s32 $_scs_section_size  }
0x9c: {  	s7 =	simm.s32 $_size__tile_overlayer_lowered;
	s8 =	simm.s32 $_tile_overlayer_lowered  }
0x9d: {  	s22 =	simm.s32 $0x1BFF;
	s21 =	sshll.u32 s8, $0x1;
	s5 =	sadd.s32 s6, s19  }
0x9e: {  	s9 =	simm.s32 $0x0;
	s20 =	sshll.u32 s7, $0x1;
	s7 =	sadd.s32 s21, s5  }
0x9f: {  	[timem:s9], [sflag:s22] =	dma.local [hbm:s7], s20  }
0xa0: {  	_ =	swait.ge [sflag:s22], s20  }
0xa1: {  	s6 =	ssub.s32 $0x0, s20;
	[sflag:s22] =	ssyncset.done $0x0  }
0xa2: {  	[sflag:s22] =	ssyncadd.s32 s6;
	_ =	sdelay $0x1  }
0xa3: {  	s23 =	simm.s32 $0x1B8B  }
0xa4: {  	_ =	swait.ge [sflag:s23], $0x1  }
0xa5: {  	[sflag:s23] =	ssyncset.done $0x0  }
0xa6: {  	s25 =	simm.s32 $0x1B8E;
	s24 =	sld [smem:$0x3FFE];
	[sflag:s23] =	ssyncadd.s32 $0xFFFFFFFF  }
0xa7: {  	s26 =	simm.s32 $execute0_lowered;
	[smem:$0x3FD2] =	sst s25  }
0xa8: {  	s7 =	sshll.u32 s26, $0x1;
	_ =	strace $0x80000046;
	[dreg:$0x1] =	wrdreg $0xFFFFFFFF  }
0xa9: {  	s28 =	simm.s32 $_size_execute0_lowered;
	s5 =	sadd.s32 s5, s7;
	[dreg:$0x0] =	wrdreg $0x0  }
0xaa: {  	s7 =	sshll.u32 s28, $0x1;
	[dreg:$0x2] =	wrdreg s5  }
0xab: {  	[dreg:$0x3] =	wrdreg s7  }
0xac: {  	[dreg:$0x4] =	wrdreg $0xC0  }
0xad: {  	_ =	task [dreg:s9], $0x5FFFF  }
0xae: {  	[dreg:$0x1] =	wrdreg $0xFFFFFFFF  }
0xaf: {  	[dreg:$0x0] =	wrdreg $0x60  }
0xb0: {  	[dreg:$0x2] =	wrdreg s2  }
0xb1: {  	[dreg:$0x3] =	wrdreg s18  }
0xb2: {  	[dreg:$0x4] =	wrdreg s24  }
0xb3: {  	[dreg:$0x5] =	wrdreg s4  }
0xb4: {  	[dreg:$0x6] =	wrdreg $0x9  }
0xb5: {  	_ =	task.clear_ibuf [dreg:s9], $0x7FFFF;
	_ =	strace $0x90000046  }
0xb6: {  	s29 =	simm.s32 $0x9;
	_ =	strace $0x80000048  }
0xb7: {  	_ =	swait.ge [sflag:s29], $0x1  }
0xb8: {  	[sflag:s29] =	ssyncadd.s32 $0xFFFFFFFF  }
0xb9: {  	_ =	strace $0x90000048  }
0xba: {  	_ =	sfence  }
0xbb: {  	s30 =	sld [smem:$0x0];
	_ =	sdelay $0x2  }
0xbc: {  	s31 =	sshll.u32 s1, $0xD;
	s1 =	sshrl.u32 s1, $0x2  }
0xbd: {  	s3 =	sand.u32 $0x4000, s31;
	s1 =	sadd.s32 s1, s30  }
0xbe: {  	s0 =	sor.u32 s3, s0;
	s1 =	sshll.u32 s1, $0x11  }
0xbf: {  	s0 =	sor.u32 s1, s0  }
0xc0: {  	s0 =	sadd.s32 $0x8F2B, s0  }
0xc1: {  	[sflag:s0] =	ssyncadd.remote.s32 $0x1  }
0xc2: {  	_ =	sfence.sel $0xFFFF  }
0xc3: {  	[dreg:$0x0] =	wrdreg $0xFFFFFFFF;
	(pc) =	sbr.abs _section_cstart, $3  }
0xc4: {  	[dreg:$0x1] =	wrdreg $0xFFFFFFFF  }
0xc5: {  	_ =	task.clear_ibuf [dreg:s9], $0x2FFFF;
	_ =	strace $0x9FFFFFFF  }
0xc6: {  	(tm) =	ssettm $0x7FFFFFFF  }
0xc7: {  	_ =	shalt  }
tec
execute0_lowered:
.L_overlay_start_1:
0x0: {  	(tag) =	ssettag $0x1  }
0x1: {  	s0 =	rddreg [dreg:$0x1]  }
0x2: {  	s2 =	rddreg [dreg:$0x2];
	s1 =	srdreg.scid  }
0x3: {  	s10 =	stileid.u32;
	s4 =	rddreg [dreg:$0x3]  }
0x4: {  	s3 =	sand.u32 $0x1, s1;
	s13 =	sshll.u32 s10, $0x8;
	s7 =	sshrl.u32 s10, $0x2  }
0x5: {  	s1 =	simm.s32 $0x0;
	s5 =	sshll.u32 s3, $0x7;
	s6 =	sand.u32 $0x300, s13  }
0x6: {  	s14 =	sshll.u32 s7, $0x13;
	s7 =	sshll.u32 s7, $0xE;
	s5 =	sor.u32 s5, s6  }
0x7: {  	s10 =	sshll.u32 s10, $0xC;
	[smem:$0x7FF] =	sst s1;
	s7 =	sor.u32 s7, s5  }
0x8: {  	s3 =	ssub.s32 $0x2, s3;
	s6 =	sor.u32 s14, s5;
	s7 =	sshrl.u32 s7, $0x3  }
0x9: {  	s15 =	sshrl.u32 s3, $0x1;
	s6 =	sshrl.u32 s6, $0x3;
	s16 =	sadd.s32 s0, s7  }
0xa: {  	s17 =	sor.u32 $0x4000, s7;
	s19 =	sadd.s32 s4, s7;
	[dreg:$0x5] =	wrdreg s16  }
0xb: {  	s20 =	sor.u32 $0x8000, s7;
	s18 =	sadd.s32 s0, s17;
	[dreg:$0x7] =	wrdreg s19  }
0xc: {  	s6 =	sadd.s32 s6, s2;
	s9 =	sadd.s32 s0, s20;
	[dreg:$0x6] =	wrdreg s18  }
0xd: {  	s21 =	sor.u32 $0xC000, s7;
	s2 =	sadd.s32 s4, s17;
	[dreg:$0x8] =	wrdreg s9  }
0xe: {  	s8 =	ssub.s32 s3, s15;
	s22 =	sadd.s32 s0, s21;
	[dreg:$0x9] =	wrdreg s2  }
0xf: {  	s23 =	sor.u32 $0x10000, s7;
	s3 =	sadd.s32 s4, s20;
	[dreg:$0xa] =	wrdreg s22  }
0x10: {  	s25 =	sor.u32 $0x14000, s7;
	s24 =	sadd.s32 s0, s23;
	[dreg:$0xb] =	wrdreg s3  }
0x11: {  	s29 =	sor.u32 $0x18000, s7;
	s26 =	sadd.s32 s0, s25;
	[dreg:$0xc] =	wrdreg s24  }
0x12: {  	s7 =	sor.u32 $0x1C000, s7;
	s30 =	sadd.s32 s0, s29;
	[dreg:$0xe] =	wrdreg s26  }
0x13: {  	s31 =	sand.u32 $0xC000, s10;
	s10 =	sadd.s32 s0, s7;
	[dreg:$0x10] =	wrdreg s30  }
0x14: {  	s11 =	sadd.s32 s4, s29;
	[dreg:$0x12] =	wrdreg s10  }
0x15: {  	s3 =	sadd.s32 s4, s23;
	[dreg:$0x13] =	wrdreg s11  }
0x16: {  	s2 =	sadd.s32 s4, s21;
	[dreg:$0xf] =	wrdreg s3;
	s3 =	sor.u32 s31, s5  }
0x17: {  	[dreg:$0xd] =	wrdreg s2;
	s2 =	sadd.s32 s4, s25;
	s3 =	sshrl.u32 s3, $0x3  }
0x18: {  	[dreg:$0x11] =	wrdreg s2;
	s2 =	sadd.s32 s4, s7;
	s12 =	sor.u32 $0x2000, s3  }
0x19: {  	s28 =	simm.s32 $0x0;
	[dreg:$0x14] =	wrdreg s2;
	s14 =	sadd.s32 s0, s12  }
0x1a: {  	s13 =	sor.u32 $0x6000, s3;
	s2 =	sadd.s32 s4, s12;
	[dreg:$0x15] =	wrdreg s14  }
0x1b: {  	s5 =	sadd.s32 $0x600, s6;
	s15 =	sadd.s32 s0, s13;
	[dreg:$0x16] =	wrdreg s2  }
0x1c: {  	s17 =	sor.u32 $0xA000, s3;
	s16 =	sadd.s32 s4, s13;
	[dreg:$0x17] =	wrdreg s15  }
0x1d: {  	s18 =	sor.u32 $0xE000, s3;
	s19 =	sadd.s32 s0, s17;
	[dreg:$0x18] =	wrdreg s16  }
0x1e: {  	s6 =	smax.u32 s8, $0x1;
	s20 =	sadd.s32 s0, s18;
	[dreg:$0x19] =	wrdreg s19  }
0x1f: {  	s22 =	sor.u32 $0x12000, s3;
	s21 =	sadd.s32 s4, s18;
	[dreg:$0x1b] =	wrdreg s20  }
0x20: {  	s23 =	sor.u32 $0x16000, s3;
	s24 =	sadd.s32 s0, s22;
	[dreg:$0x1c] =	wrdreg s21  }
0x21: {  	s29 =	sor.u32 $0x1A000, s3;
	s25 =	sadd.s32 s0, s23;
	[dreg:$0x1d] =	wrdreg s24  }
0x22: {  	s30 =	sor.u32 $0x1E000, s3;
	s26 =	sadd.s32 s4, s23;
	[dreg:$0x1f] =	wrdreg s25  }
0x23: {  	s31 =	sadd.s32 s0, s29;
	s0 =	sadd.s32 s0, s30;
	[smem:$0x7FB] =	sst s26  }
0x24: {  	s3 =	sadd.s32 s4, s29;
	s18 =	simm.s32 $0x14000;
	[smem:$0x7FC] =	sst s31  }
0x25: {  	s23 =	simm.s32 $0x3;
	s2 =	sadd.s32 s4, s17;
	[smem:$0x7FD] =	sst s0  }
0x26: {  	s14 =	simm.s32 $0x80;
	s15 =	simm.s32 $0x400;
	s16 =	simm.s32 $0x1  }
0x27: {  	s17 =	simm.s32 $0x10000;
	s19 =	simm.s32 $0x12000;
	s20 =	simm.s32 $0x14800  }
0x28: {  	s21 =	simm.s32 $0x2;
	[dreg:$0x1a] =	wrdreg s2;
	s2 =	sadd.s32 s4, s22  }
0x29: {  	s24 =	simm.s32 $0x15800;
	s25 =	simm.s32 $0x4;
	[dreg:$0x1e] =	wrdreg s2  }
0x2a: {  	s26 =	simm.s32 $0x5;
	s4 =	sadd.s32 s4, s30;
	s2 =	rddreg [dreg:$0x0]  }
0x2b: {  	s22 =	simm.s32 $0x15000;
	_ =	strace $0x80000047;
	s7 =	sadd.s32 $0x400, s2  }
0x2c: {  	s8 =	sadd.s32 $0x800, s2;
	s9 =	sadd.s32 $0xC00, s2;
	s10 =	sadd.s32 $0x1000, s2  }
0x2d: {  	s11 =	sadd.s32 $0x1400, s2;
	s12 =	sadd.s32 $0x1800, s2;
	s13 =	sadd.s32 $0x1C00, s2  }
.LBB2_1:
0x2e: {  	[tilespmem:s1], [sflag:$0x1] =	stream.strided.gather [hbm4b:s5+s14], $0x10000, s15, s14, $0x38;
	[tilespmem:$0x16000] =	vst v63  }
0x2f: {  	_ =	swait.ge [sflag:s16], $0x10000  }
0x30: {  	[sflag:s16] =	ssyncset.done $0x0  }
0x31: {  	[sflag:s16] =	ssyncadd.s32 $0xFFFF0000  }
0x32: {  	[tilespmem:s17], [sflag:$0x2] =	stream.linear.gather [hbm4b:s2+s1], $0x2000, $0x38;
	[tilespmem:$0x16000] =	vst v63  }
0x33: {  	s0 =	rddreg [dreg:$0x5]  }
0x34: {  	[tilespmem:s18], [sflag:$0x2] =	stream.strided.gather [hbm4b:s0+s14], $0x800, s15, s14, $0x38;
	[tilespmem:$0x16000] =	vst v63  }
0x35: {  	_ = 	snop  }
0x36: {  	[tilespmem:s19], [sflag:$0x3] =	stream.linear.gather [hbm4b:s7+s1], $0x2000, $0x38;
	[tilespmem:$0x16000] =	vst v63  }
0x37: {  	s0 =	rddreg [dreg:$0x6]  }
0x38: {  	[tilespmem:s20], [sflag:$0x3] =	stream.strided.gather [hbm4b:s0+s14], $0x800, s15, s14, $0x38;
	[tilespmem:$0x16000] =	vst v63  }
0x39: {  	_ =	swait.ge [sflag:s21], $0x2000  }
0x3a: {  	[sflag:s21] =	ssyncset.done $0x0  }
0x3b: {  	[sflag:s21] =	ssyncadd.s32 $0xFFFFE000  }
0x3c: {  	_ =	swait.ge [sflag:s21], $0x800  }
0x3d: {  	[sflag:s21] =	ssyncset.done $0x0  }
0x3e: {  	s0 =	simm.s32 $0x11000;
	[sflag:s21] =	ssyncadd.s32 $0xFFFFF800  }
0x3f: {  	v0 =	vld [tilespmem:s0+$0xFFFFF070]  }
0x40: {  	v1 =	vld [tilespmem:s0+$0xFFFFF870]  }
0x41: {  	v2 =	vld [tilespmem:s0+$0xFFFFF800]  }
0x42: {  	v3 =	vld [tilespmem:s0+$0x70]  }
0x43: {  	v4 =	vld [tilespmem:s0+$0xFFFFF010]  }
0x44: {  	v5 =	vld [tilespmem:s0+$0x870]  }
0x45: {  	v6 =	vld [tilespmem:s0+$0xFFFFF810]  }
0x46: {  	v7 =	vld [tilespmem:s0+$0xFFFFF020]  }
0x47: {  	v8 =	vld [tilespmem:s0+$0xFFFFF820]  }
0x48: {  	v9 =	vld [tilespmem:s0+$0xFFFFF030]  }
0x49: {  	v10 =	vld [tilespmem:s0+$0xFFFFF830]  }
0x4a: {  	v11 =	vld [tilespmem:s0+$0xFFFFF040]  }
0x4b: {  	s29 =	simm.s32 $0x14040;
	v12 =	vld [tilespmem:s0+$0xFFFFF840]  }
0x4c: {  	v13 =	vld [tilespmem:s29+$0x30]  }
0x4d: {  	v14 =	vld [tilespmem:s0+$0xFFFFF050]  }
0x4e: {  	v15 =	vld [tilespmem:s0+$0xFFFFF850]  }
0x4f: {  	v16 =	vld [tilespmem:s0+$0xFFFFF060]  }
0x50: {  	v17 =	vld [tilespmem:s0+$0xFFFFF860]  }
0x51: {  	v18 =	vld [tilespmem:s0+$0xFFFFF000]  }
0x52: {  	v19 =	vld [tilespmem:s0+$0x0]  }
0x53: {  	v20 =	vld [tilespmem:s0+$0x10]  }
0x54: {  	v21 =	vld [tilespmem:s0+$0x20]  }
0x55: {  	v22 =	vld [tilespmem:s0+$0x30]  }
0x56: {  	v23 =	vld [tilespmem:s0+$0x40]  }
0x57: {  	v24 =	vld [tilespmem:s0+$0x50]  }
0x58: {  	v25 =	vld [tilespmem:s0+$0x60]  }
0x59: {  	v26 =	vld [tilespmem:s0+$0x800]  }
0x5a: {  	v27 =	vld [tilespmem:s0+$0x810]  }
0x5b: {  	v28 =	vld [tilespmem:s0+$0x820]  }
0x5c: {  	v29 =	vld [tilespmem:s0+$0x830]  }
0x5d: {  	v30 =	vld [tilespmem:s0+$0x840]  }
0x5e: {  	v31 =	vld [tilespmem:s0+$0x850]  }
0x5f: {  	v32 =	vld [tilespmem:s0+$0x860]  }
0x60: {  	v0 =	vld.idx.msk [tilespmem:v0+s1+$0x0], $0xffff  }
0x61: {  	v1 =	vld.idx.msk [tilespmem:v1+s1+$0x0], $0xffff  }
0x62: {  	v3 =	vld.idx.msk [tilespmem:v3+s1+$0x0], $0xffff  }
0x63: {  	v5 =	vld.idx.msk [tilespmem:v5+s1+$0x0], $0xffff  }
0x64: {  	v18 =	vld.idx.msk [tilespmem:v18+s1+$0x0], $0xffff  }
0x65: {  	v2 =	vld.idx.msk [tilespmem:v2+s1+$0x0], $0xffff  }
0x66: {  	v4 =	vld.idx.msk [tilespmem:v4+s1+$0x0], $0xffff  }
0x67: {  	v6 =	vld.idx.msk [tilespmem:v6+s1+$0x0], $0xffff  }
0x68: {  	v7 =	vld.idx.msk [tilespmem:v7+s1+$0x0], $0xffff  }
0x69: {  	v8 =	vld.idx.msk [tilespmem:v8+s1+$0x0], $0xffff  }
0x6a: {  	v9 =	vld.idx.msk [tilespmem:v9+s1+$0x0], $0xffff  }
0x6b: {  	v10 =	vld.idx.msk [tilespmem:v10+s1+$0x0], $0xffff  }
0x6c: {  	v11 =	vld.idx.msk [tilespmem:v11+s1+$0x0], $0xffff  }
0x6d: {  	v12 =	vld.idx.msk [tilespmem:v12+s1+$0x0], $0xffff  }
0x6e: {  	v14 =	vld.idx.msk [tilespmem:v14+s1+$0x0], $0xffff  }
0x6f: {  	v15 =	vld.idx.msk [tilespmem:v15+s1+$0x0], $0xffff  }
0x70: {  	v16 =	vld.idx.msk [tilespmem:v16+s1+$0x0], $0xffff  }
0x71: {  	v17 =	vld.idx.msk [tilespmem:v17+s1+$0x0], $0xffff  }
0x72: {  	v49 =	vld.idx.msk [tilespmem:v20+s1+$0x0], $0xffff  }
0x73: {  	v50 =	vld.idx.msk [tilespmem:v22+s1+$0x0], $0xffff;
	v0 =	vshll.u32 v0, $0x10;
	v1 =	vshll.u32 v1, $0x10  }
0x74: {  	v51 =	vld.idx.msk [tilespmem:v24+s1+$0x0], $0xffff;
	v3 =	vshll.u32 v3, $0x10;
	v5 =	vshll.u32 v5, $0x10;
	v0 =	vadd.f32 v1, v0  }
0x75: {  	v52 =	vld.idx.msk [tilespmem:v26+s1+$0x0], $0xffff;
	v18 =	vshll.u32 v18, $0x10;
	v2 =	vshll.u32 v2, $0x10;
	v6 =	vshll.u32 v6, $0x10  }
0x76: {  	v54 =	vshll.u32 v16, $0x10;
	v55 =	vshll.u32 v17, $0x10;
	v1 =	vld.idx.msk [tilespmem:v19+s1+$0x0], $0xffff;
	v0 =	vadd.f32 v3, v0  }
0x77: {  	v56 =	vld.idx.msk [tilespmem:v28+s1+$0x0], $0xffff;
	v7 =	vshll.u32 v7, $0x10;
	v8 =	vshll.u32 v8, $0x10;
	v57 =	vadd.f32 v55, v54  }
0x78: {  	v3 =	vld.idx.msk [tilespmem:v21+s1+$0x0], $0xffff;
	v5 =	vadd.f32 v5, v0;
	v0 =	vadd.f32 v2, v18;
	v2 =	vshll.u32 v4, $0x10  }
0x79: {  	v58 =	vld.idx.msk [tilespmem:v29+s1+$0x0], $0xffff;
	v53 =	vshll.u32 v15, $0x10;
	v2 =	vadd.f32 v6, v2;
	v6 =	vadd.f32 v8, v7  }
0x7a: {  	v4 =	vld.idx.msk [tilespmem:v23+s1+$0x0], $0xffff;
	v7 =	vshll.u32 v9, $0x10;
	v9 =	vshll.u32 v10, $0x10;
	v10 =	vshll.u32 v11, $0x10  }
0x7b: {  	v8 =	vld.idx.msk [tilespmem:v25+s1+$0x0], $0xffff;
	v11 =	vshll.u32 v12, $0x10;
	v1 =	vshll.u32 v1, $0x10;
	v7 =	vadd.f32 v9, v7  }
0x7c: {  	v9 =	vadd.f32 v11, v10;
	v10 =	vshll.u32 v14, $0x10;
	v11 =	vld.idx.msk [tilespmem:v27+s1+$0x0], $0xffff;
	v0 =	vadd.f32 v1, v0  }
0x7d: {  	v59 =	vld.idx.msk [tilespmem:v30+s1+$0x0], $0xffff;
	v1 =	vshll.u32 v49, $0x10;
	v10 =	vadd.f32 v53, v10;
	v3 =	vshll.u32 v3, $0x10  }
0x7e: {  	v60 =	vld.idx.msk [tilespmem:v32+s1+$0x0], $0xffff;
	v1 =	vadd.f32 v1, v2;
	v2 =	vadd.f32 v3, v6;
	v3 =	vshll.u32 v50, $0x10  }
0x7f: {  	v6 =	vld.idx.msk [tilespmem:v31+s1+$0x0], $0xffff;
	v3 =	vadd.f32 v3, v7;
	v4 =	vshll.u32 v4, $0x10;
	v7 =	vshll.u32 v51, $0x10  }
0x80: {  	v9 =	vadd.f32 v4, v9;
	v7 =	vadd.f32 v7, v10;
	v4 =	vshll.u32 v8, $0x10;
	v8 =	vld [tilespmem:s29+$0xFFFFFFC0]  }
0x81: {  	v10 =	vshll.u32 v52, $0x10;
	v61 =	vadd.f32 v4, v57;
	v4 =	vshll.u32 v11, $0x10;
	v11 =	vld [tilespmem:s29+$0xFFFFFFD0]  }
0x82: {  	v10 =	vadd.f32 v10, v0;
	v0 =	vld [tilespmem:s29+$0xFFFFFFE0];
	v62 =	vadd.f32 v4, v1;
	v1 =	vshll.u32 v56, $0x10  }
0x83: {  	v63 =	vshll.u32 v59, $0x10;
	v4 =	vshll.u32 v58, $0x10;
	v1 =	vadd.f32 v1, v2;
	v2 =	vld [tilespmem:s29+$0xFFFFFFF0]  }
0x84: {  	v13 =	vmul.f32 v5, v13;
	v5 =	vld [tilespmem:s29+$0x0];
	v4 =	vadd.f32 v4, v3;
	v3 =	vadd.f32 v63, v9  }
0x85: {  	s30 =	simm.s32 $0x15040;
	v9 =	vshll.u32 v6, $0x10;
	v6 =	vld [tilespmem:s29+$0x10];
	v10 =	vmul.f32 v10, v8;
	v8 =	vshll.u32 v60, $0x10  }
0x86: {  	s31 =	simm.s32 $0x0;
	s0 =	simm.s32 $0x11080;
	[tilespmem:s30+$0x30] =	vst v13;
	v7 =	vadd.f32 v9, v7;
	v9 =	vld [tilespmem:s29+$0x20];
	v11 =	vmul.f32 v62, v11;
	v8 =	vadd.f32 v8, v61  }
.LBB2_2:
0x87: {  	v12 =	vld [tilespmem:s0+$0xFFFFF070];
	[tilespmem:s30+$0xFFFFFFC0] =	vst v10;
	v0 =	vmul.f32 v1, v0  }
0x88: {  	s31 =	sadd.s32 $0x80, s31;
	v1 =	vld [tilespmem:s0+$0xFFFFF870];
	[tilespmem:s30+$0xFFFFFFD0] =	vst v11;
	v2 =	vmul.f32 v4, v2  }
0x89: {  	p0 =	slt.u32 s31, $0x780;
	v4 =	vld [tilespmem:s0+$0xFFFFF800];
	[tilespmem:s30+$0xFFFFFFE0] =	vst v0;
	v0 =	vmul.f32 v3, v5  }
0x8a: {  	v3 =	vld [tilespmem:s0+$0x70];
	[tilespmem:s30+$0xFFFFFFF0] =	vst v2;
	v2 =	vmul.f32 v7, v6  }
0x8b: {  	v5 =	vld [tilespmem:s0+$0xFFFFF010];
	[tilespmem:s30+$0x0] =	vst v0;
	v0 =	vmul.f32 v8, v9  }
0x8c: {  	v6 =	vld [tilespmem:s0+$0x870];
	[tilespmem:s30+$0x10] =	vst v2  }
0x8d: {  	v2 =	vld [tilespmem:s0+$0xFFFFF810];
	[tilespmem:s30+$0x20] =	vst v0  }
0x8e: {  	v0 =	vld [tilespmem:s0+$0xFFFFF020]  }
0x8f: {  	v7 =	vld.idx.msk [tilespmem:v12+s1+$0x0], $0xffff  }
0x90: {  	v1 =	vld.idx.msk [tilespmem:v1+s1+$0x0], $0xffff  }
0x91: {  	v8 =	vld [tilespmem:s0+$0xFFFFF820]  }
0x92: {  	v3 =	vld.idx.msk [tilespmem:v3+s1+$0x0], $0xffff  }
0x93: {  	v9 =	vld [tilespmem:s0+$0xFFFFF030]  }
0x94: {  	v6 =	vld.idx.msk [tilespmem:v6+s1+$0x0], $0xffff  }
0x95: {  	v10 =	vld [tilespmem:s0+$0xFFFFF830]  }
0x96: {  	v7 =	vshll.u32 v7, $0x10;
	v1 =	vshll.u32 v1, $0x10;
	v11 =	vld [tilespmem:s0+$0xFFFFF040]  }
0x97: {  	s29 =	sadd.s32 $0x80, s29;
	v1 =	vadd.f32 v1, v7;
	v12 =	vld [tilespmem:s0+$0xFFFFF840]  }
0x98: {  	v3 =	vshll.u32 v3, $0x10;
	v7 =	vld [tilespmem:s29+$0x30]  }
0x99: {  	v1 =	vadd.f32 v3, v1;
	v13 =	vld [tilespmem:s0+$0xFFFFF050]  }
0x9a: {  	v6 =	vshll.u32 v6, $0x10;
	v3 =	vld [tilespmem:s0+$0xFFFFF850]  }
0x9b: {  	v1 =	vadd.f32 v6, v1;
	v14 =	vld [tilespmem:s0+$0xFFFFF060]  }
0x9c: {  	v6 =	vld [tilespmem:s0+$0xFFFFF860]  }
0x9d: {  	v15 =	vld [tilespmem:s0+$0xFFFFF000];
	v1 =	vmul.f32 v1, v7  }
0x9e: {  	s30 =	sadd.s32 $0x80, s30;
	v7 =	vld [tilespmem:s0+$0x0]  }
0x9f: {  	v16 =	vld [tilespmem:s0+$0x10];
	[tilespmem:s30+$0x30] =	vst v1  }
0xa0: {  	v1 =	vld [tilespmem:s0+$0x20]  }
0xa1: {  	v17 =	vld [tilespmem:s0+$0x30]  }
0xa2: {  	v18 =	vld [tilespmem:s0+$0x40]  }
0xa3: {  	v19 =	vld [tilespmem:s0+$0x50]  }
0xa4: {  	v20 =	vld [tilespmem:s0+$0x60]  }
0xa5: {  	v21 =	vld [tilespmem:s0+$0x800]  }
0xa6: {  	v22 =	vld [tilespmem:s0+$0x810]  }
0xa7: {  	v23 =	vld [tilespmem:s0+$0x820]  }
0xa8: {  	v24 =	vld [tilespmem:s0+$0x830]  }
0xa9: {  	v25 =	vld [tilespmem:s0+$0x840]  }
0xaa: {  	v26 =	vld [tilespmem:s0+$0x850]  }
0xab: {  	v27 =	vld [tilespmem:s0+$0x860]  }
0xac: {  	v15 =	vld.idx.msk [tilespmem:v15+s1+$0x0], $0xffff  }
0xad: {  	v4 =	vld.idx.msk [tilespmem:v4+s1+$0x0], $0xffff  }
0xae: {  	v5 =	vld.idx.msk [tilespmem:v5+s1+$0x0], $0xffff  }
0xaf: {  	v2 =	vld.idx.msk [tilespmem:v2+s1+$0x0], $0xffff  }
0xb0: {  	v0 =	vld.idx.msk [tilespmem:v0+s1+$0x0], $0xffff  }
0xb1: {  	v8 =	vld.idx.msk [tilespmem:v8+s1+$0x0], $0xffff  }
0xb2: {  	v15 =	vshll.u32 v15, $0x10;
	v9 =	vld.idx.msk [tilespmem:v9+s1+$0x0], $0xffff  }
0xb3: {  	v4 =	vshll.u32 v4, $0x10;
	v10 =	vld.idx.msk [tilespmem:v10+s1+$0x0], $0xffff  }
0xb4: {  	v4 =	vadd.f32 v4, v15;
	v5 =	vshll.u32 v5, $0x10;
	v11 =	vld.idx.msk [tilespmem:v11+s1+$0x0], $0xffff  }
0xb5: {  	v2 =	vshll.u32 v2, $0x10;
	v12 =	vld.idx.msk [tilespmem:v12+s1+$0x0], $0xffff  }
0xb6: {  	v2 =	vadd.f32 v2, v5;
	v0 =	vshll.u32 v0, $0x10;
	v5 =	vld.idx.msk [tilespmem:v13+s1+$0x0], $0xffff  }
0xb7: {  	v8 =	vshll.u32 v8, $0x10;
	v3 =	vld.idx.msk [tilespmem:v3+s1+$0x0], $0xffff  }
0xb8: {  	v0 =	vadd.f32 v8, v0;
	v8 =	vshll.u32 v9, $0x10;
	v9 =	vld.idx.msk [tilespmem:v14+s1+$0x0], $0xffff  }
0xb9: {  	v10 =	vshll.u32 v10, $0x10;
	v6 =	vld.idx.msk [tilespmem:v6+s1+$0x0], $0xffff  }
0xba: {  	v8 =	vadd.f32 v10, v8;
	v10 =	vshll.u32 v11, $0x10;
	v7 =	vld.idx.msk [tilespmem:v7+s1+$0x0], $0xffff  }
0xbb: {  	v12 =	vshll.u32 v12, $0x10;
	v11 =	vld.idx.msk [tilespmem:v16+s1+$0x0], $0xffff  }
0xbc: {  	v10 =	vadd.f32 v12, v10;
	v5 =	vshll.u32 v5, $0x10;
	v1 =	vld.idx.msk [tilespmem:v1+s1+$0x0], $0xffff  }
0xbd: {  	v3 =	vshll.u32 v3, $0x10;
	v12 =	vld.idx.msk [tilespmem:v17+s1+$0x0], $0xffff  }
0xbe: {  	v3 =	vadd.f32 v3, v5;
	v5 =	vshll.u32 v9, $0x10;
	v13 =	vld.idx.msk [tilespmem:v18+s1+$0x0], $0xffff  }
0xbf: {  	v6 =	vshll.u32 v6, $0x10;
	v9 =	vld.idx.msk [tilespmem:v19+s1+$0x0], $0xffff  }
0xc0: {  	v7 =	vshll.u32 v7, $0x10;
	v5 =	vadd.f32 v6, v5;
	v6 =	vld.idx.msk [tilespmem:v20+s1+$0x0], $0xffff  }
0xc1: {  	v4 =	vadd.f32 v7, v4;
	v11 =	vshll.u32 v11, $0x10;
	v7 =	vld.idx.msk [tilespmem:v21+s1+$0x0], $0xffff  }
0xc2: {  	v2 =	vadd.f32 v11, v2;
	v1 =	vshll.u32 v1, $0x10;
	v11 =	vld.idx.msk [tilespmem:v22+s1+$0x0], $0xffff  }
0xc3: {  	v0 =	vadd.f32 v1, v0;
	v12 =	vshll.u32 v12, $0x10;
	v1 =	vld.idx.msk [tilespmem:v23+s1+$0x0], $0xffff  }
0xc4: {  	v8 =	vadd.f32 v12, v8;
	v13 =	vshll.u32 v13, $0x10;
	v12 =	vld.idx.msk [tilespmem:v24+s1+$0x0], $0xffff  }
0xc5: {  	v10 =	vadd.f32 v13, v10;
	v9 =	vshll.u32 v9, $0x10;
	v13 =	vld.idx.msk [tilespmem:v25+s1+$0x0], $0xffff  }
0xc6: {  	v9 =	vadd.f32 v9, v3;
	v3 =	vshll.u32 v6, $0x10;
	v14 =	vld.idx.msk [tilespmem:v26+s1+$0x0], $0xffff  }
0xc7: {  	v6 =	vshll.u32 v7, $0x10;
	v15 =	vadd.f32 v3, v5;
	v16 =	vld.idx.msk [tilespmem:v27+s1+$0x0], $0xffff  }
0xc8: {  	v6 =	vadd.f32 v6, v4;
	v3 =	vshll.u32 v11, $0x10;
	v7 =	vld [tilespmem:s29+$0xFFFFFFC0]  }
0xc9: {  	v11 =	vadd.f32 v3, v2;
	v1 =	vshll.u32 v1, $0x10;
	v17 =	vld [tilespmem:s29+$0xFFFFFFD0]  }
.Ltmp0:
0xca: {  	v1 =	vadd.f32 v1, v0;
	v2 =	vshll.u32 v12, $0x10;
	v0 =	vld [tilespmem:s29+$0xFFFFFFE0];
	(pc) =	sbr.rel @p0 .LBB2_2-.Ltmp0, $4  }
0xcb: {  	v4 =	vadd.f32 v2, v8;
	v3 =	vshll.u32 v13, $0x10;
	v2 =	vld [tilespmem:s29+$0xFFFFFFF0]  }
0xcc: {  	v3 =	vadd.f32 v3, v10;
	v8 =	vshll.u32 v14, $0x10;
	v5 =	vld [tilespmem:s29+$0x0]  }
0xcd: {  	v10 =	vmul.f32 v6, v7;
	v7 =	vadd.f32 v8, v9;
	v6 =	vld [tilespmem:s29+$0x10];
	v8 =	vshll.u32 v16, $0x10  }
0xce: {  	s0 =	sadd.s32 $0x80, s0;
	v11 =	vmul.f32 v11, v17;
	v8 =	vadd.f32 v8, v15;
	v9 =	vld [tilespmem:s29+$0x20]  }
0xcf: {  	[tilespmem:s30+$0xFFFFFFC0] =	vst v10;
	v0 =	vmul.f32 v1, v0  }
0xd0: {  	[tilespmem:s30+$0xFFFFFFD0] =	vst v11;
	v1 =	vmul.f32 v4, v2  }
0xd1: {  	[tilespmem:s30+$0xFFFFFFE0] =	vst v0;
	v0 =	vmul.f32 v3, v5  }
0xd2: {  	[tilespmem:s30+$0xFFFFFFF0] =	vst v1;
	v1 =	vmul.f32 v7, v6  }
0xd3: {  	[tilespmem:s30+$0x0] =	vst v0;
	v0 =	vmul.f32 v8, v9  }
0xd4: {  	[tilespmem:s30+$0x10] =	vst v1  }
0xd5: {  	[tilespmem:s30+$0x20] =	vst v0  }
0xd6: {  	s0 =	rddreg [dreg:$0x7]  }
0xd7: {  	[hbm4b:s0+s14] =	stream.strided.scatter [tilespmem:s22], [sflag:$0x4], $0x800, s15, s14, $0x38;
	[tilespmem:$0x16000] =	vst v63  }
0xd8: {  	_ = 	snop  }
0xd9: {  	[tilespmem:s17], [sflag:$0x2] =	stream.linear.gather [hbm4b:s8+s1], $0x2000, $0x38;
	[tilespmem:$0x16000] =	vst v63  }
0xda: {  	s0 =	rddreg [dreg:$0x8]  }
0xdb: {  	[tilespmem:s18], [sflag:$0x2] =	stream.strided.gather [hbm4b:s0+s14], $0x800, s15, s14, $0x38;
	[tilespmem:$0x16000] =	vst v63  }
0xdc: {  	_ =	swait.ge [sflag:s23], $0x2000  }
0xdd: {  	[sflag:s23] =	ssyncset.done $0x0  }
0xde: {  	[sflag:s23] =	ssyncadd.s32 $0xFFFFE000  }
0xdf: {  	_ =	swait.ge [sflag:s23], $0x800  }
0xe0: {  	[sflag:s23] =	ssyncset.done $0x0  }
0xe1: {  	s0 =	simm.s32 $0x13000;
	[sflag:s23] =	ssyncadd.s32 $0xFFFFF800  }
0xe2: {  	v0 =	vld [tilespmem:s0+$0xFFFFF070]  }
0xe3: {  	v1 =	vld [tilespmem:s0+$0xFFFFF870]  }
0xe4: {  	v2 =	vld [tilespmem:s0+$0xFFFFF800]  }
0xe5: {  	v3 =	vld [tilespmem:s0+$0x70]  }
0xe6: {  	v4 =	vld [tilespmem:s0+$0xFFFFF010]  }
0xe7: {  	v5 =	vld [tilespmem:s0+$0x870]  }
0xe8: {  	v6 =	vld [tilespmem:s0+$0xFFFFF810]  }
0xe9: {  	v7 =	vld [tilespmem:s0+$0xFFFFF020]  }
0xea: {  	v8 =	vld [tilespmem:s0+$0xFFFFF820]  }
0xeb: {  	v9 =	vld [tilespmem:s0+$0xFFFFF030]  }
0xec: {  	v10 =	vld [tilespmem:s0+$0xFFFFF830]  }
0xed: {  	v11 =	vld [tilespmem:s0+$0xFFFFF040]  }
0xee: {  	s29 =	simm.s32 $0x14840;
	v12 =	vld [tilespmem:s0+$0xFFFFF840]  }
0xef: {  	v13 =	vld [tilespmem:s29+$0x30]  }
0xf0: {  	v14 =	vld [tilespmem:s0+$0xFFFFF050]  }
0xf1: {  	v15 =	vld [tilespmem:s0+$0xFFFFF850]  }
0xf2: {  	v16 =	vld [tilespmem:s0+$0xFFFFF060]  }
0xf3: {  	v17 =	vld [tilespmem:s0+$0xFFFFF860]  }
0xf4: {  	v18 =	vld [tilespmem:s0+$0xFFFFF000]  }
0xf5: {  	v19 =	vld [tilespmem:s0+$0x0]  }
0xf6: {  	v20 =	vld [tilespmem:s0+$0x10]  }
0xf7: {  	v21 =	vld [tilespmem:s0+$0x20]  }
0xf8: {  	v22 =	vld [tilespmem:s0+$0x30]  }
0xf9: {  	v23 =	vld [tilespmem:s0+$0x40]  }
0xfa: {  	v24 =	vld [tilespmem:s0+$0x50]  }
0xfb: {  	v25 =	vld [tilespmem:s0+$0x60]  }
0xfc: {  	v26 =	vld [tilespmem:s0+$0x800]  }
0xfd: {  	v27 =	vld [tilespmem:s0+$0x810]  }
0xfe: {  	v28 =	vld [tilespmem:s0+$0x820]  }
0xff: {  	v29 =	vld [tilespmem:s0+$0x830]  }
0x100: {  	v30 =	vld [tilespmem:s0+$0x840]  }
0x101: {  	v31 =	vld [tilespmem:s0+$0x850]  }
0x102: {  	v32 =	vld [tilespmem:s0+$0x860]  }
0x103: {  	v0 =	vld.idx.msk [tilespmem:v0+s1+$0x0], $0xffff  }
0x104: {  	v1 =	vld.idx.msk [tilespmem:v1+s1+$0x0], $0xffff  }
0x105: {  	v3 =	vld.idx.msk [tilespmem:v3+s1+$0x0], $0xffff  }
0x106: {  	v5 =	vld.idx.msk [tilespmem:v5+s1+$0x0], $0xffff  }
0x107: {  	v18 =	vld.idx.msk [tilespmem:v18+s1+$0x0], $0xffff  }
0x108: {  	v2 =	vld.idx.msk [tilespmem:v2+s1+$0x0], $0xffff  }
0x109: {  	v4 =	vld.idx.msk [tilespmem:v4+s1+$0x0], $0xffff  }
0x10a: {  	v6 =	vld.idx.msk [tilespmem:v6+s1+$0x0], $0xffff  }
0x10b: {  	v7 =	vld.idx.msk [tilespmem:v7+s1+$0x0], $0xffff  }
0x10c: {  	v8 =	vld.idx.msk [tilespmem:v8+s1+$0x0], $0xffff  }
0x10d: {  	v9 =	vld.idx.msk [tilespmem:v9+s1+$0x0], $0xffff  }
0x10e: {  	v10 =	vld.idx.msk [tilespmem:v10+s1+$0x0], $0xffff  }
0x10f: {  	v11 =	vld.idx.msk [tilespmem:v11+s1+$0x0], $0xffff  }
0x110: {  	v12 =	vld.idx.msk [tilespmem:v12+s1+$0x0], $0xffff  }
0x111: {  	v14 =	vld.idx.msk [tilespmem:v14+s1+$0x0], $0xffff  }
0x112: {  	v15 =	vld.idx.msk [tilespmem:v15+s1+$0x0], $0xffff  }
0x113: {  	v16 =	vld.idx.msk [tilespmem:v16+s1+$0x0], $0xffff  }
0x114: {  	v17 =	vld.idx.msk [tilespmem:v17+s1+$0x0], $0xffff  }
0x115: {  	v49 =	vld.idx.msk [tilespmem:v20+s1+$0x0], $0xffff  }
0x116: {  	v50 =	vld.idx.msk [tilespmem:v22+s1+$0x0], $0xffff;
	v0 =	vshll.u32 v0, $0x10;
	v1 =	vshll.u32 v1, $0x10  }
0x117: {  	v51 =	vld.idx.msk [tilespmem:v24+s1+$0x0], $0xffff;
	v3 =	vshll.u32 v3, $0x10;
	v5 =	vshll.u32 v5, $0x10;
	v0 =	vadd.f32 v1, v0  }
0x118: {  	v52 =	vld.idx.msk [tilespmem:v26+s1+$0x0], $0xffff;
	v18 =	vshll.u32 v18, $0x10;
	v2 =	vshll.u32 v2, $0x10;
	v6 =	vshll.u32 v6, $0x10  }
0x119: {  	v54 =	vshll.u32 v16, $0x10;
	v55 =	vshll.u32 v17, $0x10;
	v1 =	vld.idx.msk [tilespmem:v19+s1+$0x0], $0xffff;
	v0 =	vadd.f32 v3, v0  }
0x11a: {  	v56 =	vld.idx.msk [tilespmem:v28+s1+$0x0], $0xffff;
	v7 =	vshll.u32 v7, $0x10;
	v8 =	vshll.u32 v8, $0x10;
	v57 =	vadd.f32 v55, v54  }
0x11b: {  	v3 =	vld.idx.msk [tilespmem:v21+s1+$0x0], $0xffff;
	v5 =	vadd.f32 v5, v0;
	v0 =	vadd.f32 v2, v18;
	v2 =	vshll.u32 v4, $0x10  }
0x11c: {  	v58 =	vld.idx.msk [tilespmem:v29+s1+$0x0], $0xffff;
	v53 =	vshll.u32 v15, $0x10;
	v2 =	vadd.f32 v6, v2;
	v6 =	vadd.f32 v8, v7  }
0x11d: {  	v4 =	vld.idx.msk [tilespmem:v23+s1+$0x0], $0xffff;
	v7 =	vshll.u32 v9, $0x10;
	v9 =	vshll.u32 v10, $0x10;
	v10 =	vshll.u32 v11, $0x10  }
0x11e: {  	v8 =	vld.idx.msk [tilespmem:v25+s1+$0x0], $0xffff;
	v11 =	vshll.u32 v12, $0x10;
	v1 =	vshll.u32 v1, $0x10;
	v7 =	vadd.f32 v9, v7  }
0x11f: {  	v9 =	vadd.f32 v11, v10;
	v10 =	vshll.u32 v14, $0x10;
	v11 =	vld.idx.msk [tilespmem:v27+s1+$0x0], $0xffff;
	v0 =	vadd.f32 v1, v0  }
0x120: {  	v59 =	vld.idx.msk [tilespmem:v30+s1+$0x0], $0xffff;
	v1 =	vshll.u32 v49, $0x10;
	v10 =	vadd.f32 v53, v10;
	v3 =	vshll.u32 v3, $0x10  }
0x121: {  	v60 =	vld.idx.msk [tilespmem:v32+s1+$0x0], $0xffff;
	v1 =	vadd.f32 v1, v2;
	v2 =	vadd.f32 v3, v6;
	v3 =	vshll.u32 v50, $0x10  }
0x122: {  	v6 =	vld.idx.msk [tilespmem:v31+s1+$0x0], $0xffff;
	v3 =	vadd.f32 v3, v7;
	v4 =	vshll.u32 v4, $0x10;
	v7 =	vshll.u32 v51, $0x10  }
0x123: {  	v9 =	vadd.f32 v4, v9;
	v7 =	vadd.f32 v7, v10;
	v4 =	vshll.u32 v8, $0x10;
	v8 =	vld [tilespmem:s29+$0xFFFFFFC0]  }
0x124: {  	v10 =	vshll.u32 v52, $0x10;
	v61 =	vadd.f32 v4, v57;
	v4 =	vshll.u32 v11, $0x10;
	v11 =	vld [tilespmem:s29+$0xFFFFFFD0]  }
0x125: {  	v10 =	vadd.f32 v10, v0;
	v0 =	vld [tilespmem:s29+$0xFFFFFFE0];
	v62 =	vadd.f32 v4, v1;
	v1 =	vshll.u32 v56, $0x10  }
0x126: {  	v63 =	vshll.u32 v59, $0x10;
	v4 =	vshll.u32 v58, $0x10;
	v1 =	vadd.f32 v1, v2;
	v2 =	vld [tilespmem:s29+$0xFFFFFFF0]  }
0x127: {  	v13 =	vmul.f32 v5, v13;
	v5 =	vld [tilespmem:s29+$0x0];
	v4 =	vadd.f32 v4, v3;
	v3 =	vadd.f32 v63, v9  }
0x128: {  	s30 =	simm.s32 $0x15840;
	v9 =	vshll.u32 v6, $0x10;
	v6 =	vld [tilespmem:s29+$0x10];
	v10 =	vmul.f32 v10, v8;
	v8 =	vshll.u32 v60, $0x10  }
0x129: {  	s31 =	simm.s32 $0x0;
	s0 =	simm.s32 $0x13080;
	[tilespmem:s30+$0x30] =	vst v13;
	v7 =	vadd.f32 v9, v7;
	v9 =	vld [tilespmem:s29+$0x20];
	v11 =	vmul.f32 v62, v11;
	v8 =	vadd.f32 v8, v61  }
.LBB2_4:
0x12a: {  	v12 =	vld [tilespmem:s0+$0xFFFFF070];
	[tilespmem:s30+$0xFFFFFFC0] =	vst v10;
	v0 =	vmul.f32 v1, v0  }
0x12b: {  	s31 =	sadd.s32 $0x80, s31;
	v1 =	vld [tilespmem:s0+$0xFFFFF870];
	[tilespmem:s30+$0xFFFFFFD0] =	vst v11;
	v2 =	vmul.f32 v4, v2  }
0x12c: {  	p0 =	slt.u32 s31, $0x780;
	v4 =	vld [tilespmem:s0+$0xFFFFF800];
	[tilespmem:s30+$0xFFFFFFE0] =	vst v0;
	v0 =	vmul.f32 v3, v5  }
0x12d: {  	v3 =	vld [tilespmem:s0+$0x70];
	[tilespmem:s30+$0xFFFFFFF0] =	vst v2;
	v2 =	vmul.f32 v7, v6  }
0x12e: {  	v5 =	vld [tilespmem:s0+$0xFFFFF010];
	[tilespmem:s30+$0x0] =	vst v0;
	v0 =	vmul.f32 v8, v9  }
0x12f: {  	v6 =	vld [tilespmem:s0+$0x870];
	[tilespmem:s30+$0x10] =	vst v2  }
0x130: {  	v2 =	vld [tilespmem:s0+$0xFFFFF810];
	[tilespmem:s30+$0x20] =	vst v0  }
0x131: {  	v0 =	vld [tilespmem:s0+$0xFFFFF020]  }
0x132: {  	v7 =	vld.idx.msk [tilespmem:v12+s1+$0x0], $0xffff  }
0x133: {  	v1 =	vld.idx.msk [tilespmem:v1+s1+$0x0], $0xffff  }
0x134: {  	v8 =	vld [tilespmem:s0+$0xFFFFF820]  }
0x135: {  	v3 =	vld.idx.msk [tilespmem:v3+s1+$0x0], $0xffff  }
0x136: {  	v9 =	vld [tilespmem:s0+$0xFFFFF030]  }
0x137: {  	v6 =	vld.idx.msk [tilespmem:v6+s1+$0x0], $0xffff  }
0x138: {  	v10 =	vld [tilespmem:s0+$0xFFFFF830]  }
0x139: {  	v7 =	vshll.u32 v7, $0x10;
	v1 =	vshll.u32 v1, $0x10;
	v11 =	vld [tilespmem:s0+$0xFFFFF040]  }
0x13a: {  	s29 =	sadd.s32 $0x80, s29;
	v1 =	vadd.f32 v1, v7;
	v12 =	vld [tilespmem:s0+$0xFFFFF840]  }
0x13b: {  	v3 =	vshll.u32 v3, $0x10;
	v7 =	vld [tilespmem:s29+$0x30]  }
0x13c: {  	v1 =	vadd.f32 v3, v1;
	v13 =	vld [tilespmem:s0+$0xFFFFF050]  }
0x13d: {  	v6 =	vshll.u32 v6, $0x10;
	v3 =	vld [tilespmem:s0+$0xFFFFF850]  }
0x13e: {  	v1 =	vadd.f32 v6, v1;
	v14 =	vld [tilespmem:s0+$0xFFFFF060]  }
0x13f: {  	v6 =	vld [tilespmem:s0+$0xFFFFF860]  }
0x140: {  	v15 =	vld [tilespmem:s0+$0xFFFFF000];
	v1 =	vmul.f32 v1, v7  }
0x141: {  	s30 =	sadd.s32 $0x80, s30;
	v7 =	vld [tilespmem:s0+$0x0]  }
0x142: {  	v16 =	vld [tilespmem:s0+$0x10];
	[tilespmem:s30+$0x30] =	vst v1  }
0x143: {  	v1 =	vld [tilespmem:s0+$0x20]  }
0x144: {  	v17 =	vld [tilespmem:s0+$0x30]  }
0x145: {  	v18 =	vld [tilespmem:s0+$0x40]  }
0x146: {  	v19 =	vld [tilespmem:s0+$0x50]  }
0x147: {  	v20 =	vld [tilespmem:s0+$0x60]  }
0x148: {  	v21 =	vld [tilespmem:s0+$0x800]  }
0x149: {  	v22 =	vld [tilespmem:s0+$0x810]  }
0x14a: {  	v23 =	vld [tilespmem:s0+$0x820]  }
0x14b: {  	v24 =	vld [tilespmem:s0+$0x830]  }
0x14c: {  	v25 =	vld [tilespmem:s0+$0x840]  }
0x14d: {  	v26 =	vld [tilespmem:s0+$0x850]  }
0x14e: {  	v27 =	vld [tilespmem:s0+$0x860]  }
0x14f: {  	v15 =	vld.idx.msk [tilespmem:v15+s1+$0x0], $0xffff  }
0x150: {  	v4 =	vld.idx.msk [tilespmem:v4+s1+$0x0], $0xffff  }
0x151: {  	v5 =	vld.idx.msk [tilespmem:v5+s1+$0x0], $0xffff  }
0x152: {  	v2 =	vld.idx.msk [tilespmem:v2+s1+$0x0], $0xffff  }
0x153: {  	v0 =	vld.idx.msk [tilespmem:v0+s1+$0x0], $0xffff  }
0x154: {  	v8 =	vld.idx.msk [tilespmem:v8+s1+$0x0], $0xffff  }
0x155: {  	v15 =	vshll.u32 v15, $0x10;
	v9 =	vld.idx.msk [tilespmem:v9+s1+$0x0], $0xffff  }
0x156: {  	v4 =	vshll.u32 v4, $0x10;
	v10 =	vld.idx.msk [tilespmem:v10+s1+$0x0], $0xffff  }
0x157: {  	v4 =	vadd.f32 v4, v15;
	v5 =	vshll.u32 v5, $0x10;
	v11 =	vld.idx.msk [tilespmem:v11+s1+$0x0], $0xffff  }
0x158: {  	v2 =	vshll.u32 v2, $0x10;
	v12 =	vld.idx.msk [tilespmem:v12+s1+$0x0], $0xffff  }
0x159: {  	v2 =	vadd.f32 v2, v5;
	v0 =	vshll.u32 v0, $0x10;
	v5 =	vld.idx.msk [tilespmem:v13+s1+$0x0], $0xffff  }
0x15a: {  	v8 =	vshll.u32 v8, $0x10;
	v3 =	vld.idx.msk [tilespmem:v3+s1+$0x0], $0xffff  }
0x15b: {  	v0 =	vadd.f32 v8, v0;
	v8 =	vshll.u32 v9, $0x10;
	v9 =	vld.idx.msk [tilespmem:v14+s1+$0x0], $0xffff  }
0x15c: {  	v10 =	vshll.u32 v10, $0x10;
	v6 =	vld.idx.msk [tilespmem:v6+s1+$0x0], $0xffff  }
0x15d: {  	v8 =	vadd.f32 v10, v8;
	v10 =	vshll.u32 v11, $0x10;
	v7 =	vld.idx.msk [tilespmem:v7+s1+$0x0], $0xffff  }
0x15e: {  	v12 =	vshll.u32 v12, $0x10;
	v11 =	vld.idx.msk [tilespmem:v16+s1+$0x0], $0xffff  }
0x15f: {  	v10 =	vadd.f32 v12, v10;
	v5 =	vshll.u32 v5, $0x10;
	v1 =	vld.idx.msk [tilespmem:v1+s1+$0x0], $0xffff  }
0x160: {  	v3 =	vshll.u32 v3, $0x10;
	v12 =	vld.idx.msk [tilespmem:v17+s1+$0x0], $0xffff  }
0x161: {  	v3 =	vadd.f32 v3, v5;
	v5 =	vshll.u32 v9, $0x10;
	v13 =	vld.idx.msk [tilespmem:v18+s1+$0x0], $0xffff  }
0x162: {  	v6 =	vshll.u32 v6, $0x10;
	v9 =	vld.idx.msk [tilespmem:v19+s1+$0x0], $0xffff  }
0x163: {  	v7 =	vshll.u32 v7, $0x10;
	v5 =	vadd.f32 v6, v5;
	v6 =	vld.idx.msk [tilespmem:v20+s1+$0x0], $0xffff  }
0x164: {  	v4 =	vadd.f32 v7, v4;
	v11 =	vshll.u32 v11, $0x10;
	v7 =	vld.idx.msk [tilespmem:v21+s1+$0x0], $0xffff  }
0x165: {  	v2 =	vadd.f32 v11, v2;
	v1 =	vshll.u32 v1, $0x10;
	v11 =	vld.idx.msk [tilespmem:v22+s1+$0x0], $0xffff  }
0x166: {  	v0 =	vadd.f32 v1, v0;
	v12 =	vshll.u32 v12, $0x10;
	v1 =	vld.idx.msk [tilespmem:v23+s1+$0x0], $0xffff  }
0x167: {  	v8 =	vadd.f32 v12, v8;
	v13 =	vshll.u32 v13, $0x10;
	v12 =	vld.idx.msk [tilespmem:v24+s1+$0x0], $0xffff  }
0x168: {  	v10 =	vadd.f32 v13, v10;
	v9 =	vshll.u32 v9, $0x10;
	v13 =	vld.idx.msk [tilespmem:v25+s1+$0x0], $0xffff  }
0x169: {  	v9 =	vadd.f32 v9, v3;
	v3 =	vshll.u32 v6, $0x10;
	v14 =	vld.idx.msk [tilespmem:v26+s1+$0x0], $0xffff  }
0x16a: {  	v6 =	vshll.u32 v7, $0x10;
	v15 =	vadd.f32 v3, v5;
	v16 =	vld.idx.msk [tilespmem:v27+s1+$0x0], $0xffff  }
0x16b: {  	v6 =	vadd.f32 v6, v4;
	v3 =	vshll.u32 v11, $0x10;
	v7 =	vld [tilespmem:s29+$0xFFFFFFC0]  }
0x16c: {  	v11 =	vadd.f32 v3, v2;
	v1 =	vshll.u32 v1, $0x10;
	v17 =	vld [tilespmem:s29+$0xFFFFFFD0]  }
.Ltmp1:
0x16d: {  	v1 =	vadd.f32 v1, v0;
	v2 =	vshll.u32 v12, $0x10;
	v0 =	vld [tilespmem:s29+$0xFFFFFFE0];
	(pc) =	sbr.rel @p0 .LBB2_4-.Ltmp1, $4  }
0x16e: {  	v4 =	vadd.f32 v2, v8;
	v3 =	vshll.u32 v13, $0x10;
	v2 =	vld [tilespmem:s29+$0xFFFFFFF0]  }
0x16f: {  	v3 =	vadd.f32 v3, v10;
	v8 =	vshll.u32 v14, $0x10;
	v5 =	vld [tilespmem:s29+$0x0]  }
0x170: {  	v10 =	vmul.f32 v6, v7;
	v7 =	vadd.f32 v8, v9;
	v6 =	vld [tilespmem:s29+$0x10];
	v8 =	vshll.u32 v16, $0x10  }
0x171: {  	s0 =	sadd.s32 $0x80, s0;
	v11 =	vmul.f32 v11, v17;
	v8 =	vadd.f32 v8, v15;
	v9 =	vld [tilespmem:s29+$0x20]  }
0x172: {  	[tilespmem:s30+$0xFFFFFFC0] =	vst v10;
	v0 =	vmul.f32 v1, v0  }
0x173: {  	[tilespmem:s30+$0xFFFFFFD0] =	vst v11;
	v1 =	vmul.f32 v4, v2  }
0x174: {  	[tilespmem:s30+$0xFFFFFFE0] =	vst v0;
	v0 =	vmul.f32 v3, v5  }
0x175: {  	[tilespmem:s30+$0xFFFFFFF0] =	vst v1;
	v1 =	vmul.f32 v7, v6  }
0x176: {  	[tilespmem:s30+$0x0] =	vst v0;
	v0 =	vmul.f32 v8, v9  }
0x177: {  	[tilespmem:s30+$0x10] =	vst v1  }
0x178: {  	[tilespmem:s30+$0x20] =	vst v0  }
0x179: {  	s0 =	rddreg [dreg:$0x9]  }
0x17a: {  	[hbm4b:s0+s14] =	stream.strided.scatter [tilespmem:s24], [sflag:$0x5], $0x800, s15, s14, $0x38;
	[tilespmem:$0x16000] =	vst v63  }
0x17b: {  	_ = 	snop  }
0x17c: {  	[tilespmem:s19], [sflag:$0x3] =	stream.linear.gather [hbm4b:s9+s1], $0x2000, $0x38;
	[tilespmem:$0x16000] =	vst v63  }
0x17d: {  	s0 =	rddreg [dreg:$0xa]  }
0x17e: {  	[tilespmem:s20], [sflag:$0x3] =	stream.strided.gather [hbm4b:s0+s14], $0x800, s15, s14, $0x38;
	[tilespmem:$0x16000] =	vst v63  }
0x17f: {  	_ =	swait.ge [sflag:s25], $0x800  }
0x180: {  	[sflag:s25] =	ssyncset.done $0x0  }
0x181: {  	[sflag:s25] =	ssyncadd.s32 $0xFFFFF800  }
0x182: {  	_ =	swait.ge [sflag:s21], $0x2000  }
0x183: {  	[sflag:s21] =	ssyncset.done $0x0  }
0x184: {  	[sflag:s21] =	ssyncadd.s32 $0xFFFFE000  }
0x185: {  	_ =	swait.ge [sflag:s21], $0x800  }
0x186: {  	[sflag:s21] =	ssyncset.done $0x0  }
0x187: {  	s0 =	simm.s32 $0x11000;
	[sflag:s21] =	ssyncadd.s32 $0xFFFFF800  }
0x188: {  	v0 =	vld [tilespmem:s0+$0xFFFFF070]  }
0x189: {  	v1 =	vld [tilespmem:s0+$0xFFFFF870]  }
0x18a: {  	v2 =	vld [tilespmem:s0+$0xFFFFF800]  }
0x18b: {  	v3 =	vld [tilespmem:s0+$0x70]  }
0x18c: {  	v4 =	vld [tilespmem:s0+$0xFFFFF010]  }
0x18d: {  	v5 =	vld [tilespmem:s0+$0x870]  }
0x18e: {  	v6 =	vld [tilespmem:s0+$0xFFFFF810]  }
0x18f: {  	v7 =	vld [tilespmem:s0+$0xFFFFF020]  }
0x190: {  	v8 =	vld [tilespmem:s0+$0xFFFFF820]  }
0x191: {  	v9 =	vld [tilespmem:s0+$0xFFFFF030]  }
0x192: {  	v10 =	vld [tilespmem:s0+$0xFFFFF830]  }
0x193: {  	v11 =	vld [tilespmem:s0+$0xFFFFF040]  }
0x194: {  	s29 =	simm.s32 $0x14040;
	v12 =	vld [tilespmem:s0+$0xFFFFF840]  }
0x195: {  	v13 =	vld [tilespmem:s29+$0x30]  }
0x196: {  	v14 =	vld [tilespmem:s0+$0xFFFFF050]  }
0x197: {  	v15 =	vld [tilespmem:s0+$0xFFFFF850]  }
0x198: {  	v16 =	vld [tilespmem:s0+$0xFFFFF060]  }
0x199: {  	v17 =	vld [tilespmem:s0+$0xFFFFF860]  }
0x19a: {  	v18 =	vld [tilespmem:s0+$0xFFFFF000]  }
0x19b: {  	v19 =	vld [tilespmem:s0+$0x0]  }
0x19c: {  	v20 =	vld [tilespmem:s0+$0x10]  }
0x19d: {  	v21 =	vld [tilespmem:s0+$0x20]  }
0x19e: {  	v22 =	vld [tilespmem:s0+$0x30]  }
0x19f: {  	v23 =	vld [tilespmem:s0+$0x40]  }
0x1a0: {  	v24 =	vld [tilespmem:s0+$0x50]  }
0x1a1: {  	v25 =	vld [tilespmem:s0+$0x60]  }
0x1a2: {  	v26 =	vld [tilespmem:s0+$0x800]  }
0x1a3: {  	v27 =	vld [tilespmem:s0+$0x810]  }
0x1a4: {  	v28 =	vld [tilespmem:s0+$0x820]  }
0x1a5: {  	v29 =	vld [tilespmem:s0+$0x830]  }
0x1a6: {  	v30 =	vld [tilespmem:s0+$0x840]  }
0x1a7: {  	v31 =	vld [tilespmem:s0+$0x850]  }
0x1a8: {  	v32 =	vld [tilespmem:s0+$0x860]  }
0x1a9: {  	v0 =	vld.idx.msk [tilespmem:v0+s1+$0x0], $0xffff  }
0x1aa: {  	v1 =	vld.idx.msk [tilespmem:v1+s1+$0x0], $0xffff  }
0x1ab: {  	v3 =	vld.idx.msk [tilespmem:v3+s1+$0x0], $0xffff  }
0x1ac: {  	v5 =	vld.idx.msk [tilespmem:v5+s1+$0x0], $0xffff  }
0x1ad: {  	v18 =	vld.idx.msk [tilespmem:v18+s1+$0x0], $0xffff  }
0x1ae: {  	v2 =	vld.idx.msk [tilespmem:v2+s1+$0x0], $0xffff  }
0x1af: {  	v4 =	vld.idx.msk [tilespmem:v4+s1+$0x0], $0xffff  }
0x1b0: {  	v6 =	vld.idx.msk [tilespmem:v6+s1+$0x0], $0xffff  }
0x1b1: {  	v7 =	vld.idx.msk [tilespmem:v7+s1+$0x0], $0xffff  }
0x1b2: {  	v8 =	vld.idx.msk [tilespmem:v8+s1+$0x0], $0xffff  }
0x1b3: {  	v9 =	vld.idx.msk [tilespmem:v9+s1+$0x0], $0xffff  }
0x1b4: {  	v10 =	vld.idx.msk [tilespmem:v10+s1+$0x0], $0xffff  }
0x1b5: {  	v11 =	vld.idx.msk [tilespmem:v11+s1+$0x0], $0xffff  }
0x1b6: {  	v12 =	vld.idx.msk [tilespmem:v12+s1+$0x0], $0xffff  }
0x1b7: {  	v14 =	vld.idx.msk [tilespmem:v14+s1+$0x0], $0xffff  }
0x1b8: {  	v15 =	vld.idx.msk [tilespmem:v15+s1+$0x0], $0xffff  }
0x1b9: {  	v16 =	vld.idx.msk [tilespmem:v16+s1+$0x0], $0xffff  }
0x1ba: {  	v17 =	vld.idx.msk [tilespmem:v17+s1+$0x0], $0xffff  }
0x1bb: {  	v49 =	vld.idx.msk [tilespmem:v20+s1+$0x0], $0xffff  }
0x1bc: {  	v50 =	vld.idx.msk [tilespmem:v22+s1+$0x0], $0xffff;
	v0 =	vshll.u32 v0, $0x10;
	v1 =	vshll.u32 v1, $0x10  }
0x1bd: {  	v51 =	vld.idx.msk [tilespmem:v24+s1+$0x0], $0xffff;
	v3 =	vshll.u32 v3, $0x10;
	v5 =	vshll.u32 v5, $0x10;
	v0 =	vadd.f32 v1, v0  }
0x1be: {  	v52 =	vld.idx.msk [tilespmem:v26+s1+$0x0], $0xffff;
	v18 =	vshll.u32 v18, $0x10;
	v2 =	vshll.u32 v2, $0x10;
	v6 =	vshll.u32 v6, $0x10  }
0x1bf: {  	v54 =	vshll.u32 v16, $0x10;
	v55 =	vshll.u32 v17, $0x10;
	v1 =	vld.idx.msk [tilespmem:v19+s1+$0x0], $0xffff;
	v0 =	vadd.f32 v3, v0  }
0x1c0: {  	v56 =	vld.idx.msk [tilespmem:v28+s1+$0x0], $0xffff;
	v7 =	vshll.u32 v7, $0x10;
	v8 =	vshll.u32 v8, $0x10;
	v57 =	vadd.f32 v55, v54  }
0x1c1: {  	v3 =	vld.idx.msk [tilespmem:v21+s1+$0x0], $0xffff;
	v5 =	vadd.f32 v5, v0;
	v0 =	vadd.f32 v2, v18;
	v2 =	vshll.u32 v4, $0x10  }
0x1c2: {  	v58 =	vld.idx.msk [tilespmem:v29+s1+$0x0], $0xffff;
	v53 =	vshll.u32 v15, $0x10;
	v2 =	vadd.f32 v6, v2;
	v6 =	vadd.f32 v8, v7  }
0x1c3: {  	v4 =	vld.idx.msk [tilespmem:v23+s1+$0x0], $0xffff;
	v7 =	vshll.u32 v9, $0x10;
	v9 =	vshll.u32 v10, $0x10;
	v10 =	vshll.u32 v11, $0x10  }
0x1c4: {  	v8 =	vld.idx.msk [tilespmem:v25+s1+$0x0], $0xffff;
	v11 =	vshll.u32 v12, $0x10;
	v1 =	vshll.u32 v1, $0x10;
	v7 =	vadd.f32 v9, v7  }
0x1c5: {  	v9 =	vadd.f32 v11, v10;
	v10 =	vshll.u32 v14, $0x10;
	v11 =	vld.idx.msk [tilespmem:v27+s1+$0x0], $0xffff;
	v0 =	vadd.f32 v1, v0  }
0x1c6: {  	v59 =	vld.idx.msk [tilespmem:v30+s1+$0x0], $0xffff;
	v1 =	vshll.u32 v49, $0x10;
	v10 =	vadd.f32 v53, v10;
	v3 =	vshll.u32 v3, $0x10  }
0x1c7: {  	v60 =	vld.idx.msk [tilespmem:v32+s1+$0x0], $0xffff;
	v1 =	vadd.f32 v1, v2;
	v2 =	vadd.f32 v3, v6;
	v3 =	vshll.u32 v50, $0x10  }
0x1c8: {  	v6 =	vld.idx.msk [tilespmem:v31+s1+$0x0], $0xffff;
	v3 =	vadd.f32 v3, v7;
	v4 =	vshll.u32 v4, $0x10;
	v7 =	vshll.u32 v51, $0x10  }
0x1c9: {  	v9 =	vadd.f32 v4, v9;
	v7 =	vadd.f32 v7, v10;
	v4 =	vshll.u32 v8, $0x10;
	v8 =	vld [tilespmem:s29+$0xFFFFFFC0]  }
0x1ca: {  	v10 =	vshll.u32 v52, $0x10;
	v61 =	vadd.f32 v4, v57;
	v4 =	vshll.u32 v11, $0x10;
	v11 =	vld [tilespmem:s29+$0xFFFFFFD0]  }
0x1cb: {  	v10 =	vadd.f32 v10, v0;
	v0 =	vld [tilespmem:s29+$0xFFFFFFE0];
	v62 =	vadd.f32 v4, v1;
	v1 =	vshll.u32 v56, $0x10  }
0x1cc: {  	v63 =	vshll.u32 v59, $0x10;
	v4 =	vshll.u32 v58, $0x10;
	v1 =	vadd.f32 v1, v2;
	v2 =	vld [tilespmem:s29+$0xFFFFFFF0]  }
0x1cd: {  	v13 =	vmul.f32 v5, v13;
	v5 =	vld [tilespmem:s29+$0x0];
	v4 =	vadd.f32 v4, v3;
	v3 =	vadd.f32 v63, v9  }
0x1ce: {  	s30 =	simm.s32 $0x15040;
	v9 =	vshll.u32 v6, $0x10;
	v6 =	vld [tilespmem:s29+$0x10];
	v10 =	vmul.f32 v10, v8;
	v8 =	vshll.u32 v60, $0x10  }
0x1cf: {  	s31 =	simm.s32 $0x0;
	s0 =	simm.s32 $0x11080;
	[tilespmem:s30+$0x30] =	vst v13;
	v7 =	vadd.f32 v9, v7;
	v9 =	vld [tilespmem:s29+$0x20];
	v11 =	vmul.f32 v62, v11;
	v8 =	vadd.f32 v8, v61  }
.LBB2_6:
0x1d0: {  	v12 =	vld [tilespmem:s0+$0xFFFFF070];
	[tilespmem:s30+$0xFFFFFFC0] =	vst v10;
	v0 =	vmul.f32 v1, v0  }
0x1d1: {  	s31 =	sadd.s32 $0x80, s31;
	v1 =	vld [tilespmem:s0+$0xFFFFF870];
	[tilespmem:s30+$0xFFFFFFD0] =	vst v11;
	v2 =	vmul.f32 v4, v2  }
0x1d2: {  	p0 =	slt.u32 s31, $0x780;
	v4 =	vld [tilespmem:s0+$0xFFFFF800];
	[tilespmem:s30+$0xFFFFFFE0] =	vst v0;
	v0 =	vmul.f32 v3, v5  }
0x1d3: {  	v3 =	vld [tilespmem:s0+$0x70];
	[tilespmem:s30+$0xFFFFFFF0] =	vst v2;
	v2 =	vmul.f32 v7, v6  }
0x1d4: {  	v5 =	vld [tilespmem:s0+$0xFFFFF010];
	[tilespmem:s30+$0x0] =	vst v0;
	v0 =	vmul.f32 v8, v9  }
0x1d5: {  	v6 =	vld [tilespmem:s0+$0x870];
	[tilespmem:s30+$0x10] =	vst v2  }
0x1d6: {  	v2 =	vld [tilespmem:s0+$0xFFFFF810];
	[tilespmem:s30+$0x20] =	vst v0  }
0x1d7: {  	v0 =	vld [tilespmem:s0+$0xFFFFF020]  }
0x1d8: {  	v7 =	vld.idx.msk [tilespmem:v12+s1+$0x0], $0xffff  }
0x1d9: {  	v1 =	vld.idx.msk [tilespmem:v1+s1+$0x0], $0xffff  }
0x1da: {  	v8 =	vld [tilespmem:s0+$0xFFFFF820]  }
0x1db: {  	v3 =	vld.idx.msk [tilespmem:v3+s1+$0x0], $0xffff  }
0x1dc: {  	v9 =	vld [tilespmem:s0+$0xFFFFF030]  }
0x1dd: {  	v6 =	vld.idx.msk [tilespmem:v6+s1+$0x0], $0xffff  }
0x1de: {  	v10 =	vld [tilespmem:s0+$0xFFFFF830]  }
0x1df: {  	v7 =	vshll.u32 v7, $0x10;
	v1 =	vshll.u32 v1, $0x10;
	v11 =	vld [tilespmem:s0+$0xFFFFF040]  }
0x1e0: {  	s29 =	sadd.s32 $0x80, s29;
	v1 =	vadd.f32 v1, v7;
	v12 =	vld [tilespmem:s0+$0xFFFFF840]  }
0x1e1: {  	v3 =	vshll.u32 v3, $0x10;
	v7 =	vld [tilespmem:s29+$0x30]  }
0x1e2: {  	v1 =	vadd.f32 v3, v1;
	v13 =	vld [tilespmem:s0+$0xFFFFF050]  }
0x1e3: {  	v6 =	vshll.u32 v6, $0x10;
	v3 =	vld [tilespmem:s0+$0xFFFFF850]  }
0x1e4: {  	v1 =	vadd.f32 v6, v1;
	v14 =	vld [tilespmem:s0+$0xFFFFF060]  }
0x1e5: {  	v6 =	vld [tilespmem:s0+$0xFFFFF860]  }
0x1e6: {  	v15 =	vld [tilespmem:s0+$0xFFFFF000];
	v1 =	vmul.f32 v1, v7  }
0x1e7: {  	s30 =	sadd.s32 $0x80, s30;
	v7 =	vld [tilespmem:s0+$0x0]  }
0x1e8: {  	v16 =	vld [tilespmem:s0+$0x10];
	[tilespmem:s30+$0x30] =	vst v1  }
0x1e9: {  	v1 =	vld [tilespmem:s0+$0x20]  }
0x1ea: {  	v17 =	vld [tilespmem:s0+$0x30]  }
0x1eb: {  	v18 =	vld [tilespmem:s0+$0x40]  }
0x1ec: {  	v19 =	vld [tilespmem:s0+$0x50]  }
0x1ed: {  	v20 =	vld [tilespmem:s0+$0x60]  }
0x1ee: {  	v21 =	vld [tilespmem:s0+$0x800]  }
0x1ef: {  	v22 =	vld [tilespmem:s0+$0x810]  }
0x1f0: {  	v23 =	vld [tilespmem:s0+$0x820]  }
0x1f1: {  	v24 =	vld [tilespmem:s0+$0x830]  }
0x1f2: {  	v25 =	vld [tilespmem:s0+$0x840]  }
0x1f3: {  	v26 =	vld [tilespmem:s0+$0x850]  }
0x1f4: {  	v27 =	vld [tilespmem:s0+$0x860]  }
0x1f5: {  	v15 =	vld.idx.msk [tilespmem:v15+s1+$0x0], $0xffff  }
0x1f6: {  	v4 =	vld.idx.msk [tilespmem:v4+s1+$0x0], $0xffff  }
0x1f7: {  	v5 =	vld.idx.msk [tilespmem:v5+s1+$0x0], $0xffff  }
0x1f8: {  	v2 =	vld.idx.msk [tilespmem:v2+s1+$0x0], $0xffff  }
0x1f9: {  	v0 =	vld.idx.msk [tilespmem:v0+s1+$0x0], $0xffff  }
0x1fa: {  	v8 =	vld.idx.msk [tilespmem:v8+s1+$0x0], $0xffff  }
0x1fb: {  	v15 =	vshll.u32 v15, $0x10;
	v9 =	vld.idx.msk [tilespmem:v9+s1+$0x0], $0xffff  }
0x1fc: {  	v4 =	vshll.u32 v4, $0x10;
	v10 =	vld.idx.msk [tilespmem:v10+s1+$0x0], $0xffff  }
0x1fd: {  	v4 =	vadd.f32 v4, v15;
	v5 =	vshll.u32 v5, $0x10;
	v11 =	vld.idx.msk [tilespmem:v11+s1+$0x0], $0xffff  }
0x1fe: {  	v2 =	vshll.u32 v2, $0x10;
	v12 =	vld.idx.msk [tilespmem:v12+s1+$0x0], $0xffff  }
0x1ff: {  	v2 =	vadd.f32 v2, v5;
	v0 =	vshll.u32 v0, $0x10;
	v5 =	vld.idx.msk [tilespmem:v13+s1+$0x0], $0xffff  }
0x200: {  	v8 =	vshll.u32 v8, $0x10;
	v3 =	vld.idx.msk [tilespmem:v3+s1+$0x0], $0xffff  }
0x201: {  	v0 =	vadd.f32 v8, v0;
	v8 =	vshll.u32 v9, $0x10;
	v9 =	vld.idx.msk [tilespmem:v14+s1+$0x0], $0xffff  }
0x202: {  	v10 =	vshll.u32 v10, $0x10;
	v6 =	vld.idx.msk [tilespmem:v6+s1+$0x0], $0xffff  }
0x203: {  	v8 =	vadd.f32 v10, v8;
	v10 =	vshll.u32 v11, $0x10;
	v7 =	vld.idx.msk [tilespmem:v7+s1+$0x0], $0xffff  }
0x204: {  	v12 =	vshll.u32 v12, $0x10;
	v11 =	vld.idx.msk [tilespmem:v16+s1+$0x0], $0xffff  }
0x205: {  	v10 =	vadd.f32 v12, v10;
	v5 =	vshll.u32 v5, $0x10;
	v1 =	vld.idx.msk [tilespmem:v1+s1+$0x0], $0xffff  }
0x206: {  	v3 =	vshll.u32 v3, $0x10;
	v12 =	vld.idx.msk [tilespmem:v17+s1+$0x0], $0xffff  }
0x207: {  	v3 =	vadd.f32 v3, v5;
	v5 =	vshll.u32 v9, $0x10;
	v13 =	vld.idx.msk [tilespmem:v18+s1+$0x0], $0xffff  }
0x208: {  	v6 =	vshll.u32 v6, $0x10;
	v9 =	vld.idx.msk [tilespmem:v19+s1+$0x0], $0xffff  }
0x209: {  	v7 =	vshll.u32 v7, $0x10;
	v5 =	vadd.f32 v6, v5;
	v6 =	vld.idx.msk [tilespmem:v20+s1+$0x0], $0xffff  }
0x20a: {  	v4 =	vadd.f32 v7, v4;
	v11 =	vshll.u32 v11, $0x10;
	v7 =	vld.idx.msk [tilespmem:v21+s1+$0x0], $0xffff  }
0x20b: {  	v2 =	vadd.f32 v11, v2;
	v1 =	vshll.u32 v1, $0x10;
	v11 =	vld.idx.msk [tilespmem:v22+s1+$0x0], $0xffff  }
0x20c: {  	v0 =	vadd.f32 v1, v0;
	v12 =	vshll.u32 v12, $0x10;
	v1 =	vld.idx.msk [tilespmem:v23+s1+$0x0], $0xffff  }
0x20d: {  	v8 =	vadd.f32 v12, v8;
	v13 =	vshll.u32 v13, $0x10;
	v12 =	vld.idx.msk [tilespmem:v24+s1+$0x0], $0xffff  }
0x20e: {  	v10 =	vadd.f32 v13, v10;
	v9 =	vshll.u32 v9, $0x10;
	v13 =	vld.idx.msk [tilespmem:v25+s1+$0x0], $0xffff  }
0x20f: {  	v9 =	vadd.f32 v9, v3;
	v3 =	vshll.u32 v6, $0x10;
	v14 =	vld.idx.msk [tilespmem:v26+s1+$0x0], $0xffff  }
0x210: {  	v6 =	vshll.u32 v7, $0x10;
	v15 =	vadd.f32 v3, v5;
	v16 =	vld.idx.msk [tilespmem:v27+s1+$0x0], $0xffff  }
0x211: {  	v6 =	vadd.f32 v6, v4;
	v3 =	vshll.u32 v11, $0x10;
	v7 =	vld [tilespmem:s29+$0xFFFFFFC0]  }
0x212: {  	v11 =	vadd.f32 v3, v2;
	v1 =	vshll.u32 v1, $0x10;
	v17 =	vld [tilespmem:s29+$0xFFFFFFD0]  }
.Ltmp2:
0x213: {  	v1 =	vadd.f32 v1, v0;
	v2 =	vshll.u32 v12, $0x10;
	v0 =	vld [tilespmem:s29+$0xFFFFFFE0];
	(pc) =	sbr.rel @p0 .LBB2_6-.Ltmp2, $4  }
0x214: {  	v4 =	vadd.f32 v2, v8;
	v3 =	vshll.u32 v13, $0x10;
	v2 =	vld [tilespmem:s29+$0xFFFFFFF0]  }
0x215: {  	v3 =	vadd.f32 v3, v10;
	v8 =	vshll.u32 v14, $0x10;
	v5 =	vld [tilespmem:s29+$0x0]  }
0x216: {  	v10 =	vmul.f32 v6, v7;
	v7 =	vadd.f32 v8, v9;
	v6 =	vld [tilespmem:s29+$0x10];
	v8 =	vshll.u32 v16, $0x10  }
0x217: {  	s0 =	sadd.s32 $0x80, s0;
	v11 =	vmul.f32 v11, v17;
	v8 =	vadd.f32 v8, v15;
	v9 =	vld [tilespmem:s29+$0x20]  }
0x218: {  	[tilespmem:s30+$0xFFFFFFC0] =	vst v10;
	v0 =	vmul.f32 v1, v0  }
0x219: {  	[tilespmem:s30+$0xFFFFFFD0] =	vst v11;
	v1 =	vmul.f32 v4, v2  }
0x21a: {  	[tilespmem:s30+$0xFFFFFFE0] =	vst v0;
	v0 =	vmul.f32 v3, v5  }
0x21b: {  	[tilespmem:s30+$0xFFFFFFF0] =	vst v1;
	v1 =	vmul.f32 v7, v6  }
0x21c: {  	[tilespmem:s30+$0x0] =	vst v0;
	v0 =	vmul.f32 v8, v9  }
0x21d: {  	[tilespmem:s30+$0x10] =	vst v1  }
0x21e: {  	[tilespmem:s30+$0x20] =	vst v0  }
0x21f: {  	s0 =	rddreg [dreg:$0xb]  }
0x220: {  	[hbm4b:s0+s14] =	stream.strided.scatter [tilespmem:s22], [sflag:$0x4], $0x800, s15, s14, $0x38;
	[tilespmem:$0x16000] =	vst v63  }
0x221: {  	_ = 	snop  }
0x222: {  	[tilespmem:s17], [sflag:$0x2] =	stream.linear.gather [hbm4b:s10+s1], $0x2000, $0x38;
	[tilespmem:$0x16000] =	vst v63  }
0x223: {  	s0 =	rddreg [dreg:$0xc]  }
0x224: {  	[tilespmem:s18], [sflag:$0x2] =	stream.strided.gather [hbm4b:s0+s14], $0x800, s15, s14, $0x38;
	[tilespmem:$0x16000] =	vst v63  }
0x225: {  	_ =	swait.ge [sflag:s26], $0x800  }
0x226: {  	[sflag:s26] =	ssyncset.done $0x0  }
0x227: {  	[sflag:s26] =	ssyncadd.s32 $0xFFFFF800  }
0x228: {  	_ =	swait.ge [sflag:s23], $0x2000  }
0x229: {  	[sflag:s23] =	ssyncset.done $0x0  }
0x22a: {  	[sflag:s23] =	ssyncadd.s32 $0xFFFFE000  }
0x22b: {  	_ =	swait.ge [sflag:s23], $0x800  }
0x22c: {  	[sflag:s23] =	ssyncset.done $0x0  }
0x22d: {  	s0 =	simm.s32 $0x13000;
	[sflag:s23] =	ssyncadd.s32 $0xFFFFF800  }
0x22e: {  	v0 =	vld [tilespmem:s0+$0xFFFFF070]  }
0x22f: {  	v1 =	vld [tilespmem:s0+$0xFFFFF870]  }
0x230: {  	v2 =	vld [tilespmem:s0+$0xFFFFF800]  }
0x231: {  	v3 =	vld [tilespmem:s0+$0x70]  }
0x232: {  	v4 =	vld [tilespmem:s0+$0xFFFFF010]  }
0x233: {  	v5 =	vld [tilespmem:s0+$0x870]  }
0x234: {  	v6 =	vld [tilespmem:s0+$0xFFFFF810]  }
0x235: {  	v7 =	vld [tilespmem:s0+$0xFFFFF020]  }
0x236: {  	v8 =	vld [tilespmem:s0+$0xFFFFF820]  }
0x237: {  	v9 =	vld [tilespmem:s0+$0xFFFFF030]  }
0x238: {  	v10 =	vld [tilespmem:s0+$0xFFFFF830]  }
0x239: {  	v11 =	vld [tilespmem:s0+$0xFFFFF040]  }
0x23a: {  	s29 =	simm.s32 $0x14840;
	v12 =	vld [tilespmem:s0+$0xFFFFF840]  }
0x23b: {  	v13 =	vld [tilespmem:s29+$0x30]  }
0x23c: {  	v14 =	vld [tilespmem:s0+$0xFFFFF050]  }
0x23d: {  	v15 =	vld [tilespmem:s0+$0xFFFFF850]  }
0x23e: {  	v16 =	vld [tilespmem:s0+$0xFFFFF060]  }
0x23f: {  	v17 =	vld [tilespmem:s0+$0xFFFFF860]  }
0x240: {  	v18 =	vld [tilespmem:s0+$0xFFFFF000]  }
0x241: {  	v19 =	vld [tilespmem:s0+$0x0]  }
0x242: {  	v20 =	vld [tilespmem:s0+$0x10]  }
0x243: {  	v21 =	vld [tilespmem:s0+$0x20]  }
0x244: {  	v22 =	vld [tilespmem:s0+$0x30]  }
0x245: {  	v23 =	vld [tilespmem:s0+$0x40]  }
0x246: {  	v24 =	vld [tilespmem:s0+$0x50]  }
0x247: {  	v25 =	vld [tilespmem:s0+$0x60]  }
0x248: {  	v26 =	vld [tilespmem:s0+$0x800]  }
0x249: {  	v27 =	vld [tilespmem:s0+$0x810]  }
0x24a: {  	v28 =	vld [tilespmem:s0+$0x820]  }
0x24b: {  	v29 =	vld [tilespmem:s0+$0x830]  }
0x24c: {  	v30 =	vld [tilespmem:s0+$0x840]  }
0x24d: {  	v31 =	vld [tilespmem:s0+$0x850]  }
0x24e: {  	v32 =	vld [tilespmem:s0+$0x860]  }
0x24f: {  	v0 =	vld.idx.msk [tilespmem:v0+s1+$0x0], $0xffff  }
0x250: {  	v1 =	vld.idx.msk [tilespmem:v1+s1+$0x0], $0xffff  }
0x251: {  	v3 =	vld.idx.msk [tilespmem:v3+s1+$0x0], $0xffff  }
0x252: {  	v5 =	vld.idx.msk [tilespmem:v5+s1+$0x0], $0xffff  }
0x253: {  	v18 =	vld.idx.msk [tilespmem:v18+s1+$0x0], $0xffff  }
0x254: {  	v2 =	vld.idx.msk [tilespmem:v2+s1+$0x0], $0xffff  }
0x255: {  	v4 =	vld.idx.msk [tilespmem:v4+s1+$0x0], $0xffff  }
0x256: {  	v6 =	vld.idx.msk [tilespmem:v6+s1+$0x0], $0xffff  }
0x257: {  	v7 =	vld.idx.msk [tilespmem:v7+s1+$0x0], $0xffff  }
0x258: {  	v8 =	vld.idx.msk [tilespmem:v8+s1+$0x0], $0xffff  }
0x259: {  	v9 =	vld.idx.msk [tilespmem:v9+s1+$0x0], $0xffff  }
0x25a: {  	v10 =	vld.idx.msk [tilespmem:v10+s1+$0x0], $0xffff  }
0x25b: {  	v11 =	vld.idx.msk [tilespmem:v11+s1+$0x0], $0xffff  }
0x25c: {  	v12 =	vld.idx.msk [tilespmem:v12+s1+$0x0], $0xffff  }
0x25d: {  	v14 =	vld.idx.msk [tilespmem:v14+s1+$0x0], $0xffff  }
0x25e: {  	v15 =	vld.idx.msk [tilespmem:v15+s1+$0x0], $0xffff  }
0x25f: {  	v16 =	vld.idx.msk [tilespmem:v16+s1+$0x0], $0xffff  }
0x260: {  	v17 =	vld.idx.msk [tilespmem:v17+s1+$0x0], $0xffff  }
0x261: {  	v49 =	vld.idx.msk [tilespmem:v20+s1+$0x0], $0xffff  }
0x262: {  	v50 =	vld.idx.msk [tilespmem:v22+s1+$0x0], $0xffff;
	v0 =	vshll.u32 v0, $0x10;
	v1 =	vshll.u32 v1, $0x10  }
0x263: {  	v51 =	vld.idx.msk [tilespmem:v24+s1+$0x0], $0xffff;
	v3 =	vshll.u32 v3, $0x10;
	v5 =	vshll.u32 v5, $0x10;
	v0 =	vadd.f32 v1, v0  }
0x264: {  	v52 =	vld.idx.msk [tilespmem:v26+s1+$0x0], $0xffff;
	v18 =	vshll.u32 v18, $0x10;
	v2 =	vshll.u32 v2, $0x10;
	v6 =	vshll.u32 v6, $0x10  }
0x265: {  	v54 =	vshll.u32 v16, $0x10;
	v55 =	vshll.u32 v17, $0x10;
	v1 =	vld.idx.msk [tilespmem:v19+s1+$0x0], $0xffff;
	v0 =	vadd.f32 v3, v0  }
0x266: {  	v56 =	vld.idx.msk [tilespmem:v28+s1+$0x0], $0xffff;
	v7 =	vshll.u32 v7, $0x10;
	v8 =	vshll.u32 v8, $0x10;
	v57 =	vadd.f32 v55, v54  }
0x267: {  	v3 =	vld.idx.msk [tilespmem:v21+s1+$0x0], $0xffff;
	v5 =	vadd.f32 v5, v0;
	v0 =	vadd.f32 v2, v18;
	v2 =	vshll.u32 v4, $0x10  }
0x268: {  	v58 =	vld.idx.msk [tilespmem:v29+s1+$0x0], $0xffff;
	v53 =	vshll.u32 v15, $0x10;
	v2 =	vadd.f32 v6, v2;
	v6 =	vadd.f32 v8, v7  }
0x269: {  	v4 =	vld.idx.msk [tilespmem:v23+s1+$0x0], $0xffff;
	v7 =	vshll.u32 v9, $0x10;
	v9 =	vshll.u32 v10, $0x10;
	v10 =	vshll.u32 v11, $0x10  }
0x26a: {  	v8 =	vld.idx.msk [tilespmem:v25+s1+$0x0], $0xffff;
	v11 =	vshll.u32 v12, $0x10;
	v1 =	vshll.u32 v1, $0x10;
	v7 =	vadd.f32 v9, v7  }
0x26b: {  	v9 =	vadd.f32 v11, v10;
	v10 =	vshll.u32 v14, $0x10;
	v11 =	vld.idx.msk [tilespmem:v27+s1+$0x0], $0xffff;
	v0 =	vadd.f32 v1, v0  }
0x26c: {  	v59 =	vld.idx.msk [tilespmem:v30+s1+$0x0], $0xffff;
	v1 =	vshll.u32 v49, $0x10;
	v10 =	vadd.f32 v53, v10;
	v3 =	vshll.u32 v3, $0x10  }
0x26d: {  	v60 =	vld.idx.msk [tilespmem:v32+s1+$0x0], $0xffff;
	v1 =	vadd.f32 v1, v2;
	v2 =	vadd.f32 v3, v6;
	v3 =	vshll.u32 v50, $0x10  }
0x26e: {  	v6 =	vld.idx.msk [tilespmem:v31+s1+$0x0], $0xffff;
	v3 =	vadd.f32 v3, v7;
	v4 =	vshll.u32 v4, $0x10;
	v7 =	vshll.u32 v51, $0x10  }
0x26f: {  	v9 =	vadd.f32 v4, v9;
	v7 =	vadd.f32 v7, v10;
	v4 =	vshll.u32 v8, $0x10;
	v8 =	vld [tilespmem:s29+$0xFFFFFFC0]  }
0x270: {  	v10 =	vshll.u32 v52, $0x10;
	v61 =	vadd.f32 v4, v57;
	v4 =	vshll.u32 v11, $0x10;
	v11 =	vld [tilespmem:s29+$0xFFFFFFD0]  }
0x271: {  	v10 =	vadd.f32 v10, v0;
	v0 =	vld [tilespmem:s29+$0xFFFFFFE0];
	v62 =	vadd.f32 v4, v1;
	v1 =	vshll.u32 v56, $0x10  }
0x272: {  	v63 =	vshll.u32 v59, $0x10;
	v4 =	vshll.u32 v58, $0x10;
	v1 =	vadd.f32 v1, v2;
	v2 =	vld [tilespmem:s29+$0xFFFFFFF0]  }
0x273: {  	v13 =	vmul.f32 v5, v13;
	v5 =	vld [tilespmem:s29+$0x0];
	v4 =	vadd.f32 v4, v3;
	v3 =	vadd.f32 v63, v9  }
0x274: {  	s30 =	simm.s32 $0x15840;
	v9 =	vshll.u32 v6, $0x10;
	v6 =	vld [tilespmem:s29+$0x10];
	v10 =	vmul.f32 v10, v8;
	v8 =	vshll.u32 v60, $0x10  }
0x275: {  	s31 =	simm.s32 $0x0;
	s0 =	simm.s32 $0x13080;
	[tilespmem:s30+$0x30] =	vst v13;
	v7 =	vadd.f32 v9, v7;
	v9 =	vld [tilespmem:s29+$0x20];
	v11 =	vmul.f32 v62, v11;
	v8 =	vadd.f32 v8, v61  }
.LBB2_8:
0x276: {  	v12 =	vld [tilespmem:s0+$0xFFFFF070];
	[tilespmem:s30+$0xFFFFFFC0] =	vst v10;
	v0 =	vmul.f32 v1, v0  }
0x277: {  	s31 =	sadd.s32 $0x80, s31;
	v1 =	vld [tilespmem:s0+$0xFFFFF870];
	[tilespmem:s30+$0xFFFFFFD0] =	vst v11;
	v2 =	vmul.f32 v4, v2  }
0x278: {  	p0 =	slt.u32 s31, $0x780;
	v4 =	vld [tilespmem:s0+$0xFFFFF800];
	[tilespmem:s30+$0xFFFFFFE0] =	vst v0;
	v0 =	vmul.f32 v3, v5  }
0x279: {  	v3 =	vld [tilespmem:s0+$0x70];
	[tilespmem:s30+$0xFFFFFFF0] =	vst v2;
	v2 =	vmul.f32 v7, v6  }
0x27a: {  	v5 =	vld [tilespmem:s0+$0xFFFFF010];
	[tilespmem:s30+$0x0] =	vst v0;
	v0 =	vmul.f32 v8, v9  }
0x27b: {  	v6 =	vld [tilespmem:s0+$0x870];
	[tilespmem:s30+$0x10] =	vst v2  }
0x27c: {  	v2 =	vld [tilespmem:s0+$0xFFFFF810];
	[tilespmem:s30+$0x20] =	vst v0  }
0x27d: {  	v0 =	vld [tilespmem:s0+$0xFFFFF020]  }
0x27e: {  	v7 =	vld.idx.msk [tilespmem:v12+s1+$0x0], $0xffff  }
0x27f: {  	v1 =	vld.idx.msk [tilespmem:v1+s1+$0x0], $0xffff  }
0x280: {  	v8 =	vld [tilespmem:s0+$0xFFFFF820]  }
0x281: {  	v3 =	vld.idx.msk [tilespmem:v3+s1+$0x0], $0xffff  }
0x282: {  	v9 =	vld [tilespmem:s0+$0xFFFFF030]  }
0x283: {  	v6 =	vld.idx.msk [tilespmem:v6+s1+$0x0], $0xffff  }
0x284: {  	v10 =	vld [tilespmem:s0+$0xFFFFF830]  }
0x285: {  	v7 =	vshll.u32 v7, $0x10;
	v1 =	vshll.u32 v1, $0x10;
	v11 =	vld [tilespmem:s0+$0xFFFFF040]  }
0x286: {  	s29 =	sadd.s32 $0x80, s29;
	v1 =	vadd.f32 v1, v7;
	v12 =	vld [tilespmem:s0+$0xFFFFF840]  }
0x287: {  	v3 =	vshll.u32 v3, $0x10;
	v7 =	vld [tilespmem:s29+$0x30]  }
0x288: {  	v1 =	vadd.f32 v3, v1;
	v13 =	vld [tilespmem:s0+$0xFFFFF050]  }
0x289: {  	v6 =	vshll.u32 v6, $0x10;
	v3 =	vld [tilespmem:s0+$0xFFFFF850]  }
0x28a: {  	v1 =	vadd.f32 v6, v1;
	v14 =	vld [tilespmem:s0+$0xFFFFF060]  }
0x28b: {  	v6 =	vld [tilespmem:s0+$0xFFFFF860]  }
0x28c: {  	v15 =	vld [tilespmem:s0+$0xFFFFF000];
	v1 =	vmul.f32 v1, v7  }
0x28d: {  	s30 =	sadd.s32 $0x80, s30;
	v7 =	vld [tilespmem:s0+$0x0]  }
0x28e: {  	v16 =	vld [tilespmem:s0+$0x10];
	[tilespmem:s30+$0x30] =	vst v1  }
0x28f: {  	v1 =	vld [tilespmem:s0+$0x20]  }
0x290: {  	v17 =	vld [tilespmem:s0+$0x30]  }
0x291: {  	v18 =	vld [tilespmem:s0+$0x40]  }
0x292: {  	v19 =	vld [tilespmem:s0+$0x50]  }
0x293: {  	v20 =	vld [tilespmem:s0+$0x60]  }
0x294: {  	v21 =	vld [tilespmem:s0+$0x800]  }
0x295: {  	v22 =	vld [tilespmem:s0+$0x810]  }
0x296: {  	v23 =	vld [tilespmem:s0+$0x820]  }
0x297: {  	v24 =	vld [tilespmem:s0+$0x830]  }
0x298: {  	v25 =	vld [tilespmem:s0+$0x840]  }
0x299: {  	v26 =	vld [tilespmem:s0+$0x850]  }
0x29a: {  	v27 =	vld [tilespmem:s0+$0x860]  }
0x29b: {  	v15 =	vld.idx.msk [tilespmem:v15+s1+$0x0], $0xffff  }
0x29c: {  	v4 =	vld.idx.msk [tilespmem:v4+s1+$0x0], $0xffff  }
0x29d: {  	v5 =	vld.idx.msk [tilespmem:v5+s1+$0x0], $0xffff  }
0x29e: {  	v2 =	vld.idx.msk [tilespmem:v2+s1+$0x0], $0xffff  }
0x29f: {  	v0 =	vld.idx.msk [tilespmem:v0+s1+$0x0], $0xffff  }
0x2a0: {  	v8 =	vld.idx.msk [tilespmem:v8+s1+$0x0], $0xffff  }
0x2a1: {  	v15 =	vshll.u32 v15, $0x10;
	v9 =	vld.idx.msk [tilespmem:v9+s1+$0x0], $0xffff  }
0x2a2: {  	v4 =	vshll.u32 v4, $0x10;
	v10 =	vld.idx.msk [tilespmem:v10+s1+$0x0], $0xffff  }
0x2a3: {  	v4 =	vadd.f32 v4, v15;
	v5 =	vshll.u32 v5, $0x10;
	v11 =	vld.idx.msk [tilespmem:v11+s1+$0x0], $0xffff  }
0x2a4: {  	v2 =	vshll.u32 v2, $0x10;
	v12 =	vld.idx.msk [tilespmem:v12+s1+$0x0], $0xffff  }
0x2a5: {  	v2 =	vadd.f32 v2, v5;
	v0 =	vshll.u32 v0, $0x10;
	v5 =	vld.idx.msk [tilespmem:v13+s1+$0x0], $0xffff  }
0x2a6: {  	v8 =	vshll.u32 v8, $0x10;
	v3 =	vld.idx.msk [tilespmem:v3+s1+$0x0], $0xffff  }
0x2a7: {  	v0 =	vadd.f32 v8, v0;
	v8 =	vshll.u32 v9, $0x10;
	v9 =	vld.idx.msk [tilespmem:v14+s1+$0x0], $0xffff  }
0x2a8: {  	v10 =	vshll.u32 v10, $0x10;
	v6 =	vld.idx.msk [tilespmem:v6+s1+$0x0], $0xffff  }
0x2a9: {  	v8 =	vadd.f32 v10, v8;
	v10 =	vshll.u32 v11, $0x10;
	v7 =	vld.idx.msk [tilespmem:v7+s1+$0x0], $0xffff  }
0x2aa: {  	v12 =	vshll.u32 v12, $0x10;
	v11 =	vld.idx.msk [tilespmem:v16+s1+$0x0], $0xffff  }
0x2ab: {  	v10 =	vadd.f32 v12, v10;
	v5 =	vshll.u32 v5, $0x10;
	v1 =	vld.idx.msk [tilespmem:v1+s1+$0x0], $0xffff  }
0x2ac: {  	v3 =	vshll.u32 v3, $0x10;
	v12 =	vld.idx.msk [tilespmem:v17+s1+$0x0], $0xffff  }
0x2ad: {  	v3 =	vadd.f32 v3, v5;
	v5 =	vshll.u32 v9, $0x10;
	v13 =	vld.idx.msk [tilespmem:v18+s1+$0x0], $0xffff  }
0x2ae: {  	v6 =	vshll.u32 v6, $0x10;
	v9 =	vld.idx.msk [tilespmem:v19+s1+$0x0], $0xffff  }
0x2af: {  	v7 =	vshll.u32 v7, $0x10;
	v5 =	vadd.f32 v6, v5;
	v6 =	vld.idx.msk [tilespmem:v20+s1+$0x0], $0xffff  }
0x2b0: {  	v4 =	vadd.f32 v7, v4;
	v11 =	vshll.u32 v11, $0x10;
	v7 =	vld.idx.msk [tilespmem:v21+s1+$0x0], $0xffff  }
0x2b1: {  	v2 =	vadd.f32 v11, v2;
	v1 =	vshll.u32 v1, $0x10;
	v11 =	vld.idx.msk [tilespmem:v22+s1+$0x0], $0xffff  }
0x2b2: {  	v0 =	vadd.f32 v1, v0;
	v12 =	vshll.u32 v12, $0x10;
	v1 =	vld.idx.msk [tilespmem:v23+s1+$0x0], $0xffff  }
0x2b3: {  	v8 =	vadd.f32 v12, v8;
	v13 =	vshll.u32 v13, $0x10;
	v12 =	vld.idx.msk [tilespmem:v24+s1+$0x0], $0xffff  }
0x2b4: {  	v10 =	vadd.f32 v13, v10;
	v9 =	vshll.u32 v9, $0x10;
	v13 =	vld.idx.msk [tilespmem:v25+s1+$0x0], $0xffff  }
0x2b5: {  	v9 =	vadd.f32 v9, v3;
	v3 =	vshll.u32 v6, $0x10;
	v14 =	vld.idx.msk [tilespmem:v26+s1+$0x0], $0xffff  }
0x2b6: {  	v6 =	vshll.u32 v7, $0x10;
	v15 =	vadd.f32 v3, v5;
	v16 =	vld.idx.msk [tilespmem:v27+s1+$0x0], $0xffff  }
0x2b7: {  	v6 =	vadd.f32 v6, v4;
	v3 =	vshll.u32 v11, $0x10;
	v7 =	vld [tilespmem:s29+$0xFFFFFFC0]  }
0x2b8: {  	v11 =	vadd.f32 v3, v2;
	v1 =	vshll.u32 v1, $0x10;
	v17 =	vld [tilespmem:s29+$0xFFFFFFD0]  }
.Ltmp3:
0x2b9: {  	v1 =	vadd.f32 v1, v0;
	v2 =	vshll.u32 v12, $0x10;
	v0 =	vld [tilespmem:s29+$0xFFFFFFE0];
	(pc) =	sbr.rel @p0 .LBB2_8-.Ltmp3, $4  }
0x2ba: {  	v4 =	vadd.f32 v2, v8;
	v3 =	vshll.u32 v13, $0x10;
	v2 =	vld [tilespmem:s29+$0xFFFFFFF0]  }
0x2bb: {  	v3 =	vadd.f32 v3, v10;
	v8 =	vshll.u32 v14, $0x10;
	v5 =	vld [tilespmem:s29+$0x0]  }
0x2bc: {  	v10 =	vmul.f32 v6, v7;
	v7 =	vadd.f32 v8, v9;
	v6 =	vld [tilespmem:s29+$0x10];
	v8 =	vshll.u32 v16, $0x10  }
0x2bd: {  	s0 =	sadd.s32 $0x80, s0;
	v11 =	vmul.f32 v11, v17;
	v8 =	vadd.f32 v8, v15;
	v9 =	vld [tilespmem:s29+$0x20]  }
0x2be: {  	[tilespmem:s30+$0xFFFFFFC0] =	vst v10;
	v0 =	vmul.f32 v1, v0  }
0x2bf: {  	[tilespmem:s30+$0xFFFFFFD0] =	vst v11;
	v1 =	vmul.f32 v4, v2  }
0x2c0: {  	[tilespmem:s30+$0xFFFFFFE0] =	vst v0;
	v0 =	vmul.f32 v3, v5  }
0x2c1: {  	[tilespmem:s30+$0xFFFFFFF0] =	vst v1;
	v1 =	vmul.f32 v7, v6  }
0x2c2: {  	[tilespmem:s30+$0x0] =	vst v0;
	v0 =	vmul.f32 v8, v9  }
0x2c3: {  	[tilespmem:s30+$0x10] =	vst v1  }
0x2c4: {  	[tilespmem:s30+$0x20] =	vst v0  }
0x2c5: {  	s0 =	rddreg [dreg:$0xd]  }
0x2c6: {  	[hbm4b:s0+s14] =	stream.strided.scatter [tilespmem:s24], [sflag:$0x5], $0x800, s15, s14, $0x38;
	[tilespmem:$0x16000] =	vst v63  }
0x2c7: {  	_ = 	snop  }
0x2c8: {  	[tilespmem:s19], [sflag:$0x3] =	stream.linear.gather [hbm4b:s11+s1], $0x2000, $0x38;
	[tilespmem:$0x16000] =	vst v63  }
0x2c9: {  	s0 =	rddreg [dreg:$0xe]  }
0x2ca: {  	[tilespmem:s20], [sflag:$0x3] =	stream.strided.gather [hbm4b:s0+s14], $0x800, s15, s14, $0x38;
	[tilespmem:$0x16000] =	vst v63  }
0x2cb: {  	_ =	swait.ge [sflag:s25], $0x800  }
0x2cc: {  	[sflag:s25] =	ssyncset.done $0x0  }
0x2cd: {  	[sflag:s25] =	ssyncadd.s32 $0xFFFFF800  }
0x2ce: {  	_ =	swait.ge [sflag:s21], $0x2000  }
0x2cf: {  	[sflag:s21] =	ssyncset.done $0x0  }
0x2d0: {  	[sflag:s21] =	ssyncadd.s32 $0xFFFFE000  }
0x2d1: {  	_ =	swait.ge [sflag:s21], $0x800  }
0x2d2: {  	[sflag:s21] =	ssyncset.done $0x0  }
0x2d3: {  	s0 =	simm.s32 $0x11000;
	[sflag:s21] =	ssyncadd.s32 $0xFFFFF800  }
0x2d4: {  	v0 =	vld [tilespmem:s0+$0xFFFFF070]  }
0x2d5: {  	v1 =	vld [tilespmem:s0+$0xFFFFF870]  }
0x2d6: {  	v2 =	vld [tilespmem:s0+$0xFFFFF800]  }
0x2d7: {  	v3 =	vld [tilespmem:s0+$0x70]  }
0x2d8: {  	v4 =	vld [tilespmem:s0+$0xFFFFF010]  }
0x2d9: {  	v5 =	vld [tilespmem:s0+$0x870]  }
0x2da: {  	v6 =	vld [tilespmem:s0+$0xFFFFF810]  }
0x2db: {  	v7 =	vld [tilespmem:s0+$0xFFFFF020]  }
0x2dc: {  	v8 =	vld [tilespmem:s0+$0xFFFFF820]  }
0x2dd: {  	v9 =	vld [tilespmem:s0+$0xFFFFF030]  }
0x2de: {  	v10 =	vld [tilespmem:s0+$0xFFFFF830]  }
0x2df: {  	v11 =	vld [tilespmem:s0+$0xFFFFF040]  }
0x2e0: {  	s29 =	simm.s32 $0x14040;
	v12 =	vld [tilespmem:s0+$0xFFFFF840]  }
0x2e1: {  	v13 =	vld [tilespmem:s29+$0x30]  }
0x2e2: {  	v14 =	vld [tilespmem:s0+$0xFFFFF050]  }
0x2e3: {  	v15 =	vld [tilespmem:s0+$0xFFFFF850]  }
0x2e4: {  	v16 =	vld [tilespmem:s0+$0xFFFFF060]  }
0x2e5: {  	v17 =	vld [tilespmem:s0+$0xFFFFF860]  }
0x2e6: {  	v18 =	vld [tilespmem:s0+$0xFFFFF000]  }
0x2e7: {  	v19 =	vld [tilespmem:s0+$0x0]  }
0x2e8: {  	v20 =	vld [tilespmem:s0+$0x10]  }
0x2e9: {  	v21 =	vld [tilespmem:s0+$0x20]  }
0x2ea: {  	v22 =	vld [tilespmem:s0+$0x30]  }
0x2eb: {  	v23 =	vld [tilespmem:s0+$0x40]  }
0x2ec: {  	v24 =	vld [tilespmem:s0+$0x50]  }
0x2ed: {  	v25 =	vld [tilespmem:s0+$0x60]  }
0x2ee: {  	v26 =	vld [tilespmem:s0+$0x800]  }
0x2ef: {  	v27 =	vld [tilespmem:s0+$0x810]  }
0x2f0: {  	v28 =	vld [tilespmem:s0+$0x820]  }
0x2f1: {  	v29 =	vld [tilespmem:s0+$0x830]  }
0x2f2: {  	v30 =	vld [tilespmem:s0+$0x840]  }
0x2f3: {  	v31 =	vld [tilespmem:s0+$0x850]  }
0x2f4: {  	v32 =	vld [tilespmem:s0+$0x860]  }
0x2f5: {  	v0 =	vld.idx.msk [tilespmem:v0+s1+$0x0], $0xffff  }
0x2f6: {  	v1 =	vld.idx.msk [tilespmem:v1+s1+$0x0], $0xffff  }
0x2f7: {  	v3 =	vld.idx.msk [tilespmem:v3+s1+$0x0], $0xffff  }
0x2f8: {  	v5 =	vld.idx.msk [tilespmem:v5+s1+$0x0], $0xffff  }
0x2f9: {  	v18 =	vld.idx.msk [tilespmem:v18+s1+$0x0], $0xffff  }
0x2fa: {  	v2 =	vld.idx.msk [tilespmem:v2+s1+$0x0], $0xffff  }
0x2fb: {  	v4 =	vld.idx.msk [tilespmem:v4+s1+$0x0], $0xffff  }
0x2fc: {  	v6 =	vld.idx.msk [tilespmem:v6+s1+$0x0], $0xffff  }
0x2fd: {  	v7 =	vld.idx.msk [tilespmem:v7+s1+$0x0], $0xffff  }
0x2fe: {  	v8 =	vld.idx.msk [tilespmem:v8+s1+$0x0], $0xffff  }
0x2ff: {  	v9 =	vld.idx.msk [tilespmem:v9+s1+$0x0], $0xffff  }
0x300: {  	v10 =	vld.idx.msk [tilespmem:v10+s1+$0x0], $0xffff  }
0x301: {  	v11 =	vld.idx.msk [tilespmem:v11+s1+$0x0], $0xffff  }
0x302: {  	v12 =	vld.idx.msk [tilespmem:v12+s1+$0x0], $0xffff  }
0x303: {  	v14 =	vld.idx.msk [tilespmem:v14+s1+$0x0], $0xffff  }
0x304: {  	v15 =	vld.idx.msk [tilespmem:v15+s1+$0x0], $0xffff  }
0x305: {  	v16 =	vld.idx.msk [tilespmem:v16+s1+$0x0], $0xffff  }
0x306: {  	v17 =	vld.idx.msk [tilespmem:v17+s1+$0x0], $0xffff  }
0x307: {  	v49 =	vld.idx.msk [tilespmem:v20+s1+$0x0], $0xffff  }
0x308: {  	v50 =	vld.idx.msk [tilespmem:v22+s1+$0x0], $0xffff;
	v0 =	vshll.u32 v0, $0x10;
	v1 =	vshll.u32 v1, $0x10  }
0x309: {  	v51 =	vld.idx.msk [tilespmem:v24+s1+$0x0], $0xffff;
	v3 =	vshll.u32 v3, $0x10;
	v5 =	vshll.u32 v5, $0x10;
	v0 =	vadd.f32 v1, v0  }
0x30a: {  	v52 =	vld.idx.msk [tilespmem:v26+s1+$0x0], $0xffff;
	v18 =	vshll.u32 v18, $0x10;
	v2 =	vshll.u32 v2, $0x10;
	v6 =	vshll.u32 v6, $0x10  }
0x30b: {  	v54 =	vshll.u32 v16, $0x10;
	v55 =	vshll.u32 v17, $0x10;
	v1 =	vld.idx.msk [tilespmem:v19+s1+$0x0], $0xffff;
	v0 =	vadd.f32 v3, v0  }
0x30c: {  	v56 =	vld.idx.msk [tilespmem:v28+s1+$0x0], $0xffff;
	v7 =	vshll.u32 v7, $0x10;
	v8 =	vshll.u32 v8, $0x10;
	v57 =	vadd.f32 v55, v54  }
0x30d: {  	v3 =	vld.idx.msk [tilespmem:v21+s1+$0x0], $0xffff;
	v5 =	vadd.f32 v5, v0;
	v0 =	vadd.f32 v2, v18;
	v2 =	vshll.u32 v4, $0x10  }
0x30e: {  	v58 =	vld.idx.msk [tilespmem:v29+s1+$0x0], $0xffff;
	v53 =	vshll.u32 v15, $0x10;
	v2 =	vadd.f32 v6, v2;
	v6 =	vadd.f32 v8, v7  }
0x30f: {  	v4 =	vld.idx.msk [tilespmem:v23+s1+$0x0], $0xffff;
	v7 =	vshll.u32 v9, $0x10;
	v9 =	vshll.u32 v10, $0x10;
	v10 =	vshll.u32 v11, $0x10  }
0x310: {  	v8 =	vld.idx.msk [tilespmem:v25+s1+$0x0], $0xffff;
	v11 =	vshll.u32 v12, $0x10;
	v1 =	vshll.u32 v1, $0x10;
	v7 =	vadd.f32 v9, v7  }
0x311: {  	v9 =	vadd.f32 v11, v10;
	v10 =	vshll.u32 v14, $0x10;
	v11 =	vld.idx.msk [tilespmem:v27+s1+$0x0], $0xffff;
	v0 =	vadd.f32 v1, v0  }
0x312: {  	v59 =	vld.idx.msk [tilespmem:v30+s1+$0x0], $0xffff;
	v1 =	vshll.u32 v49, $0x10;
	v10 =	vadd.f32 v53, v10;
	v3 =	vshll.u32 v3, $0x10  }
0x313: {  	v60 =	vld.idx.msk [tilespmem:v32+s1+$0x0], $0xffff;
	v1 =	vadd.f32 v1, v2;
	v2 =	vadd.f32 v3, v6;
	v3 =	vshll.u32 v50, $0x10  }
0x314: {  	v6 =	vld.idx.msk [tilespmem:v31+s1+$0x0], $0xffff;
	v3 =	vadd.f32 v3, v7;
	v4 =	vshll.u32 v4, $0x10;
	v7 =	vshll.u32 v51, $0x10  }
0x315: {  	v9 =	vadd.f32 v4, v9;
	v7 =	vadd.f32 v7, v10;
	v4 =	vshll.u32 v8, $0x10;
	v8 =	vld [tilespmem:s29+$0xFFFFFFC0]  }
0x316: {  	v10 =	vshll.u32 v52, $0x10;
	v61 =	vadd.f32 v4, v57;
	v4 =	vshll.u32 v11, $0x10;
	v11 =	vld [tilespmem:s29+$0xFFFFFFD0]  }
0x317: {  	v10 =	vadd.f32 v10, v0;
	v0 =	vld [tilespmem:s29+$0xFFFFFFE0];
	v62 =	vadd.f32 v4, v1;
	v1 =	vshll.u32 v56, $0x10  }
0x318: {  	v63 =	vshll.u32 v59, $0x10;
	v4 =	vshll.u32 v58, $0x10;
	v1 =	vadd.f32 v1, v2;
	v2 =	vld [tilespmem:s29+$0xFFFFFFF0]  }
0x319: {  	v13 =	vmul.f32 v5, v13;
	v5 =	vld [tilespmem:s29+$0x0];
	v4 =	vadd.f32 v4, v3;
	v3 =	vadd.f32 v63, v9  }
0x31a: {  	s30 =	simm.s32 $0x15040;
	v9 =	vshll.u32 v6, $0x10;
	v6 =	vld [tilespmem:s29+$0x10];
	v10 =	vmul.f32 v10, v8;
	v8 =	vshll.u32 v60, $0x10  }
0x31b: {  	s31 =	simm.s32 $0x0;
	s0 =	simm.s32 $0x11080;
	[tilespmem:s30+$0x30] =	vst v13;
	v7 =	vadd.f32 v9, v7;
	v9 =	vld [tilespmem:s29+$0x20];
	v11 =	vmul.f32 v62, v11;
	v8 =	vadd.f32 v8, v61  }
.LBB2_10:
0x31c: {  	v12 =	vld [tilespmem:s0+$0xFFFFF070];
	[tilespmem:s30+$0xFFFFFFC0] =	vst v10;
	v0 =	vmul.f32 v1, v0  }
0x31d: {  	s31 =	sadd.s32 $0x80, s31;
	v1 =	vld [tilespmem:s0+$0xFFFFF870];
	[tilespmem:s30+$0xFFFFFFD0] =	vst v11;
	v2 =	vmul.f32 v4, v2  }
0x31e: {  	p0 =	slt.u32 s31, $0x780;
	v4 =	vld [tilespmem:s0+$0xFFFFF800];
	[tilespmem:s30+$0xFFFFFFE0] =	vst v0;
	v0 =	vmul.f32 v3, v5  }
0x31f: {  	v3 =	vld [tilespmem:s0+$0x70];
	[tilespmem:s30+$0xFFFFFFF0] =	vst v2;
	v2 =	vmul.f32 v7, v6  }
0x320: {  	v5 =	vld [tilespmem:s0+$0xFFFFF010];
	[tilespmem:s30+$0x0] =	vst v0;
	v0 =	vmul.f32 v8, v9  }
0x321: {  	v6 =	vld [tilespmem:s0+$0x870];
	[tilespmem:s30+$0x10] =	vst v2  }
0x322: {  	v2 =	vld [tilespmem:s0+$0xFFFFF810];
	[tilespmem:s30+$0x20] =	vst v0  }
0x323: {  	v0 =	vld [tilespmem:s0+$0xFFFFF020]  }
0x324: {  	v7 =	vld.idx.msk [tilespmem:v12+s1+$0x0], $0xffff  }
0x325: {  	v1 =	vld.idx.msk [tilespmem:v1+s1+$0x0], $0xffff  }
0x326: {  	v8 =	vld [tilespmem:s0+$0xFFFFF820]  }
0x327: {  	v3 =	vld.idx.msk [tilespmem:v3+s1+$0x0], $0xffff  }
0x328: {  	v9 =	vld [tilespmem:s0+$0xFFFFF030]  }
0x329: {  	v6 =	vld.idx.msk [tilespmem:v6+s1+$0x0], $0xffff  }
0x32a: {  	v10 =	vld [tilespmem:s0+$0xFFFFF830]  }
0x32b: {  	v7 =	vshll.u32 v7, $0x10;
	v1 =	vshll.u32 v1, $0x10;
	v11 =	vld [tilespmem:s0+$0xFFFFF040]  }
0x32c: {  	s29 =	sadd.s32 $0x80, s29;
	v1 =	vadd.f32 v1, v7;
	v12 =	vld [tilespmem:s0+$0xFFFFF840]  }
0x32d: {  	v3 =	vshll.u32 v3, $0x10;
	v7 =	vld [tilespmem:s29+$0x30]  }
0x32e: {  	v1 =	vadd.f32 v3, v1;
	v13 =	vld [tilespmem:s0+$0xFFFFF050]  }
0x32f: {  	v6 =	vshll.u32 v6, $0x10;
	v3 =	vld [tilespmem:s0+$0xFFFFF850]  }
0x330: {  	v1 =	vadd.f32 v6, v1;
	v14 =	vld [tilespmem:s0+$0xFFFFF060]  }
0x331: {  	v6 =	vld [tilespmem:s0+$0xFFFFF860]  }
0x332: {  	v15 =	vld [tilespmem:s0+$0xFFFFF000];
	v1 =	vmul.f32 v1, v7  }
0x333: {  	s30 =	sadd.s32 $0x80, s30;
	v7 =	vld [tilespmem:s0+$0x0]  }
0x334: {  	v16 =	vld [tilespmem:s0+$0x10];
	[tilespmem:s30+$0x30] =	vst v1  }
0x335: {  	v1 =	vld [tilespmem:s0+$0x20]  }
0x336: {  	v17 =	vld [tilespmem:s0+$0x30]  }
0x337: {  	v18 =	vld [tilespmem:s0+$0x40]  }
0x338: {  	v19 =	vld [tilespmem:s0+$0x50]  }
0x339: {  	v20 =	vld [tilespmem:s0+$0x60]  }
0x33a: {  	v21 =	vld [tilespmem:s0+$0x800]  }
0x33b: {  	v22 =	vld [tilespmem:s0+$0x810]  }
0x33c: {  	v23 =	vld [tilespmem:s0+$0x820]  }
0x33d: {  	v24 =	vld [tilespmem:s0+$0x830]  }
0x33e: {  	v25 =	vld [tilespmem:s0+$0x840]  }
0x33f: {  	v26 =	vld [tilespmem:s0+$0x850]  }
0x340: {  	v27 =	vld [tilespmem:s0+$0x860]  }
0x341: {  	v15 =	vld.idx.msk [tilespmem:v15+s1+$0x0], $0xffff  }
0x342: {  	v4 =	vld.idx.msk [tilespmem:v4+s1+$0x0], $0xffff  }
0x343: {  	v5 =	vld.idx.msk [tilespmem:v5+s1+$0x0], $0xffff  }
0x344: {  	v2 =	vld.idx.msk [tilespmem:v2+s1+$0x0], $0xffff  }
0x345: {  	v0 =	vld.idx.msk [tilespmem:v0+s1+$0x0], $0xffff  }
0x346: {  	v8 =	vld.idx.msk [tilespmem:v8+s1+$0x0], $0xffff  }
0x347: {  	v15 =	vshll.u32 v15, $0x10;
	v9 =	vld.idx.msk [tilespmem:v9+s1+$0x0], $0xffff  }
0x348: {  	v4 =	vshll.u32 v4, $0x10;
	v10 =	vld.idx.msk [tilespmem:v10+s1+$0x0], $0xffff  }
0x349: {  	v4 =	vadd.f32 v4, v15;
	v5 =	vshll.u32 v5, $0x10;
	v11 =	vld.idx.msk [tilespmem:v11+s1+$0x0], $0xffff  }
0x34a: {  	v2 =	vshll.u32 v2, $0x10;
	v12 =	vld.idx.msk [tilespmem:v12+s1+$0x0], $0xffff  }
0x34b: {  	v2 =	vadd.f32 v2, v5;
	v0 =	vshll.u32 v0, $0x10;
	v5 =	vld.idx.msk [tilespmem:v13+s1+$0x0], $0xffff  }
0x34c: {  	v8 =	vshll.u32 v8, $0x10;
	v3 =	vld.idx.msk [tilespmem:v3+s1+$0x0], $0xffff  }
0x34d: {  	v0 =	vadd.f32 v8, v0;
	v8 =	vshll.u32 v9, $0x10;
	v9 =	vld.idx.msk [tilespmem:v14+s1+$0x0], $0xffff  }
0x34e: {  	v10 =	vshll.u32 v10, $0x10;
	v6 =	vld.idx.msk [tilespmem:v6+s1+$0x0], $0xffff  }
0x34f: {  	v8 =	vadd.f32 v10, v8;
	v10 =	vshll.u32 v11, $0x10;
	v7 =	vld.idx.msk [tilespmem:v7+s1+$0x0], $0xffff  }
0x350: {  	v12 =	vshll.u32 v12, $0x10;
	v11 =	vld.idx.msk [tilespmem:v16+s1+$0x0], $0xffff  }
0x351: {  	v10 =	vadd.f32 v12, v10;
	v5 =	vshll.u32 v5, $0x10;
	v1 =	vld.idx.msk [tilespmem:v1+s1+$0x0], $0xffff  }
0x352: {  	v3 =	vshll.u32 v3, $0x10;
	v12 =	vld.idx.msk [tilespmem:v17+s1+$0x0], $0xffff  }
0x353: {  	v3 =	vadd.f32 v3, v5;
	v5 =	vshll.u32 v9, $0x10;
	v13 =	vld.idx.msk [tilespmem:v18+s1+$0x0], $0xffff  }
0x354: {  	v6 =	vshll.u32 v6, $0x10;
	v9 =	vld.idx.msk [tilespmem:v19+s1+$0x0], $0xffff  }
0x355: {  	v7 =	vshll.u32 v7, $0x10;
	v5 =	vadd.f32 v6, v5;
	v6 =	vld.idx.msk [tilespmem:v20+s1+$0x0], $0xffff  }
0x356: {  	v4 =	vadd.f32 v7, v4;
	v11 =	vshll.u32 v11, $0x10;
	v7 =	vld.idx.msk [tilespmem:v21+s1+$0x0], $0xffff  }
0x357: {  	v2 =	vadd.f32 v11, v2;
	v1 =	vshll.u32 v1, $0x10;
	v11 =	vld.idx.msk [tilespmem:v22+s1+$0x0], $0xffff  }
0x358: {  	v0 =	vadd.f32 v1, v0;
	v12 =	vshll.u32 v12, $0x10;
	v1 =	vld.idx.msk [tilespmem:v23+s1+$0x0], $0xffff  }
0x359: {  	v8 =	vadd.f32 v12, v8;
	v13 =	vshll.u32 v13, $0x10;
	v12 =	vld.idx.msk [tilespmem:v24+s1+$0x0], $0xffff  }
0x35a: {  	v10 =	vadd.f32 v13, v10;
	v9 =	vshll.u32 v9, $0x10;
	v13 =	vld.idx.msk [tilespmem:v25+s1+$0x0], $0xffff  }
0x35b: {  	v9 =	vadd.f32 v9, v3;
	v3 =	vshll.u32 v6, $0x10;
	v14 =	vld.idx.msk [tilespmem:v26+s1+$0x0], $0xffff  }
0x35c: {  	v6 =	vshll.u32 v7, $0x10;
	v15 =	vadd.f32 v3, v5;
	v16 =	vld.idx.msk [tilespmem:v27+s1+$0x0], $0xffff  }
0x35d: {  	v6 =	vadd.f32 v6, v4;
	v3 =	vshll.u32 v11, $0x10;
	v7 =	vld [tilespmem:s29+$0xFFFFFFC0]  }
0x35e: {  	v11 =	vadd.f32 v3, v2;
	v1 =	vshll.u32 v1, $0x10;
	v17 =	vld [tilespmem:s29+$0xFFFFFFD0]  }
.Ltmp4:
0x35f: {  	v1 =	vadd.f32 v1, v0;
	v2 =	vshll.u32 v12, $0x10;
	v0 =	vld [tilespmem:s29+$0xFFFFFFE0];
	(pc) =	sbr.rel @p0 .LBB2_10-.Ltmp4, $4  }
0x360: {  	v4 =	vadd.f32 v2, v8;
	v3 =	vshll.u32 v13, $0x10;
	v2 =	vld [tilespmem:s29+$0xFFFFFFF0]  }
0x361: {  	v3 =	vadd.f32 v3, v10;
	v8 =	vshll.u32 v14, $0x10;
	v5 =	vld [tilespmem:s29+$0x0]  }
0x362: {  	v10 =	vmul.f32 v6, v7;
	v7 =	vadd.f32 v8, v9;
	v6 =	vld [tilespmem:s29+$0x10];
	v8 =	vshll.u32 v16, $0x10  }
0x363: {  	s0 =	sadd.s32 $0x80, s0;
	v11 =	vmul.f32 v11, v17;
	v8 =	vadd.f32 v8, v15;
	v9 =	vld [tilespmem:s29+$0x20]  }
0x364: {  	[tilespmem:s30+$0xFFFFFFC0] =	vst v10;
	v0 =	vmul.f32 v1, v0  }
0x365: {  	[tilespmem:s30+$0xFFFFFFD0] =	vst v11;
	v1 =	vmul.f32 v4, v2  }
0x366: {  	[tilespmem:s30+$0xFFFFFFE0] =	vst v0;
	v0 =	vmul.f32 v3, v5  }
0x367: {  	[tilespmem:s30+$0xFFFFFFF0] =	vst v1;
	v1 =	vmul.f32 v7, v6  }
0x368: {  	[tilespmem:s30+$0x0] =	vst v0;
	v0 =	vmul.f32 v8, v9  }
0x369: {  	[tilespmem:s30+$0x10] =	vst v1  }
0x36a: {  	[tilespmem:s30+$0x20] =	vst v0  }
0x36b: {  	s0 =	rddreg [dreg:$0xf]  }
0x36c: {  	[hbm4b:s0+s14] =	stream.strided.scatter [tilespmem:s22], [sflag:$0x4], $0x800, s15, s14, $0x38;
	[tilespmem:$0x16000] =	vst v63  }
0x36d: {  	_ = 	snop  }
0x36e: {  	[tilespmem:s17], [sflag:$0x2] =	stream.linear.gather [hbm4b:s12+s1], $0x2000, $0x38;
	[tilespmem:$0x16000] =	vst v63  }
0x36f: {  	s0 =	rddreg [dreg:$0x10]  }
0x370: {  	[tilespmem:s18], [sflag:$0x2] =	stream.strided.gather [hbm4b:s0+s14], $0x800, s15, s14, $0x38;
	[tilespmem:$0x16000] =	vst v63  }
0x371: {  	_ =	swait.ge [sflag:s26], $0x800  }
0x372: {  	[sflag:s26] =	ssyncset.done $0x0  }
0x373: {  	[sflag:s26] =	ssyncadd.s32 $0xFFFFF800  }
0x374: {  	_ =	swait.ge [sflag:s23], $0x2000  }
0x375: {  	[sflag:s23] =	ssyncset.done $0x0  }
0x376: {  	[sflag:s23] =	ssyncadd.s32 $0xFFFFE000  }
0x377: {  	_ =	swait.ge [sflag:s23], $0x800  }
0x378: {  	[sflag:s23] =	ssyncset.done $0x0  }
0x379: {  	s0 =	simm.s32 $0x13000;
	[sflag:s23] =	ssyncadd.s32 $0xFFFFF800  }
0x37a: {  	v0 =	vld [tilespmem:s0+$0xFFFFF070]  }
0x37b: {  	v1 =	vld [tilespmem:s0+$0xFFFFF870]  }
0x37c: {  	v2 =	vld [tilespmem:s0+$0xFFFFF800]  }
0x37d: {  	v3 =	vld [tilespmem:s0+$0x70]  }
0x37e: {  	v4 =	vld [tilespmem:s0+$0xFFFFF010]  }
0x37f: {  	v5 =	vld [tilespmem:s0+$0x870]  }
0x380: {  	v6 =	vld [tilespmem:s0+$0xFFFFF810]  }
0x381: {  	v7 =	vld [tilespmem:s0+$0xFFFFF020]  }
0x382: {  	v8 =	vld [tilespmem:s0+$0xFFFFF820]  }
0x383: {  	v9 =	vld [tilespmem:s0+$0xFFFFF030]  }
0x384: {  	v10 =	vld [tilespmem:s0+$0xFFFFF830]  }
0x385: {  	v11 =	vld [tilespmem:s0+$0xFFFFF040]  }
0x386: {  	s29 =	simm.s32 $0x14840;
	v12 =	vld [tilespmem:s0+$0xFFFFF840]  }
0x387: {  	v13 =	vld [tilespmem:s29+$0x30]  }
0x388: {  	v14 =	vld [tilespmem:s0+$0xFFFFF050]  }
0x389: {  	v15 =	vld [tilespmem:s0+$0xFFFFF850]  }
0x38a: {  	v16 =	vld [tilespmem:s0+$0xFFFFF060]  }
0x38b: {  	v17 =	vld [tilespmem:s0+$0xFFFFF860]  }
0x38c: {  	v18 =	vld [tilespmem:s0+$0xFFFFF000]  }
0x38d: {  	v19 =	vld [tilespmem:s0+$0x0]  }
0x38e: {  	v20 =	vld [tilespmem:s0+$0x10]  }
0x38f: {  	v21 =	vld [tilespmem:s0+$0x20]  }
0x390: {  	v22 =	vld [tilespmem:s0+$0x30]  }
0x391: {  	v23 =	vld [tilespmem:s0+$0x40]  }
0x392: {  	v24 =	vld [tilespmem:s0+$0x50]  }
0x393: {  	v25 =	vld [tilespmem:s0+$0x60]  }
0x394: {  	v26 =	vld [tilespmem:s0+$0x800]  }
0x395: {  	v27 =	vld [tilespmem:s0+$0x810]  }
0x396: {  	v28 =	vld [tilespmem:s0+$0x820]  }
0x397: {  	v29 =	vld [tilespmem:s0+$0x830]  }
0x398: {  	v30 =	vld [tilespmem:s0+$0x840]  }
0x399: {  	v31 =	vld [tilespmem:s0+$0x850]  }
0x39a: {  	v32 =	vld [tilespmem:s0+$0x860]  }
0x39b: {  	v0 =	vld.idx.msk [tilespmem:v0+s1+$0x0], $0xffff  }
0x39c: {  	v1 =	vld.idx.msk [tilespmem:v1+s1+$0x0], $0xffff  }
0x39d: {  	v3 =	vld.idx.msk [tilespmem:v3+s1+$0x0], $0xffff  }
0x39e: {  	v5 =	vld.idx.msk [tilespmem:v5+s1+$0x0], $0xffff  }
0x39f: {  	v18 =	vld.idx.msk [tilespmem:v18+s1+$0x0], $0xffff  }
0x3a0: {  	v2 =	vld.idx.msk [tilespmem:v2+s1+$0x0], $0xffff  }
0x3a1: {  	v4 =	vld.idx.msk [tilespmem:v4+s1+$0x0], $0xffff  }
0x3a2: {  	v6 =	vld.idx.msk [tilespmem:v6+s1+$0x0], $0xffff  }
0x3a3: {  	v7 =	vld.idx.msk [tilespmem:v7+s1+$0x0], $0xffff  }
0x3a4: {  	v8 =	vld.idx.msk [tilespmem:v8+s1+$0x0], $0xffff  }
0x3a5: {  	v9 =	vld.idx.msk [tilespmem:v9+s1+$0x0], $0xffff  }
0x3a6: {  	v10 =	vld.idx.msk [tilespmem:v10+s1+$0x0], $0xffff  }
0x3a7: {  	v11 =	vld.idx.msk [tilespmem:v11+s1+$0x0], $0xffff  }
0x3a8: {  	v12 =	vld.idx.msk [tilespmem:v12+s1+$0x0], $0xffff  }
0x3a9: {  	v14 =	vld.idx.msk [tilespmem:v14+s1+$0x0], $0xffff  }
0x3aa: {  	v15 =	vld.idx.msk [tilespmem:v15+s1+$0x0], $0xffff  }
0x3ab: {  	v16 =	vld.idx.msk [tilespmem:v16+s1+$0x0], $0xffff  }
0x3ac: {  	v17 =	vld.idx.msk [tilespmem:v17+s1+$0x0], $0xffff  }
0x3ad: {  	v49 =	vld.idx.msk [tilespmem:v20+s1+$0x0], $0xffff  }
0x3ae: {  	v50 =	vld.idx.msk [tilespmem:v22+s1+$0x0], $0xffff;
	v0 =	vshll.u32 v0, $0x10;
	v1 =	vshll.u32 v1, $0x10  }
0x3af: {  	v51 =	vld.idx.msk [tilespmem:v24+s1+$0x0], $0xffff;
	v3 =	vshll.u32 v3, $0x10;
	v5 =	vshll.u32 v5, $0x10;
	v0 =	vadd.f32 v1, v0  }
0x3b0: {  	v52 =	vld.idx.msk [tilespmem:v26+s1+$0x0], $0xffff;
	v18 =	vshll.u32 v18, $0x10;
	v2 =	vshll.u32 v2, $0x10;
	v6 =	vshll.u32 v6, $0x10  }
0x3b1: {  	v54 =	vshll.u32 v16, $0x10;
	v55 =	vshll.u32 v17, $0x10;
	v1 =	vld.idx.msk [tilespmem:v19+s1+$0x0], $0xffff;
	v0 =	vadd.f32 v3, v0  }
0x3b2: {  	v56 =	vld.idx.msk [tilespmem:v28+s1+$0x0], $0xffff;
	v7 =	vshll.u32 v7, $0x10;
	v8 =	vshll.u32 v8, $0x10;
	v57 =	vadd.f32 v55, v54  }
0x3b3: {  	v3 =	vld.idx.msk [tilespmem:v21+s1+$0x0], $0xffff;
	v5 =	vadd.f32 v5, v0;
	v0 =	vadd.f32 v2, v18;
	v2 =	vshll.u32 v4, $0x10  }
0x3b4: {  	v58 =	vld.idx.msk [tilespmem:v29+s1+$0x0], $0xffff;
	v53 =	vshll.u32 v15, $0x10;
	v2 =	vadd.f32 v6, v2;
	v6 =	vadd.f32 v8, v7  }
0x3b5: {  	v4 =	vld.idx.msk [tilespmem:v23+s1+$0x0], $0xffff;
	v7 =	vshll.u32 v9, $0x10;
	v9 =	vshll.u32 v10, $0x10;
	v10 =	vshll.u32 v11, $0x10  }
0x3b6: {  	v8 =	vld.idx.msk [tilespmem:v25+s1+$0x0], $0xffff;
	v11 =	vshll.u32 v12, $0x10;
	v1 =	vshll.u32 v1, $0x10;
	v7 =	vadd.f32 v9, v7  }
0x3b7: {  	v9 =	vadd.f32 v11, v10;
	v10 =	vshll.u32 v14, $0x10;
	v11 =	vld.idx.msk [tilespmem:v27+s1+$0x0], $0xffff;
	v0 =	vadd.f32 v1, v0  }
0x3b8: {  	v59 =	vld.idx.msk [tilespmem:v30+s1+$0x0], $0xffff;
	v1 =	vshll.u32 v49, $0x10;
	v10 =	vadd.f32 v53, v10;
	v3 =	vshll.u32 v3, $0x10  }
0x3b9: {  	v60 =	vld.idx.msk [tilespmem:v32+s1+$0x0], $0xffff;
	v1 =	vadd.f32 v1, v2;
	v2 =	vadd.f32 v3, v6;
	v3 =	vshll.u32 v50, $0x10  }
0x3ba: {  	v6 =	vld.idx.msk [tilespmem:v31+s1+$0x0], $0xffff;
	v3 =	vadd.f32 v3, v7;
	v4 =	vshll.u32 v4, $0x10;
	v7 =	vshll.u32 v51, $0x10  }
0x3bb: {  	v9 =	vadd.f32 v4, v9;
	v7 =	vadd.f32 v7, v10;
	v4 =	vshll.u32 v8, $0x10;
	v8 =	vld [tilespmem:s29+$0xFFFFFFC0]  }
0x3bc: {  	v10 =	vshll.u32 v52, $0x10;
	v61 =	vadd.f32 v4, v57;
	v4 =	vshll.u32 v11, $0x10;
	v11 =	vld [tilespmem:s29+$0xFFFFFFD0]  }
0x3bd: {  	v10 =	vadd.f32 v10, v0;
	v0 =	vld [tilespmem:s29+$0xFFFFFFE0];
	v62 =	vadd.f32 v4, v1;
	v1 =	vshll.u32 v56, $0x10  }
0x3be: {  	v63 =	vshll.u32 v59, $0x10;
	v4 =	vshll.u32 v58, $0x10;
	v1 =	vadd.f32 v1, v2;
	v2 =	vld [tilespmem:s29+$0xFFFFFFF0]  }
0x3bf: {  	v13 =	vmul.f32 v5, v13;
	v5 =	vld [tilespmem:s29+$0x0];
	v4 =	vadd.f32 v4, v3;
	v3 =	vadd.f32 v63, v9  }
0x3c0: {  	s30 =	simm.s32 $0x15840;
	v9 =	vshll.u32 v6, $0x10;
	v6 =	vld [tilespmem:s29+$0x10];
	v10 =	vmul.f32 v10, v8;
	v8 =	vshll.u32 v60, $0x10  }
0x3c1: {  	s31 =	simm.s32 $0x0;
	s0 =	simm.s32 $0x13080;
	[tilespmem:s30+$0x30] =	vst v13;
	v7 =	vadd.f32 v9, v7;
	v9 =	vld [tilespmem:s29+$0x20];
	v11 =	vmul.f32 v62, v11;
	v8 =	vadd.f32 v8, v61  }
.LBB2_12:
0x3c2: {  	v12 =	vld [tilespmem:s0+$0xFFFFF070];
	[tilespmem:s30+$0xFFFFFFC0] =	vst v10;
	v0 =	vmul.f32 v1, v0  }
0x3c3: {  	s31 =	sadd.s32 $0x80, s31;
	v1 =	vld [tilespmem:s0+$0xFFFFF870];
	[tilespmem:s30+$0xFFFFFFD0] =	vst v11;
	v2 =	vmul.f32 v4, v2  }
0x3c4: {  	p0 =	slt.u32 s31, $0x780;
	v4 =	vld [tilespmem:s0+$0xFFFFF800];
	[tilespmem:s30+$0xFFFFFFE0] =	vst v0;
	v0 =	vmul.f32 v3, v5  }
0x3c5: {  	v3 =	vld [tilespmem:s0+$0x70];
	[tilespmem:s30+$0xFFFFFFF0] =	vst v2;
	v2 =	vmul.f32 v7, v6  }
0x3c6: {  	v5 =	vld [tilespmem:s0+$0xFFFFF010];
	[tilespmem:s30+$0x0] =	vst v0;
	v0 =	vmul.f32 v8, v9  }
0x3c7: {  	v6 =	vld [tilespmem:s0+$0x870];
	[tilespmem:s30+$0x10] =	vst v2  }
0x3c8: {  	v2 =	vld [tilespmem:s0+$0xFFFFF810];
	[tilespmem:s30+$0x20] =	vst v0  }
0x3c9: {  	v0 =	vld [tilespmem:s0+$0xFFFFF020]  }
0x3ca: {  	v7 =	vld.idx.msk [tilespmem:v12+s1+$0x0], $0xffff  }
0x3cb: {  	v1 =	vld.idx.msk [tilespmem:v1+s1+$0x0], $0xffff  }
0x3cc: {  	v8 =	vld [tilespmem:s0+$0xFFFFF820]  }
0x3cd: {  	v3 =	vld.idx.msk [tilespmem:v3+s1+$0x0], $0xffff  }
0x3ce: {  	v9 =	vld [tilespmem:s0+$0xFFFFF030]  }
0x3cf: {  	v6 =	vld.idx.msk [tilespmem:v6+s1+$0x0], $0xffff  }
0x3d0: {  	v10 =	vld [tilespmem:s0+$0xFFFFF830]  }
0x3d1: {  	v7 =	vshll.u32 v7, $0x10;
	v1 =	vshll.u32 v1, $0x10;
	v11 =	vld [tilespmem:s0+$0xFFFFF040]  }
0x3d2: {  	s29 =	sadd.s32 $0x80, s29;
	v1 =	vadd.f32 v1, v7;
	v12 =	vld [tilespmem:s0+$0xFFFFF840]  }
0x3d3: {  	v3 =	vshll.u32 v3, $0x10;
	v7 =	vld [tilespmem:s29+$0x30]  }
0x3d4: {  	v1 =	vadd.f32 v3, v1;
	v13 =	vld [tilespmem:s0+$0xFFFFF050]  }
0x3d5: {  	v6 =	vshll.u32 v6, $0x10;
	v3 =	vld [tilespmem:s0+$0xFFFFF850]  }
0x3d6: {  	v1 =	vadd.f32 v6, v1;
	v14 =	vld [tilespmem:s0+$0xFFFFF060]  }
0x3d7: {  	v6 =	vld [tilespmem:s0+$0xFFFFF860]  }
0x3d8: {  	v15 =	vld [tilespmem:s0+$0xFFFFF000];
	v1 =	vmul.f32 v1, v7  }
0x3d9: {  	s30 =	sadd.s32 $0x80, s30;
	v7 =	vld [tilespmem:s0+$0x0]  }
0x3da: {  	v16 =	vld [tilespmem:s0+$0x10];
	[tilespmem:s30+$0x30] =	vst v1  }
0x3db: {  	v1 =	vld [tilespmem:s0+$0x20]  }
0x3dc: {  	v17 =	vld [tilespmem:s0+$0x30]  }
0x3dd: {  	v18 =	vld [tilespmem:s0+$0x40]  }
0x3de: {  	v19 =	vld [tilespmem:s0+$0x50]  }
0x3df: {  	v20 =	vld [tilespmem:s0+$0x60]  }
0x3e0: {  	v21 =	vld [tilespmem:s0+$0x800]  }
0x3e1: {  	v22 =	vld [tilespmem:s0+$0x810]  }
0x3e2: {  	v23 =	vld [tilespmem:s0+$0x820]  }
0x3e3: {  	v24 =	vld [tilespmem:s0+$0x830]  }
0x3e4: {  	v25 =	vld [tilespmem:s0+$0x840]  }
0x3e5: {  	v26 =	vld [tilespmem:s0+$0x850]  }
0x3e6: {  	v27 =	vld [tilespmem:s0+$0x860]  }
0x3e7: {  	v15 =	vld.idx.msk [tilespmem:v15+s1+$0x0], $0xffff  }
0x3e8: {  	v4 =	vld.idx.msk [tilespmem:v4+s1+$0x0], $0xffff  }
0x3e9: {  	v5 =	vld.idx.msk [tilespmem:v5+s1+$0x0], $0xffff  }
0x3ea: {  	v2 =	vld.idx.msk [tilespmem:v2+s1+$0x0], $0xffff  }
0x3eb: {  	v0 =	vld.idx.msk [tilespmem:v0+s1+$0x0], $0xffff  }
0x3ec: {  	v8 =	vld.idx.msk [tilespmem:v8+s1+$0x0], $0xffff  }
0x3ed: {  	v15 =	vshll.u32 v15, $0x10;
	v9 =	vld.idx.msk [tilespmem:v9+s1+$0x0], $0xffff  }
0x3ee: {  	v4 =	vshll.u32 v4, $0x10;
	v10 =	vld.idx.msk [tilespmem:v10+s1+$0x0], $0xffff  }
0x3ef: {  	v4 =	vadd.f32 v4, v15;
	v5 =	vshll.u32 v5, $0x10;
	v11 =	vld.idx.msk [tilespmem:v11+s1+$0x0], $0xffff  }
0x3f0: {  	v2 =	vshll.u32 v2, $0x10;
	v12 =	vld.idx.msk [tilespmem:v12+s1+$0x0], $0xffff  }
0x3f1: {  	v2 =	vadd.f32 v2, v5;
	v0 =	vshll.u32 v0, $0x10;
	v5 =	vld.idx.msk [tilespmem:v13+s1+$0x0], $0xffff  }
0x3f2: {  	v8 =	vshll.u32 v8, $0x10;
	v3 =	vld.idx.msk [tilespmem:v3+s1+$0x0], $0xffff  }
0x3f3: {  	v0 =	vadd.f32 v8, v0;
	v8 =	vshll.u32 v9, $0x10;
	v9 =	vld.idx.msk [tilespmem:v14+s1+$0x0], $0xffff  }
0x3f4: {  	v10 =	vshll.u32 v10, $0x10;
	v6 =	vld.idx.msk [tilespmem:v6+s1+$0x0], $0xffff  }
0x3f5: {  	v8 =	vadd.f32 v10, v8;
	v10 =	vshll.u32 v11, $0x10;
	v7 =	vld.idx.msk [tilespmem:v7+s1+$0x0], $0xffff  }
0x3f6: {  	v12 =	vshll.u32 v12, $0x10;
	v11 =	vld.idx.msk [tilespmem:v16+s1+$0x0], $0xffff  }
0x3f7: {  	v10 =	vadd.f32 v12, v10;
	v5 =	vshll.u32 v5, $0x10;
	v1 =	vld.idx.msk [tilespmem:v1+s1+$0x0], $0xffff  }
0x3f8: {  	v3 =	vshll.u32 v3, $0x10;
	v12 =	vld.idx.msk [tilespmem:v17+s1+$0x0], $0xffff  }
0x3f9: {  	v3 =	vadd.f32 v3, v5;
	v5 =	vshll.u32 v9, $0x10;
	v13 =	vld.idx.msk [tilespmem:v18+s1+$0x0], $0xffff  }
0x3fa: {  	v6 =	vshll.u32 v6, $0x10;
	v9 =	vld.idx.msk [tilespmem:v19+s1+$0x0], $0xffff  }
0x3fb: {  	v7 =	vshll.u32 v7, $0x10;
	v5 =	vadd.f32 v6, v5;
	v6 =	vld.idx.msk [tilespmem:v20+s1+$0x0], $0xffff  }
0x3fc: {  	v4 =	vadd.f32 v7, v4;
	v11 =	vshll.u32 v11, $0x10;
	v7 =	vld.idx.msk [tilespmem:v21+s1+$0x0], $0xffff  }
0x3fd: {  	v2 =	vadd.f32 v11, v2;
	v1 =	vshll.u32 v1, $0x10;
	v11 =	vld.idx.msk [tilespmem:v22+s1+$0x0], $0xffff  }
0x3fe: {  	v0 =	vadd.f32 v1, v0;
	v12 =	vshll.u32 v12, $0x10;
	v1 =	vld.idx.msk [tilespmem:v23+s1+$0x0], $0xffff  }
0x3ff: {  	v8 =	vadd.f32 v12, v8;
	v13 =	vshll.u32 v13, $0x10;
	v12 =	vld.idx.msk [tilespmem:v24+s1+$0x0], $0xffff  }
0x400: {  	v10 =	vadd.f32 v13, v10;
	v9 =	vshll.u32 v9, $0x10;
	v13 =	vld.idx.msk [tilespmem:v25+s1+$0x0], $0xffff  }
0x401: {  	v9 =	vadd.f32 v9, v3;
	v3 =	vshll.u32 v6, $0x10;
	v14 =	vld.idx.msk [tilespmem:v26+s1+$0x0], $0xffff  }
0x402: {  	v6 =	vshll.u32 v7, $0x10;
	v15 =	vadd.f32 v3, v5;
	v16 =	vld.idx.msk [tilespmem:v27+s1+$0x0], $0xffff  }
0x403: {  	v6 =	vadd.f32 v6, v4;
	v3 =	vshll.u32 v11, $0x10;
	v7 =	vld [tilespmem:s29+$0xFFFFFFC0]  }
0x404: {  	v11 =	vadd.f32 v3, v2;
	v1 =	vshll.u32 v1, $0x10;
	v17 =	vld [tilespmem:s29+$0xFFFFFFD0]  }
.Ltmp5:
0x405: {  	v1 =	vadd.f32 v1, v0;
	v2 =	vshll.u32 v12, $0x10;
	v0 =	vld [tilespmem:s29+$0xFFFFFFE0];
	(pc) =	sbr.rel @p0 .LBB2_12-.Ltmp5, $4  }
0x406: {  	v4 =	vadd.f32 v2, v8;
	v3 =	vshll.u32 v13, $0x10;
	v2 =	vld [tilespmem:s29+$0xFFFFFFF0]  }
0x407: {  	v3 =	vadd.f32 v3, v10;
	v8 =	vshll.u32 v14, $0x10;
	v5 =	vld [tilespmem:s29+$0x0]  }
0x408: {  	v10 =	vmul.f32 v6, v7;
	v7 =	vadd.f32 v8, v9;
	v6 =	vld [tilespmem:s29+$0x10];
	v8 =	vshll.u32 v16, $0x10  }
0x409: {  	s0 =	sadd.s32 $0x80, s0;
	v11 =	vmul.f32 v11, v17;
	v8 =	vadd.f32 v8, v15;
	v9 =	vld [tilespmem:s29+$0x20]  }
0x40a: {  	[tilespmem:s30+$0xFFFFFFC0] =	vst v10;
	v0 =	vmul.f32 v1, v0  }
0x40b: {  	[tilespmem:s30+$0xFFFFFFD0] =	vst v11;
	v1 =	vmul.f32 v4, v2  }
0x40c: {  	[tilespmem:s30+$0xFFFFFFE0] =	vst v0;
	v0 =	vmul.f32 v3, v5  }
0x40d: {  	[tilespmem:s30+$0xFFFFFFF0] =	vst v1;
	v1 =	vmul.f32 v7, v6  }
0x40e: {  	[tilespmem:s30+$0x0] =	vst v0;
	v0 =	vmul.f32 v8, v9  }
0x40f: {  	[tilespmem:s30+$0x10] =	vst v1  }
0x410: {  	[tilespmem:s30+$0x20] =	vst v0  }
0x411: {  	s0 =	rddreg [dreg:$0x11]  }
0x412: {  	[hbm4b:s0+s14] =	stream.strided.scatter [tilespmem:s24], [sflag:$0x5], $0x800, s15, s14, $0x38;
	[tilespmem:$0x16000] =	vst v63  }
0x413: {  	_ = 	snop  }
0x414: {  	[tilespmem:s19], [sflag:$0x3] =	stream.linear.gather [hbm4b:s13+s1], $0x2000, $0x38;
	[tilespmem:$0x16000] =	vst v63  }
0x415: {  	s0 =	rddreg [dreg:$0x12]  }
0x416: {  	[tilespmem:s20], [sflag:$0x3] =	stream.strided.gather [hbm4b:s0+s14], $0x800, s15, s14, $0x38;
	[tilespmem:$0x16000] =	vst v63  }
0x417: {  	_ =	swait.ge [sflag:s25], $0x800  }
0x418: {  	[sflag:s25] =	ssyncset.done $0x0  }
0x419: {  	[sflag:s25] =	ssyncadd.s32 $0xFFFFF800  }
0x41a: {  	_ =	swait.ge [sflag:s21], $0x2000  }
0x41b: {  	[sflag:s21] =	ssyncset.done $0x0  }
0x41c: {  	[sflag:s21] =	ssyncadd.s32 $0xFFFFE000  }
0x41d: {  	_ =	swait.ge [sflag:s21], $0x800  }
0x41e: {  	[sflag:s21] =	ssyncset.done $0x0  }
0x41f: {  	s0 =	simm.s32 $0x11000;
	[sflag:s21] =	ssyncadd.s32 $0xFFFFF800  }
0x420: {  	v0 =	vld [tilespmem:s0+$0xFFFFF070]  }
0x421: {  	v1 =	vld [tilespmem:s0+$0xFFFFF870]  }
0x422: {  	v2 =	vld [tilespmem:s0+$0xFFFFF800]  }
0x423: {  	v3 =	vld [tilespmem:s0+$0x70]  }
0x424: {  	v4 =	vld [tilespmem:s0+$0xFFFFF010]  }
0x425: {  	v5 =	vld [tilespmem:s0+$0x870]  }
0x426: {  	v6 =	vld [tilespmem:s0+$0xFFFFF810]  }
0x427: {  	v7 =	vld [tilespmem:s0+$0xFFFFF020]  }
0x428: {  	v8 =	vld [tilespmem:s0+$0xFFFFF820]  }
0x429: {  	v9 =	vld [tilespmem:s0+$0xFFFFF030]  }
0x42a: {  	v10 =	vld [tilespmem:s0+$0xFFFFF830]  }
0x42b: {  	v11 =	vld [tilespmem:s0+$0xFFFFF040]  }
0x42c: {  	s29 =	simm.s32 $0x14040;
	v12 =	vld [tilespmem:s0+$0xFFFFF840]  }
0x42d: {  	v13 =	vld [tilespmem:s29+$0x30]  }
0x42e: {  	v14 =	vld [tilespmem:s0+$0xFFFFF050]  }
0x42f: {  	v15 =	vld [tilespmem:s0+$0xFFFFF850]  }
0x430: {  	v16 =	vld [tilespmem:s0+$0xFFFFF060]  }
0x431: {  	v17 =	vld [tilespmem:s0+$0xFFFFF860]  }
0x432: {  	v18 =	vld [tilespmem:s0+$0xFFFFF000]  }
0x433: {  	v19 =	vld [tilespmem:s0+$0x0]  }
0x434: {  	v20 =	vld [tilespmem:s0+$0x10]  }
0x435: {  	v21 =	vld [tilespmem:s0+$0x20]  }
0x436: {  	v22 =	vld [tilespmem:s0+$0x30]  }
0x437: {  	v23 =	vld [tilespmem:s0+$0x40]  }
0x438: {  	v24 =	vld [tilespmem:s0+$0x50]  }
0x439: {  	v25 =	vld [tilespmem:s0+$0x60]  }
0x43a: {  	v26 =	vld [tilespmem:s0+$0x800]  }
0x43b: {  	v27 =	vld [tilespmem:s0+$0x810]  }
0x43c: {  	v28 =	vld [tilespmem:s0+$0x820]  }
0x43d: {  	v29 =	vld [tilespmem:s0+$0x830]  }
0x43e: {  	v30 =	vld [tilespmem:s0+$0x840]  }
0x43f: {  	v31 =	vld [tilespmem:s0+$0x850]  }
0x440: {  	v32 =	vld [tilespmem:s0+$0x860]  }
0x441: {  	v0 =	vld.idx.msk [tilespmem:v0+s1+$0x0], $0xffff  }
0x442: {  	v1 =	vld.idx.msk [tilespmem:v1+s1+$0x0], $0xffff  }
0x443: {  	v3 =	vld.idx.msk [tilespmem:v3+s1+$0x0], $0xffff  }
0x444: {  	v5 =	vld.idx.msk [tilespmem:v5+s1+$0x0], $0xffff  }
0x445: {  	v18 =	vld.idx.msk [tilespmem:v18+s1+$0x0], $0xffff  }
0x446: {  	v2 =	vld.idx.msk [tilespmem:v2+s1+$0x0], $0xffff  }
0x447: {  	v4 =	vld.idx.msk [tilespmem:v4+s1+$0x0], $0xffff  }
0x448: {  	v6 =	vld.idx.msk [tilespmem:v6+s1+$0x0], $0xffff  }
0x449: {  	v7 =	vld.idx.msk [tilespmem:v7+s1+$0x0], $0xffff  }
0x44a: {  	v8 =	vld.idx.msk [tilespmem:v8+s1+$0x0], $0xffff  }
0x44b: {  	v9 =	vld.idx.msk [tilespmem:v9+s1+$0x0], $0xffff  }
0x44c: {  	v10 =	vld.idx.msk [tilespmem:v10+s1+$0x0], $0xffff  }
0x44d: {  	v11 =	vld.idx.msk [tilespmem:v11+s1+$0x0], $0xffff  }
0x44e: {  	v12 =	vld.idx.msk [tilespmem:v12+s1+$0x0], $0xffff  }
0x44f: {  	v14 =	vld.idx.msk [tilespmem:v14+s1+$0x0], $0xffff  }
0x450: {  	v15 =	vld.idx.msk [tilespmem:v15+s1+$0x0], $0xffff  }
0x451: {  	v16 =	vld.idx.msk [tilespmem:v16+s1+$0x0], $0xffff  }
0x452: {  	v17 =	vld.idx.msk [tilespmem:v17+s1+$0x0], $0xffff  }
0x453: {  	v49 =	vld.idx.msk [tilespmem:v20+s1+$0x0], $0xffff  }
0x454: {  	v50 =	vld.idx.msk [tilespmem:v22+s1+$0x0], $0xffff;
	v0 =	vshll.u32 v0, $0x10;
	v1 =	vshll.u32 v1, $0x10  }
0x455: {  	v51 =	vld.idx.msk [tilespmem:v24+s1+$0x0], $0xffff;
	v3 =	vshll.u32 v3, $0x10;
	v5 =	vshll.u32 v5, $0x10;
	v0 =	vadd.f32 v1, v0  }
0x456: {  	v52 =	vld.idx.msk [tilespmem:v26+s1+$0x0], $0xffff;
	v18 =	vshll.u32 v18, $0x10;
	v2 =	vshll.u32 v2, $0x10;
	v6 =	vshll.u32 v6, $0x10  }
0x457: {  	v54 =	vshll.u32 v16, $0x10;
	v55 =	vshll.u32 v17, $0x10;
	v1 =	vld.idx.msk [tilespmem:v19+s1+$0x0], $0xffff;
	v0 =	vadd.f32 v3, v0  }
0x458: {  	v56 =	vld.idx.msk [tilespmem:v28+s1+$0x0], $0xffff;
	v7 =	vshll.u32 v7, $0x10;
	v8 =	vshll.u32 v8, $0x10;
	v57 =	vadd.f32 v55, v54  }
0x459: {  	v3 =	vld.idx.msk [tilespmem:v21+s1+$0x0], $0xffff;
	v5 =	vadd.f32 v5, v0;
	v0 =	vadd.f32 v2, v18;
	v2 =	vshll.u32 v4, $0x10  }
0x45a: {  	v58 =	vld.idx.msk [tilespmem:v29+s1+$0x0], $0xffff;
	v53 =	vshll.u32 v15, $0x10;
	v2 =	vadd.f32 v6, v2;
	v6 =	vadd.f32 v8, v7  }
0x45b: {  	v4 =	vld.idx.msk [tilespmem:v23+s1+$0x0], $0xffff;
	v7 =	vshll.u32 v9, $0x10;
	v9 =	vshll.u32 v10, $0x10;
	v10 =	vshll.u32 v11, $0x10  }
0x45c: {  	v8 =	vld.idx.msk [tilespmem:v25+s1+$0x0], $0xffff;
	v11 =	vshll.u32 v12, $0x10;
	v1 =	vshll.u32 v1, $0x10;
	v7 =	vadd.f32 v9, v7  }
0x45d: {  	v9 =	vadd.f32 v11, v10;
	v10 =	vshll.u32 v14, $0x10;
	v11 =	vld.idx.msk [tilespmem:v27+s1+$0x0], $0xffff;
	v0 =	vadd.f32 v1, v0  }
0x45e: {  	v59 =	vld.idx.msk [tilespmem:v30+s1+$0x0], $0xffff;
	v1 =	vshll.u32 v49, $0x10;
	v10 =	vadd.f32 v53, v10;
	v3 =	vshll.u32 v3, $0x10  }
0x45f: {  	v60 =	vld.idx.msk [tilespmem:v32+s1+$0x0], $0xffff;
	v1 =	vadd.f32 v1, v2;
	v2 =	vadd.f32 v3, v6;
	v3 =	vshll.u32 v50, $0x10  }
0x460: {  	v6 =	vld.idx.msk [tilespmem:v31+s1+$0x0], $0xffff;
	v3 =	vadd.f32 v3, v7;
	v4 =	vshll.u32 v4, $0x10;
	v7 =	vshll.u32 v51, $0x10  }
0x461: {  	v9 =	vadd.f32 v4, v9;
	v7 =	vadd.f32 v7, v10;
	v4 =	vshll.u32 v8, $0x10;
	v8 =	vld [tilespmem:s29+$0xFFFFFFC0]  }
0x462: {  	v10 =	vshll.u32 v52, $0x10;
	v61 =	vadd.f32 v4, v57;
	v4 =	vshll.u32 v11, $0x10;
	v11 =	vld [tilespmem:s29+$0xFFFFFFD0]  }
0x463: {  	v10 =	vadd.f32 v10, v0;
	v0 =	vld [tilespmem:s29+$0xFFFFFFE0];
	v62 =	vadd.f32 v4, v1;
	v1 =	vshll.u32 v56, $0x10  }
0x464: {  	v63 =	vshll.u32 v59, $0x10;
	v4 =	vshll.u32 v58, $0x10;
	v1 =	vadd.f32 v1, v2;
	v2 =	vld [tilespmem:s29+$0xFFFFFFF0]  }
0x465: {  	v13 =	vmul.f32 v5, v13;
	v5 =	vld [tilespmem:s29+$0x0];
	v4 =	vadd.f32 v4, v3;
	v3 =	vadd.f32 v63, v9  }
0x466: {  	s30 =	simm.s32 $0x15040;
	v9 =	vshll.u32 v6, $0x10;
	v6 =	vld [tilespmem:s29+$0x10];
	v10 =	vmul.f32 v10, v8;
	v8 =	vshll.u32 v60, $0x10  }
0x467: {  	s31 =	simm.s32 $0x0;
	s0 =	simm.s32 $0x11080;
	[tilespmem:s30+$0x30] =	vst v13;
	v7 =	vadd.f32 v9, v7;
	v9 =	vld [tilespmem:s29+$0x20];
	v11 =	vmul.f32 v62, v11;
	v8 =	vadd.f32 v8, v61  }
.LBB2_14:
0x468: {  	v12 =	vld [tilespmem:s0+$0xFFFFF070];
	[tilespmem:s30+$0xFFFFFFC0] =	vst v10;
	v0 =	vmul.f32 v1, v0  }
0x469: {  	s31 =	sadd.s32 $0x80, s31;
	v1 =	vld [tilespmem:s0+$0xFFFFF870];
	[tilespmem:s30+$0xFFFFFFD0] =	vst v11;
	v2 =	vmul.f32 v4, v2  }
0x46a: {  	p0 =	slt.u32 s31, $0x780;
	v4 =	vld [tilespmem:s0+$0xFFFFF800];
	[tilespmem:s30+$0xFFFFFFE0] =	vst v0;
	v0 =	vmul.f32 v3, v5  }
0x46b: {  	v3 =	vld [tilespmem:s0+$0x70];
	[tilespmem:s30+$0xFFFFFFF0] =	vst v2;
	v2 =	vmul.f32 v7, v6  }
0x46c: {  	v5 =	vld [tilespmem:s0+$0xFFFFF010];
	[tilespmem:s30+$0x0] =	vst v0;
	v0 =	vmul.f32 v8, v9  }
0x46d: {  	v6 =	vld [tilespmem:s0+$0x870];
	[tilespmem:s30+$0x10] =	vst v2  }
0x46e: {  	v2 =	vld [tilespmem:s0+$0xFFFFF810];
	[tilespmem:s30+$0x20] =	vst v0  }
0x46f: {  	v0 =	vld [tilespmem:s0+$0xFFFFF020]  }
0x470: {  	v7 =	vld.idx.msk [tilespmem:v12+s1+$0x0], $0xffff  }
0x471: {  	v1 =	vld.idx.msk [tilespmem:v1+s1+$0x0], $0xffff  }
0x472: {  	v8 =	vld [tilespmem:s0+$0xFFFFF820]  }
0x473: {  	v3 =	vld.idx.msk [tilespmem:v3+s1+$0x0], $0xffff  }
0x474: {  	v9 =	vld [tilespmem:s0+$0xFFFFF030]  }
0x475: {  	v6 =	vld.idx.msk [tilespmem:v6+s1+$0x0], $0xffff  }
0x476: {  	v10 =	vld [tilespmem:s0+$0xFFFFF830]  }
0x477: {  	v7 =	vshll.u32 v7, $0x10;
	v1 =	vshll.u32 v1, $0x10;
	v11 =	vld [tilespmem:s0+$0xFFFFF040]  }
0x478: {  	s29 =	sadd.s32 $0x80, s29;
	v1 =	vadd.f32 v1, v7;
	v12 =	vld [tilespmem:s0+$0xFFFFF840]  }
0x479: {  	v3 =	vshll.u32 v3, $0x10;
	v7 =	vld [tilespmem:s29+$0x30]  }
0x47a: {  	v1 =	vadd.f32 v3, v1;
	v13 =	vld [tilespmem:s0+$0xFFFFF050]  }
0x47b: {  	v6 =	vshll.u32 v6, $0x10;
	v3 =	vld [tilespmem:s0+$0xFFFFF850]  }
0x47c: {  	v1 =	vadd.f32 v6, v1;
	v14 =	vld [tilespmem:s0+$0xFFFFF060]  }
0x47d: {  	v6 =	vld [tilespmem:s0+$0xFFFFF860]  }
0x47e: {  	v15 =	vld [tilespmem:s0+$0xFFFFF000];
	v1 =	vmul.f32 v1, v7  }
0x47f: {  	s30 =	sadd.s32 $0x80, s30;
	v7 =	vld [tilespmem:s0+$0x0]  }
0x480: {  	v16 =	vld [tilespmem:s0+$0x10];
	[tilespmem:s30+$0x30] =	vst v1  }
0x481: {  	v1 =	vld [tilespmem:s0+$0x20]  }
0x482: {  	v17 =	vld [tilespmem:s0+$0x30]  }
0x483: {  	v18 =	vld [tilespmem:s0+$0x40]  }
0x484: {  	v19 =	vld [tilespmem:s0+$0x50]  }
0x485: {  	v20 =	vld [tilespmem:s0+$0x60]  }
0x486: {  	v21 =	vld [tilespmem:s0+$0x800]  }
0x487: {  	v22 =	vld [tilespmem:s0+$0x810]  }
0x488: {  	v23 =	vld [tilespmem:s0+$0x820]  }
0x489: {  	v24 =	vld [tilespmem:s0+$0x830]  }
0x48a: {  	v25 =	vld [tilespmem:s0+$0x840]  }
0x48b: {  	v26 =	vld [tilespmem:s0+$0x850]  }
0x48c: {  	v27 =	vld [tilespmem:s0+$0x860]  }
0x48d: {  	v15 =	vld.idx.msk [tilespmem:v15+s1+$0x0], $0xffff  }
0x48e: {  	v4 =	vld.idx.msk [tilespmem:v4+s1+$0x0], $0xffff  }
0x48f: {  	v5 =	vld.idx.msk [tilespmem:v5+s1+$0x0], $0xffff  }
0x490: {  	v2 =	vld.idx.msk [tilespmem:v2+s1+$0x0], $0xffff  }
0x491: {  	v0 =	vld.idx.msk [tilespmem:v0+s1+$0x0], $0xffff  }
0x492: {  	v8 =	vld.idx.msk [tilespmem:v8+s1+$0x0], $0xffff  }
0x493: {  	v15 =	vshll.u32 v15, $0x10;
	v9 =	vld.idx.msk [tilespmem:v9+s1+$0x0], $0xffff  }
0x494: {  	v4 =	vshll.u32 v4, $0x10;
	v10 =	vld.idx.msk [tilespmem:v10+s1+$0x0], $0xffff  }
0x495: {  	v4 =	vadd.f32 v4, v15;
	v5 =	vshll.u32 v5, $0x10;
	v11 =	vld.idx.msk [tilespmem:v11+s1+$0x0], $0xffff  }
0x496: {  	v2 =	vshll.u32 v2, $0x10;
	v12 =	vld.idx.msk [tilespmem:v12+s1+$0x0], $0xffff  }
0x497: {  	v2 =	vadd.f32 v2, v5;
	v0 =	vshll.u32 v0, $0x10;
	v5 =	vld.idx.msk [tilespmem:v13+s1+$0x0], $0xffff  }
0x498: {  	v8 =	vshll.u32 v8, $0x10;
	v3 =	vld.idx.msk [tilespmem:v3+s1+$0x0], $0xffff  }
0x499: {  	v0 =	vadd.f32 v8, v0;
	v8 =	vshll.u32 v9, $0x10;
	v9 =	vld.idx.msk [tilespmem:v14+s1+$0x0], $0xffff  }
0x49a: {  	v10 =	vshll.u32 v10, $0x10;
	v6 =	vld.idx.msk [tilespmem:v6+s1+$0x0], $0xffff  }
0x49b: {  	v8 =	vadd.f32 v10, v8;
	v10 =	vshll.u32 v11, $0x10;
	v7 =	vld.idx.msk [tilespmem:v7+s1+$0x0], $0xffff  }
0x49c: {  	v12 =	vshll.u32 v12, $0x10;
	v11 =	vld.idx.msk [tilespmem:v16+s1+$0x0], $0xffff  }
0x49d: {  	v10 =	vadd.f32 v12, v10;
	v5 =	vshll.u32 v5, $0x10;
	v1 =	vld.idx.msk [tilespmem:v1+s1+$0x0], $0xffff  }
0x49e: {  	v3 =	vshll.u32 v3, $0x10;
	v12 =	vld.idx.msk [tilespmem:v17+s1+$0x0], $0xffff  }
0x49f: {  	v3 =	vadd.f32 v3, v5;
	v5 =	vshll.u32 v9, $0x10;
	v13 =	vld.idx.msk [tilespmem:v18+s1+$0x0], $0xffff  }
0x4a0: {  	v6 =	vshll.u32 v6, $0x10;
	v9 =	vld.idx.msk [tilespmem:v19+s1+$0x0], $0xffff  }
0x4a1: {  	v7 =	vshll.u32 v7, $0x10;
	v5 =	vadd.f32 v6, v5;
	v6 =	vld.idx.msk [tilespmem:v20+s1+$0x0], $0xffff  }
0x4a2: {  	v4 =	vadd.f32 v7, v4;
	v11 =	vshll.u32 v11, $0x10;
	v7 =	vld.idx.msk [tilespmem:v21+s1+$0x0], $0xffff  }
0x4a3: {  	v2 =	vadd.f32 v11, v2;
	v1 =	vshll.u32 v1, $0x10;
	v11 =	vld.idx.msk [tilespmem:v22+s1+$0x0], $0xffff  }
0x4a4: {  	v0 =	vadd.f32 v1, v0;
	v12 =	vshll.u32 v12, $0x10;
	v1 =	vld.idx.msk [tilespmem:v23+s1+$0x0], $0xffff  }
0x4a5: {  	v8 =	vadd.f32 v12, v8;
	v13 =	vshll.u32 v13, $0x10;
	v12 =	vld.idx.msk [tilespmem:v24+s1+$0x0], $0xffff  }
0x4a6: {  	v10 =	vadd.f32 v13, v10;
	v9 =	vshll.u32 v9, $0x10;
	v13 =	vld.idx.msk [tilespmem:v25+s1+$0x0], $0xffff  }
0x4a7: {  	v9 =	vadd.f32 v9, v3;
	v3 =	vshll.u32 v6, $0x10;
	v14 =	vld.idx.msk [tilespmem:v26+s1+$0x0], $0xffff  }
0x4a8: {  	v6 =	vshll.u32 v7, $0x10;
	v15 =	vadd.f32 v3, v5;
	v16 =	vld.idx.msk [tilespmem:v27+s1+$0x0], $0xffff  }
0x4a9: {  	v6 =	vadd.f32 v6, v4;
	v3 =	vshll.u32 v11, $0x10;
	v7 =	vld [tilespmem:s29+$0xFFFFFFC0]  }
0x4aa: {  	v11 =	vadd.f32 v3, v2;
	v1 =	vshll.u32 v1, $0x10;
	v17 =	vld [tilespmem:s29+$0xFFFFFFD0]  }
.Ltmp6:
0x4ab: {  	v1 =	vadd.f32 v1, v0;
	v2 =	vshll.u32 v12, $0x10;
	v0 =	vld [tilespmem:s29+$0xFFFFFFE0];
	(pc) =	sbr.rel @p0 .LBB2_14-.Ltmp6, $4  }
0x4ac: {  	v4 =	vadd.f32 v2, v8;
	v3 =	vshll.u32 v13, $0x10;
	v2 =	vld [tilespmem:s29+$0xFFFFFFF0]  }
0x4ad: {  	v3 =	vadd.f32 v3, v10;
	v8 =	vshll.u32 v14, $0x10;
	v5 =	vld [tilespmem:s29+$0x0]  }
0x4ae: {  	v10 =	vmul.f32 v6, v7;
	v7 =	vadd.f32 v8, v9;
	v6 =	vld [tilespmem:s29+$0x10];
	v8 =	vshll.u32 v16, $0x10  }
0x4af: {  	s0 =	sadd.s32 $0x80, s0;
	v11 =	vmul.f32 v11, v17;
	v8 =	vadd.f32 v8, v15;
	v9 =	vld [tilespmem:s29+$0x20]  }
0x4b0: {  	[tilespmem:s30+$0xFFFFFFC0] =	vst v10;
	v0 =	vmul.f32 v1, v0  }
0x4b1: {  	[tilespmem:s30+$0xFFFFFFD0] =	vst v11;
	v1 =	vmul.f32 v4, v2  }
0x4b2: {  	[tilespmem:s30+$0xFFFFFFE0] =	vst v0;
	v0 =	vmul.f32 v3, v5  }
0x4b3: {  	[tilespmem:s30+$0xFFFFFFF0] =	vst v1;
	v1 =	vmul.f32 v7, v6  }
0x4b4: {  	[tilespmem:s30+$0x0] =	vst v0;
	v0 =	vmul.f32 v8, v9  }
0x4b5: {  	[tilespmem:s30+$0x10] =	vst v1  }
0x4b6: {  	[tilespmem:s30+$0x20] =	vst v0  }
0x4b7: {  	s0 =	rddreg [dreg:$0x13]  }
0x4b8: {  	[hbm4b:s0+s14] =	stream.strided.scatter [tilespmem:s22], [sflag:$0x4], $0x800, s15, s14, $0x38;
	[tilespmem:$0x16000] =	vst v63  }
0x4b9: {  	_ =	swait.ge [sflag:s26], $0x800  }
0x4ba: {  	[sflag:s26] =	ssyncset.done $0x0  }
0x4bb: {  	[sflag:s26] =	ssyncadd.s32 $0xFFFFF800  }
0x4bc: {  	_ =	swait.ge [sflag:s23], $0x2000  }
0x4bd: {  	[sflag:s23] =	ssyncset.done $0x0  }
0x4be: {  	[sflag:s23] =	ssyncadd.s32 $0xFFFFE000  }
0x4bf: {  	_ =	swait.ge [sflag:s23], $0x800  }
0x4c0: {  	[sflag:s23] =	ssyncset.done $0x0  }
0x4c1: {  	s0 =	simm.s32 $0x13000;
	[sflag:s23] =	ssyncadd.s32 $0xFFFFF800  }
0x4c2: {  	v0 =	vld [tilespmem:s0+$0xFFFFF070]  }
0x4c3: {  	v1 =	vld [tilespmem:s0+$0xFFFFF870]  }
0x4c4: {  	v2 =	vld [tilespmem:s0+$0xFFFFF800]  }
0x4c5: {  	v3 =	vld [tilespmem:s0+$0x70]  }
0x4c6: {  	v4 =	vld [tilespmem:s0+$0xFFFFF010]  }
0x4c7: {  	v5 =	vld [tilespmem:s0+$0x870]  }
0x4c8: {  	v6 =	vld [tilespmem:s0+$0xFFFFF810]  }
0x4c9: {  	v7 =	vld [tilespmem:s0+$0xFFFFF020]  }
0x4ca: {  	v8 =	vld [tilespmem:s0+$0xFFFFF820]  }
0x4cb: {  	v9 =	vld [tilespmem:s0+$0xFFFFF030]  }
0x4cc: {  	v10 =	vld [tilespmem:s0+$0xFFFFF830]  }
0x4cd: {  	v11 =	vld [tilespmem:s0+$0xFFFFF040]  }
0x4ce: {  	s29 =	simm.s32 $0x14840;
	v12 =	vld [tilespmem:s0+$0xFFFFF840]  }
0x4cf: {  	v13 =	vld [tilespmem:s29+$0x30]  }
0x4d0: {  	v14 =	vld [tilespmem:s0+$0xFFFFF050]  }
0x4d1: {  	v15 =	vld [tilespmem:s0+$0xFFFFF850]  }
0x4d2: {  	v16 =	vld [tilespmem:s0+$0xFFFFF060]  }
0x4d3: {  	v17 =	vld [tilespmem:s0+$0xFFFFF860]  }
0x4d4: {  	v18 =	vld [tilespmem:s0+$0xFFFFF000]  }
0x4d5: {  	v19 =	vld [tilespmem:s0+$0x0]  }
0x4d6: {  	v20 =	vld [tilespmem:s0+$0x10]  }
0x4d7: {  	v21 =	vld [tilespmem:s0+$0x20]  }
0x4d8: {  	v22 =	vld [tilespmem:s0+$0x30]  }
0x4d9: {  	v23 =	vld [tilespmem:s0+$0x40]  }
0x4da: {  	v24 =	vld [tilespmem:s0+$0x50]  }
0x4db: {  	v25 =	vld [tilespmem:s0+$0x60]  }
0x4dc: {  	v26 =	vld [tilespmem:s0+$0x800]  }
0x4dd: {  	v27 =	vld [tilespmem:s0+$0x810]  }
0x4de: {  	v28 =	vld [tilespmem:s0+$0x820]  }
0x4df: {  	v29 =	vld [tilespmem:s0+$0x830]  }
0x4e0: {  	v30 =	vld [tilespmem:s0+$0x840]  }
0x4e1: {  	v31 =	vld [tilespmem:s0+$0x850]  }
0x4e2: {  	v32 =	vld [tilespmem:s0+$0x860]  }
0x4e3: {  	v0 =	vld.idx.msk [tilespmem:v0+s1+$0x0], $0xffff  }
0x4e4: {  	v1 =	vld.idx.msk [tilespmem:v1+s1+$0x0], $0xffff  }
0x4e5: {  	v3 =	vld.idx.msk [tilespmem:v3+s1+$0x0], $0xffff  }
0x4e6: {  	v5 =	vld.idx.msk [tilespmem:v5+s1+$0x0], $0xffff  }
0x4e7: {  	v18 =	vld.idx.msk [tilespmem:v18+s1+$0x0], $0xffff  }
0x4e8: {  	v2 =	vld.idx.msk [tilespmem:v2+s1+$0x0], $0xffff  }
0x4e9: {  	v4 =	vld.idx.msk [tilespmem:v4+s1+$0x0], $0xffff  }
0x4ea: {  	v6 =	vld.idx.msk [tilespmem:v6+s1+$0x0], $0xffff  }
0x4eb: {  	v7 =	vld.idx.msk [tilespmem:v7+s1+$0x0], $0xffff  }
0x4ec: {  	v8 =	vld.idx.msk [tilespmem:v8+s1+$0x0], $0xffff  }
0x4ed: {  	v9 =	vld.idx.msk [tilespmem:v9+s1+$0x0], $0xffff  }
0x4ee: {  	v10 =	vld.idx.msk [tilespmem:v10+s1+$0x0], $0xffff  }
0x4ef: {  	v11 =	vld.idx.msk [tilespmem:v11+s1+$0x0], $0xffff  }
0x4f0: {  	v12 =	vld.idx.msk [tilespmem:v12+s1+$0x0], $0xffff  }
0x4f1: {  	v14 =	vld.idx.msk [tilespmem:v14+s1+$0x0], $0xffff  }
0x4f2: {  	v15 =	vld.idx.msk [tilespmem:v15+s1+$0x0], $0xffff  }
0x4f3: {  	v16 =	vld.idx.msk [tilespmem:v16+s1+$0x0], $0xffff  }
0x4f4: {  	v17 =	vld.idx.msk [tilespmem:v17+s1+$0x0], $0xffff  }
0x4f5: {  	v49 =	vld.idx.msk [tilespmem:v20+s1+$0x0], $0xffff  }
0x4f6: {  	v50 =	vld.idx.msk [tilespmem:v22+s1+$0x0], $0xffff;
	v0 =	vshll.u32 v0, $0x10;
	v1 =	vshll.u32 v1, $0x10  }
0x4f7: {  	v51 =	vld.idx.msk [tilespmem:v24+s1+$0x0], $0xffff;
	v3 =	vshll.u32 v3, $0x10;
	v5 =	vshll.u32 v5, $0x10;
	v0 =	vadd.f32 v1, v0  }
0x4f8: {  	v52 =	vld.idx.msk [tilespmem:v26+s1+$0x0], $0xffff;
	v18 =	vshll.u32 v18, $0x10;
	v2 =	vshll.u32 v2, $0x10;
	v6 =	vshll.u32 v6, $0x10  }
0x4f9: {  	v54 =	vshll.u32 v16, $0x10;
	v55 =	vshll.u32 v17, $0x10;
	v1 =	vld.idx.msk [tilespmem:v19+s1+$0x0], $0xffff;
	v0 =	vadd.f32 v3, v0  }
0x4fa: {  	v56 =	vld.idx.msk [tilespmem:v28+s1+$0x0], $0xffff;
	v7 =	vshll.u32 v7, $0x10;
	v8 =	vshll.u32 v8, $0x10;
	v57 =	vadd.f32 v55, v54  }
0x4fb: {  	v3 =	vld.idx.msk [tilespmem:v21+s1+$0x0], $0xffff;
	v5 =	vadd.f32 v5, v0;
	v0 =	vadd.f32 v2, v18;
	v2 =	vshll.u32 v4, $0x10  }
0x4fc: {  	v58 =	vld.idx.msk [tilespmem:v29+s1+$0x0], $0xffff;
	v53 =	vshll.u32 v15, $0x10;
	v2 =	vadd.f32 v6, v2;
	v6 =	vadd.f32 v8, v7  }
0x4fd: {  	v4 =	vld.idx.msk [tilespmem:v23+s1+$0x0], $0xffff;
	v7 =	vshll.u32 v9, $0x10;
	v9 =	vshll.u32 v10, $0x10;
	v10 =	vshll.u32 v11, $0x10  }
0x4fe: {  	v8 =	vld.idx.msk [tilespmem:v25+s1+$0x0], $0xffff;
	v11 =	vshll.u32 v12, $0x10;
	v1 =	vshll.u32 v1, $0x10;
	v7 =	vadd.f32 v9, v7  }
0x4ff: {  	v9 =	vadd.f32 v11, v10;
	v10 =	vshll.u32 v14, $0x10;
	v11 =	vld.idx.msk [tilespmem:v27+s1+$0x0], $0xffff;
	v0 =	vadd.f32 v1, v0  }
0x500: {  	v59 =	vld.idx.msk [tilespmem:v30+s1+$0x0], $0xffff;
	v1 =	vshll.u32 v49, $0x10;
	v10 =	vadd.f32 v53, v10;
	v3 =	vshll.u32 v3, $0x10  }
0x501: {  	v60 =	vld.idx.msk [tilespmem:v32+s1+$0x0], $0xffff;
	v1 =	vadd.f32 v1, v2;
	v2 =	vadd.f32 v3, v6;
	v3 =	vshll.u32 v50, $0x10  }
0x502: {  	v6 =	vld.idx.msk [tilespmem:v31+s1+$0x0], $0xffff;
	v3 =	vadd.f32 v3, v7;
	v4 =	vshll.u32 v4, $0x10;
	v7 =	vshll.u32 v51, $0x10  }
0x503: {  	v9 =	vadd.f32 v4, v9;
	v7 =	vadd.f32 v7, v10;
	v4 =	vshll.u32 v8, $0x10;
	v8 =	vld [tilespmem:s29+$0xFFFFFFC0]  }
0x504: {  	v10 =	vshll.u32 v52, $0x10;
	v61 =	vadd.f32 v4, v57;
	v4 =	vshll.u32 v11, $0x10;
	v11 =	vld [tilespmem:s29+$0xFFFFFFD0]  }
0x505: {  	v10 =	vadd.f32 v10, v0;
	v0 =	vld [tilespmem:s29+$0xFFFFFFE0];
	v62 =	vadd.f32 v4, v1;
	v1 =	vshll.u32 v56, $0x10  }
0x506: {  	v63 =	vshll.u32 v59, $0x10;
	v4 =	vshll.u32 v58, $0x10;
	v1 =	vadd.f32 v1, v2;
	v2 =	vld [tilespmem:s29+$0xFFFFFFF0]  }
0x507: {  	v13 =	vmul.f32 v5, v13;
	v5 =	vld [tilespmem:s29+$0x0];
	v4 =	vadd.f32 v4, v3;
	v3 =	vadd.f32 v63, v9  }
0x508: {  	s30 =	simm.s32 $0x15840;
	v9 =	vshll.u32 v6, $0x10;
	v6 =	vld [tilespmem:s29+$0x10];
	v10 =	vmul.f32 v10, v8;
	v8 =	vshll.u32 v60, $0x10  }
0x509: {  	s31 =	simm.s32 $0x0;
	s0 =	simm.s32 $0x13080;
	[tilespmem:s30+$0x30] =	vst v13;
	v7 =	vadd.f32 v9, v7;
	v9 =	vld [tilespmem:s29+$0x20];
	v11 =	vmul.f32 v62, v11;
	v8 =	vadd.f32 v8, v61  }
.LBB2_16:
0x50a: {  	v12 =	vld [tilespmem:s0+$0xFFFFF070];
	[tilespmem:s30+$0xFFFFFFC0] =	vst v10;
	v0 =	vmul.f32 v1, v0  }
0x50b: {  	s31 =	sadd.s32 $0x80, s31;
	v1 =	vld [tilespmem:s0+$0xFFFFF870];
	[tilespmem:s30+$0xFFFFFFD0] =	vst v11;
	v2 =	vmul.f32 v4, v2  }
0x50c: {  	p0 =	slt.u32 s31, $0x780;
	v4 =	vld [tilespmem:s0+$0xFFFFF800];
	[tilespmem:s30+$0xFFFFFFE0] =	vst v0;
	v0 =	vmul.f32 v3, v5  }
0x50d: {  	v3 =	vld [tilespmem:s0+$0x70];
	[tilespmem:s30+$0xFFFFFFF0] =	vst v2;
	v2 =	vmul.f32 v7, v6  }
0x50e: {  	v5 =	vld [tilespmem:s0+$0xFFFFF010];
	[tilespmem:s30+$0x0] =	vst v0;
	v0 =	vmul.f32 v8, v9  }
0x50f: {  	v6 =	vld [tilespmem:s0+$0x870];
	[tilespmem:s30+$0x10] =	vst v2  }
0x510: {  	v2 =	vld [tilespmem:s0+$0xFFFFF810];
	[tilespmem:s30+$0x20] =	vst v0  }
0x511: {  	v0 =	vld [tilespmem:s0+$0xFFFFF020]  }
0x512: {  	v7 =	vld.idx.msk [tilespmem:v12+s1+$0x0], $0xffff  }
0x513: {  	v1 =	vld.idx.msk [tilespmem:v1+s1+$0x0], $0xffff  }
0x514: {  	v8 =	vld [tilespmem:s0+$0xFFFFF820]  }
0x515: {  	v3 =	vld.idx.msk [tilespmem:v3+s1+$0x0], $0xffff  }
0x516: {  	v9 =	vld [tilespmem:s0+$0xFFFFF030]  }
0x517: {  	v6 =	vld.idx.msk [tilespmem:v6+s1+$0x0], $0xffff  }
0x518: {  	v10 =	vld [tilespmem:s0+$0xFFFFF830]  }
0x519: {  	v7 =	vshll.u32 v7, $0x10;
	v1 =	vshll.u32 v1, $0x10;
	v11 =	vld [tilespmem:s0+$0xFFFFF040]  }
0x51a: {  	s29 =	sadd.s32 $0x80, s29;
	v1 =	vadd.f32 v1, v7;
	v12 =	vld [tilespmem:s0+$0xFFFFF840]  }
0x51b: {  	v3 =	vshll.u32 v3, $0x10;
	v7 =	vld [tilespmem:s29+$0x30]  }
0x51c: {  	v1 =	vadd.f32 v3, v1;
	v13 =	vld [tilespmem:s0+$0xFFFFF050]  }
0x51d: {  	v6 =	vshll.u32 v6, $0x10;
	v3 =	vld [tilespmem:s0+$0xFFFFF850]  }
0x51e: {  	v1 =	vadd.f32 v6, v1;
	v14 =	vld [tilespmem:s0+$0xFFFFF060]  }
0x51f: {  	v6 =	vld [tilespmem:s0+$0xFFFFF860]  }
0x520: {  	v15 =	vld [tilespmem:s0+$0xFFFFF000];
	v1 =	vmul.f32 v1, v7  }
0x521: {  	s30 =	sadd.s32 $0x80, s30;
	v7 =	vld [tilespmem:s0+$0x0]  }
0x522: {  	v16 =	vld [tilespmem:s0+$0x10];
	[tilespmem:s30+$0x30] =	vst v1  }
0x523: {  	v1 =	vld [tilespmem:s0+$0x20]  }
0x524: {  	v17 =	vld [tilespmem:s0+$0x30]  }
0x525: {  	v18 =	vld [tilespmem:s0+$0x40]  }
0x526: {  	v19 =	vld [tilespmem:s0+$0x50]  }
0x527: {  	v20 =	vld [tilespmem:s0+$0x60]  }
0x528: {  	v21 =	vld [tilespmem:s0+$0x800]  }
0x529: {  	v22 =	vld [tilespmem:s0+$0x810]  }
0x52a: {  	v23 =	vld [tilespmem:s0+$0x820]  }
0x52b: {  	v24 =	vld [tilespmem:s0+$0x830]  }
0x52c: {  	v25 =	vld [tilespmem:s0+$0x840]  }
0x52d: {  	v26 =	vld [tilespmem:s0+$0x850]  }
0x52e: {  	v27 =	vld [tilespmem:s0+$0x860]  }
0x52f: {  	v15 =	vld.idx.msk [tilespmem:v15+s1+$0x0], $0xffff  }
0x530: {  	v4 =	vld.idx.msk [tilespmem:v4+s1+$0x0], $0xffff  }
0x531: {  	v5 =	vld.idx.msk [tilespmem:v5+s1+$0x0], $0xffff  }
0x532: {  	v2 =	vld.idx.msk [tilespmem:v2+s1+$0x0], $0xffff  }
0x533: {  	v0 =	vld.idx.msk [tilespmem:v0+s1+$0x0], $0xffff  }
0x534: {  	v8 =	vld.idx.msk [tilespmem:v8+s1+$0x0], $0xffff  }
0x535: {  	v15 =	vshll.u32 v15, $0x10;
	v9 =	vld.idx.msk [tilespmem:v9+s1+$0x0], $0xffff  }
0x536: {  	v4 =	vshll.u32 v4, $0x10;
	v10 =	vld.idx.msk [tilespmem:v10+s1+$0x0], $0xffff  }
0x537: {  	v4 =	vadd.f32 v4, v15;
	v5 =	vshll.u32 v5, $0x10;
	v11 =	vld.idx.msk [tilespmem:v11+s1+$0x0], $0xffff  }
0x538: {  	v2 =	vshll.u32 v2, $0x10;
	v12 =	vld.idx.msk [tilespmem:v12+s1+$0x0], $0xffff  }
0x539: {  	v2 =	vadd.f32 v2, v5;
	v0 =	vshll.u32 v0, $0x10;
	v5 =	vld.idx.msk [tilespmem:v13+s1+$0x0], $0xffff  }
0x53a: {  	v8 =	vshll.u32 v8, $0x10;
	v3 =	vld.idx.msk [tilespmem:v3+s1+$0x0], $0xffff  }
0x53b: {  	v0 =	vadd.f32 v8, v0;
	v8 =	vshll.u32 v9, $0x10;
	v9 =	vld.idx.msk [tilespmem:v14+s1+$0x0], $0xffff  }
0x53c: {  	v10 =	vshll.u32 v10, $0x10;
	v6 =	vld.idx.msk [tilespmem:v6+s1+$0x0], $0xffff  }
0x53d: {  	v8 =	vadd.f32 v10, v8;
	v10 =	vshll.u32 v11, $0x10;
	v7 =	vld.idx.msk [tilespmem:v7+s1+$0x0], $0xffff  }
0x53e: {  	v12 =	vshll.u32 v12, $0x10;
	v11 =	vld.idx.msk [tilespmem:v16+s1+$0x0], $0xffff  }
0x53f: {  	v10 =	vadd.f32 v12, v10;
	v5 =	vshll.u32 v5, $0x10;
	v1 =	vld.idx.msk [tilespmem:v1+s1+$0x0], $0xffff  }
0x540: {  	v3 =	vshll.u32 v3, $0x10;
	v12 =	vld.idx.msk [tilespmem:v17+s1+$0x0], $0xffff  }
0x541: {  	v3 =	vadd.f32 v3, v5;
	v5 =	vshll.u32 v9, $0x10;
	v13 =	vld.idx.msk [tilespmem:v18+s1+$0x0], $0xffff  }
0x542: {  	v6 =	vshll.u32 v6, $0x10;
	v9 =	vld.idx.msk [tilespmem:v19+s1+$0x0], $0xffff  }
0x543: {  	v7 =	vshll.u32 v7, $0x10;
	v5 =	vadd.f32 v6, v5;
	v6 =	vld.idx.msk [tilespmem:v20+s1+$0x0], $0xffff  }
0x544: {  	v4 =	vadd.f32 v7, v4;
	v11 =	vshll.u32 v11, $0x10;
	v7 =	vld.idx.msk [tilespmem:v21+s1+$0x0], $0xffff  }
0x545: {  	v2 =	vadd.f32 v11, v2;
	v1 =	vshll.u32 v1, $0x10;
	v11 =	vld.idx.msk [tilespmem:v22+s1+$0x0], $0xffff  }
0x546: {  	v0 =	vadd.f32 v1, v0;
	v12 =	vshll.u32 v12, $0x10;
	v1 =	vld.idx.msk [tilespmem:v23+s1+$0x0], $0xffff  }
0x547: {  	v8 =	vadd.f32 v12, v8;
	v13 =	vshll.u32 v13, $0x10;
	v12 =	vld.idx.msk [tilespmem:v24+s1+$0x0], $0xffff  }
0x548: {  	v10 =	vadd.f32 v13, v10;
	v9 =	vshll.u32 v9, $0x10;
	v13 =	vld.idx.msk [tilespmem:v25+s1+$0x0], $0xffff  }
0x549: {  	v9 =	vadd.f32 v9, v3;
	v3 =	vshll.u32 v6, $0x10;
	v14 =	vld.idx.msk [tilespmem:v26+s1+$0x0], $0xffff  }
0x54a: {  	v6 =	vshll.u32 v7, $0x10;
	v15 =	vadd.f32 v3, v5;
	v16 =	vld.idx.msk [tilespmem:v27+s1+$0x0], $0xffff  }
0x54b: {  	v6 =	vadd.f32 v6, v4;
	v3 =	vshll.u32 v11, $0x10;
	v7 =	vld [tilespmem:s29+$0xFFFFFFC0]  }
0x54c: {  	v11 =	vadd.f32 v3, v2;
	v1 =	vshll.u32 v1, $0x10;
	v17 =	vld [tilespmem:s29+$0xFFFFFFD0]  }
.Ltmp7:
0x54d: {  	v1 =	vadd.f32 v1, v0;
	v2 =	vshll.u32 v12, $0x10;
	v0 =	vld [tilespmem:s29+$0xFFFFFFE0];
	(pc) =	sbr.rel @p0 .LBB2_16-.Ltmp7, $4  }
0x54e: {  	v4 =	vadd.f32 v2, v8;
	v3 =	vshll.u32 v13, $0x10;
	v2 =	vld [tilespmem:s29+$0xFFFFFFF0]  }
0x54f: {  	v3 =	vadd.f32 v3, v10;
	v8 =	vshll.u32 v14, $0x10;
	v5 =	vld [tilespmem:s29+$0x0]  }
0x550: {  	v10 =	vmul.f32 v6, v7;
	v7 =	vadd.f32 v8, v9;
	v6 =	vld [tilespmem:s29+$0x10];
	v8 =	vshll.u32 v16, $0x10  }
0x551: {  	s0 =	sadd.s32 $0x80, s0;
	v11 =	vmul.f32 v11, v17;
	v8 =	vadd.f32 v8, v15;
	v9 =	vld [tilespmem:s29+$0x20]  }
0x552: {  	[tilespmem:s30+$0xFFFFFFC0] =	vst v10;
	v0 =	vmul.f32 v1, v0  }
0x553: {  	[tilespmem:s30+$0xFFFFFFD0] =	vst v11;
	v1 =	vmul.f32 v4, v2  }
0x554: {  	[tilespmem:s30+$0xFFFFFFE0] =	vst v0;
	v0 =	vmul.f32 v3, v5  }
0x555: {  	[tilespmem:s30+$0xFFFFFFF0] =	vst v1;
	v1 =	vmul.f32 v7, v6  }
0x556: {  	[tilespmem:s30+$0x0] =	vst v0;
	v0 =	vmul.f32 v8, v9  }
0x557: {  	[tilespmem:s30+$0x10] =	vst v1  }
0x558: {  	[tilespmem:s30+$0x20] =	vst v0  }
0x559: {  	s0 =	rddreg [dreg:$0x14]  }
0x55a: {  	[hbm4b:s0+s14] =	stream.strided.scatter [tilespmem:s24], [sflag:$0x5], $0x800, s15, s14, $0x38;
	[tilespmem:$0x16000] =	vst v63  }
0x55b: {  	_ =	swait.ge [sflag:s25], $0x800  }
0x55c: {  	[sflag:s25] =	ssyncset.done $0x0  }
0x55d: {  	[sflag:s25] =	ssyncadd.s32 $0xFFFFF800  }
0x55e: {  	_ =	swait.ge [sflag:s26], $0x800  }
0x55f: {  	[sflag:s26] =	ssyncset.done $0x0  }
0x560: {  	[sflag:s26] =	ssyncadd.s32 $0xFFFFF800  }
0x561: {  	[tilespmem:s17], [sflag:$0x2] =	stream.linear.gather [hbm4b:s2+s1], $0x2000, $0x38;
	[tilespmem:$0x16000] =	vst v63  }
0x562: {  	s0 =	rddreg [dreg:$0x15]  }
0x563: {  	[tilespmem:s18], [sflag:$0x2] =	stream.strided.gather [hbm4b:s0+s14], $0x800, s15, s14, $0x38;
	[tilespmem:$0x16000] =	vst v63  }
0x564: {  	_ = 	snop  }
0x565: {  	[tilespmem:s19], [sflag:$0x3] =	stream.linear.gather [hbm4b:s7+s1], $0x2000, $0x38;
	[tilespmem:$0x16000] =	vst v63  }
0x566: {  	s0 =	rddreg [dreg:$0x17]  }
0x567: {  	[tilespmem:s20], [sflag:$0x3] =	stream.strided.gather [hbm4b:s0+s14], $0x800, s15, s14, $0x38;
	[tilespmem:$0x16000] =	vst v63  }
0x568: {  	_ =	swait.ge [sflag:s21], $0x2000  }
0x569: {  	[sflag:s21] =	ssyncset.done $0x0  }
0x56a: {  	[sflag:s21] =	ssyncadd.s32 $0xFFFFE000  }
0x56b: {  	_ =	swait.ge [sflag:s21], $0x800  }
0x56c: {  	[sflag:s21] =	ssyncset.done $0x0  }
0x56d: {  	s0 =	simm.s32 $0x11000;
	[sflag:s21] =	ssyncadd.s32 $0xFFFFF800  }
0x56e: {  	v0 =	vld [tilespmem:s0+$0xFFFFF070]  }
0x56f: {  	v1 =	vld [tilespmem:s0+$0xFFFFF870]  }
0x570: {  	v2 =	vld [tilespmem:s0+$0xFFFFF800]  }
0x571: {  	v3 =	vld [tilespmem:s0+$0x70]  }
0x572: {  	v4 =	vld [tilespmem:s0+$0xFFFFF010]  }
0x573: {  	v5 =	vld [tilespmem:s0+$0x870]  }
0x574: {  	v6 =	vld [tilespmem:s0+$0xFFFFF810]  }
0x575: {  	v7 =	vld [tilespmem:s0+$0xFFFFF020]  }
0x576: {  	v8 =	vld [tilespmem:s0+$0xFFFFF820]  }
0x577: {  	v9 =	vld [tilespmem:s0+$0xFFFFF030]  }
0x578: {  	v10 =	vld [tilespmem:s0+$0xFFFFF830]  }
0x579: {  	v11 =	vld [tilespmem:s0+$0xFFFFF040]  }
0x57a: {  	s29 =	simm.s32 $0x14040;
	v12 =	vld [tilespmem:s0+$0xFFFFF840]  }
0x57b: {  	v13 =	vld [tilespmem:s29+$0x30]  }
0x57c: {  	v14 =	vld [tilespmem:s0+$0xFFFFF050]  }
0x57d: {  	v15 =	vld [tilespmem:s0+$0xFFFFF850]  }
0x57e: {  	v16 =	vld [tilespmem:s0+$0xFFFFF060]  }
0x57f: {  	v17 =	vld [tilespmem:s0+$0xFFFFF860]  }
0x580: {  	v18 =	vld [tilespmem:s0+$0xFFFFF000]  }
0x581: {  	v19 =	vld [tilespmem:s0+$0x0]  }
0x582: {  	v20 =	vld [tilespmem:s0+$0x10]  }
0x583: {  	v21 =	vld [tilespmem:s0+$0x20]  }
0x584: {  	v22 =	vld [tilespmem:s0+$0x30]  }
0x585: {  	v23 =	vld [tilespmem:s0+$0x40]  }
0x586: {  	v24 =	vld [tilespmem:s0+$0x50]  }
0x587: {  	v25 =	vld [tilespmem:s0+$0x60]  }
0x588: {  	v26 =	vld [tilespmem:s0+$0x800]  }
0x589: {  	v27 =	vld [tilespmem:s0+$0x810]  }
0x58a: {  	v28 =	vld [tilespmem:s0+$0x820]  }
0x58b: {  	v29 =	vld [tilespmem:s0+$0x830]  }
0x58c: {  	v30 =	vld [tilespmem:s0+$0x840]  }
0x58d: {  	v31 =	vld [tilespmem:s0+$0x850]  }
0x58e: {  	v32 =	vld [tilespmem:s0+$0x860]  }
0x58f: {  	v0 =	vld.idx.msk [tilespmem:v0+s1+$0x0], $0xffff  }
0x590: {  	v1 =	vld.idx.msk [tilespmem:v1+s1+$0x0], $0xffff  }
0x591: {  	v3 =	vld.idx.msk [tilespmem:v3+s1+$0x0], $0xffff  }
0x592: {  	v5 =	vld.idx.msk [tilespmem:v5+s1+$0x0], $0xffff  }
0x593: {  	v18 =	vld.idx.msk [tilespmem:v18+s1+$0x0], $0xffff  }
0x594: {  	v2 =	vld.idx.msk [tilespmem:v2+s1+$0x0], $0xffff  }
0x595: {  	v4 =	vld.idx.msk [tilespmem:v4+s1+$0x0], $0xffff  }
0x596: {  	v6 =	vld.idx.msk [tilespmem:v6+s1+$0x0], $0xffff  }
0x597: {  	v7 =	vld.idx.msk [tilespmem:v7+s1+$0x0], $0xffff  }
0x598: {  	v8 =	vld.idx.msk [tilespmem:v8+s1+$0x0], $0xffff  }
0x599: {  	v9 =	vld.idx.msk [tilespmem:v9+s1+$0x0], $0xffff  }
0x59a: {  	v10 =	vld.idx.msk [tilespmem:v10+s1+$0x0], $0xffff  }
0x59b: {  	v11 =	vld.idx.msk [tilespmem:v11+s1+$0x0], $0xffff  }
0x59c: {  	v12 =	vld.idx.msk [tilespmem:v12+s1+$0x0], $0xffff  }
0x59d: {  	v14 =	vld.idx.msk [tilespmem:v14+s1+$0x0], $0xffff  }
0x59e: {  	v15 =	vld.idx.msk [tilespmem:v15+s1+$0x0], $0xffff  }
0x59f: {  	v16 =	vld.idx.msk [tilespmem:v16+s1+$0x0], $0xffff  }
0x5a0: {  	v17 =	vld.idx.msk [tilespmem:v17+s1+$0x0], $0xffff  }
0x5a1: {  	v49 =	vld.idx.msk [tilespmem:v20+s1+$0x0], $0xffff  }
0x5a2: {  	v50 =	vld.idx.msk [tilespmem:v22+s1+$0x0], $0xffff;
	v0 =	vand.u32 $0xFFFF0000, v0;
	v1 =	vand.u32 $0xFFFF0000, v1  }
0x5a3: {  	v51 =	vld.idx.msk [tilespmem:v24+s1+$0x0], $0xffff;
	v3 =	vand.u32 $0xFFFF0000, v3;
	v5 =	vand.u32 $0xFFFF0000, v5;
	v0 =	vadd.f32 v1, v0  }
0x5a4: {  	v52 =	vld.idx.msk [tilespmem:v26+s1+$0x0], $0xffff;
	v18 =	vand.u32 $0xFFFF0000, v18;
	v2 =	vand.u32 $0xFFFF0000, v2;
	v6 =	vand.u32 $0xFFFF0000, v6  }
0x5a5: {  	v54 =	vand.u32 $0xFFFF0000, v16;
	v55 =	vand.u32 $0xFFFF0000, v17;
	v1 =	vld.idx.msk [tilespmem:v19+s1+$0x0], $0xffff;
	v0 =	vadd.f32 v3, v0  }
0x5a6: {  	v56 =	vld.idx.msk [tilespmem:v28+s1+$0x0], $0xffff;
	v7 =	vand.u32 $0xFFFF0000, v7;
	v8 =	vand.u32 $0xFFFF0000, v8;
	v57 =	vadd.f32 v55, v54  }
0x5a7: {  	v3 =	vld.idx.msk [tilespmem:v21+s1+$0x0], $0xffff;
	v5 =	vadd.f32 v5, v0;
	v0 =	vadd.f32 v2, v18;
	v2 =	vand.u32 $0xFFFF0000, v4  }
0x5a8: {  	v58 =	vld.idx.msk [tilespmem:v29+s1+$0x0], $0xffff;
	v53 =	vand.u32 $0xFFFF0000, v15;
	v2 =	vadd.f32 v6, v2;
	v6 =	vadd.f32 v8, v7  }
0x5a9: {  	v4 =	vld.idx.msk [tilespmem:v23+s1+$0x0], $0xffff;
	v7 =	vand.u32 $0xFFFF0000, v9;
	v9 =	vand.u32 $0xFFFF0000, v10;
	v10 =	vand.u32 $0xFFFF0000, v11  }
0x5aa: {  	v8 =	vld.idx.msk [tilespmem:v25+s1+$0x0], $0xffff;
	v11 =	vand.u32 $0xFFFF0000, v12;
	v1 =	vand.u32 $0xFFFF0000, v1;
	v7 =	vadd.f32 v9, v7  }
0x5ab: {  	v9 =	vadd.f32 v11, v10;
	v10 =	vand.u32 $0xFFFF0000, v14;
	v11 =	vld.idx.msk [tilespmem:v27+s1+$0x0], $0xffff;
	v0 =	vadd.f32 v1, v0  }
0x5ac: {  	v59 =	vld.idx.msk [tilespmem:v30+s1+$0x0], $0xffff;
	v1 =	vand.u32 $0xFFFF0000, v49;
	v10 =	vadd.f32 v53, v10;
	v3 =	vand.u32 $0xFFFF0000, v3  }
0x5ad: {  	v60 =	vld.idx.msk [tilespmem:v32+s1+$0x0], $0xffff;
	v1 =	vadd.f32 v1, v2;
	v2 =	vadd.f32 v3, v6;
	v3 =	vand.u32 $0xFFFF0000, v50  }
0x5ae: {  	v6 =	vld.idx.msk [tilespmem:v31+s1+$0x0], $0xffff;
	v3 =	vadd.f32 v3, v7;
	v4 =	vand.u32 $0xFFFF0000, v4;
	v7 =	vand.u32 $0xFFFF0000, v51  }
0x5af: {  	v9 =	vadd.f32 v4, v9;
	v7 =	vadd.f32 v7, v10;
	v4 =	vand.u32 $0xFFFF0000, v8;
	v8 =	vld [tilespmem:s29+$0xFFFFFFC0]  }
0x5b0: {  	v10 =	vand.u32 $0xFFFF0000, v52;
	v61 =	vadd.f32 v4, v57;
	v4 =	vand.u32 $0xFFFF0000, v11;
	v11 =	vld [tilespmem:s29+$0xFFFFFFD0]  }
0x5b1: {  	v10 =	vadd.f32 v10, v0;
	v0 =	vld [tilespmem:s29+$0xFFFFFFE0];
	v62 =	vadd.f32 v4, v1;
	v1 =	vand.u32 $0xFFFF0000, v56  }
0x5b2: {  	v63 =	vand.u32 $0xFFFF0000, v59;
	v4 =	vand.u32 $0xFFFF0000, v58;
	v1 =	vadd.f32 v1, v2;
	v2 =	vld [tilespmem:s29+$0xFFFFFFF0]  }
0x5b3: {  	v13 =	vmul.f32 v5, v13;
	v5 =	vld [tilespmem:s29+$0x0];
	v4 =	vadd.f32 v4, v3;
	v3 =	vadd.f32 v63, v9  }
0x5b4: {  	s30 =	simm.s32 $0x15040;
	v9 =	vand.u32 $0xFFFF0000, v6;
	v6 =	vld [tilespmem:s29+$0x10];
	v10 =	vmul.f32 v10, v8;
	v8 =	vand.u32 $0xFFFF0000, v60  }
0x5b5: {  	s31 =	simm.s32 $0x0;
	s0 =	simm.s32 $0x11080;
	[tilespmem:s30+$0x30] =	vst v13;
	v7 =	vadd.f32 v9, v7;
	v9 =	vld [tilespmem:s29+$0x20];
	v11 =	vmul.f32 v62, v11;
	v8 =	vadd.f32 v8, v61  }
.LBB2_18:
0x5b6: {  	v12 =	vld [tilespmem:s0+$0xFFFFF070];
	[tilespmem:s30+$0xFFFFFFC0] =	vst v10;
	v0 =	vmul.f32 v1, v0  }
0x5b7: {  	s31 =	sadd.s32 $0x80, s31;
	v1 =	vld [tilespmem:s0+$0xFFFFF870];
	[tilespmem:s30+$0xFFFFFFD0] =	vst v11;
	v2 =	vmul.f32 v4, v2  }
0x5b8: {  	p0 =	slt.u32 s31, $0x780;
	v4 =	vld [tilespmem:s0+$0xFFFFF800];
	[tilespmem:s30+$0xFFFFFFE0] =	vst v0;
	v0 =	vmul.f32 v3, v5  }
0x5b9: {  	v3 =	vld [tilespmem:s0+$0x70];
	[tilespmem:s30+$0xFFFFFFF0] =	vst v2;
	v2 =	vmul.f32 v7, v6  }
0x5ba: {  	v5 =	vld [tilespmem:s0+$0xFFFFF010];
	[tilespmem:s30+$0x0] =	vst v0;
	v0 =	vmul.f32 v8, v9  }
0x5bb: {  	v6 =	vld [tilespmem:s0+$0x870];
	[tilespmem:s30+$0x10] =	vst v2  }
0x5bc: {  	v2 =	vld [tilespmem:s0+$0xFFFFF810];
	[tilespmem:s30+$0x20] =	vst v0  }
0x5bd: {  	v0 =	vld [tilespmem:s0+$0xFFFFF020]  }
0x5be: {  	v7 =	vld.idx.msk [tilespmem:v12+s1+$0x0], $0xffff  }
0x5bf: {  	v1 =	vld.idx.msk [tilespmem:v1+s1+$0x0], $0xffff  }
0x5c0: {  	v8 =	vld [tilespmem:s0+$0xFFFFF820]  }
0x5c1: {  	v3 =	vld.idx.msk [tilespmem:v3+s1+$0x0], $0xffff  }
0x5c2: {  	v9 =	vld [tilespmem:s0+$0xFFFFF030]  }
0x5c3: {  	v6 =	vld.idx.msk [tilespmem:v6+s1+$0x0], $0xffff  }
0x5c4: {  	v10 =	vld [tilespmem:s0+$0xFFFFF830]  }
0x5c5: {  	v7 =	vand.u32 $0xFFFF0000, v7;
	v1 =	vand.u32 $0xFFFF0000, v1;
	v11 =	vld [tilespmem:s0+$0xFFFFF040]  }
0x5c6: {  	s29 =	sadd.s32 $0x80, s29;
	v1 =	vadd.f32 v1, v7;
	v12 =	vld [tilespmem:s0+$0xFFFFF840]  }
0x5c7: {  	v3 =	vand.u32 $0xFFFF0000, v3;
	v7 =	vld [tilespmem:s29+$0x30]  }
0x5c8: {  	v1 =	vadd.f32 v3, v1;
	v13 =	vld [tilespmem:s0+$0xFFFFF050]  }
0x5c9: {  	v6 =	vand.u32 $0xFFFF0000, v6;
	v3 =	vld [tilespmem:s0+$0xFFFFF850]  }
0x5ca: {  	v1 =	vadd.f32 v6, v1;
	v14 =	vld [tilespmem:s0+$0xFFFFF060]  }
0x5cb: {  	v6 =	vld [tilespmem:s0+$0xFFFFF860]  }
0x5cc: {  	v15 =	vld [tilespmem:s0+$0xFFFFF000];
	v1 =	vmul.f32 v1, v7  }
0x5cd: {  	s30 =	sadd.s32 $0x80, s30;
	v7 =	vld [tilespmem:s0+$0x0]  }
0x5ce: {  	v16 =	vld [tilespmem:s0+$0x10];
	[tilespmem:s30+$0x30] =	vst v1  }
0x5cf: {  	v1 =	vld [tilespmem:s0+$0x20]  }
0x5d0: {  	v17 =	vld [tilespmem:s0+$0x30]  }
0x5d1: {  	v18 =	vld [tilespmem:s0+$0x40]  }
0x5d2: {  	v19 =	vld [tilespmem:s0+$0x50]  }
0x5d3: {  	v20 =	vld [tilespmem:s0+$0x60]  }
0x5d4: {  	v21 =	vld [tilespmem:s0+$0x800]  }
0x5d5: {  	v22 =	vld [tilespmem:s0+$0x810]  }
0x5d6: {  	v23 =	vld [tilespmem:s0+$0x820]  }
0x5d7: {  	v24 =	vld [tilespmem:s0+$0x830]  }
0x5d8: {  	v25 =	vld [tilespmem:s0+$0x840]  }
0x5d9: {  	v26 =	vld [tilespmem:s0+$0x850]  }
0x5da: {  	v27 =	vld [tilespmem:s0+$0x860]  }
0x5db: {  	v15 =	vld.idx.msk [tilespmem:v15+s1+$0x0], $0xffff  }
0x5dc: {  	v4 =	vld.idx.msk [tilespmem:v4+s1+$0x0], $0xffff  }
0x5dd: {  	v5 =	vld.idx.msk [tilespmem:v5+s1+$0x0], $0xffff  }
0x5de: {  	v2 =	vld.idx.msk [tilespmem:v2+s1+$0x0], $0xffff  }
0x5df: {  	v0 =	vld.idx.msk [tilespmem:v0+s1+$0x0], $0xffff  }
0x5e0: {  	v8 =	vld.idx.msk [tilespmem:v8+s1+$0x0], $0xffff  }
0x5e1: {  	v15 =	vand.u32 $0xFFFF0000, v15;
	v9 =	vld.idx.msk [tilespmem:v9+s1+$0x0], $0xffff  }
0x5e2: {  	v4 =	vand.u32 $0xFFFF0000, v4;
	v10 =	vld.idx.msk [tilespmem:v10+s1+$0x0], $0xffff  }
0x5e3: {  	v4 =	vadd.f32 v4, v15;
	v5 =	vand.u32 $0xFFFF0000, v5;
	v11 =	vld.idx.msk [tilespmem:v11+s1+$0x0], $0xffff  }
0x5e4: {  	v2 =	vand.u32 $0xFFFF0000, v2;
	v12 =	vld.idx.msk [tilespmem:v12+s1+$0x0], $0xffff  }
0x5e5: {  	v2 =	vadd.f32 v2, v5;
	v0 =	vand.u32 $0xFFFF0000, v0;
	v5 =	vld.idx.msk [tilespmem:v13+s1+$0x0], $0xffff  }
0x5e6: {  	v8 =	vand.u32 $0xFFFF0000, v8;
	v3 =	vld.idx.msk [tilespmem:v3+s1+$0x0], $0xffff  }
0x5e7: {  	v0 =	vadd.f32 v8, v0;
	v8 =	vand.u32 $0xFFFF0000, v9;
	v9 =	vld.idx.msk [tilespmem:v14+s1+$0x0], $0xffff  }
0x5e8: {  	v10 =	vand.u32 $0xFFFF0000, v10;
	v6 =	vld.idx.msk [tilespmem:v6+s1+$0x0], $0xffff  }
0x5e9: {  	v8 =	vadd.f32 v10, v8;
	v10 =	vand.u32 $0xFFFF0000, v11;
	v7 =	vld.idx.msk [tilespmem:v7+s1+$0x0], $0xffff  }
0x5ea: {  	v12 =	vand.u32 $0xFFFF0000, v12;
	v11 =	vld.idx.msk [tilespmem:v16+s1+$0x0], $0xffff  }
0x5eb: {  	v10 =	vadd.f32 v12, v10;
	v5 =	vand.u32 $0xFFFF0000, v5;
	v1 =	vld.idx.msk [tilespmem:v1+s1+$0x0], $0xffff  }
0x5ec: {  	v3 =	vand.u32 $0xFFFF0000, v3;
	v12 =	vld.idx.msk [tilespmem:v17+s1+$0x0], $0xffff  }
0x5ed: {  	v3 =	vadd.f32 v3, v5;
	v5 =	vand.u32 $0xFFFF0000, v9;
	v13 =	vld.idx.msk [tilespmem:v18+s1+$0x0], $0xffff  }
0x5ee: {  	v6 =	vand.u32 $0xFFFF0000, v6;
	v9 =	vld.idx.msk [tilespmem:v19+s1+$0x0], $0xffff  }
0x5ef: {  	v7 =	vand.u32 $0xFFFF0000, v7;
	v5 =	vadd.f32 v6, v5;
	v6 =	vld.idx.msk [tilespmem:v20+s1+$0x0], $0xffff  }
0x5f0: {  	v4 =	vadd.f32 v7, v4;
	v11 =	vand.u32 $0xFFFF0000, v11;
	v7 =	vld.idx.msk [tilespmem:v21+s1+$0x0], $0xffff  }
0x5f1: {  	v2 =	vadd.f32 v11, v2;
	v1 =	vand.u32 $0xFFFF0000, v1;
	v11 =	vld.idx.msk [tilespmem:v22+s1+$0x0], $0xffff  }
0x5f2: {  	v0 =	vadd.f32 v1, v0;
	v12 =	vand.u32 $0xFFFF0000, v12;
	v1 =	vld.idx.msk [tilespmem:v23+s1+$0x0], $0xffff  }
0x5f3: {  	v8 =	vadd.f32 v12, v8;
	v13 =	vand.u32 $0xFFFF0000, v13;
	v12 =	vld.idx.msk [tilespmem:v24+s1+$0x0], $0xffff  }
0x5f4: {  	v10 =	vadd.f32 v13, v10;
	v9 =	vand.u32 $0xFFFF0000, v9;
	v13 =	vld.idx.msk [tilespmem:v25+s1+$0x0], $0xffff  }
0x5f5: {  	v9 =	vadd.f32 v9, v3;
	v3 =	vand.u32 $0xFFFF0000, v6;
	v14 =	vld.idx.msk [tilespmem:v26+s1+$0x0], $0xffff  }
0x5f6: {  	v6 =	vand.u32 $0xFFFF0000, v7;
	v15 =	vadd.f32 v3, v5;
	v16 =	vld.idx.msk [tilespmem:v27+s1+$0x0], $0xffff  }
0x5f7: {  	v6 =	vadd.f32 v6, v4;
	v3 =	vand.u32 $0xFFFF0000, v11;
	v7 =	vld [tilespmem:s29+$0xFFFFFFC0]  }
0x5f8: {  	v11 =	vadd.f32 v3, v2;
	v1 =	vand.u32 $0xFFFF0000, v1;
	v17 =	vld [tilespmem:s29+$0xFFFFFFD0]  }
.Ltmp8:
0x5f9: {  	v1 =	vadd.f32 v1, v0;
	v2 =	vand.u32 $0xFFFF0000, v12;
	v0 =	vld [tilespmem:s29+$0xFFFFFFE0];
	(pc) =	sbr.rel @p0 .LBB2_18-.Ltmp8, $4  }
0x5fa: {  	v4 =	vadd.f32 v2, v8;
	v3 =	vand.u32 $0xFFFF0000, v13;
	v2 =	vld [tilespmem:s29+$0xFFFFFFF0]  }
0x5fb: {  	v3 =	vadd.f32 v3, v10;
	v8 =	vand.u32 $0xFFFF0000, v14;
	v5 =	vld [tilespmem:s29+$0x0]  }
0x5fc: {  	v10 =	vmul.f32 v6, v7;
	v7 =	vadd.f32 v8, v9;
	v6 =	vld [tilespmem:s29+$0x10];
	v8 =	vand.u32 $0xFFFF0000, v16  }
0x5fd: {  	s0 =	sadd.s32 $0x80, s0;
	v11 =	vmul.f32 v11, v17;
	v8 =	vadd.f32 v8, v15;
	v9 =	vld [tilespmem:s29+$0x20]  }
0x5fe: {  	[tilespmem:s30+$0xFFFFFFC0] =	vst v10;
	v0 =	vmul.f32 v1, v0  }
0x5ff: {  	[tilespmem:s30+$0xFFFFFFD0] =	vst v11;
	v1 =	vmul.f32 v4, v2  }
0x600: {  	[tilespmem:s30+$0xFFFFFFE0] =	vst v0;
	v0 =	vmul.f32 v3, v5  }
0x601: {  	[tilespmem:s30+$0xFFFFFFF0] =	vst v1;
	v1 =	vmul.f32 v7, v6  }
0x602: {  	[tilespmem:s30+$0x0] =	vst v0;
	v0 =	vmul.f32 v8, v9  }
0x603: {  	[tilespmem:s30+$0x10] =	vst v1  }
0x604: {  	[tilespmem:s30+$0x20] =	vst v0  }
0x605: {  	s0 =	rddreg [dreg:$0x16]  }
0x606: {  	[hbm4b:s0+s14] =	stream.strided.scatter [tilespmem:s22], [sflag:$0x4], $0x800, s15, s14, $0x38;
	[tilespmem:$0x16000] =	vst v63  }
0x607: {  	_ = 	snop  }
0x608: {  	[tilespmem:s17], [sflag:$0x2] =	stream.linear.gather [hbm4b:s8+s1], $0x2000, $0x38;
	[tilespmem:$0x16000] =	vst v63  }
0x609: {  	s0 =	rddreg [dreg:$0x19]  }
0x60a: {  	[tilespmem:s18], [sflag:$0x2] =	stream.strided.gather [hbm4b:s0+s14], $0x800, s15, s14, $0x38;
	[tilespmem:$0x16000] =	vst v63  }
0x60b: {  	_ =	swait.ge [sflag:s23], $0x2000  }
0x60c: {  	[sflag:s23] =	ssyncset.done $0x0  }
0x60d: {  	[sflag:s23] =	ssyncadd.s32 $0xFFFFE000  }
0x60e: {  	_ =	swait.ge [sflag:s23], $0x800  }
0x60f: {  	[sflag:s23] =	ssyncset.done $0x0  }
0x610: {  	s0 =	simm.s32 $0x13000;
	[sflag:s23] =	ssyncadd.s32 $0xFFFFF800  }
0x611: {  	v0 =	vld [tilespmem:s0+$0xFFFFF070]  }
0x612: {  	v1 =	vld [tilespmem:s0+$0xFFFFF870]  }
0x613: {  	v2 =	vld [tilespmem:s0+$0xFFFFF800]  }
0x614: {  	v3 =	vld [tilespmem:s0+$0x70]  }
0x615: {  	v4 =	vld [tilespmem:s0+$0xFFFFF010]  }
0x616: {  	v5 =	vld [tilespmem:s0+$0x870]  }
0x617: {  	v6 =	vld [tilespmem:s0+$0xFFFFF810]  }
0x618: {  	v7 =	vld [tilespmem:s0+$0xFFFFF020]  }
0x619: {  	v8 =	vld [tilespmem:s0+$0xFFFFF820]  }
0x61a: {  	v9 =	vld [tilespmem:s0+$0xFFFFF030]  }
0x61b: {  	v10 =	vld [tilespmem:s0+$0xFFFFF830]  }
0x61c: {  	v11 =	vld [tilespmem:s0+$0xFFFFF040]  }
0x61d: {  	s29 =	simm.s32 $0x14840;
	v12 =	vld [tilespmem:s0+$0xFFFFF840]  }
0x61e: {  	v13 =	vld [tilespmem:s29+$0x30]  }
0x61f: {  	v14 =	vld [tilespmem:s0+$0xFFFFF050]  }
0x620: {  	v15 =	vld [tilespmem:s0+$0xFFFFF850]  }
0x621: {  	v16 =	vld [tilespmem:s0+$0xFFFFF060]  }
0x622: {  	v17 =	vld [tilespmem:s0+$0xFFFFF860]  }
0x623: {  	v18 =	vld [tilespmem:s0+$0xFFFFF000]  }
0x624: {  	v19 =	vld [tilespmem:s0+$0x0]  }
0x625: {  	v20 =	vld [tilespmem:s0+$0x10]  }
0x626: {  	v21 =	vld [tilespmem:s0+$0x20]  }
0x627: {  	v22 =	vld [tilespmem:s0+$0x30]  }
0x628: {  	v23 =	vld [tilespmem:s0+$0x40]  }
0x629: {  	v24 =	vld [tilespmem:s0+$0x50]  }
0x62a: {  	v25 =	vld [tilespmem:s0+$0x60]  }
0x62b: {  	v26 =	vld [tilespmem:s0+$0x800]  }
0x62c: {  	v27 =	vld [tilespmem:s0+$0x810]  }
0x62d: {  	v28 =	vld [tilespmem:s0+$0x820]  }
0x62e: {  	v29 =	vld [tilespmem:s0+$0x830]  }
0x62f: {  	v30 =	vld [tilespmem:s0+$0x840]  }
0x630: {  	v31 =	vld [tilespmem:s0+$0x850]  }
0x631: {  	v32 =	vld [tilespmem:s0+$0x860]  }
0x632: {  	v0 =	vld.idx.msk [tilespmem:v0+s1+$0x0], $0xffff  }
0x633: {  	v1 =	vld.idx.msk [tilespmem:v1+s1+$0x0], $0xffff  }
0x634: {  	v3 =	vld.idx.msk [tilespmem:v3+s1+$0x0], $0xffff  }
0x635: {  	v5 =	vld.idx.msk [tilespmem:v5+s1+$0x0], $0xffff  }
0x636: {  	v18 =	vld.idx.msk [tilespmem:v18+s1+$0x0], $0xffff  }
0x637: {  	v2 =	vld.idx.msk [tilespmem:v2+s1+$0x0], $0xffff  }
0x638: {  	v4 =	vld.idx.msk [tilespmem:v4+s1+$0x0], $0xffff  }
0x639: {  	v6 =	vld.idx.msk [tilespmem:v6+s1+$0x0], $0xffff  }
0x63a: {  	v7 =	vld.idx.msk [tilespmem:v7+s1+$0x0], $0xffff  }
0x63b: {  	v8 =	vld.idx.msk [tilespmem:v8+s1+$0x0], $0xffff  }
0x63c: {  	v9 =	vld.idx.msk [tilespmem:v9+s1+$0x0], $0xffff  }
0x63d: {  	v10 =	vld.idx.msk [tilespmem:v10+s1+$0x0], $0xffff  }
0x63e: {  	v11 =	vld.idx.msk [tilespmem:v11+s1+$0x0], $0xffff  }
0x63f: {  	v12 =	vld.idx.msk [tilespmem:v12+s1+$0x0], $0xffff  }
0x640: {  	v14 =	vld.idx.msk [tilespmem:v14+s1+$0x0], $0xffff  }
0x641: {  	v15 =	vld.idx.msk [tilespmem:v15+s1+$0x0], $0xffff  }
0x642: {  	v16 =	vld.idx.msk [tilespmem:v16+s1+$0x0], $0xffff  }
0x643: {  	v17 =	vld.idx.msk [tilespmem:v17+s1+$0x0], $0xffff  }
0x644: {  	v49 =	vld.idx.msk [tilespmem:v20+s1+$0x0], $0xffff  }
0x645: {  	v50 =	vld.idx.msk [tilespmem:v22+s1+$0x0], $0xffff;
	v0 =	vand.u32 $0xFFFF0000, v0;
	v1 =	vand.u32 $0xFFFF0000, v1  }
0x646: {  	v51 =	vld.idx.msk [tilespmem:v24+s1+$0x0], $0xffff;
	v3 =	vand.u32 $0xFFFF0000, v3;
	v5 =	vand.u32 $0xFFFF0000, v5;
	v0 =	vadd.f32 v1, v0  }
0x647: {  	v52 =	vld.idx.msk [tilespmem:v26+s1+$0x0], $0xffff;
	v18 =	vand.u32 $0xFFFF0000, v18;
	v2 =	vand.u32 $0xFFFF0000, v2;
	v6 =	vand.u32 $0xFFFF0000, v6  }
0x648: {  	v54 =	vand.u32 $0xFFFF0000, v16;
	v55 =	vand.u32 $0xFFFF0000, v17;
	v1 =	vld.idx.msk [tilespmem:v19+s1+$0x0], $0xffff;
	v0 =	vadd.f32 v3, v0  }
0x649: {  	v56 =	vld.idx.msk [tilespmem:v28+s1+$0x0], $0xffff;
	v7 =	vand.u32 $0xFFFF0000, v7;
	v8 =	vand.u32 $0xFFFF0000, v8;
	v57 =	vadd.f32 v55, v54  }
0x64a: {  	v3 =	vld.idx.msk [tilespmem:v21+s1+$0x0], $0xffff;
	v5 =	vadd.f32 v5, v0;
	v0 =	vadd.f32 v2, v18;
	v2 =	vand.u32 $0xFFFF0000, v4  }
0x64b: {  	v58 =	vld.idx.msk [tilespmem:v29+s1+$0x0], $0xffff;
	v53 =	vand.u32 $0xFFFF0000, v15;
	v2 =	vadd.f32 v6, v2;
	v6 =	vadd.f32 v8, v7  }
0x64c: {  	v4 =	vld.idx.msk [tilespmem:v23+s1+$0x0], $0xffff;
	v7 =	vand.u32 $0xFFFF0000, v9;
	v9 =	vand.u32 $0xFFFF0000, v10;
	v10 =	vand.u32 $0xFFFF0000, v11  }
0x64d: {  	v8 =	vld.idx.msk [tilespmem:v25+s1+$0x0], $0xffff;
	v11 =	vand.u32 $0xFFFF0000, v12;
	v1 =	vand.u32 $0xFFFF0000, v1;
	v7 =	vadd.f32 v9, v7  }
0x64e: {  	v9 =	vadd.f32 v11, v10;
	v10 =	vand.u32 $0xFFFF0000, v14;
	v11 =	vld.idx.msk [tilespmem:v27+s1+$0x0], $0xffff;
	v0 =	vadd.f32 v1, v0  }
0x64f: {  	v59 =	vld.idx.msk [tilespmem:v30+s1+$0x0], $0xffff;
	v1 =	vand.u32 $0xFFFF0000, v49;
	v10 =	vadd.f32 v53, v10;
	v3 =	vand.u32 $0xFFFF0000, v3  }
0x650: {  	v60 =	vld.idx.msk [tilespmem:v32+s1+$0x0], $0xffff;
	v1 =	vadd.f32 v1, v2;
	v2 =	vadd.f32 v3, v6;
	v3 =	vand.u32 $0xFFFF0000, v50  }
0x651: {  	v6 =	vld.idx.msk [tilespmem:v31+s1+$0x0], $0xffff;
	v3 =	vadd.f32 v3, v7;
	v4 =	vand.u32 $0xFFFF0000, v4;
	v7 =	vand.u32 $0xFFFF0000, v51  }
0x652: {  	v9 =	vadd.f32 v4, v9;
	v7 =	vadd.f32 v7, v10;
	v4 =	vand.u32 $0xFFFF0000, v8;
	v8 =	vld [tilespmem:s29+$0xFFFFFFC0]  }
0x653: {  	v10 =	vand.u32 $0xFFFF0000, v52;
	v61 =	vadd.f32 v4, v57;
	v4 =	vand.u32 $0xFFFF0000, v11;
	v11 =	vld [tilespmem:s29+$0xFFFFFFD0]  }
0x654: {  	v10 =	vadd.f32 v10, v0;
	v0 =	vld [tilespmem:s29+$0xFFFFFFE0];
	v62 =	vadd.f32 v4, v1;
	v1 =	vand.u32 $0xFFFF0000, v56  }
0x655: {  	v63 =	vand.u32 $0xFFFF0000, v59;
	v4 =	vand.u32 $0xFFFF0000, v58;
	v1 =	vadd.f32 v1, v2;
	v2 =	vld [tilespmem:s29+$0xFFFFFFF0]  }
0x656: {  	v13 =	vmul.f32 v5, v13;
	v5 =	vld [tilespmem:s29+$0x0];
	v4 =	vadd.f32 v4, v3;
	v3 =	vadd.f32 v63, v9  }
0x657: {  	s30 =	simm.s32 $0x15840;
	v9 =	vand.u32 $0xFFFF0000, v6;
	v6 =	vld [tilespmem:s29+$0x10];
	v10 =	vmul.f32 v10, v8;
	v8 =	vand.u32 $0xFFFF0000, v60  }
0x658: {  	s31 =	simm.s32 $0x0;
	s0 =	simm.s32 $0x13080;
	[tilespmem:s30+$0x30] =	vst v13;
	v7 =	vadd.f32 v9, v7;
	v9 =	vld [tilespmem:s29+$0x20];
	v11 =	vmul.f32 v62, v11;
	v8 =	vadd.f32 v8, v61  }
.LBB2_20:
0x659: {  	v12 =	vld [tilespmem:s0+$0xFFFFF070];
	[tilespmem:s30+$0xFFFFFFC0] =	vst v10;
	v0 =	vmul.f32 v1, v0  }
0x65a: {  	s31 =	sadd.s32 $0x80, s31;
	v1 =	vld [tilespmem:s0+$0xFFFFF870];
	[tilespmem:s30+$0xFFFFFFD0] =	vst v11;
	v2 =	vmul.f32 v4, v2  }
0x65b: {  	p0 =	slt.u32 s31, $0x780;
	v4 =	vld [tilespmem:s0+$0xFFFFF800];
	[tilespmem:s30+$0xFFFFFFE0] =	vst v0;
	v0 =	vmul.f32 v3, v5  }
0x65c: {  	v3 =	vld [tilespmem:s0+$0x70];
	[tilespmem:s30+$0xFFFFFFF0] =	vst v2;
	v2 =	vmul.f32 v7, v6  }
0x65d: {  	v5 =	vld [tilespmem:s0+$0xFFFFF010];
	[tilespmem:s30+$0x0] =	vst v0;
	v0 =	vmul.f32 v8, v9  }
0x65e: {  	v6 =	vld [tilespmem:s0+$0x870];
	[tilespmem:s30+$0x10] =	vst v2  }
0x65f: {  	v2 =	vld [tilespmem:s0+$0xFFFFF810];
	[tilespmem:s30+$0x20] =	vst v0  }
0x660: {  	v0 =	vld [tilespmem:s0+$0xFFFFF020]  }
0x661: {  	v7 =	vld.idx.msk [tilespmem:v12+s1+$0x0], $0xffff  }
0x662: {  	v1 =	vld.idx.msk [tilespmem:v1+s1+$0x0], $0xffff  }
0x663: {  	v8 =	vld [tilespmem:s0+$0xFFFFF820]  }
0x664: {  	v3 =	vld.idx.msk [tilespmem:v3+s1+$0x0], $0xffff  }
0x665: {  	v9 =	vld [tilespmem:s0+$0xFFFFF030]  }
0x666: {  	v6 =	vld.idx.msk [tilespmem:v6+s1+$0x0], $0xffff  }
0x667: {  	v10 =	vld [tilespmem:s0+$0xFFFFF830]  }
0x668: {  	v7 =	vand.u32 $0xFFFF0000, v7;
	v1 =	vand.u32 $0xFFFF0000, v1;
	v11 =	vld [tilespmem:s0+$0xFFFFF040]  }
0x669: {  	s29 =	sadd.s32 $0x80, s29;
	v1 =	vadd.f32 v1, v7;
	v12 =	vld [tilespmem:s0+$0xFFFFF840]  }
0x66a: {  	v3 =	vand.u32 $0xFFFF0000, v3;
	v7 =	vld [tilespmem:s29+$0x30]  }
0x66b: {  	v1 =	vadd.f32 v3, v1;
	v13 =	vld [tilespmem:s0+$0xFFFFF050]  }
0x66c: {  	v6 =	vand.u32 $0xFFFF0000, v6;
	v3 =	vld [tilespmem:s0+$0xFFFFF850]  }
0x66d: {  	v1 =	vadd.f32 v6, v1;
	v14 =	vld [tilespmem:s0+$0xFFFFF060]  }
0x66e: {  	v6 =	vld [tilespmem:s0+$0xFFFFF860]  }
0x66f: {  	v15 =	vld [tilespmem:s0+$0xFFFFF000];
	v1 =	vmul.f32 v1, v7  }
0x670: {  	s30 =	sadd.s32 $0x80, s30;
	v7 =	vld [tilespmem:s0+$0x0]  }
0x671: {  	v16 =	vld [tilespmem:s0+$0x10];
	[tilespmem:s30+$0x30] =	vst v1  }
0x672: {  	v1 =	vld [tilespmem:s0+$0x20]  }
0x673: {  	v17 =	vld [tilespmem:s0+$0x30]  }
0x674: {  	v18 =	vld [tilespmem:s0+$0x40]  }
0x675: {  	v19 =	vld [tilespmem:s0+$0x50]  }
0x676: {  	v20 =	vld [tilespmem:s0+$0x60]  }
0x677: {  	v21 =	vld [tilespmem:s0+$0x800]  }
0x678: {  	v22 =	vld [tilespmem:s0+$0x810]  }
0x679: {  	v23 =	vld [tilespmem:s0+$0x820]  }
0x67a: {  	v24 =	vld [tilespmem:s0+$0x830]  }
0x67b: {  	v25 =	vld [tilespmem:s0+$0x840]  }
0x67c: {  	v26 =	vld [tilespmem:s0+$0x850]  }
0x67d: {  	v27 =	vld [tilespmem:s0+$0x860]  }
0x67e: {  	v15 =	vld.idx.msk [tilespmem:v15+s1+$0x0], $0xffff  }
0x67f: {  	v4 =	vld.idx.msk [tilespmem:v4+s1+$0x0], $0xffff  }
0x680: {  	v5 =	vld.idx.msk [tilespmem:v5+s1+$0x0], $0xffff  }
0x681: {  	v2 =	vld.idx.msk [tilespmem:v2+s1+$0x0], $0xffff  }
0x682: {  	v0 =	vld.idx.msk [tilespmem:v0+s1+$0x0], $0xffff  }
0x683: {  	v8 =	vld.idx.msk [tilespmem:v8+s1+$0x0], $0xffff  }
0x684: {  	v15 =	vand.u32 $0xFFFF0000, v15;
	v9 =	vld.idx.msk [tilespmem:v9+s1+$0x0], $0xffff  }
0x685: {  	v4 =	vand.u32 $0xFFFF0000, v4;
	v10 =	vld.idx.msk [tilespmem:v10+s1+$0x0], $0xffff  }
0x686: {  	v4 =	vadd.f32 v4, v15;
	v5 =	vand.u32 $0xFFFF0000, v5;
	v11 =	vld.idx.msk [tilespmem:v11+s1+$0x0], $0xffff  }
0x687: {  	v2 =	vand.u32 $0xFFFF0000, v2;
	v12 =	vld.idx.msk [tilespmem:v12+s1+$0x0], $0xffff  }
0x688: {  	v2 =	vadd.f32 v2, v5;
	v0 =	vand.u32 $0xFFFF0000, v0;
	v5 =	vld.idx.msk [tilespmem:v13+s1+$0x0], $0xffff  }
0x689: {  	v8 =	vand.u32 $0xFFFF0000, v8;
	v3 =	vld.idx.msk [tilespmem:v3+s1+$0x0], $0xffff  }
0x68a: {  	v0 =	vadd.f32 v8, v0;
	v8 =	vand.u32 $0xFFFF0000, v9;
	v9 =	vld.idx.msk [tilespmem:v14+s1+$0x0], $0xffff  }
0x68b: {  	v10 =	vand.u32 $0xFFFF0000, v10;
	v6 =	vld.idx.msk [tilespmem:v6+s1+$0x0], $0xffff  }
0x68c: {  	v8 =	vadd.f32 v10, v8;
	v10 =	vand.u32 $0xFFFF0000, v11;
	v7 =	vld.idx.msk [tilespmem:v7+s1+$0x0], $0xffff  }
0x68d: {  	v12 =	vand.u32 $0xFFFF0000, v12;
	v11 =	vld.idx.msk [tilespmem:v16+s1+$0x0], $0xffff  }
0x68e: {  	v10 =	vadd.f32 v12, v10;
	v5 =	vand.u32 $0xFFFF0000, v5;
	v1 =	vld.idx.msk [tilespmem:v1+s1+$0x0], $0xffff  }
0x68f: {  	v3 =	vand.u32 $0xFFFF0000, v3;
	v12 =	vld.idx.msk [tilespmem:v17+s1+$0x0], $0xffff  }
0x690: {  	v3 =	vadd.f32 v3, v5;
	v5 =	vand.u32 $0xFFFF0000, v9;
	v13 =	vld.idx.msk [tilespmem:v18+s1+$0x0], $0xffff  }
0x691: {  	v6 =	vand.u32 $0xFFFF0000, v6;
	v9 =	vld.idx.msk [tilespmem:v19+s1+$0x0], $0xffff  }
0x692: {  	v7 =	vand.u32 $0xFFFF0000, v7;
	v5 =	vadd.f32 v6, v5;
	v6 =	vld.idx.msk [tilespmem:v20+s1+$0x0], $0xffff  }
0x693: {  	v4 =	vadd.f32 v7, v4;
	v11 =	vand.u32 $0xFFFF0000, v11;
	v7 =	vld.idx.msk [tilespmem:v21+s1+$0x0], $0xffff  }
0x694: {  	v2 =	vadd.f32 v11, v2;
	v1 =	vand.u32 $0xFFFF0000, v1;
	v11 =	vld.idx.msk [tilespmem:v22+s1+$0x0], $0xffff  }
0x695: {  	v0 =	vadd.f32 v1, v0;
	v12 =	vand.u32 $0xFFFF0000, v12;
	v1 =	vld.idx.msk [tilespmem:v23+s1+$0x0], $0xffff  }
0x696: {  	v8 =	vadd.f32 v12, v8;
	v13 =	vand.u32 $0xFFFF0000, v13;
	v12 =	vld.idx.msk [tilespmem:v24+s1+$0x0], $0xffff  }
0x697: {  	v10 =	vadd.f32 v13, v10;
	v9 =	vand.u32 $0xFFFF0000, v9;
	v13 =	vld.idx.msk [tilespmem:v25+s1+$0x0], $0xffff  }
0x698: {  	v9 =	vadd.f32 v9, v3;
	v3 =	vand.u32 $0xFFFF0000, v6;
	v14 =	vld.idx.msk [tilespmem:v26+s1+$0x0], $0xffff  }
0x699: {  	v6 =	vand.u32 $0xFFFF0000, v7;
	v15 =	vadd.f32 v3, v5;
	v16 =	vld.idx.msk [tilespmem:v27+s1+$0x0], $0xffff  }
0x69a: {  	v6 =	vadd.f32 v6, v4;
	v3 =	vand.u32 $0xFFFF0000, v11;
	v7 =	vld [tilespmem:s29+$0xFFFFFFC0]  }
0x69b: {  	v11 =	vadd.f32 v3, v2;
	v1 =	vand.u32 $0xFFFF0000, v1;
	v17 =	vld [tilespmem:s29+$0xFFFFFFD0]  }
.Ltmp9:
0x69c: {  	v1 =	vadd.f32 v1, v0;
	v2 =	vand.u32 $0xFFFF0000, v12;
	v0 =	vld [tilespmem:s29+$0xFFFFFFE0];
	(pc) =	sbr.rel @p0 .LBB2_20-.Ltmp9, $4  }
0x69d: {  	v4 =	vadd.f32 v2, v8;
	v3 =	vand.u32 $0xFFFF0000, v13;
	v2 =	vld [tilespmem:s29+$0xFFFFFFF0]  }
0x69e: {  	v3 =	vadd.f32 v3, v10;
	v8 =	vand.u32 $0xFFFF0000, v14;
	v5 =	vld [tilespmem:s29+$0x0]  }
0x69f: {  	v10 =	vmul.f32 v6, v7;
	v7 =	vadd.f32 v8, v9;
	v6 =	vld [tilespmem:s29+$0x10];
	v8 =	vand.u32 $0xFFFF0000, v16  }
0x6a0: {  	s0 =	sadd.s32 $0x80, s0;
	v11 =	vmul.f32 v11, v17;
	v8 =	vadd.f32 v8, v15;
	v9 =	vld [tilespmem:s29+$0x20]  }
0x6a1: {  	[tilespmem:s30+$0xFFFFFFC0] =	vst v10;
	v0 =	vmul.f32 v1, v0  }
0x6a2: {  	[tilespmem:s30+$0xFFFFFFD0] =	vst v11;
	v1 =	vmul.f32 v4, v2  }
0x6a3: {  	[tilespmem:s30+$0xFFFFFFE0] =	vst v0;
	v0 =	vmul.f32 v3, v5  }
0x6a4: {  	[tilespmem:s30+$0xFFFFFFF0] =	vst v1;
	v1 =	vmul.f32 v7, v6  }
0x6a5: {  	[tilespmem:s30+$0x0] =	vst v0;
	v0 =	vmul.f32 v8, v9  }
0x6a6: {  	[tilespmem:s30+$0x10] =	vst v1  }
0x6a7: {  	[tilespmem:s30+$0x20] =	vst v0  }
0x6a8: {  	s0 =	rddreg [dreg:$0x18]  }
0x6a9: {  	[hbm4b:s0+s14] =	stream.strided.scatter [tilespmem:s24], [sflag:$0x5], $0x800, s15, s14, $0x38;
	[tilespmem:$0x16000] =	vst v63  }
0x6aa: {  	_ = 	snop  }
0x6ab: {  	[tilespmem:s19], [sflag:$0x3] =	stream.linear.gather [hbm4b:s9+s1], $0x2000, $0x38;
	[tilespmem:$0x16000] =	vst v63  }
0x6ac: {  	s0 =	rddreg [dreg:$0x1b]  }
0x6ad: {  	[tilespmem:s20], [sflag:$0x3] =	stream.strided.gather [hbm4b:s0+s14], $0x800, s15, s14, $0x38;
	[tilespmem:$0x16000] =	vst v63  }
0x6ae: {  	_ =	swait.ge [sflag:s25], $0x800  }
0x6af: {  	[sflag:s25] =	ssyncset.done $0x0  }
0x6b0: {  	[sflag:s25] =	ssyncadd.s32 $0xFFFFF800  }
0x6b1: {  	_ =	swait.ge [sflag:s21], $0x2000  }
0x6b2: {  	[sflag:s21] =	ssyncset.done $0x0  }
0x6b3: {  	[sflag:s21] =	ssyncadd.s32 $0xFFFFE000  }
0x6b4: {  	_ =	swait.ge [sflag:s21], $0x800  }
0x6b5: {  	[sflag:s21] =	ssyncset.done $0x0  }
0x6b6: {  	s0 =	simm.s32 $0x11000;
	[sflag:s21] =	ssyncadd.s32 $0xFFFFF800  }
0x6b7: {  	v0 =	vld [tilespmem:s0+$0xFFFFF070]  }
0x6b8: {  	v1 =	vld [tilespmem:s0+$0xFFFFF870]  }
0x6b9: {  	v2 =	vld [tilespmem:s0+$0xFFFFF800]  }
0x6ba: {  	v3 =	vld [tilespmem:s0+$0x70]  }
0x6bb: {  	v4 =	vld [tilespmem:s0+$0xFFFFF010]  }
0x6bc: {  	v5 =	vld [tilespmem:s0+$0x870]  }
0x6bd: {  	v6 =	vld [tilespmem:s0+$0xFFFFF810]  }
0x6be: {  	v7 =	vld [tilespmem:s0+$0xFFFFF020]  }
0x6bf: {  	v8 =	vld [tilespmem:s0+$0xFFFFF820]  }
0x6c0: {  	v9 =	vld [tilespmem:s0+$0xFFFFF030]  }
0x6c1: {  	v10 =	vld [tilespmem:s0+$0xFFFFF830]  }
0x6c2: {  	v11 =	vld [tilespmem:s0+$0xFFFFF040]  }
0x6c3: {  	s29 =	simm.s32 $0x14040;
	v12 =	vld [tilespmem:s0+$0xFFFFF840]  }
0x6c4: {  	v13 =	vld [tilespmem:s29+$0x30]  }
0x6c5: {  	v14 =	vld [tilespmem:s0+$0xFFFFF050]  }
0x6c6: {  	v15 =	vld [tilespmem:s0+$0xFFFFF850]  }
0x6c7: {  	v16 =	vld [tilespmem:s0+$0xFFFFF060]  }
0x6c8: {  	v17 =	vld [tilespmem:s0+$0xFFFFF860]  }
0x6c9: {  	v18 =	vld [tilespmem:s0+$0xFFFFF000]  }
0x6ca: {  	v19 =	vld [tilespmem:s0+$0x0]  }
0x6cb: {  	v20 =	vld [tilespmem:s0+$0x10]  }
0x6cc: {  	v21 =	vld [tilespmem:s0+$0x20]  }
0x6cd: {  	v22 =	vld [tilespmem:s0+$0x30]  }
0x6ce: {  	v23 =	vld [tilespmem:s0+$0x40]  }
0x6cf: {  	v24 =	vld [tilespmem:s0+$0x50]  }
0x6d0: {  	v25 =	vld [tilespmem:s0+$0x60]  }
0x6d1: {  	v26 =	vld [tilespmem:s0+$0x800]  }
0x6d2: {  	v27 =	vld [tilespmem:s0+$0x810]  }
0x6d3: {  	v28 =	vld [tilespmem:s0+$0x820]  }
0x6d4: {  	v29 =	vld [tilespmem:s0+$0x830]  }
0x6d5: {  	v30 =	vld [tilespmem:s0+$0x840]  }
0x6d6: {  	v31 =	vld [tilespmem:s0+$0x850]  }
0x6d7: {  	v32 =	vld [tilespmem:s0+$0x860]  }
0x6d8: {  	v0 =	vld.idx.msk [tilespmem:v0+s1+$0x0], $0xffff  }
0x6d9: {  	v1 =	vld.idx.msk [tilespmem:v1+s1+$0x0], $0xffff  }
0x6da: {  	v3 =	vld.idx.msk [tilespmem:v3+s1+$0x0], $0xffff  }
0x6db: {  	v5 =	vld.idx.msk [tilespmem:v5+s1+$0x0], $0xffff  }
0x6dc: {  	v18 =	vld.idx.msk [tilespmem:v18+s1+$0x0], $0xffff  }
0x6dd: {  	v2 =	vld.idx.msk [tilespmem:v2+s1+$0x0], $0xffff  }
0x6de: {  	v4 =	vld.idx.msk [tilespmem:v4+s1+$0x0], $0xffff  }
0x6df: {  	v6 =	vld.idx.msk [tilespmem:v6+s1+$0x0], $0xffff  }
0x6e0: {  	v7 =	vld.idx.msk [tilespmem:v7+s1+$0x0], $0xffff  }
0x6e1: {  	v8 =	vld.idx.msk [tilespmem:v8+s1+$0x0], $0xffff  }
0x6e2: {  	v9 =	vld.idx.msk [tilespmem:v9+s1+$0x0], $0xffff  }
0x6e3: {  	v10 =	vld.idx.msk [tilespmem:v10+s1+$0x0], $0xffff  }
0x6e4: {  	v11 =	vld.idx.msk [tilespmem:v11+s1+$0x0], $0xffff  }
0x6e5: {  	v12 =	vld.idx.msk [tilespmem:v12+s1+$0x0], $0xffff  }
0x6e6: {  	v14 =	vld.idx.msk [tilespmem:v14+s1+$0x0], $0xffff  }
0x6e7: {  	v15 =	vld.idx.msk [tilespmem:v15+s1+$0x0], $0xffff  }
0x6e8: {  	v16 =	vld.idx.msk [tilespmem:v16+s1+$0x0], $0xffff  }
0x6e9: {  	v17 =	vld.idx.msk [tilespmem:v17+s1+$0x0], $0xffff  }
0x6ea: {  	v49 =	vld.idx.msk [tilespmem:v20+s1+$0x0], $0xffff  }
0x6eb: {  	v50 =	vld.idx.msk [tilespmem:v22+s1+$0x0], $0xffff;
	v0 =	vand.u32 $0xFFFF0000, v0;
	v1 =	vand.u32 $0xFFFF0000, v1  }
0x6ec: {  	v51 =	vld.idx.msk [tilespmem:v24+s1+$0x0], $0xffff;
	v3 =	vand.u32 $0xFFFF0000, v3;
	v5 =	vand.u32 $0xFFFF0000, v5;
	v0 =	vadd.f32 v1, v0  }
0x6ed: {  	v52 =	vld.idx.msk [tilespmem:v26+s1+$0x0], $0xffff;
	v18 =	vand.u32 $0xFFFF0000, v18;
	v2 =	vand.u32 $0xFFFF0000, v2;
	v6 =	vand.u32 $0xFFFF0000, v6  }
0x6ee: {  	v54 =	vand.u32 $0xFFFF0000, v16;
	v55 =	vand.u32 $0xFFFF0000, v17;
	v1 =	vld.idx.msk [tilespmem:v19+s1+$0x0], $0xffff;
	v0 =	vadd.f32 v3, v0  }
0x6ef: {  	v56 =	vld.idx.msk [tilespmem:v28+s1+$0x0], $0xffff;
	v7 =	vand.u32 $0xFFFF0000, v7;
	v8 =	vand.u32 $0xFFFF0000, v8;
	v57 =	vadd.f32 v55, v54  }
0x6f0: {  	v3 =	vld.idx.msk [tilespmem:v21+s1+$0x0], $0xffff;
	v5 =	vadd.f32 v5, v0;
	v0 =	vadd.f32 v2, v18;
	v2 =	vand.u32 $0xFFFF0000, v4  }
0x6f1: {  	v58 =	vld.idx.msk [tilespmem:v29+s1+$0x0], $0xffff;
	v53 =	vand.u32 $0xFFFF0000, v15;
	v2 =	vadd.f32 v6, v2;
	v6 =	vadd.f32 v8, v7  }
0x6f2: {  	v4 =	vld.idx.msk [tilespmem:v23+s1+$0x0], $0xffff;
	v7 =	vand.u32 $0xFFFF0000, v9;
	v9 =	vand.u32 $0xFFFF0000, v10;
	v10 =	vand.u32 $0xFFFF0000, v11  }
0x6f3: {  	v8 =	vld.idx.msk [tilespmem:v25+s1+$0x0], $0xffff;
	v11 =	vand.u32 $0xFFFF0000, v12;
	v1 =	vand.u32 $0xFFFF0000, v1;
	v7 =	vadd.f32 v9, v7  }
0x6f4: {  	v9 =	vadd.f32 v11, v10;
	v10 =	vand.u32 $0xFFFF0000, v14;
	v11 =	vld.idx.msk [tilespmem:v27+s1+$0x0], $0xffff;
	v0 =	vadd.f32 v1, v0  }
0x6f5: {  	v59 =	vld.idx.msk [tilespmem:v30+s1+$0x0], $0xffff;
	v1 =	vand.u32 $0xFFFF0000, v49;
	v10 =	vadd.f32 v53, v10;
	v3 =	vand.u32 $0xFFFF0000, v3  }
0x6f6: {  	v60 =	vld.idx.msk [tilespmem:v32+s1+$0x0], $0xffff;
	v1 =	vadd.f32 v1, v2;
	v2 =	vadd.f32 v3, v6;
	v3 =	vand.u32 $0xFFFF0000, v50  }
0x6f7: {  	v6 =	vld.idx.msk [tilespmem:v31+s1+$0x0], $0xffff;
	v3 =	vadd.f32 v3, v7;
	v4 =	vand.u32 $0xFFFF0000, v4;
	v7 =	vand.u32 $0xFFFF0000, v51  }
0x6f8: {  	v9 =	vadd.f32 v4, v9;
	v7 =	vadd.f32 v7, v10;
	v4 =	vand.u32 $0xFFFF0000, v8;
	v8 =	vld [tilespmem:s29+$0xFFFFFFC0]  }
0x6f9: {  	v10 =	vand.u32 $0xFFFF0000, v52;
	v61 =	vadd.f32 v4, v57;
	v4 =	vand.u32 $0xFFFF0000, v11;
	v11 =	vld [tilespmem:s29+$0xFFFFFFD0]  }
0x6fa: {  	v10 =	vadd.f32 v10, v0;
	v0 =	vld [tilespmem:s29+$0xFFFFFFE0];
	v62 =	vadd.f32 v4, v1;
	v1 =	vand.u32 $0xFFFF0000, v56  }
0x6fb: {  	v63 =	vand.u32 $0xFFFF0000, v59;
	v4 =	vand.u32 $0xFFFF0000, v58;
	v1 =	vadd.f32 v1, v2;
	v2 =	vld [tilespmem:s29+$0xFFFFFFF0]  }
0x6fc: {  	v13 =	vmul.f32 v5, v13;
	v5 =	vld [tilespmem:s29+$0x0];
	v4 =	vadd.f32 v4, v3;
	v3 =	vadd.f32 v63, v9  }
0x6fd: {  	s30 =	simm.s32 $0x15040;
	v9 =	vand.u32 $0xFFFF0000, v6;
	v6 =	vld [tilespmem:s29+$0x10];
	v10 =	vmul.f32 v10, v8;
	v8 =	vand.u32 $0xFFFF0000, v60  }
0x6fe: {  	s31 =	simm.s32 $0x0;
	s0 =	simm.s32 $0x11080;
	[tilespmem:s30+$0x30] =	vst v13;
	v7 =	vadd.f32 v9, v7;
	v9 =	vld [tilespmem:s29+$0x20];
	v11 =	vmul.f32 v62, v11;
	v8 =	vadd.f32 v8, v61  }
.LBB2_22:
0x6ff: {  	v12 =	vld [tilespmem:s0+$0xFFFFF070];
	[tilespmem:s30+$0xFFFFFFC0] =	vst v10;
	v0 =	vmul.f32 v1, v0  }
0x700: {  	s31 =	sadd.s32 $0x80, s31;
	v1 =	vld [tilespmem:s0+$0xFFFFF870];
	[tilespmem:s30+$0xFFFFFFD0] =	vst v11;
	v2 =	vmul.f32 v4, v2  }
0x701: {  	p0 =	slt.u32 s31, $0x780;
	v4 =	vld [tilespmem:s0+$0xFFFFF800];
	[tilespmem:s30+$0xFFFFFFE0] =	vst v0;
	v0 =	vmul.f32 v3, v5  }
0x702: {  	v3 =	vld [tilespmem:s0+$0x70];
	[tilespmem:s30+$0xFFFFFFF0] =	vst v2;
	v2 =	vmul.f32 v7, v6  }
0x703: {  	v5 =	vld [tilespmem:s0+$0xFFFFF010];
	[tilespmem:s30+$0x0] =	vst v0;
	v0 =	vmul.f32 v8, v9  }
0x704: {  	v6 =	vld [tilespmem:s0+$0x870];
	[tilespmem:s30+$0x10] =	vst v2  }
0x705: {  	v2 =	vld [tilespmem:s0+$0xFFFFF810];
	[tilespmem:s30+$0x20] =	vst v0  }
0x706: {  	v0 =	vld [tilespmem:s0+$0xFFFFF020]  }
0x707: {  	v7 =	vld.idx.msk [tilespmem:v12+s1+$0x0], $0xffff  }
0x708: {  	v1 =	vld.idx.msk [tilespmem:v1+s1+$0x0], $0xffff  }
0x709: {  	v8 =	vld [tilespmem:s0+$0xFFFFF820]  }
0x70a: {  	v3 =	vld.idx.msk [tilespmem:v3+s1+$0x0], $0xffff  }
0x70b: {  	v9 =	vld [tilespmem:s0+$0xFFFFF030]  }
0x70c: {  	v6 =	vld.idx.msk [tilespmem:v6+s1+$0x0], $0xffff  }
0x70d: {  	v10 =	vld [tilespmem:s0+$0xFFFFF830]  }
0x70e: {  	v7 =	vand.u32 $0xFFFF0000, v7;
	v1 =	vand.u32 $0xFFFF0000, v1;
	v11 =	vld [tilespmem:s0+$0xFFFFF040]  }
0x70f: {  	s29 =	sadd.s32 $0x80, s29;
	v1 =	vadd.f32 v1, v7;
	v12 =	vld [tilespmem:s0+$0xFFFFF840]  }
0x710: {  	v3 =	vand.u32 $0xFFFF0000, v3;
	v7 =	vld [tilespmem:s29+$0x30]  }
0x711: {  	v1 =	vadd.f32 v3, v1;
	v13 =	vld [tilespmem:s0+$0xFFFFF050]  }
0x712: {  	v6 =	vand.u32 $0xFFFF0000, v6;
	v3 =	vld [tilespmem:s0+$0xFFFFF850]  }
0x713: {  	v1 =	vadd.f32 v6, v1;
	v14 =	vld [tilespmem:s0+$0xFFFFF060]  }
0x714: {  	v6 =	vld [tilespmem:s0+$0xFFFFF860]  }
0x715: {  	v15 =	vld [tilespmem:s0+$0xFFFFF000];
	v1 =	vmul.f32 v1, v7  }
0x716: {  	s30 =	sadd.s32 $0x80, s30;
	v7 =	vld [tilespmem:s0+$0x0]  }
0x717: {  	v16 =	vld [tilespmem:s0+$0x10];
	[tilespmem:s30+$0x30] =	vst v1  }
0x718: {  	v1 =	vld [tilespmem:s0+$0x20]  }
0x719: {  	v17 =	vld [tilespmem:s0+$0x30]  }
0x71a: {  	v18 =	vld [tilespmem:s0+$0x40]  }
0x71b: {  	v19 =	vld [tilespmem:s0+$0x50]  }
0x71c: {  	v20 =	vld [tilespmem:s0+$0x60]  }
0x71d: {  	v21 =	vld [tilespmem:s0+$0x800]  }
0x71e: {  	v22 =	vld [tilespmem:s0+$0x810]  }
0x71f: {  	v23 =	vld [tilespmem:s0+$0x820]  }
0x720: {  	v24 =	vld [tilespmem:s0+$0x830]  }
0x721: {  	v25 =	vld [tilespmem:s0+$0x840]  }
0x722: {  	v26 =	vld [tilespmem:s0+$0x850]  }
0x723: {  	v27 =	vld [tilespmem:s0+$0x860]  }
0x724: {  	v15 =	vld.idx.msk [tilespmem:v15+s1+$0x0], $0xffff  }
0x725: {  	v4 =	vld.idx.msk [tilespmem:v4+s1+$0x0], $0xffff  }
0x726: {  	v5 =	vld.idx.msk [tilespmem:v5+s1+$0x0], $0xffff  }
0x727: {  	v2 =	vld.idx.msk [tilespmem:v2+s1+$0x0], $0xffff  }
0x728: {  	v0 =	vld.idx.msk [tilespmem:v0+s1+$0x0], $0xffff  }
0x729: {  	v8 =	vld.idx.msk [tilespmem:v8+s1+$0x0], $0xffff  }
0x72a: {  	v15 =	vand.u32 $0xFFFF0000, v15;
	v9 =	vld.idx.msk [tilespmem:v9+s1+$0x0], $0xffff  }
0x72b: {  	v4 =	vand.u32 $0xFFFF0000, v4;
	v10 =	vld.idx.msk [tilespmem:v10+s1+$0x0], $0xffff  }
0x72c: {  	v4 =	vadd.f32 v4, v15;
	v5 =	vand.u32 $0xFFFF0000, v5;
	v11 =	vld.idx.msk [tilespmem:v11+s1+$0x0], $0xffff  }
0x72d: {  	v2 =	vand.u32 $0xFFFF0000, v2;
	v12 =	vld.idx.msk [tilespmem:v12+s1+$0x0], $0xffff  }
0x72e: {  	v2 =	vadd.f32 v2, v5;
	v0 =	vand.u32 $0xFFFF0000, v0;
	v5 =	vld.idx.msk [tilespmem:v13+s1+$0x0], $0xffff  }
0x72f: {  	v8 =	vand.u32 $0xFFFF0000, v8;
	v3 =	vld.idx.msk [tilespmem:v3+s1+$0x0], $0xffff  }
0x730: {  	v0 =	vadd.f32 v8, v0;
	v8 =	vand.u32 $0xFFFF0000, v9;
	v9 =	vld.idx.msk [tilespmem:v14+s1+$0x0], $0xffff  }
0x731: {  	v10 =	vand.u32 $0xFFFF0000, v10;
	v6 =	vld.idx.msk [tilespmem:v6+s1+$0x0], $0xffff  }
0x732: {  	v8 =	vadd.f32 v10, v8;
	v10 =	vand.u32 $0xFFFF0000, v11;
	v7 =	vld.idx.msk [tilespmem:v7+s1+$0x0], $0xffff  }
0x733: {  	v12 =	vand.u32 $0xFFFF0000, v12;
	v11 =	vld.idx.msk [tilespmem:v16+s1+$0x0], $0xffff  }
0x734: {  	v10 =	vadd.f32 v12, v10;
	v5 =	vand.u32 $0xFFFF0000, v5;
	v1 =	vld.idx.msk [tilespmem:v1+s1+$0x0], $0xffff  }
0x735: {  	v3 =	vand.u32 $0xFFFF0000, v3;
	v12 =	vld.idx.msk [tilespmem:v17+s1+$0x0], $0xffff  }
0x736: {  	v3 =	vadd.f32 v3, v5;
	v5 =	vand.u32 $0xFFFF0000, v9;
	v13 =	vld.idx.msk [tilespmem:v18+s1+$0x0], $0xffff  }
0x737: {  	v6 =	vand.u32 $0xFFFF0000, v6;
	v9 =	vld.idx.msk [tilespmem:v19+s1+$0x0], $0xffff  }
0x738: {  	v7 =	vand.u32 $0xFFFF0000, v7;
	v5 =	vadd.f32 v6, v5;
	v6 =	vld.idx.msk [tilespmem:v20+s1+$0x0], $0xffff  }
0x739: {  	v4 =	vadd.f32 v7, v4;
	v11 =	vand.u32 $0xFFFF0000, v11;
	v7 =	vld.idx.msk [tilespmem:v21+s1+$0x0], $0xffff  }
0x73a: {  	v2 =	vadd.f32 v11, v2;
	v1 =	vand.u32 $0xFFFF0000, v1;
	v11 =	vld.idx.msk [tilespmem:v22+s1+$0x0], $0xffff  }
0x73b: {  	v0 =	vadd.f32 v1, v0;
	v12 =	vand.u32 $0xFFFF0000, v12;
	v1 =	vld.idx.msk [tilespmem:v23+s1+$0x0], $0xffff  }
0x73c: {  	v8 =	vadd.f32 v12, v8;
	v13 =	vand.u32 $0xFFFF0000, v13;
	v12 =	vld.idx.msk [tilespmem:v24+s1+$0x0], $0xffff  }
0x73d: {  	v10 =	vadd.f32 v13, v10;
	v9 =	vand.u32 $0xFFFF0000, v9;
	v13 =	vld.idx.msk [tilespmem:v25+s1+$0x0], $0xffff  }
0x73e: {  	v9 =	vadd.f32 v9, v3;
	v3 =	vand.u32 $0xFFFF0000, v6;
	v14 =	vld.idx.msk [tilespmem:v26+s1+$0x0], $0xffff  }
0x73f: {  	v6 =	vand.u32 $0xFFFF0000, v7;
	v15 =	vadd.f32 v3, v5;
	v16 =	vld.idx.msk [tilespmem:v27+s1+$0x0], $0xffff  }
0x740: {  	v6 =	vadd.f32 v6, v4;
	v3 =	vand.u32 $0xFFFF0000, v11;
	v7 =	vld [tilespmem:s29+$0xFFFFFFC0]  }
0x741: {  	v11 =	vadd.f32 v3, v2;
	v1 =	vand.u32 $0xFFFF0000, v1;
	v17 =	vld [tilespmem:s29+$0xFFFFFFD0]  }
.Ltmp10:
0x742: {  	v1 =	vadd.f32 v1, v0;
	v2 =	vand.u32 $0xFFFF0000, v12;
	v0 =	vld [tilespmem:s29+$0xFFFFFFE0];
	(pc) =	sbr.rel @p0 .LBB2_22-.Ltmp10, $4  }
0x743: {  	v4 =	vadd.f32 v2, v8;
	v3 =	vand.u32 $0xFFFF0000, v13;
	v2 =	vld [tilespmem:s29+$0xFFFFFFF0]  }
0x744: {  	v3 =	vadd.f32 v3, v10;
	v8 =	vand.u32 $0xFFFF0000, v14;
	v5 =	vld [tilespmem:s29+$0x0]  }
0x745: {  	v10 =	vmul.f32 v6, v7;
	v7 =	vadd.f32 v8, v9;
	v6 =	vld [tilespmem:s29+$0x10];
	v8 =	vand.u32 $0xFFFF0000, v16  }
0x746: {  	s0 =	sadd.s32 $0x80, s0;
	v11 =	vmul.f32 v11, v17;
	v8 =	vadd.f32 v8, v15;
	v9 =	vld [tilespmem:s29+$0x20]  }
0x747: {  	[tilespmem:s30+$0xFFFFFFC0] =	vst v10;
	v0 =	vmul.f32 v1, v0  }
0x748: {  	[tilespmem:s30+$0xFFFFFFD0] =	vst v11;
	v1 =	vmul.f32 v4, v2  }
0x749: {  	[tilespmem:s30+$0xFFFFFFE0] =	vst v0;
	v0 =	vmul.f32 v3, v5  }
0x74a: {  	[tilespmem:s30+$0xFFFFFFF0] =	vst v1;
	v1 =	vmul.f32 v7, v6  }
0x74b: {  	[tilespmem:s30+$0x0] =	vst v0;
	v0 =	vmul.f32 v8, v9  }
0x74c: {  	[tilespmem:s30+$0x10] =	vst v1  }
0x74d: {  	[tilespmem:s30+$0x20] =	vst v0  }
0x74e: {  	s0 =	rddreg [dreg:$0x1a]  }
0x74f: {  	[hbm4b:s0+s14] =	stream.strided.scatter [tilespmem:s22], [sflag:$0x4], $0x800, s15, s14, $0x38;
	[tilespmem:$0x16000] =	vst v63  }
0x750: {  	_ = 	snop  }
0x751: {  	[tilespmem:s17], [sflag:$0x2] =	stream.linear.gather [hbm4b:s10+s1], $0x2000, $0x38;
	[tilespmem:$0x16000] =	vst v63  }
0x752: {  	s0 =	rddreg [dreg:$0x1d]  }
0x753: {  	[tilespmem:s18], [sflag:$0x2] =	stream.strided.gather [hbm4b:s0+s14], $0x800, s15, s14, $0x38;
	[tilespmem:$0x16000] =	vst v63  }
0x754: {  	_ =	swait.ge [sflag:s26], $0x800  }
0x755: {  	[sflag:s26] =	ssyncset.done $0x0  }
0x756: {  	[sflag:s26] =	ssyncadd.s32 $0xFFFFF800  }
0x757: {  	_ =	swait.ge [sflag:s23], $0x2000  }
0x758: {  	[sflag:s23] =	ssyncset.done $0x0  }
0x759: {  	[sflag:s23] =	ssyncadd.s32 $0xFFFFE000  }
0x75a: {  	_ =	swait.ge [sflag:s23], $0x800  }
0x75b: {  	[sflag:s23] =	ssyncset.done $0x0  }
0x75c: {  	s0 =	simm.s32 $0x13000;
	[sflag:s23] =	ssyncadd.s32 $0xFFFFF800  }
0x75d: {  	v0 =	vld [tilespmem:s0+$0xFFFFF070]  }
0x75e: {  	v1 =	vld [tilespmem:s0+$0xFFFFF870]  }
0x75f: {  	v2 =	vld [tilespmem:s0+$0xFFFFF800]  }
0x760: {  	v3 =	vld [tilespmem:s0+$0x70]  }
0x761: {  	v4 =	vld [tilespmem:s0+$0xFFFFF010]  }
0x762: {  	v5 =	vld [tilespmem:s0+$0x870]  }
0x763: {  	v6 =	vld [tilespmem:s0+$0xFFFFF810]  }
0x764: {  	v7 =	vld [tilespmem:s0+$0xFFFFF020]  }
0x765: {  	v8 =	vld [tilespmem:s0+$0xFFFFF820]  }
0x766: {  	v9 =	vld [tilespmem:s0+$0xFFFFF030]  }
0x767: {  	v10 =	vld [tilespmem:s0+$0xFFFFF830]  }
0x768: {  	v11 =	vld [tilespmem:s0+$0xFFFFF040]  }
0x769: {  	s29 =	simm.s32 $0x14840;
	v12 =	vld [tilespmem:s0+$0xFFFFF840]  }
0x76a: {  	v13 =	vld [tilespmem:s29+$0x30]  }
0x76b: {  	v14 =	vld [tilespmem:s0+$0xFFFFF050]  }
0x76c: {  	v15 =	vld [tilespmem:s0+$0xFFFFF850]  }
0x76d: {  	v16 =	vld [tilespmem:s0+$0xFFFFF060]  }
0x76e: {  	v17 =	vld [tilespmem:s0+$0xFFFFF860]  }
0x76f: {  	v18 =	vld [tilespmem:s0+$0xFFFFF000]  }
0x770: {  	v19 =	vld [tilespmem:s0+$0x0]  }
0x771: {  	v20 =	vld [tilespmem:s0+$0x10]  }
0x772: {  	v21 =	vld [tilespmem:s0+$0x20]  }
0x773: {  	v22 =	vld [tilespmem:s0+$0x30]  }
0x774: {  	v23 =	vld [tilespmem:s0+$0x40]  }
0x775: {  	v24 =	vld [tilespmem:s0+$0x50]  }
0x776: {  	v25 =	vld [tilespmem:s0+$0x60]  }
0x777: {  	v26 =	vld [tilespmem:s0+$0x800]  }
0x778: {  	v27 =	vld [tilespmem:s0+$0x810]  }
0x779: {  	v28 =	vld [tilespmem:s0+$0x820]  }
0x77a: {  	v29 =	vld [tilespmem:s0+$0x830]  }
0x77b: {  	v30 =	vld [tilespmem:s0+$0x840]  }
0x77c: {  	v31 =	vld [tilespmem:s0+$0x850]  }
0x77d: {  	v32 =	vld [tilespmem:s0+$0x860]  }
0x77e: {  	v0 =	vld.idx.msk [tilespmem:v0+s1+$0x0], $0xffff  }
0x77f: {  	v1 =	vld.idx.msk [tilespmem:v1+s1+$0x0], $0xffff  }
0x780: {  	v3 =	vld.idx.msk [tilespmem:v3+s1+$0x0], $0xffff  }
0x781: {  	v5 =	vld.idx.msk [tilespmem:v5+s1+$0x0], $0xffff  }
0x782: {  	v18 =	vld.idx.msk [tilespmem:v18+s1+$0x0], $0xffff  }
0x783: {  	v2 =	vld.idx.msk [tilespmem:v2+s1+$0x0], $0xffff  }
0x784: {  	v4 =	vld.idx.msk [tilespmem:v4+s1+$0x0], $0xffff  }
0x785: {  	v6 =	vld.idx.msk [tilespmem:v6+s1+$0x0], $0xffff  }
0x786: {  	v7 =	vld.idx.msk [tilespmem:v7+s1+$0x0], $0xffff  }
0x787: {  	v8 =	vld.idx.msk [tilespmem:v8+s1+$0x0], $0xffff  }
0x788: {  	v9 =	vld.idx.msk [tilespmem:v9+s1+$0x0], $0xffff  }
0x789: {  	v10 =	vld.idx.msk [tilespmem:v10+s1+$0x0], $0xffff  }
0x78a: {  	v11 =	vld.idx.msk [tilespmem:v11+s1+$0x0], $0xffff  }
0x78b: {  	v12 =	vld.idx.msk [tilespmem:v12+s1+$0x0], $0xffff  }
0x78c: {  	v14 =	vld.idx.msk [tilespmem:v14+s1+$0x0], $0xffff  }
0x78d: {  	v15 =	vld.idx.msk [tilespmem:v15+s1+$0x0], $0xffff  }
0x78e: {  	v16 =	vld.idx.msk [tilespmem:v16+s1+$0x0], $0xffff  }
0x78f: {  	v17 =	vld.idx.msk [tilespmem:v17+s1+$0x0], $0xffff  }
0x790: {  	v49 =	vld.idx.msk [tilespmem:v20+s1+$0x0], $0xffff  }
0x791: {  	v50 =	vld.idx.msk [tilespmem:v22+s1+$0x0], $0xffff;
	v0 =	vand.u32 $0xFFFF0000, v0;
	v1 =	vand.u32 $0xFFFF0000, v1  }
0x792: {  	v51 =	vld.idx.msk [tilespmem:v24+s1+$0x0], $0xffff;
	v3 =	vand.u32 $0xFFFF0000, v3;
	v5 =	vand.u32 $0xFFFF0000, v5;
	v0 =	vadd.f32 v1, v0  }
0x793: {  	v52 =	vld.idx.msk [tilespmem:v26+s1+$0x0], $0xffff;
	v18 =	vand.u32 $0xFFFF0000, v18;
	v2 =	vand.u32 $0xFFFF0000, v2;
	v6 =	vand.u32 $0xFFFF0000, v6  }
0x794: {  	v54 =	vand.u32 $0xFFFF0000, v16;
	v55 =	vand.u32 $0xFFFF0000, v17;
	v1 =	vld.idx.msk [tilespmem:v19+s1+$0x0], $0xffff;
	v0 =	vadd.f32 v3, v0  }
0x795: {  	v56 =	vld.idx.msk [tilespmem:v28+s1+$0x0], $0xffff;
	v7 =	vand.u32 $0xFFFF0000, v7;
	v8 =	vand.u32 $0xFFFF0000, v8;
	v57 =	vadd.f32 v55, v54  }
0x796: {  	v3 =	vld.idx.msk [tilespmem:v21+s1+$0x0], $0xffff;
	v5 =	vadd.f32 v5, v0;
	v0 =	vadd.f32 v2, v18;
	v2 =	vand.u32 $0xFFFF0000, v4  }
0x797: {  	v58 =	vld.idx.msk [tilespmem:v29+s1+$0x0], $0xffff;
	v53 =	vand.u32 $0xFFFF0000, v15;
	v2 =	vadd.f32 v6, v2;
	v6 =	vadd.f32 v8, v7  }
0x798: {  	v4 =	vld.idx.msk [tilespmem:v23+s1+$0x0], $0xffff;
	v7 =	vand.u32 $0xFFFF0000, v9;
	v9 =	vand.u32 $0xFFFF0000, v10;
	v10 =	vand.u32 $0xFFFF0000, v11  }
0x799: {  	v8 =	vld.idx.msk [tilespmem:v25+s1+$0x0], $0xffff;
	v11 =	vand.u32 $0xFFFF0000, v12;
	v1 =	vand.u32 $0xFFFF0000, v1;
	v7 =	vadd.f32 v9, v7  }
0x79a: {  	v9 =	vadd.f32 v11, v10;
	v10 =	vand.u32 $0xFFFF0000, v14;
	v11 =	vld.idx.msk [tilespmem:v27+s1+$0x0], $0xffff;
	v0 =	vadd.f32 v1, v0  }
0x79b: {  	v59 =	vld.idx.msk [tilespmem:v30+s1+$0x0], $0xffff;
	v1 =	vand.u32 $0xFFFF0000, v49;
	v10 =	vadd.f32 v53, v10;
	v3 =	vand.u32 $0xFFFF0000, v3  }
0x79c: {  	v60 =	vld.idx.msk [tilespmem:v32+s1+$0x0], $0xffff;
	v1 =	vadd.f32 v1, v2;
	v2 =	vadd.f32 v3, v6;
	v3 =	vand.u32 $0xFFFF0000, v50  }
0x79d: {  	v6 =	vld.idx.msk [tilespmem:v31+s1+$0x0], $0xffff;
	v3 =	vadd.f32 v3, v7;
	v4 =	vand.u32 $0xFFFF0000, v4;
	v7 =	vand.u32 $0xFFFF0000, v51  }
0x79e: {  	v9 =	vadd.f32 v4, v9;
	v7 =	vadd.f32 v7, v10;
	v4 =	vand.u32 $0xFFFF0000, v8;
	v8 =	vld [tilespmem:s29+$0xFFFFFFC0]  }
0x79f: {  	v10 =	vand.u32 $0xFFFF0000, v52;
	v61 =	vadd.f32 v4, v57;
	v4 =	vand.u32 $0xFFFF0000, v11;
	v11 =	vld [tilespmem:s29+$0xFFFFFFD0]  }
0x7a0: {  	v10 =	vadd.f32 v10, v0;
	v0 =	vld [tilespmem:s29+$0xFFFFFFE0];
	v62 =	vadd.f32 v4, v1;
	v1 =	vand.u32 $0xFFFF0000, v56  }
0x7a1: {  	v63 =	vand.u32 $0xFFFF0000, v59;
	v4 =	vand.u32 $0xFFFF0000, v58;
	v1 =	vadd.f32 v1, v2;
	v2 =	vld [tilespmem:s29+$0xFFFFFFF0]  }
0x7a2: {  	v13 =	vmul.f32 v5, v13;
	v5 =	vld [tilespmem:s29+$0x0];
	v4 =	vadd.f32 v4, v3;
	v3 =	vadd.f32 v63, v9  }
0x7a3: {  	s30 =	simm.s32 $0x15840;
	v9 =	vand.u32 $0xFFFF0000, v6;
	v6 =	vld [tilespmem:s29+$0x10];
	v10 =	vmul.f32 v10, v8;
	v8 =	vand.u32 $0xFFFF0000, v60  }
0x7a4: {  	s31 =	simm.s32 $0x0;
	s0 =	simm.s32 $0x13080;
	[tilespmem:s30+$0x30] =	vst v13;
	v7 =	vadd.f32 v9, v7;
	v9 =	vld [tilespmem:s29+$0x20];
	v11 =	vmul.f32 v62, v11;
	v8 =	vadd.f32 v8, v61  }
.LBB2_24:
0x7a5: {  	v12 =	vld [tilespmem:s0+$0xFFFFF070];
	[tilespmem:s30+$0xFFFFFFC0] =	vst v10;
	v0 =	vmul.f32 v1, v0  }
0x7a6: {  	s31 =	sadd.s32 $0x80, s31;
	v1 =	vld [tilespmem:s0+$0xFFFFF870];
	[tilespmem:s30+$0xFFFFFFD0] =	vst v11;
	v2 =	vmul.f32 v4, v2  }
0x7a7: {  	p0 =	slt.u32 s31, $0x780;
	v4 =	vld [tilespmem:s0+$0xFFFFF800];
	[tilespmem:s30+$0xFFFFFFE0] =	vst v0;
	v0 =	vmul.f32 v3, v5  }
0x7a8: {  	v3 =	vld [tilespmem:s0+$0x70];
	[tilespmem:s30+$0xFFFFFFF0] =	vst v2;
	v2 =	vmul.f32 v7, v6  }
0x7a9: {  	v5 =	vld [tilespmem:s0+$0xFFFFF010];
	[tilespmem:s30+$0x0] =	vst v0;
	v0 =	vmul.f32 v8, v9  }
0x7aa: {  	v6 =	vld [tilespmem:s0+$0x870];
	[tilespmem:s30+$0x10] =	vst v2  }
0x7ab: {  	v2 =	vld [tilespmem:s0+$0xFFFFF810];
	[tilespmem:s30+$0x20] =	vst v0  }
0x7ac: {  	v0 =	vld [tilespmem:s0+$0xFFFFF020]  }
0x7ad: {  	v7 =	vld.idx.msk [tilespmem:v12+s1+$0x0], $0xffff  }
0x7ae: {  	v1 =	vld.idx.msk [tilespmem:v1+s1+$0x0], $0xffff  }
0x7af: {  	v8 =	vld [tilespmem:s0+$0xFFFFF820]  }
0x7b0: {  	v3 =	vld.idx.msk [tilespmem:v3+s1+$0x0], $0xffff  }
0x7b1: {  	v9 =	vld [tilespmem:s0+$0xFFFFF030]  }
0x7b2: {  	v6 =	vld.idx.msk [tilespmem:v6+s1+$0x0], $0xffff  }
0x7b3: {  	v10 =	vld [tilespmem:s0+$0xFFFFF830]  }
0x7b4: {  	v7 =	vand.u32 $0xFFFF0000, v7;
	v1 =	vand.u32 $0xFFFF0000, v1;
	v11 =	vld [tilespmem:s0+$0xFFFFF040]  }
0x7b5: {  	s29 =	sadd.s32 $0x80, s29;
	v1 =	vadd.f32 v1, v7;
	v12 =	vld [tilespmem:s0+$0xFFFFF840]  }
0x7b6: {  	v3 =	vand.u32 $0xFFFF0000, v3;
	v7 =	vld [tilespmem:s29+$0x30]  }
0x7b7: {  	v1 =	vadd.f32 v3, v1;
	v13 =	vld [tilespmem:s0+$0xFFFFF050]  }
0x7b8: {  	v6 =	vand.u32 $0xFFFF0000, v6;
	v3 =	vld [tilespmem:s0+$0xFFFFF850]  }
0x7b9: {  	v1 =	vadd.f32 v6, v1;
	v14 =	vld [tilespmem:s0+$0xFFFFF060]  }
0x7ba: {  	v6 =	vld [tilespmem:s0+$0xFFFFF860]  }
0x7bb: {  	v15 =	vld [tilespmem:s0+$0xFFFFF000];
	v1 =	vmul.f32 v1, v7  }
0x7bc: {  	s30 =	sadd.s32 $0x80, s30;
	v7 =	vld [tilespmem:s0+$0x0]  }
0x7bd: {  	v16 =	vld [tilespmem:s0+$0x10];
	[tilespmem:s30+$0x30] =	vst v1  }
0x7be: {  	v1 =	vld [tilespmem:s0+$0x20]  }
0x7bf: {  	v17 =	vld [tilespmem:s0+$0x30]  }
0x7c0: {  	v18 =	vld [tilespmem:s0+$0x40]  }
0x7c1: {  	v19 =	vld [tilespmem:s0+$0x50]  }
0x7c2: {  	v20 =	vld [tilespmem:s0+$0x60]  }
0x7c3: {  	v21 =	vld [tilespmem:s0+$0x800]  }
0x7c4: {  	v22 =	vld [tilespmem:s0+$0x810]  }
0x7c5: {  	v23 =	vld [tilespmem:s0+$0x820]  }
0x7c6: {  	v24 =	vld [tilespmem:s0+$0x830]  }
0x7c7: {  	v25 =	vld [tilespmem:s0+$0x840]  }
0x7c8: {  	v26 =	vld [tilespmem:s0+$0x850]  }
0x7c9: {  	v27 =	vld [tilespmem:s0+$0x860]  }
0x7ca: {  	v15 =	vld.idx.msk [tilespmem:v15+s1+$0x0], $0xffff  }
0x7cb: {  	v4 =	vld.idx.msk [tilespmem:v4+s1+$0x0], $0xffff  }
0x7cc: {  	v5 =	vld.idx.msk [tilespmem:v5+s1+$0x0], $0xffff  }
0x7cd: {  	v2 =	vld.idx.msk [tilespmem:v2+s1+$0x0], $0xffff  }
0x7ce: {  	v0 =	vld.idx.msk [tilespmem:v0+s1+$0x0], $0xffff  }
0x7cf: {  	v8 =	vld.idx.msk [tilespmem:v8+s1+$0x0], $0xffff  }
0x7d0: {  	v15 =	vand.u32 $0xFFFF0000, v15;
	v9 =	vld.idx.msk [tilespmem:v9+s1+$0x0], $0xffff  }
0x7d1: {  	v4 =	vand.u32 $0xFFFF0000, v4;
	v10 =	vld.idx.msk [tilespmem:v10+s1+$0x0], $0xffff  }
0x7d2: {  	v4 =	vadd.f32 v4, v15;
	v5 =	vand.u32 $0xFFFF0000, v5;
	v11 =	vld.idx.msk [tilespmem:v11+s1+$0x0], $0xffff  }
0x7d3: {  	v2 =	vand.u32 $0xFFFF0000, v2;
	v12 =	vld.idx.msk [tilespmem:v12+s1+$0x0], $0xffff  }
0x7d4: {  	v2 =	vadd.f32 v2, v5;
	v0 =	vand.u32 $0xFFFF0000, v0;
	v5 =	vld.idx.msk [tilespmem:v13+s1+$0x0], $0xffff  }
0x7d5: {  	v8 =	vand.u32 $0xFFFF0000, v8;
	v3 =	vld.idx.msk [tilespmem:v3+s1+$0x0], $0xffff  }
0x7d6: {  	v0 =	vadd.f32 v8, v0;
	v8 =	vand.u32 $0xFFFF0000, v9;
	v9 =	vld.idx.msk [tilespmem:v14+s1+$0x0], $0xffff  }
0x7d7: {  	v10 =	vand.u32 $0xFFFF0000, v10;
	v6 =	vld.idx.msk [tilespmem:v6+s1+$0x0], $0xffff  }
0x7d8: {  	v8 =	vadd.f32 v10, v8;
	v10 =	vand.u32 $0xFFFF0000, v11;
	v7 =	vld.idx.msk [tilespmem:v7+s1+$0x0], $0xffff  }
0x7d9: {  	v12 =	vand.u32 $0xFFFF0000, v12;
	v11 =	vld.idx.msk [tilespmem:v16+s1+$0x0], $0xffff  }
0x7da: {  	v10 =	vadd.f32 v12, v10;
	v5 =	vand.u32 $0xFFFF0000, v5;
	v1 =	vld.idx.msk [tilespmem:v1+s1+$0x0], $0xffff  }
0x7db: {  	v3 =	vand.u32 $0xFFFF0000, v3;
	v12 =	vld.idx.msk [tilespmem:v17+s1+$0x0], $0xffff  }
0x7dc: {  	v3 =	vadd.f32 v3, v5;
	v5 =	vand.u32 $0xFFFF0000, v9;
	v13 =	vld.idx.msk [tilespmem:v18+s1+$0x0], $0xffff  }
0x7dd: {  	v6 =	vand.u32 $0xFFFF0000, v6;
	v9 =	vld.idx.msk [tilespmem:v19+s1+$0x0], $0xffff  }
0x7de: {  	v7 =	vand.u32 $0xFFFF0000, v7;
	v5 =	vadd.f32 v6, v5;
	v6 =	vld.idx.msk [tilespmem:v20+s1+$0x0], $0xffff  }
0x7df: {  	v4 =	vadd.f32 v7, v4;
	v11 =	vand.u32 $0xFFFF0000, v11;
	v7 =	vld.idx.msk [tilespmem:v21+s1+$0x0], $0xffff  }
0x7e0: {  	v2 =	vadd.f32 v11, v2;
	v1 =	vand.u32 $0xFFFF0000, v1;
	v11 =	vld.idx.msk [tilespmem:v22+s1+$0x0], $0xffff  }
0x7e1: {  	v0 =	vadd.f32 v1, v0;
	v12 =	vand.u32 $0xFFFF0000, v12;
	v1 =	vld.idx.msk [tilespmem:v23+s1+$0x0], $0xffff  }
0x7e2: {  	v8 =	vadd.f32 v12, v8;
	v13 =	vand.u32 $0xFFFF0000, v13;
	v12 =	vld.idx.msk [tilespmem:v24+s1+$0x0], $0xffff  }
0x7e3: {  	v10 =	vadd.f32 v13, v10;
	v9 =	vand.u32 $0xFFFF0000, v9;
	v13 =	vld.idx.msk [tilespmem:v25+s1+$0x0], $0xffff  }
0x7e4: {  	v9 =	vadd.f32 v9, v3;
	v3 =	vand.u32 $0xFFFF0000, v6;
	v14 =	vld.idx.msk [tilespmem:v26+s1+$0x0], $0xffff  }
0x7e5: {  	v6 =	vand.u32 $0xFFFF0000, v7;
	v15 =	vadd.f32 v3, v5;
	v16 =	vld.idx.msk [tilespmem:v27+s1+$0x0], $0xffff  }
0x7e6: {  	v6 =	vadd.f32 v6, v4;
	v3 =	vand.u32 $0xFFFF0000, v11;
	v7 =	vld [tilespmem:s29+$0xFFFFFFC0]  }
0x7e7: {  	v11 =	vadd.f32 v3, v2;
	v1 =	vand.u32 $0xFFFF0000, v1;
	v17 =	vld [tilespmem:s29+$0xFFFFFFD0]  }
.Ltmp11:
0x7e8: {  	v1 =	vadd.f32 v1, v0;
	v2 =	vand.u32 $0xFFFF0000, v12;
	v0 =	vld [tilespmem:s29+$0xFFFFFFE0];
	(pc) =	sbr.rel @p0 .LBB2_24-.Ltmp11, $4  }
0x7e9: {  	v4 =	vadd.f32 v2, v8;
	v3 =	vand.u32 $0xFFFF0000, v13;
	v2 =	vld [tilespmem:s29+$0xFFFFFFF0]  }
0x7ea: {  	v3 =	vadd.f32 v3, v10;
	v8 =	vand.u32 $0xFFFF0000, v14;
	v5 =	vld [tilespmem:s29+$0x0]  }
0x7eb: {  	v10 =	vmul.f32 v6, v7;
	v7 =	vadd.f32 v8, v9;
	v6 =	vld [tilespmem:s29+$0x10];
	v8 =	vand.u32 $0xFFFF0000, v16  }
0x7ec: {  	s0 =	sadd.s32 $0x80, s0;
	v11 =	vmul.f32 v11, v17;
	v8 =	vadd.f32 v8, v15;
	v9 =	vld [tilespmem:s29+$0x20]  }
0x7ed: {  	[tilespmem:s30+$0xFFFFFFC0] =	vst v10;
	v0 =	vmul.f32 v1, v0  }
0x7ee: {  	[tilespmem:s30+$0xFFFFFFD0] =	vst v11;
	v1 =	vmul.f32 v4, v2  }
0x7ef: {  	[tilespmem:s30+$0xFFFFFFE0] =	vst v0;
	v0 =	vmul.f32 v3, v5  }
0x7f0: {  	[tilespmem:s30+$0xFFFFFFF0] =	vst v1;
	v1 =	vmul.f32 v7, v6  }
0x7f1: {  	[tilespmem:s30+$0x0] =	vst v0;
	v0 =	vmul.f32 v8, v9  }
0x7f2: {  	[tilespmem:s30+$0x10] =	vst v1  }
0x7f3: {  	[tilespmem:s30+$0x20] =	vst v0  }
0x7f4: {  	s0 =	rddreg [dreg:$0x1c]  }
0x7f5: {  	[hbm4b:s0+s14] =	stream.strided.scatter [tilespmem:s24], [sflag:$0x5], $0x800, s15, s14, $0x38;
	[tilespmem:$0x16000] =	vst v63  }
0x7f6: {  	_ = 	snop  }
0x7f7: {  	[tilespmem:s19], [sflag:$0x3] =	stream.linear.gather [hbm4b:s11+s1], $0x2000, $0x38;
	[tilespmem:$0x16000] =	vst v63  }
0x7f8: {  	s0 =	rddreg [dreg:$0x1f]  }
0x7f9: {  	[tilespmem:s20], [sflag:$0x3] =	stream.strided.gather [hbm4b:s0+s14], $0x800, s15, s14, $0x38;
	[tilespmem:$0x16000] =	vst v63  }
0x7fa: {  	_ =	swait.ge [sflag:s25], $0x800  }
0x7fb: {  	[sflag:s25] =	ssyncset.done $0x0  }
0x7fc: {  	[sflag:s25] =	ssyncadd.s32 $0xFFFFF800  }
0x7fd: {  	_ =	swait.ge [sflag:s21], $0x2000  }
0x7fe: {  	[sflag:s21] =	ssyncset.done $0x0  }
0x7ff: {  	[sflag:s21] =	ssyncadd.s32 $0xFFFFE000  }
0x800: {  	_ =	swait.ge [sflag:s21], $0x800  }
0x801: {  	[sflag:s21] =	ssyncset.done $0x0  }
0x802: {  	s0 =	simm.s32 $0x11000;
	[sflag:s21] =	ssyncadd.s32 $0xFFFFF800  }
0x803: {  	v0 =	vld [tilespmem:s0+$0xFFFFF070]  }
0x804: {  	v1 =	vld [tilespmem:s0+$0xFFFFF870]  }
0x805: {  	v2 =	vld [tilespmem:s0+$0xFFFFF800]  }
0x806: {  	v3 =	vld [tilespmem:s0+$0x70]  }
0x807: {  	v4 =	vld [tilespmem:s0+$0xFFFFF010]  }
0x808: {  	v5 =	vld [tilespmem:s0+$0x870]  }
0x809: {  	v6 =	vld [tilespmem:s0+$0xFFFFF810]  }
0x80a: {  	v7 =	vld [tilespmem:s0+$0xFFFFF020]  }
0x80b: {  	v8 =	vld [tilespmem:s0+$0xFFFFF820]  }
0x80c: {  	v9 =	vld [tilespmem:s0+$0xFFFFF030]  }
0x80d: {  	v10 =	vld [tilespmem:s0+$0xFFFFF830]  }
0x80e: {  	v11 =	vld [tilespmem:s0+$0xFFFFF040]  }
0x80f: {  	s29 =	simm.s32 $0x14040;
	v12 =	vld [tilespmem:s0+$0xFFFFF840]  }
0x810: {  	v13 =	vld [tilespmem:s29+$0x30]  }
0x811: {  	v14 =	vld [tilespmem:s0+$0xFFFFF050]  }
0x812: {  	v15 =	vld [tilespmem:s0+$0xFFFFF850]  }
0x813: {  	v16 =	vld [tilespmem:s0+$0xFFFFF060]  }
0x814: {  	v17 =	vld [tilespmem:s0+$0xFFFFF860]  }
0x815: {  	v18 =	vld [tilespmem:s0+$0xFFFFF000]  }
0x816: {  	v19 =	vld [tilespmem:s0+$0x0]  }
0x817: {  	v20 =	vld [tilespmem:s0+$0x10]  }
0x818: {  	v21 =	vld [tilespmem:s0+$0x20]  }
0x819: {  	v22 =	vld [tilespmem:s0+$0x30]  }
0x81a: {  	v23 =	vld [tilespmem:s0+$0x40]  }
0x81b: {  	v24 =	vld [tilespmem:s0+$0x50]  }
0x81c: {  	v25 =	vld [tilespmem:s0+$0x60]  }
0x81d: {  	v26 =	vld [tilespmem:s0+$0x800]  }
0x81e: {  	v27 =	vld [tilespmem:s0+$0x810]  }
0x81f: {  	v28 =	vld [tilespmem:s0+$0x820]  }
0x820: {  	v29 =	vld [tilespmem:s0+$0x830]  }
0x821: {  	v30 =	vld [tilespmem:s0+$0x840]  }
0x822: {  	v31 =	vld [tilespmem:s0+$0x850]  }
0x823: {  	v32 =	vld [tilespmem:s0+$0x860]  }
0x824: {  	v0 =	vld.idx.msk [tilespmem:v0+s1+$0x0], $0xffff  }
0x825: {  	v1 =	vld.idx.msk [tilespmem:v1+s1+$0x0], $0xffff  }
0x826: {  	v3 =	vld.idx.msk [tilespmem:v3+s1+$0x0], $0xffff  }
0x827: {  	v5 =	vld.idx.msk [tilespmem:v5+s1+$0x0], $0xffff  }
0x828: {  	v18 =	vld.idx.msk [tilespmem:v18+s1+$0x0], $0xffff  }
0x829: {  	v2 =	vld.idx.msk [tilespmem:v2+s1+$0x0], $0xffff  }
0x82a: {  	v4 =	vld.idx.msk [tilespmem:v4+s1+$0x0], $0xffff  }
0x82b: {  	v6 =	vld.idx.msk [tilespmem:v6+s1+$0x0], $0xffff  }
0x82c: {  	v7 =	vld.idx.msk [tilespmem:v7+s1+$0x0], $0xffff  }
0x82d: {  	v8 =	vld.idx.msk [tilespmem:v8+s1+$0x0], $0xffff  }
0x82e: {  	v9 =	vld.idx.msk [tilespmem:v9+s1+$0x0], $0xffff  }
0x82f: {  	v10 =	vld.idx.msk [tilespmem:v10+s1+$0x0], $0xffff  }
0x830: {  	v11 =	vld.idx.msk [tilespmem:v11+s1+$0x0], $0xffff  }
0x831: {  	v12 =	vld.idx.msk [tilespmem:v12+s1+$0x0], $0xffff  }
0x832: {  	v14 =	vld.idx.msk [tilespmem:v14+s1+$0x0], $0xffff  }
0x833: {  	v15 =	vld.idx.msk [tilespmem:v15+s1+$0x0], $0xffff  }
0x834: {  	v16 =	vld.idx.msk [tilespmem:v16+s1+$0x0], $0xffff  }
0x835: {  	v17 =	vld.idx.msk [tilespmem:v17+s1+$0x0], $0xffff  }
0x836: {  	v49 =	vld.idx.msk [tilespmem:v20+s1+$0x0], $0xffff  }
0x837: {  	v50 =	vld.idx.msk [tilespmem:v22+s1+$0x0], $0xffff;
	v0 =	vand.u32 $0xFFFF0000, v0;
	v1 =	vand.u32 $0xFFFF0000, v1  }
0x838: {  	v51 =	vld.idx.msk [tilespmem:v24+s1+$0x0], $0xffff;
	v3 =	vand.u32 $0xFFFF0000, v3;
	v5 =	vand.u32 $0xFFFF0000, v5;
	v0 =	vadd.f32 v1, v0  }
0x839: {  	v52 =	vld.idx.msk [tilespmem:v26+s1+$0x0], $0xffff;
	v18 =	vand.u32 $0xFFFF0000, v18;
	v2 =	vand.u32 $0xFFFF0000, v2;
	v6 =	vand.u32 $0xFFFF0000, v6  }
0x83a: {  	v54 =	vand.u32 $0xFFFF0000, v16;
	v55 =	vand.u32 $0xFFFF0000, v17;
	v1 =	vld.idx.msk [tilespmem:v19+s1+$0x0], $0xffff;
	v0 =	vadd.f32 v3, v0  }
0x83b: {  	v56 =	vld.idx.msk [tilespmem:v28+s1+$0x0], $0xffff;
	v7 =	vand.u32 $0xFFFF0000, v7;
	v8 =	vand.u32 $0xFFFF0000, v8;
	v57 =	vadd.f32 v55, v54  }
0x83c: {  	v3 =	vld.idx.msk [tilespmem:v21+s1+$0x0], $0xffff;
	v5 =	vadd.f32 v5, v0;
	v0 =	vadd.f32 v2, v18;
	v2 =	vand.u32 $0xFFFF0000, v4  }
0x83d: {  	v58 =	vld.idx.msk [tilespmem:v29+s1+$0x0], $0xffff;
	v53 =	vand.u32 $0xFFFF0000, v15;
	v2 =	vadd.f32 v6, v2;
	v6 =	vadd.f32 v8, v7  }
0x83e: {  	v4 =	vld.idx.msk [tilespmem:v23+s1+$0x0], $0xffff;
	v7 =	vand.u32 $0xFFFF0000, v9;
	v9 =	vand.u32 $0xFFFF0000, v10;
	v10 =	vand.u32 $0xFFFF0000, v11  }
0x83f: {  	v8 =	vld.idx.msk [tilespmem:v25+s1+$0x0], $0xffff;
	v11 =	vand.u32 $0xFFFF0000, v12;
	v1 =	vand.u32 $0xFFFF0000, v1;
	v7 =	vadd.f32 v9, v7  }
0x840: {  	v9 =	vadd.f32 v11, v10;
	v10 =	vand.u32 $0xFFFF0000, v14;
	v11 =	vld.idx.msk [tilespmem:v27+s1+$0x0], $0xffff;
	v0 =	vadd.f32 v1, v0  }
0x841: {  	v59 =	vld.idx.msk [tilespmem:v30+s1+$0x0], $0xffff;
	v1 =	vand.u32 $0xFFFF0000, v49;
	v10 =	vadd.f32 v53, v10;
	v3 =	vand.u32 $0xFFFF0000, v3  }
0x842: {  	v60 =	vld.idx.msk [tilespmem:v32+s1+$0x0], $0xffff;
	v1 =	vadd.f32 v1, v2;
	v2 =	vadd.f32 v3, v6;
	v3 =	vand.u32 $0xFFFF0000, v50  }
0x843: {  	v6 =	vld.idx.msk [tilespmem:v31+s1+$0x0], $0xffff;
	v3 =	vadd.f32 v3, v7;
	v4 =	vand.u32 $0xFFFF0000, v4;
	v7 =	vand.u32 $0xFFFF0000, v51  }
0x844: {  	v9 =	vadd.f32 v4, v9;
	v7 =	vadd.f32 v7, v10;
	v4 =	vand.u32 $0xFFFF0000, v8;
	v8 =	vld [tilespmem:s29+$0xFFFFFFC0]  }
0x845: {  	v10 =	vand.u32 $0xFFFF0000, v52;
	v61 =	vadd.f32 v4, v57;
	v4 =	vand.u32 $0xFFFF0000, v11;
	v11 =	vld [tilespmem:s29+$0xFFFFFFD0]  }
0x846: {  	v10 =	vadd.f32 v10, v0;
	v0 =	vld [tilespmem:s29+$0xFFFFFFE0];
	v62 =	vadd.f32 v4, v1;
	v1 =	vand.u32 $0xFFFF0000, v56  }
0x847: {  	v63 =	vand.u32 $0xFFFF0000, v59;
	v4 =	vand.u32 $0xFFFF0000, v58;
	v1 =	vadd.f32 v1, v2;
	v2 =	vld [tilespmem:s29+$0xFFFFFFF0]  }
0x848: {  	v13 =	vmul.f32 v5, v13;
	v5 =	vld [tilespmem:s29+$0x0];
	v4 =	vadd.f32 v4, v3;
	v3 =	vadd.f32 v63, v9  }
0x849: {  	s30 =	simm.s32 $0x15040;
	v9 =	vand.u32 $0xFFFF0000, v6;
	v6 =	vld [tilespmem:s29+$0x10];
	v10 =	vmul.f32 v10, v8;
	v8 =	vand.u32 $0xFFFF0000, v60  }
0x84a: {  	s31 =	simm.s32 $0x0;
	s0 =	simm.s32 $0x11080;
	[tilespmem:s30+$0x30] =	vst v13;
	v7 =	vadd.f32 v9, v7;
	v9 =	vld [tilespmem:s29+$0x20];
	v11 =	vmul.f32 v62, v11;
	v8 =	vadd.f32 v8, v61  }
.LBB2_26:
0x84b: {  	v12 =	vld [tilespmem:s0+$0xFFFFF070];
	[tilespmem:s30+$0xFFFFFFC0] =	vst v10;
	v0 =	vmul.f32 v1, v0  }
0x84c: {  	s31 =	sadd.s32 $0x80, s31;
	v1 =	vld [tilespmem:s0+$0xFFFFF870];
	[tilespmem:s30+$0xFFFFFFD0] =	vst v11;
	v2 =	vmul.f32 v4, v2  }
0x84d: {  	p0 =	slt.u32 s31, $0x780;
	v4 =	vld [tilespmem:s0+$0xFFFFF800];
	[tilespmem:s30+$0xFFFFFFE0] =	vst v0;
	v0 =	vmul.f32 v3, v5  }
0x84e: {  	v3 =	vld [tilespmem:s0+$0x70];
	[tilespmem:s30+$0xFFFFFFF0] =	vst v2;
	v2 =	vmul.f32 v7, v6  }
0x84f: {  	v5 =	vld [tilespmem:s0+$0xFFFFF010];
	[tilespmem:s30+$0x0] =	vst v0;
	v0 =	vmul.f32 v8, v9  }
0x850: {  	v6 =	vld [tilespmem:s0+$0x870];
	[tilespmem:s30+$0x10] =	vst v2  }
0x851: {  	v2 =	vld [tilespmem:s0+$0xFFFFF810];
	[tilespmem:s30+$0x20] =	vst v0  }
0x852: {  	v0 =	vld [tilespmem:s0+$0xFFFFF020]  }
0x853: {  	v7 =	vld.idx.msk [tilespmem:v12+s1+$0x0], $0xffff  }
0x854: {  	v1 =	vld.idx.msk [tilespmem:v1+s1+$0x0], $0xffff  }
0x855: {  	v8 =	vld [tilespmem:s0+$0xFFFFF820]  }
0x856: {  	v3 =	vld.idx.msk [tilespmem:v3+s1+$0x0], $0xffff  }
0x857: {  	v9 =	vld [tilespmem:s0+$0xFFFFF030]  }
0x858: {  	v6 =	vld.idx.msk [tilespmem:v6+s1+$0x0], $0xffff  }
0x859: {  	v10 =	vld [tilespmem:s0+$0xFFFFF830]  }
0x85a: {  	v7 =	vand.u32 $0xFFFF0000, v7;
	v1 =	vand.u32 $0xFFFF0000, v1;
	v11 =	vld [tilespmem:s0+$0xFFFFF040]  }
0x85b: {  	s29 =	sadd.s32 $0x80, s29;
	v1 =	vadd.f32 v1, v7;
	v12 =	vld [tilespmem:s0+$0xFFFFF840]  }
0x85c: {  	v3 =	vand.u32 $0xFFFF0000, v3;
	v7 =	vld [tilespmem:s29+$0x30]  }
0x85d: {  	v1 =	vadd.f32 v3, v1;
	v13 =	vld [tilespmem:s0+$0xFFFFF050]  }
0x85e: {  	v6 =	vand.u32 $0xFFFF0000, v6;
	v3 =	vld [tilespmem:s0+$0xFFFFF850]  }
0x85f: {  	v1 =	vadd.f32 v6, v1;
	v14 =	vld [tilespmem:s0+$0xFFFFF060]  }
0x860: {  	v6 =	vld [tilespmem:s0+$0xFFFFF860]  }
0x861: {  	v15 =	vld [tilespmem:s0+$0xFFFFF000];
	v1 =	vmul.f32 v1, v7  }
0x862: {  	s30 =	sadd.s32 $0x80, s30;
	v7 =	vld [tilespmem:s0+$0x0]  }
0x863: {  	v16 =	vld [tilespmem:s0+$0x10];
	[tilespmem:s30+$0x30] =	vst v1  }
0x864: {  	v1 =	vld [tilespmem:s0+$0x20]  }
0x865: {  	v17 =	vld [tilespmem:s0+$0x30]  }
0x866: {  	v18 =	vld [tilespmem:s0+$0x40]  }
0x867: {  	v19 =	vld [tilespmem:s0+$0x50]  }
0x868: {  	v20 =	vld [tilespmem:s0+$0x60]  }
0x869: {  	v21 =	vld [tilespmem:s0+$0x800]  }
0x86a: {  	v22 =	vld [tilespmem:s0+$0x810]  }
0x86b: {  	v23 =	vld [tilespmem:s0+$0x820]  }
0x86c: {  	v24 =	vld [tilespmem:s0+$0x830]  }
0x86d: {  	v25 =	vld [tilespmem:s0+$0x840]  }
0x86e: {  	v26 =	vld [tilespmem:s0+$0x850]  }
0x86f: {  	v27 =	vld [tilespmem:s0+$0x860]  }
0x870: {  	v15 =	vld.idx.msk [tilespmem:v15+s1+$0x0], $0xffff  }
0x871: {  	v4 =	vld.idx.msk [tilespmem:v4+s1+$0x0], $0xffff  }
0x872: {  	v5 =	vld.idx.msk [tilespmem:v5+s1+$0x0], $0xffff  }
0x873: {  	v2 =	vld.idx.msk [tilespmem:v2+s1+$0x0], $0xffff  }
0x874: {  	v0 =	vld.idx.msk [tilespmem:v0+s1+$0x0], $0xffff  }
0x875: {  	v8 =	vld.idx.msk [tilespmem:v8+s1+$0x0], $0xffff  }
0x876: {  	v15 =	vand.u32 $0xFFFF0000, v15;
	v9 =	vld.idx.msk [tilespmem:v9+s1+$0x0], $0xffff  }
0x877: {  	v4 =	vand.u32 $0xFFFF0000, v4;
	v10 =	vld.idx.msk [tilespmem:v10+s1+$0x0], $0xffff  }
0x878: {  	v4 =	vadd.f32 v4, v15;
	v5 =	vand.u32 $0xFFFF0000, v5;
	v11 =	vld.idx.msk [tilespmem:v11+s1+$0x0], $0xffff  }
0x879: {  	v2 =	vand.u32 $0xFFFF0000, v2;
	v12 =	vld.idx.msk [tilespmem:v12+s1+$0x0], $0xffff  }
0x87a: {  	v2 =	vadd.f32 v2, v5;
	v0 =	vand.u32 $0xFFFF0000, v0;
	v5 =	vld.idx.msk [tilespmem:v13+s1+$0x0], $0xffff  }
0x87b: {  	v8 =	vand.u32 $0xFFFF0000, v8;
	v3 =	vld.idx.msk [tilespmem:v3+s1+$0x0], $0xffff  }
0x87c: {  	v0 =	vadd.f32 v8, v0;
	v8 =	vand.u32 $0xFFFF0000, v9;
	v9 =	vld.idx.msk [tilespmem:v14+s1+$0x0], $0xffff  }
0x87d: {  	v10 =	vand.u32 $0xFFFF0000, v10;
	v6 =	vld.idx.msk [tilespmem:v6+s1+$0x0], $0xffff  }
0x87e: {  	v8 =	vadd.f32 v10, v8;
	v10 =	vand.u32 $0xFFFF0000, v11;
	v7 =	vld.idx.msk [tilespmem:v7+s1+$0x0], $0xffff  }
0x87f: {  	v12 =	vand.u32 $0xFFFF0000, v12;
	v11 =	vld.idx.msk [tilespmem:v16+s1+$0x0], $0xffff  }
0x880: {  	v10 =	vadd.f32 v12, v10;
	v5 =	vand.u32 $0xFFFF0000, v5;
	v1 =	vld.idx.msk [tilespmem:v1+s1+$0x0], $0xffff  }
0x881: {  	v3 =	vand.u32 $0xFFFF0000, v3;
	v12 =	vld.idx.msk [tilespmem:v17+s1+$0x0], $0xffff  }
0x882: {  	v3 =	vadd.f32 v3, v5;
	v5 =	vand.u32 $0xFFFF0000, v9;
	v13 =	vld.idx.msk [tilespmem:v18+s1+$0x0], $0xffff  }
0x883: {  	v6 =	vand.u32 $0xFFFF0000, v6;
	v9 =	vld.idx.msk [tilespmem:v19+s1+$0x0], $0xffff  }
0x884: {  	v7 =	vand.u32 $0xFFFF0000, v7;
	v5 =	vadd.f32 v6, v5;
	v6 =	vld.idx.msk [tilespmem:v20+s1+$0x0], $0xffff  }
0x885: {  	v4 =	vadd.f32 v7, v4;
	v11 =	vand.u32 $0xFFFF0000, v11;
	v7 =	vld.idx.msk [tilespmem:v21+s1+$0x0], $0xffff  }
0x886: {  	v2 =	vadd.f32 v11, v2;
	v1 =	vand.u32 $0xFFFF0000, v1;
	v11 =	vld.idx.msk [tilespmem:v22+s1+$0x0], $0xffff  }
0x887: {  	v0 =	vadd.f32 v1, v0;
	v12 =	vand.u32 $0xFFFF0000, v12;
	v1 =	vld.idx.msk [tilespmem:v23+s1+$0x0], $0xffff  }
0x888: {  	v8 =	vadd.f32 v12, v8;
	v13 =	vand.u32 $0xFFFF0000, v13;
	v12 =	vld.idx.msk [tilespmem:v24+s1+$0x0], $0xffff  }
0x889: {  	v10 =	vadd.f32 v13, v10;
	v9 =	vand.u32 $0xFFFF0000, v9;
	v13 =	vld.idx.msk [tilespmem:v25+s1+$0x0], $0xffff  }
0x88a: {  	v9 =	vadd.f32 v9, v3;
	v3 =	vand.u32 $0xFFFF0000, v6;
	v14 =	vld.idx.msk [tilespmem:v26+s1+$0x0], $0xffff  }
0x88b: {  	v6 =	vand.u32 $0xFFFF0000, v7;
	v15 =	vadd.f32 v3, v5;
	v16 =	vld.idx.msk [tilespmem:v27+s1+$0x0], $0xffff  }
0x88c: {  	v6 =	vadd.f32 v6, v4;
	v3 =	vand.u32 $0xFFFF0000, v11;
	v7 =	vld [tilespmem:s29+$0xFFFFFFC0]  }
0x88d: {  	v11 =	vadd.f32 v3, v2;
	v1 =	vand.u32 $0xFFFF0000, v1;
	v17 =	vld [tilespmem:s29+$0xFFFFFFD0]  }
.Ltmp12:
0x88e: {  	v1 =	vadd.f32 v1, v0;
	v2 =	vand.u32 $0xFFFF0000, v12;
	v0 =	vld [tilespmem:s29+$0xFFFFFFE0];
	(pc) =	sbr.rel @p0 .LBB2_26-.Ltmp12, $4  }
0x88f: {  	v4 =	vadd.f32 v2, v8;
	v3 =	vand.u32 $0xFFFF0000, v13;
	v2 =	vld [tilespmem:s29+$0xFFFFFFF0]  }
0x890: {  	v3 =	vadd.f32 v3, v10;
	v8 =	vand.u32 $0xFFFF0000, v14;
	v5 =	vld [tilespmem:s29+$0x0]  }
0x891: {  	v10 =	vmul.f32 v6, v7;
	v7 =	vadd.f32 v8, v9;
	v6 =	vld [tilespmem:s29+$0x10];
	v8 =	vand.u32 $0xFFFF0000, v16  }
0x892: {  	s0 =	sadd.s32 $0x80, s0;
	v11 =	vmul.f32 v11, v17;
	v8 =	vadd.f32 v8, v15;
	v9 =	vld [tilespmem:s29+$0x20]  }
0x893: {  	[tilespmem:s30+$0xFFFFFFC0] =	vst v10;
	v0 =	vmul.f32 v1, v0  }
0x894: {  	[tilespmem:s30+$0xFFFFFFD0] =	vst v11;
	v1 =	vmul.f32 v4, v2  }
0x895: {  	[tilespmem:s30+$0xFFFFFFE0] =	vst v0;
	v0 =	vmul.f32 v3, v5  }
0x896: {  	[tilespmem:s30+$0xFFFFFFF0] =	vst v1;
	v1 =	vmul.f32 v7, v6  }
0x897: {  	[tilespmem:s30+$0x0] =	vst v0;
	v0 =	vmul.f32 v8, v9  }
0x898: {  	[tilespmem:s30+$0x10] =	vst v1  }
0x899: {  	[tilespmem:s30+$0x20] =	vst v0  }
0x89a: {  	s0 =	rddreg [dreg:$0x1e]  }
0x89b: {  	[hbm4b:s0+s14] =	stream.strided.scatter [tilespmem:s22], [sflag:$0x4], $0x800, s15, s14, $0x38;
	[tilespmem:$0x16000] =	vst v63  }
0x89c: {  	s0 =	sld [smem:$0x7FC]  }
0x89d: {  	[tilespmem:s17], [sflag:$0x2] =	stream.linear.gather [hbm4b:s12+s1], $0x2000, $0x38;
	[tilespmem:$0x16000] =	vst v63  }
0x89e: {  	_ = 	snop  }
0x89f: {  	[tilespmem:s18], [sflag:$0x2] =	stream.strided.gather [hbm4b:s0+s14], $0x800, s15, s14, $0x38;
	[tilespmem:$0x16000] =	vst v63  }
0x8a0: {  	_ =	swait.ge [sflag:s26], $0x800  }
0x8a1: {  	[sflag:s26] =	ssyncset.done $0x0  }
0x8a2: {  	[sflag:s26] =	ssyncadd.s32 $0xFFFFF800  }
0x8a3: {  	_ =	swait.ge [sflag:s23], $0x2000  }
0x8a4: {  	[sflag:s23] =	ssyncset.done $0x0  }
0x8a5: {  	[sflag:s23] =	ssyncadd.s32 $0xFFFFE000  }
0x8a6: {  	_ =	swait.ge [sflag:s23], $0x800  }
0x8a7: {  	[sflag:s23] =	ssyncset.done $0x0  }
0x8a8: {  	s0 =	simm.s32 $0x13000;
	[sflag:s23] =	ssyncadd.s32 $0xFFFFF800  }
0x8a9: {  	v0 =	vld [tilespmem:s0+$0xFFFFF070]  }
0x8aa: {  	v1 =	vld [tilespmem:s0+$0xFFFFF870]  }
0x8ab: {  	v2 =	vld [tilespmem:s0+$0xFFFFF800]  }
0x8ac: {  	v3 =	vld [tilespmem:s0+$0x70]  }
0x8ad: {  	v4 =	vld [tilespmem:s0+$0xFFFFF010]  }
0x8ae: {  	v5 =	vld [tilespmem:s0+$0x870]  }
0x8af: {  	v6 =	vld [tilespmem:s0+$0xFFFFF810]  }
0x8b0: {  	v7 =	vld [tilespmem:s0+$0xFFFFF020]  }
0x8b1: {  	v8 =	vld [tilespmem:s0+$0xFFFFF820]  }
0x8b2: {  	v9 =	vld [tilespmem:s0+$0xFFFFF030]  }
0x8b3: {  	v10 =	vld [tilespmem:s0+$0xFFFFF830]  }
0x8b4: {  	v11 =	vld [tilespmem:s0+$0xFFFFF040]  }
0x8b5: {  	s29 =	simm.s32 $0x14840;
	v12 =	vld [tilespmem:s0+$0xFFFFF840]  }
0x8b6: {  	v13 =	vld [tilespmem:s29+$0x30]  }
0x8b7: {  	v14 =	vld [tilespmem:s0+$0xFFFFF050]  }
0x8b8: {  	v15 =	vld [tilespmem:s0+$0xFFFFF850]  }
0x8b9: {  	v16 =	vld [tilespmem:s0+$0xFFFFF060]  }
0x8ba: {  	v17 =	vld [tilespmem:s0+$0xFFFFF860]  }
0x8bb: {  	v18 =	vld [tilespmem:s0+$0xFFFFF000]  }
0x8bc: {  	v19 =	vld [tilespmem:s0+$0x0]  }
0x8bd: {  	v20 =	vld [tilespmem:s0+$0x10]  }
0x8be: {  	v21 =	vld [tilespmem:s0+$0x20]  }
0x8bf: {  	v22 =	vld [tilespmem:s0+$0x30]  }
0x8c0: {  	v23 =	vld [tilespmem:s0+$0x40]  }
0x8c1: {  	v24 =	vld [tilespmem:s0+$0x50]  }
0x8c2: {  	v25 =	vld [tilespmem:s0+$0x60]  }
0x8c3: {  	v26 =	vld [tilespmem:s0+$0x800]  }
0x8c4: {  	v27 =	vld [tilespmem:s0+$0x810]  }
0x8c5: {  	v28 =	vld [tilespmem:s0+$0x820]  }
0x8c6: {  	v29 =	vld [tilespmem:s0+$0x830]  }
0x8c7: {  	v30 =	vld [tilespmem:s0+$0x840]  }
0x8c8: {  	v31 =	vld [tilespmem:s0+$0x850]  }
0x8c9: {  	v32 =	vld [tilespmem:s0+$0x860]  }
0x8ca: {  	v0 =	vld.idx.msk [tilespmem:v0+s1+$0x0], $0xffff  }
0x8cb: {  	v1 =	vld.idx.msk [tilespmem:v1+s1+$0x0], $0xffff  }
0x8cc: {  	v3 =	vld.idx.msk [tilespmem:v3+s1+$0x0], $0xffff  }
0x8cd: {  	v5 =	vld.idx.msk [tilespmem:v5+s1+$0x0], $0xffff  }
0x8ce: {  	v18 =	vld.idx.msk [tilespmem:v18+s1+$0x0], $0xffff  }
0x8cf: {  	v2 =	vld.idx.msk [tilespmem:v2+s1+$0x0], $0xffff  }
0x8d0: {  	v4 =	vld.idx.msk [tilespmem:v4+s1+$0x0], $0xffff  }
0x8d1: {  	v6 =	vld.idx.msk [tilespmem:v6+s1+$0x0], $0xffff  }
0x8d2: {  	v7 =	vld.idx.msk [tilespmem:v7+s1+$0x0], $0xffff  }
0x8d3: {  	v8 =	vld.idx.msk [tilespmem:v8+s1+$0x0], $0xffff  }
0x8d4: {  	v9 =	vld.idx.msk [tilespmem:v9+s1+$0x0], $0xffff  }
0x8d5: {  	v10 =	vld.idx.msk [tilespmem:v10+s1+$0x0], $0xffff  }
0x8d6: {  	v11 =	vld.idx.msk [tilespmem:v11+s1+$0x0], $0xffff  }
0x8d7: {  	v12 =	vld.idx.msk [tilespmem:v12+s1+$0x0], $0xffff  }
0x8d8: {  	v14 =	vld.idx.msk [tilespmem:v14+s1+$0x0], $0xffff  }
0x8d9: {  	v15 =	vld.idx.msk [tilespmem:v15+s1+$0x0], $0xffff  }
0x8da: {  	v16 =	vld.idx.msk [tilespmem:v16+s1+$0x0], $0xffff  }
0x8db: {  	v17 =	vld.idx.msk [tilespmem:v17+s1+$0x0], $0xffff  }
0x8dc: {  	v49 =	vld.idx.msk [tilespmem:v20+s1+$0x0], $0xffff  }
0x8dd: {  	v50 =	vld.idx.msk [tilespmem:v22+s1+$0x0], $0xffff;
	v0 =	vand.u32 $0xFFFF0000, v0;
	v1 =	vand.u32 $0xFFFF0000, v1  }
0x8de: {  	v51 =	vld.idx.msk [tilespmem:v24+s1+$0x0], $0xffff;
	v3 =	vand.u32 $0xFFFF0000, v3;
	v5 =	vand.u32 $0xFFFF0000, v5;
	v0 =	vadd.f32 v1, v0  }
0x8df: {  	v52 =	vld.idx.msk [tilespmem:v26+s1+$0x0], $0xffff;
	v18 =	vand.u32 $0xFFFF0000, v18;
	v2 =	vand.u32 $0xFFFF0000, v2;
	v6 =	vand.u32 $0xFFFF0000, v6  }
0x8e0: {  	v54 =	vand.u32 $0xFFFF0000, v16;
	v55 =	vand.u32 $0xFFFF0000, v17;
	v1 =	vld.idx.msk [tilespmem:v19+s1+$0x0], $0xffff;
	v0 =	vadd.f32 v3, v0  }
0x8e1: {  	v56 =	vld.idx.msk [tilespmem:v28+s1+$0x0], $0xffff;
	v7 =	vand.u32 $0xFFFF0000, v7;
	v8 =	vand.u32 $0xFFFF0000, v8;
	v57 =	vadd.f32 v55, v54  }
0x8e2: {  	v3 =	vld.idx.msk [tilespmem:v21+s1+$0x0], $0xffff;
	v5 =	vadd.f32 v5, v0;
	v0 =	vadd.f32 v2, v18;
	v2 =	vand.u32 $0xFFFF0000, v4  }
0x8e3: {  	v58 =	vld.idx.msk [tilespmem:v29+s1+$0x0], $0xffff;
	v53 =	vand.u32 $0xFFFF0000, v15;
	v2 =	vadd.f32 v6, v2;
	v6 =	vadd.f32 v8, v7  }
0x8e4: {  	v4 =	vld.idx.msk [tilespmem:v23+s1+$0x0], $0xffff;
	v7 =	vand.u32 $0xFFFF0000, v9;
	v9 =	vand.u32 $0xFFFF0000, v10;
	v10 =	vand.u32 $0xFFFF0000, v11  }
0x8e5: {  	v8 =	vld.idx.msk [tilespmem:v25+s1+$0x0], $0xffff;
	v11 =	vand.u32 $0xFFFF0000, v12;
	v1 =	vand.u32 $0xFFFF0000, v1;
	v7 =	vadd.f32 v9, v7  }
0x8e6: {  	v9 =	vadd.f32 v11, v10;
	v10 =	vand.u32 $0xFFFF0000, v14;
	v11 =	vld.idx.msk [tilespmem:v27+s1+$0x0], $0xffff;
	v0 =	vadd.f32 v1, v0  }
0x8e7: {  	v59 =	vld.idx.msk [tilespmem:v30+s1+$0x0], $0xffff;
	v1 =	vand.u32 $0xFFFF0000, v49;
	v10 =	vadd.f32 v53, v10;
	v3 =	vand.u32 $0xFFFF0000, v3  }
0x8e8: {  	v60 =	vld.idx.msk [tilespmem:v32+s1+$0x0], $0xffff;
	v1 =	vadd.f32 v1, v2;
	v2 =	vadd.f32 v3, v6;
	v3 =	vand.u32 $0xFFFF0000, v50  }
0x8e9: {  	v6 =	vld.idx.msk [tilespmem:v31+s1+$0x0], $0xffff;
	v3 =	vadd.f32 v3, v7;
	v4 =	vand.u32 $0xFFFF0000, v4;
	v7 =	vand.u32 $0xFFFF0000, v51  }
0x8ea: {  	v9 =	vadd.f32 v4, v9;
	v7 =	vadd.f32 v7, v10;
	v4 =	vand.u32 $0xFFFF0000, v8;
	v8 =	vld [tilespmem:s29+$0xFFFFFFC0]  }
0x8eb: {  	v10 =	vand.u32 $0xFFFF0000, v52;
	v61 =	vadd.f32 v4, v57;
	v4 =	vand.u32 $0xFFFF0000, v11;
	v11 =	vld [tilespmem:s29+$0xFFFFFFD0]  }
0x8ec: {  	v10 =	vadd.f32 v10, v0;
	v0 =	vld [tilespmem:s29+$0xFFFFFFE0];
	v62 =	vadd.f32 v4, v1;
	v1 =	vand.u32 $0xFFFF0000, v56  }
0x8ed: {  	v63 =	vand.u32 $0xFFFF0000, v59;
	v4 =	vand.u32 $0xFFFF0000, v58;
	v1 =	vadd.f32 v1, v2;
	v2 =	vld [tilespmem:s29+$0xFFFFFFF0]  }
0x8ee: {  	v13 =	vmul.f32 v5, v13;
	v5 =	vld [tilespmem:s29+$0x0];
	v4 =	vadd.f32 v4, v3;
	v3 =	vadd.f32 v63, v9  }
0x8ef: {  	s30 =	simm.s32 $0x15840;
	v9 =	vand.u32 $0xFFFF0000, v6;
	v6 =	vld [tilespmem:s29+$0x10];
	v10 =	vmul.f32 v10, v8;
	v8 =	vand.u32 $0xFFFF0000, v60  }
0x8f0: {  	s31 =	simm.s32 $0x0;
	s0 =	simm.s32 $0x13080;
	[tilespmem:s30+$0x30] =	vst v13;
	v7 =	vadd.f32 v9, v7;
	v9 =	vld [tilespmem:s29+$0x20];
	v11 =	vmul.f32 v62, v11;
	v8 =	vadd.f32 v8, v61  }
.LBB2_28:
0x8f1: {  	v12 =	vld [tilespmem:s0+$0xFFFFF070];
	[tilespmem:s30+$0xFFFFFFC0] =	vst v10;
	v0 =	vmul.f32 v1, v0  }
0x8f2: {  	s31 =	sadd.s32 $0x80, s31;
	v1 =	vld [tilespmem:s0+$0xFFFFF870];
	[tilespmem:s30+$0xFFFFFFD0] =	vst v11;
	v2 =	vmul.f32 v4, v2  }
0x8f3: {  	p0 =	slt.u32 s31, $0x780;
	v4 =	vld [tilespmem:s0+$0xFFFFF800];
	[tilespmem:s30+$0xFFFFFFE0] =	vst v0;
	v0 =	vmul.f32 v3, v5  }
0x8f4: {  	v3 =	vld [tilespmem:s0+$0x70];
	[tilespmem:s30+$0xFFFFFFF0] =	vst v2;
	v2 =	vmul.f32 v7, v6  }
0x8f5: {  	v5 =	vld [tilespmem:s0+$0xFFFFF010];
	[tilespmem:s30+$0x0] =	vst v0;
	v0 =	vmul.f32 v8, v9  }
0x8f6: {  	v6 =	vld [tilespmem:s0+$0x870];
	[tilespmem:s30+$0x10] =	vst v2  }
0x8f7: {  	v2 =	vld [tilespmem:s0+$0xFFFFF810];
	[tilespmem:s30+$0x20] =	vst v0  }
0x8f8: {  	v0 =	vld [tilespmem:s0+$0xFFFFF020]  }
0x8f9: {  	v7 =	vld.idx.msk [tilespmem:v12+s1+$0x0], $0xffff  }
0x8fa: {  	v1 =	vld.idx.msk [tilespmem:v1+s1+$0x0], $0xffff  }
0x8fb: {  	v8 =	vld [tilespmem:s0+$0xFFFFF820]  }
0x8fc: {  	v3 =	vld.idx.msk [tilespmem:v3+s1+$0x0], $0xffff  }
0x8fd: {  	v9 =	vld [tilespmem:s0+$0xFFFFF030]  }
0x8fe: {  	v6 =	vld.idx.msk [tilespmem:v6+s1+$0x0], $0xffff  }
0x8ff: {  	v10 =	vld [tilespmem:s0+$0xFFFFF830]  }
0x900: {  	v7 =	vand.u32 $0xFFFF0000, v7;
	v1 =	vand.u32 $0xFFFF0000, v1;
	v11 =	vld [tilespmem:s0+$0xFFFFF040]  }
0x901: {  	s29 =	sadd.s32 $0x80, s29;
	v1 =	vadd.f32 v1, v7;
	v12 =	vld [tilespmem:s0+$0xFFFFF840]  }
0x902: {  	v3 =	vand.u32 $0xFFFF0000, v3;
	v7 =	vld [tilespmem:s29+$0x30]  }
0x903: {  	v1 =	vadd.f32 v3, v1;
	v13 =	vld [tilespmem:s0+$0xFFFFF050]  }
0x904: {  	v6 =	vand.u32 $0xFFFF0000, v6;
	v3 =	vld [tilespmem:s0+$0xFFFFF850]  }
0x905: {  	v1 =	vadd.f32 v6, v1;
	v14 =	vld [tilespmem:s0+$0xFFFFF060]  }
0x906: {  	v6 =	vld [tilespmem:s0+$0xFFFFF860]  }
0x907: {  	v15 =	vld [tilespmem:s0+$0xFFFFF000];
	v1 =	vmul.f32 v1, v7  }
0x908: {  	s30 =	sadd.s32 $0x80, s30;
	v7 =	vld [tilespmem:s0+$0x0]  }
0x909: {  	v16 =	vld [tilespmem:s0+$0x10];
	[tilespmem:s30+$0x30] =	vst v1  }
0x90a: {  	v1 =	vld [tilespmem:s0+$0x20]  }
0x90b: {  	v17 =	vld [tilespmem:s0+$0x30]  }
0x90c: {  	v18 =	vld [tilespmem:s0+$0x40]  }
0x90d: {  	v19 =	vld [tilespmem:s0+$0x50]  }
0x90e: {  	v20 =	vld [tilespmem:s0+$0x60]  }
0x90f: {  	v21 =	vld [tilespmem:s0+$0x800]  }
0x910: {  	v22 =	vld [tilespmem:s0+$0x810]  }
0x911: {  	v23 =	vld [tilespmem:s0+$0x820]  }
0x912: {  	v24 =	vld [tilespmem:s0+$0x830]  }
0x913: {  	v25 =	vld [tilespmem:s0+$0x840]  }
0x914: {  	v26 =	vld [tilespmem:s0+$0x850]  }
0x915: {  	v27 =	vld [tilespmem:s0+$0x860]  }
0x916: {  	v15 =	vld.idx.msk [tilespmem:v15+s1+$0x0], $0xffff  }
0x917: {  	v4 =	vld.idx.msk [tilespmem:v4+s1+$0x0], $0xffff  }
0x918: {  	v5 =	vld.idx.msk [tilespmem:v5+s1+$0x0], $0xffff  }
0x919: {  	v2 =	vld.idx.msk [tilespmem:v2+s1+$0x0], $0xffff  }
0x91a: {  	v0 =	vld.idx.msk [tilespmem:v0+s1+$0x0], $0xffff  }
0x91b: {  	v8 =	vld.idx.msk [tilespmem:v8+s1+$0x0], $0xffff  }
0x91c: {  	v15 =	vand.u32 $0xFFFF0000, v15;
	v9 =	vld.idx.msk [tilespmem:v9+s1+$0x0], $0xffff  }
0x91d: {  	v4 =	vand.u32 $0xFFFF0000, v4;
	v10 =	vld.idx.msk [tilespmem:v10+s1+$0x0], $0xffff  }
0x91e: {  	v4 =	vadd.f32 v4, v15;
	v5 =	vand.u32 $0xFFFF0000, v5;
	v11 =	vld.idx.msk [tilespmem:v11+s1+$0x0], $0xffff  }
0x91f: {  	v2 =	vand.u32 $0xFFFF0000, v2;
	v12 =	vld.idx.msk [tilespmem:v12+s1+$0x0], $0xffff  }
0x920: {  	v2 =	vadd.f32 v2, v5;
	v0 =	vand.u32 $0xFFFF0000, v0;
	v5 =	vld.idx.msk [tilespmem:v13+s1+$0x0], $0xffff  }
0x921: {  	v8 =	vand.u32 $0xFFFF0000, v8;
	v3 =	vld.idx.msk [tilespmem:v3+s1+$0x0], $0xffff  }
0x922: {  	v0 =	vadd.f32 v8, v0;
	v8 =	vand.u32 $0xFFFF0000, v9;
	v9 =	vld.idx.msk [tilespmem:v14+s1+$0x0], $0xffff  }
0x923: {  	v10 =	vand.u32 $0xFFFF0000, v10;
	v6 =	vld.idx.msk [tilespmem:v6+s1+$0x0], $0xffff  }
0x924: {  	v8 =	vadd.f32 v10, v8;
	v10 =	vand.u32 $0xFFFF0000, v11;
	v7 =	vld.idx.msk [tilespmem:v7+s1+$0x0], $0xffff  }
0x925: {  	v12 =	vand.u32 $0xFFFF0000, v12;
	v11 =	vld.idx.msk [tilespmem:v16+s1+$0x0], $0xffff  }
0x926: {  	v10 =	vadd.f32 v12, v10;
	v5 =	vand.u32 $0xFFFF0000, v5;
	v1 =	vld.idx.msk [tilespmem:v1+s1+$0x0], $0xffff  }
0x927: {  	v3 =	vand.u32 $0xFFFF0000, v3;
	v12 =	vld.idx.msk [tilespmem:v17+s1+$0x0], $0xffff  }
0x928: {  	v3 =	vadd.f32 v3, v5;
	v5 =	vand.u32 $0xFFFF0000, v9;
	v13 =	vld.idx.msk [tilespmem:v18+s1+$0x0], $0xffff  }
0x929: {  	v6 =	vand.u32 $0xFFFF0000, v6;
	v9 =	vld.idx.msk [tilespmem:v19+s1+$0x0], $0xffff  }
0x92a: {  	v7 =	vand.u32 $0xFFFF0000, v7;
	v5 =	vadd.f32 v6, v5;
	v6 =	vld.idx.msk [tilespmem:v20+s1+$0x0], $0xffff  }
0x92b: {  	v4 =	vadd.f32 v7, v4;
	v11 =	vand.u32 $0xFFFF0000, v11;
	v7 =	vld.idx.msk [tilespmem:v21+s1+$0x0], $0xffff  }
0x92c: {  	v2 =	vadd.f32 v11, v2;
	v1 =	vand.u32 $0xFFFF0000, v1;
	v11 =	vld.idx.msk [tilespmem:v22+s1+$0x0], $0xffff  }
0x92d: {  	v0 =	vadd.f32 v1, v0;
	v12 =	vand.u32 $0xFFFF0000, v12;
	v1 =	vld.idx.msk [tilespmem:v23+s1+$0x0], $0xffff  }
0x92e: {  	v8 =	vadd.f32 v12, v8;
	v13 =	vand.u32 $0xFFFF0000, v13;
	v12 =	vld.idx.msk [tilespmem:v24+s1+$0x0], $0xffff  }
0x92f: {  	v10 =	vadd.f32 v13, v10;
	v9 =	vand.u32 $0xFFFF0000, v9;
	v13 =	vld.idx.msk [tilespmem:v25+s1+$0x0], $0xffff  }
0x930: {  	v9 =	vadd.f32 v9, v3;
	v3 =	vand.u32 $0xFFFF0000, v6;
	v14 =	vld.idx.msk [tilespmem:v26+s1+$0x0], $0xffff  }
0x931: {  	v6 =	vand.u32 $0xFFFF0000, v7;
	v15 =	vadd.f32 v3, v5;
	v16 =	vld.idx.msk [tilespmem:v27+s1+$0x0], $0xffff  }
0x932: {  	v6 =	vadd.f32 v6, v4;
	v3 =	vand.u32 $0xFFFF0000, v11;
	v7 =	vld [tilespmem:s29+$0xFFFFFFC0]  }
0x933: {  	v11 =	vadd.f32 v3, v2;
	v1 =	vand.u32 $0xFFFF0000, v1;
	v17 =	vld [tilespmem:s29+$0xFFFFFFD0]  }
.Ltmp13:
0x934: {  	v1 =	vadd.f32 v1, v0;
	v2 =	vand.u32 $0xFFFF0000, v12;
	v0 =	vld [tilespmem:s29+$0xFFFFFFE0];
	(pc) =	sbr.rel @p0 .LBB2_28-.Ltmp13, $4  }
0x935: {  	v4 =	vadd.f32 v2, v8;
	v3 =	vand.u32 $0xFFFF0000, v13;
	v2 =	vld [tilespmem:s29+$0xFFFFFFF0]  }
0x936: {  	v3 =	vadd.f32 v3, v10;
	v8 =	vand.u32 $0xFFFF0000, v14;
	v5 =	vld [tilespmem:s29+$0x0]  }
0x937: {  	v10 =	vmul.f32 v6, v7;
	v7 =	vadd.f32 v8, v9;
	v6 =	vld [tilespmem:s29+$0x10];
	v8 =	vand.u32 $0xFFFF0000, v16  }
0x938: {  	s0 =	sadd.s32 $0x80, s0;
	v11 =	vmul.f32 v11, v17;
	v8 =	vadd.f32 v8, v15;
	v9 =	vld [tilespmem:s29+$0x20]  }
0x939: {  	[tilespmem:s30+$0xFFFFFFC0] =	vst v10;
	v0 =	vmul.f32 v1, v0  }
0x93a: {  	[tilespmem:s30+$0xFFFFFFD0] =	vst v11;
	v1 =	vmul.f32 v4, v2  }
0x93b: {  	[tilespmem:s30+$0xFFFFFFE0] =	vst v0;
	v0 =	vmul.f32 v3, v5  }
0x93c: {  	[tilespmem:s30+$0xFFFFFFF0] =	vst v1;
	v1 =	vmul.f32 v7, v6  }
0x93d: {  	[tilespmem:s30+$0x0] =	vst v0;
	v0 =	vmul.f32 v8, v9  }
0x93e: {  	[tilespmem:s30+$0x10] =	vst v1  }
0x93f: {  	[tilespmem:s30+$0x20] =	vst v0  }
0x940: {  	s0 =	sld [smem:$0x7FB];
	_ =	sdelay $0x2  }
0x941: {  	[hbm4b:s0+s14] =	stream.strided.scatter [tilespmem:s24], [sflag:$0x5], $0x800, s15, s14, $0x38;
	[tilespmem:$0x16000] =	vst v63  }
0x942: {  	s0 =	sld [smem:$0x7FD]  }
0x943: {  	[tilespmem:s19], [sflag:$0x3] =	stream.linear.gather [hbm4b:s13+s1], $0x2000, $0x38;
	[tilespmem:$0x16000] =	vst v63  }
0x944: {  	_ = 	snop  }
0x945: {  	[tilespmem:s20], [sflag:$0x3] =	stream.strided.gather [hbm4b:s0+s14], $0x800, s15, s14, $0x38;
	[tilespmem:$0x16000] =	vst v63  }
0x946: {  	_ =	swait.ge [sflag:s25], $0x800  }
0x947: {  	[sflag:s25] =	ssyncset.done $0x0  }
0x948: {  	[sflag:s25] =	ssyncadd.s32 $0xFFFFF800  }
0x949: {  	_ =	swait.ge [sflag:s21], $0x2000  }
0x94a: {  	[sflag:s21] =	ssyncset.done $0x0  }
0x94b: {  	[sflag:s21] =	ssyncadd.s32 $0xFFFFE000  }
0x94c: {  	_ =	swait.ge [sflag:s21], $0x800  }
0x94d: {  	[sflag:s21] =	ssyncset.done $0x0  }
0x94e: {  	s0 =	simm.s32 $0x11000;
	[sflag:s21] =	ssyncadd.s32 $0xFFFFF800  }
0x94f: {  	v0 =	vld [tilespmem:s0+$0xFFFFF070]  }
0x950: {  	v1 =	vld [tilespmem:s0+$0xFFFFF870]  }
0x951: {  	v2 =	vld [tilespmem:s0+$0xFFFFF800]  }
0x952: {  	v3 =	vld [tilespmem:s0+$0x70]  }
0x953: {  	v4 =	vld [tilespmem:s0+$0xFFFFF010]  }
0x954: {  	v5 =	vld [tilespmem:s0+$0x870]  }
0x955: {  	v6 =	vld [tilespmem:s0+$0xFFFFF810]  }
0x956: {  	v7 =	vld [tilespmem:s0+$0xFFFFF020]  }
0x957: {  	v8 =	vld [tilespmem:s0+$0xFFFFF820]  }
0x958: {  	v9 =	vld [tilespmem:s0+$0xFFFFF030]  }
0x959: {  	v10 =	vld [tilespmem:s0+$0xFFFFF830]  }
0x95a: {  	v11 =	vld [tilespmem:s0+$0xFFFFF040]  }
0x95b: {  	s29 =	simm.s32 $0x14040;
	v12 =	vld [tilespmem:s0+$0xFFFFF840]  }
0x95c: {  	v13 =	vld [tilespmem:s29+$0x30]  }
0x95d: {  	v14 =	vld [tilespmem:s0+$0xFFFFF050]  }
0x95e: {  	v15 =	vld [tilespmem:s0+$0xFFFFF850]  }
0x95f: {  	v16 =	vld [tilespmem:s0+$0xFFFFF060]  }
0x960: {  	v17 =	vld [tilespmem:s0+$0xFFFFF860]  }
0x961: {  	v18 =	vld [tilespmem:s0+$0xFFFFF000]  }
0x962: {  	v19 =	vld [tilespmem:s0+$0x0]  }
0x963: {  	v20 =	vld [tilespmem:s0+$0x10]  }
0x964: {  	v21 =	vld [tilespmem:s0+$0x20]  }
0x965: {  	v22 =	vld [tilespmem:s0+$0x30]  }
0x966: {  	v23 =	vld [tilespmem:s0+$0x40]  }
0x967: {  	v24 =	vld [tilespmem:s0+$0x50]  }
0x968: {  	v25 =	vld [tilespmem:s0+$0x60]  }
0x969: {  	v26 =	vld [tilespmem:s0+$0x800]  }
0x96a: {  	v27 =	vld [tilespmem:s0+$0x810]  }
0x96b: {  	v28 =	vld [tilespmem:s0+$0x820]  }
0x96c: {  	v29 =	vld [tilespmem:s0+$0x830]  }
0x96d: {  	v30 =	vld [tilespmem:s0+$0x840]  }
0x96e: {  	v31 =	vld [tilespmem:s0+$0x850]  }
0x96f: {  	v32 =	vld [tilespmem:s0+$0x860]  }
0x970: {  	v0 =	vld.idx.msk [tilespmem:v0+s1+$0x0], $0xffff  }
0x971: {  	v1 =	vld.idx.msk [tilespmem:v1+s1+$0x0], $0xffff  }
0x972: {  	v3 =	vld.idx.msk [tilespmem:v3+s1+$0x0], $0xffff  }
0x973: {  	v5 =	vld.idx.msk [tilespmem:v5+s1+$0x0], $0xffff  }
0x974: {  	v18 =	vld.idx.msk [tilespmem:v18+s1+$0x0], $0xffff  }
0x975: {  	v2 =	vld.idx.msk [tilespmem:v2+s1+$0x0], $0xffff  }
0x976: {  	v4 =	vld.idx.msk [tilespmem:v4+s1+$0x0], $0xffff  }
0x977: {  	v6 =	vld.idx.msk [tilespmem:v6+s1+$0x0], $0xffff  }
0x978: {  	v7 =	vld.idx.msk [tilespmem:v7+s1+$0x0], $0xffff  }
0x979: {  	v8 =	vld.idx.msk [tilespmem:v8+s1+$0x0], $0xffff  }
0x97a: {  	v9 =	vld.idx.msk [tilespmem:v9+s1+$0x0], $0xffff  }
0x97b: {  	v10 =	vld.idx.msk [tilespmem:v10+s1+$0x0], $0xffff  }
0x97c: {  	v11 =	vld.idx.msk [tilespmem:v11+s1+$0x0], $0xffff  }
0x97d: {  	v12 =	vld.idx.msk [tilespmem:v12+s1+$0x0], $0xffff  }
0x97e: {  	v14 =	vld.idx.msk [tilespmem:v14+s1+$0x0], $0xffff  }
0x97f: {  	v15 =	vld.idx.msk [tilespmem:v15+s1+$0x0], $0xffff  }
0x980: {  	v16 =	vld.idx.msk [tilespmem:v16+s1+$0x0], $0xffff  }
0x981: {  	v17 =	vld.idx.msk [tilespmem:v17+s1+$0x0], $0xffff  }
0x982: {  	v49 =	vld.idx.msk [tilespmem:v20+s1+$0x0], $0xffff  }
0x983: {  	v50 =	vld.idx.msk [tilespmem:v22+s1+$0x0], $0xffff;
	v0 =	vand.u32 $0xFFFF0000, v0;
	v1 =	vand.u32 $0xFFFF0000, v1  }
0x984: {  	v51 =	vld.idx.msk [tilespmem:v24+s1+$0x0], $0xffff;
	v3 =	vand.u32 $0xFFFF0000, v3;
	v5 =	vand.u32 $0xFFFF0000, v5;
	v0 =	vadd.f32 v1, v0  }
0x985: {  	v52 =	vld.idx.msk [tilespmem:v26+s1+$0x0], $0xffff;
	v18 =	vand.u32 $0xFFFF0000, v18;
	v2 =	vand.u32 $0xFFFF0000, v2;
	v6 =	vand.u32 $0xFFFF0000, v6  }
0x986: {  	v54 =	vand.u32 $0xFFFF0000, v16;
	v55 =	vand.u32 $0xFFFF0000, v17;
	v1 =	vld.idx.msk [tilespmem:v19+s1+$0x0], $0xffff;
	v0 =	vadd.f32 v3, v0  }
0x987: {  	v56 =	vld.idx.msk [tilespmem:v28+s1+$0x0], $0xffff;
	v7 =	vand.u32 $0xFFFF0000, v7;
	v8 =	vand.u32 $0xFFFF0000, v8;
	v57 =	vadd.f32 v55, v54  }
0x988: {  	v3 =	vld.idx.msk [tilespmem:v21+s1+$0x0], $0xffff;
	v5 =	vadd.f32 v5, v0;
	v0 =	vadd.f32 v2, v18;
	v2 =	vand.u32 $0xFFFF0000, v4  }
0x989: {  	v58 =	vld.idx.msk [tilespmem:v29+s1+$0x0], $0xffff;
	v53 =	vand.u32 $0xFFFF0000, v15;
	v2 =	vadd.f32 v6, v2;
	v6 =	vadd.f32 v8, v7  }
0x98a: {  	v4 =	vld.idx.msk [tilespmem:v23+s1+$0x0], $0xffff;
	v7 =	vand.u32 $0xFFFF0000, v9;
	v9 =	vand.u32 $0xFFFF0000, v10;
	v10 =	vand.u32 $0xFFFF0000, v11  }
0x98b: {  	v8 =	vld.idx.msk [tilespmem:v25+s1+$0x0], $0xffff;
	v11 =	vand.u32 $0xFFFF0000, v12;
	v1 =	vand.u32 $0xFFFF0000, v1;
	v7 =	vadd.f32 v9, v7  }
0x98c: {  	v9 =	vadd.f32 v11, v10;
	v10 =	vand.u32 $0xFFFF0000, v14;
	v11 =	vld.idx.msk [tilespmem:v27+s1+$0x0], $0xffff;
	v0 =	vadd.f32 v1, v0  }
0x98d: {  	v59 =	vld.idx.msk [tilespmem:v30+s1+$0x0], $0xffff;
	v1 =	vand.u32 $0xFFFF0000, v49;
	v10 =	vadd.f32 v53, v10;
	v3 =	vand.u32 $0xFFFF0000, v3  }
0x98e: {  	v60 =	vld.idx.msk [tilespmem:v32+s1+$0x0], $0xffff;
	v1 =	vadd.f32 v1, v2;
	v2 =	vadd.f32 v3, v6;
	v3 =	vand.u32 $0xFFFF0000, v50  }
0x98f: {  	v6 =	vld.idx.msk [tilespmem:v31+s1+$0x0], $0xffff;
	v3 =	vadd.f32 v3, v7;
	v4 =	vand.u32 $0xFFFF0000, v4;
	v7 =	vand.u32 $0xFFFF0000, v51  }
0x990: {  	v9 =	vadd.f32 v4, v9;
	v7 =	vadd.f32 v7, v10;
	v4 =	vand.u32 $0xFFFF0000, v8;
	v8 =	vld [tilespmem:s29+$0xFFFFFFC0]  }
0x991: {  	v10 =	vand.u32 $0xFFFF0000, v52;
	v61 =	vadd.f32 v4, v57;
	v4 =	vand.u32 $0xFFFF0000, v11;
	v11 =	vld [tilespmem:s29+$0xFFFFFFD0]  }
0x992: {  	v10 =	vadd.f32 v10, v0;
	v0 =	vld [tilespmem:s29+$0xFFFFFFE0];
	v62 =	vadd.f32 v4, v1;
	v1 =	vand.u32 $0xFFFF0000, v56  }
0x993: {  	v63 =	vand.u32 $0xFFFF0000, v59;
	v4 =	vand.u32 $0xFFFF0000, v58;
	v1 =	vadd.f32 v1, v2;
	v2 =	vld [tilespmem:s29+$0xFFFFFFF0]  }
0x994: {  	v13 =	vmul.f32 v5, v13;
	v5 =	vld [tilespmem:s29+$0x0];
	v4 =	vadd.f32 v4, v3;
	v3 =	vadd.f32 v63, v9  }
0x995: {  	s30 =	simm.s32 $0x15040;
	v9 =	vand.u32 $0xFFFF0000, v6;
	v6 =	vld [tilespmem:s29+$0x10];
	v10 =	vmul.f32 v10, v8;
	v8 =	vand.u32 $0xFFFF0000, v60  }
0x996: {  	s31 =	simm.s32 $0x0;
	s0 =	simm.s32 $0x11080;
	[tilespmem:s30+$0x30] =	vst v13;
	v7 =	vadd.f32 v9, v7;
	v9 =	vld [tilespmem:s29+$0x20];
	v11 =	vmul.f32 v62, v11;
	v8 =	vadd.f32 v8, v61  }
.LBB2_30:
0x997: {  	v12 =	vld [tilespmem:s0+$0xFFFFF070];
	[tilespmem:s30+$0xFFFFFFC0] =	vst v10;
	v0 =	vmul.f32 v1, v0  }
0x998: {  	s31 =	sadd.s32 $0x80, s31;
	v1 =	vld [tilespmem:s0+$0xFFFFF870];
	[tilespmem:s30+$0xFFFFFFD0] =	vst v11;
	v2 =	vmul.f32 v4, v2  }
0x999: {  	p0 =	slt.u32 s31, $0x780;
	v4 =	vld [tilespmem:s0+$0xFFFFF800];
	[tilespmem:s30+$0xFFFFFFE0] =	vst v0;
	v0 =	vmul.f32 v3, v5  }
0x99a: {  	v3 =	vld [tilespmem:s0+$0x70];
	[tilespmem:s30+$0xFFFFFFF0] =	vst v2;
	v2 =	vmul.f32 v7, v6  }
0x99b: {  	v5 =	vld [tilespmem:s0+$0xFFFFF010];
	[tilespmem:s30+$0x0] =	vst v0;
	v0 =	vmul.f32 v8, v9  }
0x99c: {  	v6 =	vld [tilespmem:s0+$0x870];
	[tilespmem:s30+$0x10] =	vst v2  }
0x99d: {  	v2 =	vld [tilespmem:s0+$0xFFFFF810];
	[tilespmem:s30+$0x20] =	vst v0  }
0x99e: {  	v0 =	vld [tilespmem:s0+$0xFFFFF020]  }
0x99f: {  	v7 =	vld.idx.msk [tilespmem:v12+s1+$0x0], $0xffff  }
0x9a0: {  	v1 =	vld.idx.msk [tilespmem:v1+s1+$0x0], $0xffff  }
0x9a1: {  	v8 =	vld [tilespmem:s0+$0xFFFFF820]  }
0x9a2: {  	v3 =	vld.idx.msk [tilespmem:v3+s1+$0x0], $0xffff  }
0x9a3: {  	v9 =	vld [tilespmem:s0+$0xFFFFF030]  }
0x9a4: {  	v6 =	vld.idx.msk [tilespmem:v6+s1+$0x0], $0xffff  }
0x9a5: {  	v10 =	vld [tilespmem:s0+$0xFFFFF830]  }
0x9a6: {  	v7 =	vand.u32 $0xFFFF0000, v7;
	v1 =	vand.u32 $0xFFFF0000, v1;
	v11 =	vld [tilespmem:s0+$0xFFFFF040]  }
0x9a7: {  	s29 =	sadd.s32 $0x80, s29;
	v1 =	vadd.f32 v1, v7;
	v12 =	vld [tilespmem:s0+$0xFFFFF840]  }
0x9a8: {  	v3 =	vand.u32 $0xFFFF0000, v3;
	v7 =	vld [tilespmem:s29+$0x30]  }
0x9a9: {  	v1 =	vadd.f32 v3, v1;
	v13 =	vld [tilespmem:s0+$0xFFFFF050]  }
0x9aa: {  	v6 =	vand.u32 $0xFFFF0000, v6;
	v3 =	vld [tilespmem:s0+$0xFFFFF850]  }
0x9ab: {  	v1 =	vadd.f32 v6, v1;
	v14 =	vld [tilespmem:s0+$0xFFFFF060]  }
0x9ac: {  	v6 =	vld [tilespmem:s0+$0xFFFFF860]  }
0x9ad: {  	v15 =	vld [tilespmem:s0+$0xFFFFF000];
	v1 =	vmul.f32 v1, v7  }
0x9ae: {  	s30 =	sadd.s32 $0x80, s30;
	v7 =	vld [tilespmem:s0+$0x0]  }
0x9af: {  	v16 =	vld [tilespmem:s0+$0x10];
	[tilespmem:s30+$0x30] =	vst v1  }
0x9b0: {  	v1 =	vld [tilespmem:s0+$0x20]  }
0x9b1: {  	v17 =	vld [tilespmem:s0+$0x30]  }
0x9b2: {  	v18 =	vld [tilespmem:s0+$0x40]  }
0x9b3: {  	v19 =	vld [tilespmem:s0+$0x50]  }
0x9b4: {  	v20 =	vld [tilespmem:s0+$0x60]  }
0x9b5: {  	v21 =	vld [tilespmem:s0+$0x800]  }
0x9b6: {  	v22 =	vld [tilespmem:s0+$0x810]  }
0x9b7: {  	v23 =	vld [tilespmem:s0+$0x820]  }
0x9b8: {  	v24 =	vld [tilespmem:s0+$0x830]  }
0x9b9: {  	v25 =	vld [tilespmem:s0+$0x840]  }
0x9ba: {  	v26 =	vld [tilespmem:s0+$0x850]  }
0x9bb: {  	v27 =	vld [tilespmem:s0+$0x860]  }
0x9bc: {  	v15 =	vld.idx.msk [tilespmem:v15+s1+$0x0], $0xffff  }
0x9bd: {  	v4 =	vld.idx.msk [tilespmem:v4+s1+$0x0], $0xffff  }
0x9be: {  	v5 =	vld.idx.msk [tilespmem:v5+s1+$0x0], $0xffff  }
0x9bf: {  	v2 =	vld.idx.msk [tilespmem:v2+s1+$0x0], $0xffff  }
0x9c0: {  	v0 =	vld.idx.msk [tilespmem:v0+s1+$0x0], $0xffff  }
0x9c1: {  	v8 =	vld.idx.msk [tilespmem:v8+s1+$0x0], $0xffff  }
0x9c2: {  	v15 =	vand.u32 $0xFFFF0000, v15;
	v9 =	vld.idx.msk [tilespmem:v9+s1+$0x0], $0xffff  }
0x9c3: {  	v4 =	vand.u32 $0xFFFF0000, v4;
	v10 =	vld.idx.msk [tilespmem:v10+s1+$0x0], $0xffff  }
0x9c4: {  	v4 =	vadd.f32 v4, v15;
	v5 =	vand.u32 $0xFFFF0000, v5;
	v11 =	vld.idx.msk [tilespmem:v11+s1+$0x0], $0xffff  }
0x9c5: {  	v2 =	vand.u32 $0xFFFF0000, v2;
	v12 =	vld.idx.msk [tilespmem:v12+s1+$0x0], $0xffff  }
0x9c6: {  	v2 =	vadd.f32 v2, v5;
	v0 =	vand.u32 $0xFFFF0000, v0;
	v5 =	vld.idx.msk [tilespmem:v13+s1+$0x0], $0xffff  }
0x9c7: {  	v8 =	vand.u32 $0xFFFF0000, v8;
	v3 =	vld.idx.msk [tilespmem:v3+s1+$0x0], $0xffff  }
0x9c8: {  	v0 =	vadd.f32 v8, v0;
	v8 =	vand.u32 $0xFFFF0000, v9;
	v9 =	vld.idx.msk [tilespmem:v14+s1+$0x0], $0xffff  }
0x9c9: {  	v10 =	vand.u32 $0xFFFF0000, v10;
	v6 =	vld.idx.msk [tilespmem:v6+s1+$0x0], $0xffff  }
0x9ca: {  	v8 =	vadd.f32 v10, v8;
	v10 =	vand.u32 $0xFFFF0000, v11;
	v7 =	vld.idx.msk [tilespmem:v7+s1+$0x0], $0xffff  }
0x9cb: {  	v12 =	vand.u32 $0xFFFF0000, v12;
	v11 =	vld.idx.msk [tilespmem:v16+s1+$0x0], $0xffff  }
0x9cc: {  	v10 =	vadd.f32 v12, v10;
	v5 =	vand.u32 $0xFFFF0000, v5;
	v1 =	vld.idx.msk [tilespmem:v1+s1+$0x0], $0xffff  }
0x9cd: {  	v3 =	vand.u32 $0xFFFF0000, v3;
	v12 =	vld.idx.msk [tilespmem:v17+s1+$0x0], $0xffff  }
0x9ce: {  	v3 =	vadd.f32 v3, v5;
	v5 =	vand.u32 $0xFFFF0000, v9;
	v13 =	vld.idx.msk [tilespmem:v18+s1+$0x0], $0xffff  }
0x9cf: {  	v6 =	vand.u32 $0xFFFF0000, v6;
	v9 =	vld.idx.msk [tilespmem:v19+s1+$0x0], $0xffff  }
0x9d0: {  	v7 =	vand.u32 $0xFFFF0000, v7;
	v5 =	vadd.f32 v6, v5;
	v6 =	vld.idx.msk [tilespmem:v20+s1+$0x0], $0xffff  }
0x9d1: {  	v4 =	vadd.f32 v7, v4;
	v11 =	vand.u32 $0xFFFF0000, v11;
	v7 =	vld.idx.msk [tilespmem:v21+s1+$0x0], $0xffff  }
0x9d2: {  	v2 =	vadd.f32 v11, v2;
	v1 =	vand.u32 $0xFFFF0000, v1;
	v11 =	vld.idx.msk [tilespmem:v22+s1+$0x0], $0xffff  }
0x9d3: {  	v0 =	vadd.f32 v1, v0;
	v12 =	vand.u32 $0xFFFF0000, v12;
	v1 =	vld.idx.msk [tilespmem:v23+s1+$0x0], $0xffff  }
0x9d4: {  	v8 =	vadd.f32 v12, v8;
	v13 =	vand.u32 $0xFFFF0000, v13;
	v12 =	vld.idx.msk [tilespmem:v24+s1+$0x0], $0xffff  }
0x9d5: {  	v10 =	vadd.f32 v13, v10;
	v9 =	vand.u32 $0xFFFF0000, v9;
	v13 =	vld.idx.msk [tilespmem:v25+s1+$0x0], $0xffff  }
0x9d6: {  	v9 =	vadd.f32 v9, v3;
	v3 =	vand.u32 $0xFFFF0000, v6;
	v14 =	vld.idx.msk [tilespmem:v26+s1+$0x0], $0xffff  }
0x9d7: {  	v6 =	vand.u32 $0xFFFF0000, v7;
	v15 =	vadd.f32 v3, v5;
	v16 =	vld.idx.msk [tilespmem:v27+s1+$0x0], $0xffff  }
0x9d8: {  	v6 =	vadd.f32 v6, v4;
	v3 =	vand.u32 $0xFFFF0000, v11;
	v7 =	vld [tilespmem:s29+$0xFFFFFFC0]  }
0x9d9: {  	v11 =	vadd.f32 v3, v2;
	v1 =	vand.u32 $0xFFFF0000, v1;
	v17 =	vld [tilespmem:s29+$0xFFFFFFD0]  }
.Ltmp14:
0x9da: {  	v1 =	vadd.f32 v1, v0;
	v2 =	vand.u32 $0xFFFF0000, v12;
	v0 =	vld [tilespmem:s29+$0xFFFFFFE0];
	(pc) =	sbr.rel @p0 .LBB2_30-.Ltmp14, $4  }
0x9db: {  	v4 =	vadd.f32 v2, v8;
	v3 =	vand.u32 $0xFFFF0000, v13;
	v2 =	vld [tilespmem:s29+$0xFFFFFFF0]  }
0x9dc: {  	v3 =	vadd.f32 v3, v10;
	v8 =	vand.u32 $0xFFFF0000, v14;
	v5 =	vld [tilespmem:s29+$0x0]  }
0x9dd: {  	v10 =	vmul.f32 v6, v7;
	v7 =	vadd.f32 v8, v9;
	v6 =	vld [tilespmem:s29+$0x10];
	v8 =	vand.u32 $0xFFFF0000, v16  }
0x9de: {  	s0 =	sadd.s32 $0x80, s0;
	v11 =	vmul.f32 v11, v17;
	v8 =	vadd.f32 v8, v15;
	v9 =	vld [tilespmem:s29+$0x20]  }
0x9df: {  	[tilespmem:s30+$0xFFFFFFC0] =	vst v10;
	v0 =	vmul.f32 v1, v0  }
0x9e0: {  	[tilespmem:s30+$0xFFFFFFD0] =	vst v11;
	v1 =	vmul.f32 v4, v2  }
0x9e1: {  	[tilespmem:s30+$0xFFFFFFE0] =	vst v0;
	v0 =	vmul.f32 v3, v5  }
0x9e2: {  	[tilespmem:s30+$0xFFFFFFF0] =	vst v1;
	v1 =	vmul.f32 v7, v6  }
0x9e3: {  	[tilespmem:s30+$0x0] =	vst v0;
	v0 =	vmul.f32 v8, v9  }
0x9e4: {  	[tilespmem:s30+$0x10] =	vst v1  }
0x9e5: {  	[tilespmem:s30+$0x20] =	vst v0  }
0x9e6: {  	[hbm4b:s3+s14] =	stream.strided.scatter [tilespmem:s22], [sflag:$0x4], $0x800, s15, s14, $0x38;
	[tilespmem:$0x16000] =	vst v63  }
0x9e7: {  	_ =	swait.ge [sflag:s26], $0x800  }
0x9e8: {  	[sflag:s26] =	ssyncset.done $0x0  }
0x9e9: {  	[sflag:s26] =	ssyncadd.s32 $0xFFFFF800  }
0x9ea: {  	_ =	swait.ge [sflag:s23], $0x2000  }
0x9eb: {  	[sflag:s23] =	ssyncset.done $0x0  }
0x9ec: {  	[sflag:s23] =	ssyncadd.s32 $0xFFFFE000  }
0x9ed: {  	_ =	swait.ge [sflag:s23], $0x800  }
0x9ee: {  	[sflag:s23] =	ssyncset.done $0x0  }
0x9ef: {  	s0 =	simm.s32 $0x13000;
	[sflag:s23] =	ssyncadd.s32 $0xFFFFF800  }
0x9f0: {  	v0 =	vld [tilespmem:s0+$0xFFFFF070]  }
0x9f1: {  	v1 =	vld [tilespmem:s0+$0xFFFFF870]  }
0x9f2: {  	v2 =	vld [tilespmem:s0+$0xFFFFF800]  }
0x9f3: {  	v3 =	vld [tilespmem:s0+$0x70]  }
0x9f4: {  	v4 =	vld [tilespmem:s0+$0xFFFFF010]  }
0x9f5: {  	v5 =	vld [tilespmem:s0+$0x870]  }
0x9f6: {  	v6 =	vld [tilespmem:s0+$0xFFFFF810]  }
0x9f7: {  	v7 =	vld [tilespmem:s0+$0xFFFFF020]  }
0x9f8: {  	v8 =	vld [tilespmem:s0+$0xFFFFF820]  }
0x9f9: {  	v9 =	vld [tilespmem:s0+$0xFFFFF030]  }
0x9fa: {  	v10 =	vld [tilespmem:s0+$0xFFFFF830]  }
0x9fb: {  	v11 =	vld [tilespmem:s0+$0xFFFFF040]  }
0x9fc: {  	s29 =	simm.s32 $0x14840;
	v12 =	vld [tilespmem:s0+$0xFFFFF840]  }
0x9fd: {  	v13 =	vld [tilespmem:s29+$0x30]  }
0x9fe: {  	v14 =	vld [tilespmem:s0+$0xFFFFF050]  }
0x9ff: {  	v15 =	vld [tilespmem:s0+$0xFFFFF850]  }
0xa00: {  	v16 =	vld [tilespmem:s0+$0xFFFFF060]  }
0xa01: {  	v17 =	vld [tilespmem:s0+$0xFFFFF860]  }
0xa02: {  	v18 =	vld [tilespmem:s0+$0xFFFFF000]  }
0xa03: {  	v19 =	vld [tilespmem:s0+$0x0]  }
0xa04: {  	v20 =	vld [tilespmem:s0+$0x10]  }
0xa05: {  	v21 =	vld [tilespmem:s0+$0x20]  }
0xa06: {  	v22 =	vld [tilespmem:s0+$0x30]  }
0xa07: {  	v23 =	vld [tilespmem:s0+$0x40]  }
0xa08: {  	v24 =	vld [tilespmem:s0+$0x50]  }
0xa09: {  	v25 =	vld [tilespmem:s0+$0x60]  }
0xa0a: {  	v26 =	vld [tilespmem:s0+$0x800]  }
0xa0b: {  	v27 =	vld [tilespmem:s0+$0x810]  }
0xa0c: {  	v28 =	vld [tilespmem:s0+$0x820]  }
0xa0d: {  	v29 =	vld [tilespmem:s0+$0x830]  }
0xa0e: {  	v30 =	vld [tilespmem:s0+$0x840]  }
0xa0f: {  	v31 =	vld [tilespmem:s0+$0x850]  }
0xa10: {  	v32 =	vld [tilespmem:s0+$0x860]  }
0xa11: {  	v0 =	vld.idx.msk [tilespmem:v0+s1+$0x0], $0xffff  }
0xa12: {  	v1 =	vld.idx.msk [tilespmem:v1+s1+$0x0], $0xffff  }
0xa13: {  	v3 =	vld.idx.msk [tilespmem:v3+s1+$0x0], $0xffff  }
0xa14: {  	v5 =	vld.idx.msk [tilespmem:v5+s1+$0x0], $0xffff  }
0xa15: {  	v18 =	vld.idx.msk [tilespmem:v18+s1+$0x0], $0xffff  }
0xa16: {  	v2 =	vld.idx.msk [tilespmem:v2+s1+$0x0], $0xffff  }
0xa17: {  	v4 =	vld.idx.msk [tilespmem:v4+s1+$0x0], $0xffff  }
0xa18: {  	v6 =	vld.idx.msk [tilespmem:v6+s1+$0x0], $0xffff  }
0xa19: {  	v7 =	vld.idx.msk [tilespmem:v7+s1+$0x0], $0xffff  }
0xa1a: {  	v8 =	vld.idx.msk [tilespmem:v8+s1+$0x0], $0xffff  }
0xa1b: {  	v9 =	vld.idx.msk [tilespmem:v9+s1+$0x0], $0xffff  }
0xa1c: {  	v10 =	vld.idx.msk [tilespmem:v10+s1+$0x0], $0xffff  }
0xa1d: {  	v11 =	vld.idx.msk [tilespmem:v11+s1+$0x0], $0xffff  }
0xa1e: {  	v12 =	vld.idx.msk [tilespmem:v12+s1+$0x0], $0xffff  }
0xa1f: {  	v14 =	vld.idx.msk [tilespmem:v14+s1+$0x0], $0xffff  }
0xa20: {  	v15 =	vld.idx.msk [tilespmem:v15+s1+$0x0], $0xffff  }
0xa21: {  	v16 =	vld.idx.msk [tilespmem:v16+s1+$0x0], $0xffff  }
0xa22: {  	v17 =	vld.idx.msk [tilespmem:v17+s1+$0x0], $0xffff  }
0xa23: {  	v49 =	vld.idx.msk [tilespmem:v20+s1+$0x0], $0xffff  }
0xa24: {  	v50 =	vld.idx.msk [tilespmem:v22+s1+$0x0], $0xffff;
	v0 =	vand.u32 $0xFFFF0000, v0;
	v1 =	vand.u32 $0xFFFF0000, v1  }
0xa25: {  	v51 =	vld.idx.msk [tilespmem:v24+s1+$0x0], $0xffff;
	v3 =	vand.u32 $0xFFFF0000, v3;
	v5 =	vand.u32 $0xFFFF0000, v5;
	v0 =	vadd.f32 v1, v0  }
0xa26: {  	v52 =	vld.idx.msk [tilespmem:v26+s1+$0x0], $0xffff;
	v18 =	vand.u32 $0xFFFF0000, v18;
	v2 =	vand.u32 $0xFFFF0000, v2;
	v6 =	vand.u32 $0xFFFF0000, v6  }
0xa27: {  	v54 =	vand.u32 $0xFFFF0000, v16;
	v55 =	vand.u32 $0xFFFF0000, v17;
	v1 =	vld.idx.msk [tilespmem:v19+s1+$0x0], $0xffff;
	v0 =	vadd.f32 v3, v0  }
0xa28: {  	v56 =	vld.idx.msk [tilespmem:v28+s1+$0x0], $0xffff;
	v7 =	vand.u32 $0xFFFF0000, v7;
	v8 =	vand.u32 $0xFFFF0000, v8;
	v57 =	vadd.f32 v55, v54  }
0xa29: {  	v3 =	vld.idx.msk [tilespmem:v21+s1+$0x0], $0xffff;
	v5 =	vadd.f32 v5, v0;
	v0 =	vadd.f32 v2, v18;
	v2 =	vand.u32 $0xFFFF0000, v4  }
0xa2a: {  	v58 =	vld.idx.msk [tilespmem:v29+s1+$0x0], $0xffff;
	v53 =	vand.u32 $0xFFFF0000, v15;
	v2 =	vadd.f32 v6, v2;
	v6 =	vadd.f32 v8, v7  }
0xa2b: {  	v4 =	vld.idx.msk [tilespmem:v23+s1+$0x0], $0xffff;
	v7 =	vand.u32 $0xFFFF0000, v9;
	v9 =	vand.u32 $0xFFFF0000, v10;
	v10 =	vand.u32 $0xFFFF0000, v11  }
0xa2c: {  	v8 =	vld.idx.msk [tilespmem:v25+s1+$0x0], $0xffff;
	v11 =	vand.u32 $0xFFFF0000, v12;
	v1 =	vand.u32 $0xFFFF0000, v1;
	v7 =	vadd.f32 v9, v7  }
0xa2d: {  	v9 =	vadd.f32 v11, v10;
	v10 =	vand.u32 $0xFFFF0000, v14;
	v11 =	vld.idx.msk [tilespmem:v27+s1+$0x0], $0xffff;
	v0 =	vadd.f32 v1, v0  }
0xa2e: {  	v59 =	vld.idx.msk [tilespmem:v30+s1+$0x0], $0xffff;
	v1 =	vand.u32 $0xFFFF0000, v49;
	v10 =	vadd.f32 v53, v10;
	v3 =	vand.u32 $0xFFFF0000, v3  }
0xa2f: {  	v60 =	vld.idx.msk [tilespmem:v32+s1+$0x0], $0xffff;
	v1 =	vadd.f32 v1, v2;
	v2 =	vadd.f32 v3, v6;
	v3 =	vand.u32 $0xFFFF0000, v50  }
0xa30: {  	v6 =	vld.idx.msk [tilespmem:v31+s1+$0x0], $0xffff;
	v3 =	vadd.f32 v3, v7;
	v4 =	vand.u32 $0xFFFF0000, v4;
	v7 =	vand.u32 $0xFFFF0000, v51  }
0xa31: {  	v9 =	vadd.f32 v4, v9;
	v7 =	vadd.f32 v7, v10;
	v4 =	vand.u32 $0xFFFF0000, v8;
	v8 =	vld [tilespmem:s29+$0xFFFFFFC0]  }
0xa32: {  	v10 =	vand.u32 $0xFFFF0000, v52;
	v61 =	vadd.f32 v4, v57;
	v4 =	vand.u32 $0xFFFF0000, v11;
	v11 =	vld [tilespmem:s29+$0xFFFFFFD0]  }
0xa33: {  	v10 =	vadd.f32 v10, v0;
	v0 =	vld [tilespmem:s29+$0xFFFFFFE0];
	v62 =	vadd.f32 v4, v1;
	v1 =	vand.u32 $0xFFFF0000, v56  }
0xa34: {  	v63 =	vand.u32 $0xFFFF0000, v59;
	v4 =	vand.u32 $0xFFFF0000, v58;
	v1 =	vadd.f32 v1, v2;
	v2 =	vld [tilespmem:s29+$0xFFFFFFF0]  }
0xa35: {  	v13 =	vmul.f32 v5, v13;
	v5 =	vld [tilespmem:s29+$0x0];
	v4 =	vadd.f32 v4, v3;
	v3 =	vadd.f32 v63, v9  }
0xa36: {  	s30 =	simm.s32 $0x15840;
	v9 =	vand.u32 $0xFFFF0000, v6;
	v6 =	vld [tilespmem:s29+$0x10];
	v10 =	vmul.f32 v10, v8;
	v8 =	vand.u32 $0xFFFF0000, v60  }
0xa37: {  	s31 =	simm.s32 $0x0;
	s0 =	simm.s32 $0x13080;
	[tilespmem:s30+$0x30] =	vst v13;
	v7 =	vadd.f32 v9, v7;
	v9 =	vld [tilespmem:s29+$0x20];
	v11 =	vmul.f32 v62, v11;
	v8 =	vadd.f32 v8, v61  }
.LBB2_32:
0xa38: {  	v12 =	vld [tilespmem:s0+$0xFFFFF070];
	[tilespmem:s30+$0xFFFFFFC0] =	vst v10;
	v0 =	vmul.f32 v1, v0  }
0xa39: {  	s31 =	sadd.s32 $0x80, s31;
	v1 =	vld [tilespmem:s0+$0xFFFFF870];
	[tilespmem:s30+$0xFFFFFFD0] =	vst v11;
	v2 =	vmul.f32 v4, v2  }
0xa3a: {  	p0 =	slt.u32 s31, $0x780;
	v4 =	vld [tilespmem:s0+$0xFFFFF800];
	[tilespmem:s30+$0xFFFFFFE0] =	vst v0;
	v0 =	vmul.f32 v3, v5  }
0xa3b: {  	v3 =	vld [tilespmem:s0+$0x70];
	[tilespmem:s30+$0xFFFFFFF0] =	vst v2;
	v2 =	vmul.f32 v7, v6  }
0xa3c: {  	v5 =	vld [tilespmem:s0+$0xFFFFF010];
	[tilespmem:s30+$0x0] =	vst v0;
	v0 =	vmul.f32 v8, v9  }
0xa3d: {  	v6 =	vld [tilespmem:s0+$0x870];
	[tilespmem:s30+$0x10] =	vst v2  }
0xa3e: {  	v2 =	vld [tilespmem:s0+$0xFFFFF810];
	[tilespmem:s30+$0x20] =	vst v0  }
0xa3f: {  	v0 =	vld [tilespmem:s0+$0xFFFFF020]  }
0xa40: {  	v7 =	vld.idx.msk [tilespmem:v12+s1+$0x0], $0xffff  }
0xa41: {  	v1 =	vld.idx.msk [tilespmem:v1+s1+$0x0], $0xffff  }
0xa42: {  	v8 =	vld [tilespmem:s0+$0xFFFFF820]  }
0xa43: {  	v3 =	vld.idx.msk [tilespmem:v3+s1+$0x0], $0xffff  }
0xa44: {  	v9 =	vld [tilespmem:s0+$0xFFFFF030]  }
0xa45: {  	v6 =	vld.idx.msk [tilespmem:v6+s1+$0x0], $0xffff  }
0xa46: {  	v10 =	vld [tilespmem:s0+$0xFFFFF830]  }
0xa47: {  	v7 =	vand.u32 $0xFFFF0000, v7;
	v1 =	vand.u32 $0xFFFF0000, v1;
	v11 =	vld [tilespmem:s0+$0xFFFFF040]  }
0xa48: {  	s29 =	sadd.s32 $0x80, s29;
	v1 =	vadd.f32 v1, v7;
	v12 =	vld [tilespmem:s0+$0xFFFFF840]  }
0xa49: {  	v3 =	vand.u32 $0xFFFF0000, v3;
	v7 =	vld [tilespmem:s29+$0x30]  }
0xa4a: {  	v1 =	vadd.f32 v3, v1;
	v13 =	vld [tilespmem:s0+$0xFFFFF050]  }
0xa4b: {  	v6 =	vand.u32 $0xFFFF0000, v6;
	v3 =	vld [tilespmem:s0+$0xFFFFF850]  }
0xa4c: {  	v1 =	vadd.f32 v6, v1;
	v14 =	vld [tilespmem:s0+$0xFFFFF060]  }
0xa4d: {  	v6 =	vld [tilespmem:s0+$0xFFFFF860]  }
0xa4e: {  	v15 =	vld [tilespmem:s0+$0xFFFFF000];
	v1 =	vmul.f32 v1, v7  }
0xa4f: {  	s30 =	sadd.s32 $0x80, s30;
	v7 =	vld [tilespmem:s0+$0x0]  }
0xa50: {  	v16 =	vld [tilespmem:s0+$0x10];
	[tilespmem:s30+$0x30] =	vst v1  }
0xa51: {  	v1 =	vld [tilespmem:s0+$0x20]  }
0xa52: {  	v17 =	vld [tilespmem:s0+$0x30]  }
0xa53: {  	v18 =	vld [tilespmem:s0+$0x40]  }
0xa54: {  	v19 =	vld [tilespmem:s0+$0x50]  }
0xa55: {  	v20 =	vld [tilespmem:s0+$0x60]  }
0xa56: {  	v21 =	vld [tilespmem:s0+$0x800]  }
0xa57: {  	v22 =	vld [tilespmem:s0+$0x810]  }
0xa58: {  	v23 =	vld [tilespmem:s0+$0x820]  }
0xa59: {  	v24 =	vld [tilespmem:s0+$0x830]  }
0xa5a: {  	v25 =	vld [tilespmem:s0+$0x840]  }
0xa5b: {  	v26 =	vld [tilespmem:s0+$0x850]  }
0xa5c: {  	v27 =	vld [tilespmem:s0+$0x860]  }
0xa5d: {  	v15 =	vld.idx.msk [tilespmem:v15+s1+$0x0], $0xffff  }
0xa5e: {  	v4 =	vld.idx.msk [tilespmem:v4+s1+$0x0], $0xffff  }
0xa5f: {  	v5 =	vld.idx.msk [tilespmem:v5+s1+$0x0], $0xffff  }
0xa60: {  	v2 =	vld.idx.msk [tilespmem:v2+s1+$0x0], $0xffff  }
0xa61: {  	v0 =	vld.idx.msk [tilespmem:v0+s1+$0x0], $0xffff  }
0xa62: {  	v8 =	vld.idx.msk [tilespmem:v8+s1+$0x0], $0xffff  }
0xa63: {  	v15 =	vand.u32 $0xFFFF0000, v15;
	v9 =	vld.idx.msk [tilespmem:v9+s1+$0x0], $0xffff  }
0xa64: {  	v4 =	vand.u32 $0xFFFF0000, v4;
	v10 =	vld.idx.msk [tilespmem:v10+s1+$0x0], $0xffff  }
0xa65: {  	v4 =	vadd.f32 v4, v15;
	v5 =	vand.u32 $0xFFFF0000, v5;
	v11 =	vld.idx.msk [tilespmem:v11+s1+$0x0], $0xffff  }
0xa66: {  	v2 =	vand.u32 $0xFFFF0000, v2;
	v12 =	vld.idx.msk [tilespmem:v12+s1+$0x0], $0xffff  }
0xa67: {  	v2 =	vadd.f32 v2, v5;
	v0 =	vand.u32 $0xFFFF0000, v0;
	v5 =	vld.idx.msk [tilespmem:v13+s1+$0x0], $0xffff  }
0xa68: {  	v8 =	vand.u32 $0xFFFF0000, v8;
	v3 =	vld.idx.msk [tilespmem:v3+s1+$0x0], $0xffff  }
0xa69: {  	v0 =	vadd.f32 v8, v0;
	v8 =	vand.u32 $0xFFFF0000, v9;
	v9 =	vld.idx.msk [tilespmem:v14+s1+$0x0], $0xffff  }
0xa6a: {  	v10 =	vand.u32 $0xFFFF0000, v10;
	v6 =	vld.idx.msk [tilespmem:v6+s1+$0x0], $0xffff  }
0xa6b: {  	v8 =	vadd.f32 v10, v8;
	v10 =	vand.u32 $0xFFFF0000, v11;
	v7 =	vld.idx.msk [tilespmem:v7+s1+$0x0], $0xffff  }
0xa6c: {  	v12 =	vand.u32 $0xFFFF0000, v12;
	v11 =	vld.idx.msk [tilespmem:v16+s1+$0x0], $0xffff  }
0xa6d: {  	v10 =	vadd.f32 v12, v10;
	v5 =	vand.u32 $0xFFFF0000, v5;
	v1 =	vld.idx.msk [tilespmem:v1+s1+$0x0], $0xffff  }
0xa6e: {  	v3 =	vand.u32 $0xFFFF0000, v3;
	v12 =	vld.idx.msk [tilespmem:v17+s1+$0x0], $0xffff  }
0xa6f: {  	v3 =	vadd.f32 v3, v5;
	v5 =	vand.u32 $0xFFFF0000, v9;
	v13 =	vld.idx.msk [tilespmem:v18+s1+$0x0], $0xffff  }
0xa70: {  	v6 =	vand.u32 $0xFFFF0000, v6;
	v9 =	vld.idx.msk [tilespmem:v19+s1+$0x0], $0xffff  }
0xa71: {  	v7 =	vand.u32 $0xFFFF0000, v7;
	v5 =	vadd.f32 v6, v5;
	v6 =	vld.idx.msk [tilespmem:v20+s1+$0x0], $0xffff  }
0xa72: {  	v4 =	vadd.f32 v7, v4;
	v11 =	vand.u32 $0xFFFF0000, v11;
	v7 =	vld.idx.msk [tilespmem:v21+s1+$0x0], $0xffff  }
0xa73: {  	v2 =	vadd.f32 v11, v2;
	v1 =	vand.u32 $0xFFFF0000, v1;
	v11 =	vld.idx.msk [tilespmem:v22+s1+$0x0], $0xffff  }
0xa74: {  	v0 =	vadd.f32 v1, v0;
	v12 =	vand.u32 $0xFFFF0000, v12;
	v1 =	vld.idx.msk [tilespmem:v23+s1+$0x0], $0xffff  }
0xa75: {  	v8 =	vadd.f32 v12, v8;
	v13 =	vand.u32 $0xFFFF0000, v13;
	v12 =	vld.idx.msk [tilespmem:v24+s1+$0x0], $0xffff  }
0xa76: {  	v10 =	vadd.f32 v13, v10;
	v9 =	vand.u32 $0xFFFF0000, v9;
	v13 =	vld.idx.msk [tilespmem:v25+s1+$0x0], $0xffff  }
0xa77: {  	v9 =	vadd.f32 v9, v3;
	v3 =	vand.u32 $0xFFFF0000, v6;
	v14 =	vld.idx.msk [tilespmem:v26+s1+$0x0], $0xffff  }
0xa78: {  	v6 =	vand.u32 $0xFFFF0000, v7;
	v15 =	vadd.f32 v3, v5;
	v16 =	vld.idx.msk [tilespmem:v27+s1+$0x0], $0xffff  }
0xa79: {  	v6 =	vadd.f32 v6, v4;
	v3 =	vand.u32 $0xFFFF0000, v11;
	v7 =	vld [tilespmem:s29+$0xFFFFFFC0]  }
0xa7a: {  	v11 =	vadd.f32 v3, v2;
	v1 =	vand.u32 $0xFFFF0000, v1;
	v17 =	vld [tilespmem:s29+$0xFFFFFFD0]  }
.Ltmp15:
0xa7b: {  	v1 =	vadd.f32 v1, v0;
	v2 =	vand.u32 $0xFFFF0000, v12;
	v0 =	vld [tilespmem:s29+$0xFFFFFFE0];
	(pc) =	sbr.rel @p0 .LBB2_32-.Ltmp15, $4  }
0xa7c: {  	v4 =	vadd.f32 v2, v8;
	v3 =	vand.u32 $0xFFFF0000, v13;
	v2 =	vld [tilespmem:s29+$0xFFFFFFF0]  }
0xa7d: {  	v3 =	vadd.f32 v3, v10;
	v8 =	vand.u32 $0xFFFF0000, v14;
	v5 =	vld [tilespmem:s29+$0x0]  }
0xa7e: {  	v10 =	vmul.f32 v6, v7;
	v7 =	vadd.f32 v8, v9;
	v6 =	vld [tilespmem:s29+$0x10];
	v8 =	vand.u32 $0xFFFF0000, v16  }
0xa7f: {  	s0 =	sadd.s32 $0x80, s0;
	v11 =	vmul.f32 v11, v17;
	v8 =	vadd.f32 v8, v15;
	v9 =	vld [tilespmem:s29+$0x20]  }
0xa80: {  	[tilespmem:s30+$0xFFFFFFC0] =	vst v10;
	v0 =	vmul.f32 v1, v0  }
0xa81: {  	[tilespmem:s30+$0xFFFFFFD0] =	vst v11;
	v60 =	vmul.f32 v4, v2  }
0xa82: {  	[tilespmem:s30+$0xFFFFFFE0] =	vst v0;
	v61 =	vmul.f32 v3, v5  }
0xa83: {  	[tilespmem:s30+$0xFFFFFFF0] =	vst v60;
	v62 =	vmul.f32 v7, v6  }
0xa84: {  	[tilespmem:s30+$0x0] =	vst v61;
	v63 =	vmul.f32 v8, v9  }
0xa85: {  	[tilespmem:s30+$0x10] =	vst v62  }
0xa86: {  	s28 =	sadd.s32 $0x1, s28;
	[tilespmem:s30+$0x20] =	vst v63  }
0xa87: {  	[hbm4b:s4+s14] =	stream.strided.scatter [tilespmem:s24], [sflag:$0x5], $0x800, s15, s14, $0x38;
	[tilespmem:$0x16000] =	vst v63  }
0xa88: {  	p0 =	sne.s32 s28, s6;
	_ =	swait.ge [sflag:s25], $0x800  }
.Ltmp16:
0xa89: {  	[sflag:s25] =	ssyncset.done $0x0;
	(pc) =	sbr.rel @p0 .LBB2_1-.Ltmp16, $4  }
0xa8a: {  	[sflag:s25] =	ssyncadd.s32 $0xFFFFF800  }
0xa8b: {  	_ =	swait.ge [sflag:s26], $0x800  }
0xa8c: {  	[sflag:s26] =	ssyncset.done $0x0  }
0xa8d: {  	[sflag:s26] =	ssyncadd.s32 $0xFFFFF800  }
0xa8e: {  	_ =	sfence.sel $0x180000  }
0xa8f: {  	[bflag:$0x0] =	sbarrier.arrive $0xFFFF  }
0xa90: {  	_ =	strace $0x90000047  }
0xa91: {  	s0 =	stileid.u32;
	[bflag:$0x2] =	sbarrier.arrive $0xFFFF  }
0xa92: {  	p0 =	sne.s32 s0, $0x0;
	s0 =	rddreg [dreg:$0x4]  }
0xa93: {  	s0 =	sadd.s32 @!p0 $0x100000, s0  }
0xa94: {  	[sflag:s0] =	ssyncadd.tile.s32 @!p0 $0x1;
	_ =	shalt  }
.Lfunc_end2:
_tile_overlayer_lowered:
.L_overlay_start_2:
0xa95: {  	(tag) =	ssettag $0x2  }
0xa96: {  	s0 =	rddreg [dreg:$0x0];
	s2 =	stileid.u32  }
0xa97: {  	s1 =	rddreg [dreg:$0x1];
	p0 =	sne.s32 s2, $0x0  }
0xa98: {  	s3 =	rddreg [dreg:$0x2];
	[bflag:$0x3] =	sbarrier.arrive $0xFFFF;
	s2 =	simm.s32 @!p0 $0x1C06  }
0xa99: {  	[timem:s3], [sflag:s2] =	dma.local @!p0 [hbm:s0], s1  }
0xa9a: {  	s0 =	simm.s32 @!p0 $0x6  }
0xa9b: {  	_ =	swait.ge @!p0 [sflag:s0], s1  }
0xa9c: {  	s1 =	ssub.s32 @!p0 $0x0, s1;
	[sflag:s0] =	ssyncset.done @!p0 $0x0  }
0xa9d: {  	[sflag:s0] =	ssyncadd.s32 @!p0 s1  }
0xa9e: {  	[bflag:$0x3] =	sbarrier.arrive $0xFFFF  }
0xa9f: {  	_ =	shalt  }

</sc_bundles>
